<compile_context>
chip_gen: v7x
topology: tpu7x:2x2x1
jax: 0.10.2.dev20260603
libtpu: 0.0.44.dev20260713+nightly
codegen_flags: <defaults>
</compile_context>

<pallas_src>
import functools

import jax
import jax.numpy as jnp
from jax import lax
from jax.experimental import pallas as pl
from jax.experimental.pallas import tpu as pltpu
from jax.experimental.pallas import tpu_sc as plsc

NUM_PUBLISHER = 1000000
EMBEDDING_DIM = 32
BATCH = 16384

_NC = 2
_NS = 16
_NW = _NC * _NS
_B_PER_W = BATCH // _NW
_LANES = 16
_NWAVE = _B_PER_W // _LANES
_BLK = 16
_NBUF = 8


def _gather_body(tab_hbm, idx_hbm, out_hbm, idx_v, buf_v, comp_v, sems):
    w = lax.axis_index("s") * _NC + lax.axis_index("c")
    base = w * _B_PER_W
    pltpu.sync_copy(idx_hbm.at[w], idx_v)
    lane = lax.iota(jnp.int32, _LANES)
    halfsel = lane // 8
    colbase = 16 * (lane % 8)

    def fire(gw, slot):
        vec = idx_v[pl.ds(gw * _LANES, _LANES)]
        p128v = vec & jnp.int32(~127)
        sv = (vec >> 4) & jnp.int32(7)
        for k in range(_LANES):
            tile_ref = tab_hbm.at[
                :, :, pl.ds(pl.multiple_of(p128v[k], 128), 128)
            ]
            pltpu.async_copy(
                tile_ref.at[:, :, pl.ds(pl.multiple_of(sv[k] * 16, 16), _BLK)],
                buf_v.at[slot, k // 8, :, :, pl.ds(16 * (k % 8), _BLK)],
                sems.at[slot],
            )

    def compact(gw, slot):
        for h in range(2):
            pltpu.make_async_copy(
                tab_hbm.at[:, :, pl.ds(0, 128)],
                buf_v.at[slot, h],
                sems.at[slot],
            ).wait()
        vec = idx_v[pl.ds(gw * _LANES, _LANES)]
        colv = colbase + (vec & jnp.int32(15))
        slotv = jnp.full((_LANES,), 1, jnp.int32) * slot
        q = gw // 8
        off = 16 * (gw % 8)
        for c in range(EMBEDDING_DIM):
            ctv = jnp.full((_LANES,), c // 8, jnp.int32)
            csv = jnp.full((_LANES,), c % 8, jnp.int32)
            gathered = plsc.load_gather(
                buf_v, [slotv, halfsel, ctv, csv, colv]
            )
            comp_v[q, c, pl.ds(off, _LANES)] = gathered

    def prologue(s, carry):
        fire(s, s)
        return carry

    lax.fori_loop(0, _NBUF - 1, prologue, 0)

    def outer(g, carry):
        slot = g % _NBUF
        gf = g + _NBUF - 1

        @pl.when(gf < _NWAVE)
        def _():
            fire(gf, gf % _NBUF)

        compact(g, slot)
        return carry

    lax.fori_loop(0, _NWAVE, outer, 0)
    for q in range(4):
        pltpu.sync_copy(
            comp_v.at[q], out_hbm.at[:, pl.ds(base + 128 * q, 128)]
        )


@jax.jit
def _embedding_lookup(tab3, idx2):
    mesh = plsc.VectorSubcoreMesh(core_axis_name="c", subcore_axis_name="s")
    run = functools.partial(
        pl.kernel,
        out_type=jax.ShapeDtypeStruct((EMBEDDING_DIM, BATCH), jnp.float32),
        mesh=mesh,
        scratch_types=[
            pltpu.VMEM((_B_PER_W,), jnp.int32),
            pltpu.VMEM((_NBUF, 2, 4, 8, 128), jnp.float32),
            pltpu.VMEM((4, EMBEDDING_DIM, 128), jnp.float32),
            pltpu.SemaphoreType.DMA((_NBUF,)),
        ],
        compiler_params=pltpu.CompilerParams(
            use_tc_tiling_on_sc=True, needs_layout_passes=False
        ),
    )(_gather_body)
    return run(tab3, idx2)


def kernel(item_fea, embedding_publisher):
    tab3 = embedding_publisher.T.reshape(4, 8, NUM_PUBLISHER)
    idx2 = item_fea[:, 0].reshape(_NW, _B_PER_W)
    out_t = _embedding_lookup(tab3, idx2)
    return out_t.T

# --- scband reference (transcript-rebuilt; emitter-appended) ---
"""Pipeline reference for scband-item-embedding-db-6622839570495 (READ-ONLY COPY).

The authoritative reference and input builder live on the scoring server;
editing this copy changes nothing except your own understanding.
"""

import jax, jax.numpy as jnp
import numpy as np

NUM_PUBLISHER = 1000000
EMBEDDING_DIM = 32
BATCH = 16384
N_FIELDS = 4

def setup_inputs(seed: int = 0) -> dict:
    key = jax.random.key(seed)
    k1, k2 = jax.random.split(key)
    item_fea = jax.random.randint(k1, (BATCH, N_FIELDS), 0, NUM_PUBLISHER, dtype=jnp.int64 if jax.config.jax_enable_x64 else jnp.int32).astype(jnp.int32)
    embedding_publisher = jax.random.normal(k2, (NUM_PUBLISHER, EMBEDDING_DIM), dtype=jnp.float32) * 0.02
    return {"item_fea": item_fea, "embedding_publisher": embedding_publisher}

def reference(item_fea, embedding_publisher):
    publisher_idx = item_fea[:, 0]
    publisher_emb = jnp.take(embedding_publisher, publisher_idx, axis=0)
    return publisher_emb

if __name__ == "__main__":
    import jax
    _d = setup_inputs()
    print(jax.jit(kernel)(*tuple(_d.values())))

</pallas_src>

<mosaic_0001>
#map = affine_map<(d0, d1) -> (0, 0, 0)>
#map1 = affine_map<(d0, d1) -> (0, 0)>
module attributes {stable_mosaic.version = 14 : i64} {
  func.func @_gather_body(%arg0: i32, %arg1: i32, %arg2: memref<4x8x1000000xf32, #tpu.memory_space<hbm>>, %arg3: memref<32x512xi32, #tpu.memory_space<hbm>>, %arg4: memref<32x16384xf32, #tpu.memory_space<hbm>>, %arg5: memref<512xi32, #tpu.memory_space<vmem>>, %arg6: memref<8x2x4x8x128xf32, #tpu.memory_space<vmem>>, %arg7: memref<4x32x128xf32, #tpu.memory_space<vmem>>, %arg8: memref<8x!tpu.dma_semaphore, #tpu.memory_space<semaphore_mem>>) attributes {dimension_semantics = [#tpu.dimension_semantics<core_parallel>, #tpu.dimension_semantics<subcore_parallel>], iteration_bounds = array<i64: 2, 16>, scalar_prefetch = 0 : i64, scratch_operands = 4 : i64, tpu.core_type = #tpu.core_type<sc_vector_subcore>, window_params = [{transform_indices = #map}, {transform_indices = #map1}, {transform_indices = #map1}]} {
    %mul3A = arith.constant 2 : i32
    %mul3A_0 = arith.muli %arg1, %mul3A : i32
    %add3A = arith.addi %mul3A_0, %arg0 : i32
    %mul3A_1 = arith.constant 512 : i32
    %mul3A_2 = arith.muli %add3A, %mul3A_1 : i32
    "tpu.region"() ({
      %run_scoped3A_71 = tpu.sem_alloc : memref<!tpu.dma_semaphore, #tpu.memory_space<semaphore_mem>>
      %dma_start3A = arith.constant 0 : i32
      %dma_start3A_72 = tpu.memref_slice %arg3[%add3A, %dma_start3A] : memref<32x512xi32, #tpu.memory_space<hbm>> -> memref<1x512xi32, #tpu.memory_space<hbm>>
      %dma_start3A_73 = tpu.memref_squeeze %dma_start3A_72 : memref<1x512xi32, #tpu.memory_space<hbm>> -> memref<512xi32, #tpu.memory_space<hbm>>
      %dma_start3A_74 = arith.constant 0 : i32
      %dma_start3A_75 = tpu.memref_slice %arg3[%add3A, %dma_start3A_74] : memref<32x512xi32, #tpu.memory_space<hbm>> -> memref<1x512xi32, #tpu.memory_space<hbm>>
      %dma_start3A_76 = tpu.memref_squeeze %dma_start3A_75 : memref<1x512xi32, #tpu.memory_space<hbm>> -> memref<512xi32, #tpu.memory_space<hbm>>
      tpu.enqueue_dma source(%dma_start3A_76 : memref<512xi32, #tpu.memory_space<hbm>>) target(%arg5 : memref<512xi32, #tpu.memory_space<vmem>>) target_semaphore(%run_scoped3A_71 : memref<!tpu.dma_semaphore, #tpu.memory_space<semaphore_mem>>)
      %dma_wait3A = arith.constant 0 : i32
      %dma_wait3A_77 = tpu.memref_slice %arg3[%add3A, %dma_wait3A] : memref<32x512xi32, #tpu.memory_space<hbm>> -> memref<1x512xi32, #tpu.memory_space<hbm>>
      %dma_wait3A_78 = tpu.memref_squeeze %dma_wait3A_77 : memref<1x512xi32, #tpu.memory_space<hbm>> -> memref<512xi32, #tpu.memory_space<hbm>>
      %dma_wait3A_79 = arith.constant 0 : i32
      %dma_wait3A_80 = tpu.memref_slice %arg3[%add3A, %dma_wait3A_79] : memref<32x512xi32, #tpu.memory_space<hbm>> -> memref<1x512xi32, #tpu.memory_space<hbm>>
      %dma_wait3A_81 = tpu.memref_squeeze %dma_wait3A_80 : memref<1x512xi32, #tpu.memory_space<hbm>> -> memref<512xi32, #tpu.memory_space<hbm>>
      tpu.wait_dma2 semaphore(%run_scoped3A_71 : memref<!tpu.dma_semaphore, #tpu.memory_space<semaphore_mem>>) src(%dma_wait3A_81 : memref<512xi32, #tpu.memory_space<hbm>>) dst(%arg5 : memref<512xi32, #tpu.memory_space<vmem>>)
      tpu.yield
    }) : () -> ()
    %iota3A = tpu.iota {dimensions = array<i32: 0>} : vector<16xi32>
    %jit3A = arith.constant 8 : i32
    %div3A = vector.broadcast %jit3A : i32 to vector<16xi32>
    %div3A_3 = arith.divsi %iota3A, %div3A : vector<16xi32>
    %sign3A = arith.constant 0 : i32
    %sign3A_4 = vector.broadcast %sign3A : i32 to vector<16xi32>
    %sign3A_5 = arith.cmpi sgt, %iota3A, %sign3A_4 : vector<16xi32>
    %sign3A_6 = arith.extui %sign3A_5 : vector<16xi1> to vector<16xi32>
    %sign3A_7 = arith.constant 0 : i32
    %sign3A_8 = vector.broadcast %sign3A_7 : i32 to vector<16xi32>
    %sign3A_9 = arith.cmpi slt, %iota3A, %sign3A_8 : vector<16xi32>
    %sign3A_10 = arith.extui %sign3A_9 : vector<16xi1> to vector<16xi32>
    %sign3A_11 = arith.subi %sign3A_6, %sign3A_10 : vector<16xi32>
    %sign3A_12 = arith.constant 0 : i32
    %sign3A_13 = arith.cmpi sgt, %jit3A, %sign3A_12 : i32
    %sign3A_14 = arith.extui %sign3A_13 : i1 to i32
    %sign3A_15 = arith.constant 0 : i32
    %sign3A_16 = arith.cmpi slt, %jit3A, %sign3A_15 : i32
    %sign3A_17 = arith.extui %sign3A_16 : i1 to i32
    %sign3A_18 = arith.subi %sign3A_14, %sign3A_17 : i32
    %ne3A = vector.broadcast %sign3A_18 : i32 to vector<16xi32>
    %ne3A_19 = arith.cmpi ne, %sign3A_11, %ne3A : vector<16xi32>
    %rem3A = vector.broadcast %jit3A : i32 to vector<16xi32>
    %rem3A_20 = arith.remsi %iota3A, %rem3A : vector<16xi32>
    %ne3A_21 = arith.constant 0 : i32
    %ne3A_22 = vector.broadcast %ne3A_21 : i32 to vector<16xi32>
    %ne3A_23 = arith.cmpi ne, %rem3A_20, %ne3A_22 : vector<16xi32>
    %and3A = arith.andi %ne3A_19, %ne3A_23 : vector<16xi1>
    %sub3A = arith.constant 1 : i32
    %sub3A_24 = vector.broadcast %sub3A : i32 to vector<16xi32>
    %sub3A_25 = arith.subi %div3A_3, %sub3A_24 : vector<16xi32>
    %select_n3A = arith.select %and3A, %sub3A_25, %div3A_3 : vector<16xi1>, vector<16xi32>
    %jit3A_26 = arith.constant 8 : i32
    %eq3A = arith.constant 0 : i32
    %eq3A_27 = arith.cmpi eq, %jit3A_26, %eq3A : i32
    %jit3A_28 = arith.constant 1 : i32
    %select_n3A_29 = arith.select %eq3A_27, %jit3A_28, %jit3A_26 : i32
    %rem3A_30 = vector.broadcast %select_n3A_29 : i32 to vector<16xi32>
    %rem3A_31 = arith.remsi %iota3A, %rem3A_30 : vector<16xi32>
    %ne3A_32 = arith.constant 0 : i32
    %ne3A_33 = vector.broadcast %ne3A_32 : i32 to vector<16xi32>
    %ne3A_34 = arith.cmpi ne, %rem3A_31, %ne3A_33 : vector<16xi32>
    %lt3A = arith.constant 0 : i32
    %lt3A_35 = vector.broadcast %lt3A : i32 to vector<16xi32>
    %lt3A_36 = arith.cmpi slt, %rem3A_31, %lt3A_35 : vector<16xi32>
    %lt3A_37 = arith.constant 0 : i32
    %lt3A_38 = arith.cmpi slt, %select_n3A_29, %lt3A_37 : i32
    %ne3A_39 = vector.broadcast %lt3A_38 : i1 to vector<16xi1>
    %ne3A_40 = vector.broadcast %ne3A_39 : vector<16xi1> to vector<16xi1>
    %ne3A_41 = arith.xori %lt3A_36, %ne3A_40 : vector<16xi1>
    %and3A_42 = arith.andi %ne3A_41, %ne3A_34 : vector<16xi1>
    %add3A_43 = vector.broadcast %select_n3A_29 : i32 to vector<16xi32>
    %add3A_44 = arith.addi %rem3A_31, %add3A_43 : vector<16xi32>
    %select_n3A_45 = arith.select %and3A_42, %add3A_44, %rem3A_31 : vector<16xi1>, vector<16xi32>
    %mul3A_46 = arith.constant 16 : i32
    %mul3A_47 = vector.broadcast %mul3A_46 : i32 to vector<16xi32>
    %mul3A_48 = arith.muli %mul3A_47, %select_n3A_45 : vector<16xi32>
    %scan3A = arith.constant 0 : i32
    %scan3A_49 = arith.constant 0 : i32
    %scan3A_50 = arith.constant 7 : i32
    %scan3A_51 = arith.addi %scan3A_49, %scan3A_50 : i32
    %scan3A_52 = arith.constant 1 : i32
    scf.for %scan3A_71 = %scan3A_49 to %scan3A_51 step %scan3A_52  : i32 {
      %mul3A_72 = arith.constant 16 : i32
      %mul3A_73 = arith.muli %scan3A_71, %mul3A_72 : i32
      %get3A = arith.index_cast %mul3A_73 : i32 to index
      %get3A_74 = tpu.vector_load %arg5[%get3A] {strides = array<i32>} : memref<512xi32, #tpu.memory_space<vmem>>, vector<16xi32>,
      %and3A_75 = arith.constant -128 : i32
      %and3A_76 = vector.broadcast %and3A_75 : i32 to vector<16xi32>
      %and3A_77 = arith.andi %get3A_74, %and3A_76 : vector<16xi32>
      %shift_right_arithmetic3A = arith.constant 4 : i32
      %shift_right_arithmetic3A_78 = vector.broadcast %shift_right_arithmetic3A : i32 to vector<16xi32>
      %shift_right_arithmetic3A_79 = arith.shrsi %get3A_74, %shift_right_arithmetic3A_78 : vector<16xi32>
      %and3A_80 = arith.constant 7 : i32
      %and3A_81 = vector.broadcast %and3A_80 : i32 to vector<16xi32>
      %and3A_82 = arith.andi %shift_right_arithmetic3A_79, %and3A_81 : vector<16xi32>
      %slice3A = vector.extract_strided_slice %and3A_77 {offsets = [0], sizes = [1], strides = [1]} : vector<16xi32> to vector<1xi32>
      %squeeze3A = vector.extract %slice3A[0] : i32 from vector<1xi32>
      %multiple_of3A = tpu.assume_multiple %squeeze3A, 128 : i32
      %slice3A_83 = vector.extract_strided_slice %and3A_82 {offsets = [0], sizes = [1], strides = [1]} : vector<16xi32> to vector<1xi32>
      %squeeze3A_84 = vector.extract %slice3A_83[0] : i32 from vector<1xi32>
      %mul3A_85 = arith.constant 16 : i32
      %mul3A_86 = arith.muli %squeeze3A_84, %mul3A_85 : i32
      %multiple_of3A_87 = tpu.assume_multiple %mul3A_86, 16 : i32
      %dma_start3A = arith.constant 0 : i32
      %dma_start3A_88 = arith.constant 0 : i32
      %dma_start3A_89 = arith.constant 0 : i32
      %dma_start3A_90 = arith.constant 0 : i32
      %dma_start3A_91 = tpu.memref_slice %arg6[%scan3A_71, %dma_start3A, %dma_start3A_88, %dma_start3A_89, %dma_start3A_90] : memref<8x2x4x8x128xf32, #tpu.memory_space<vmem>> -> memref<1x1x4x8x16xf32, #tpu.memory_space<vmem>>
      %dma_start3A_92 = tpu.memref_squeeze %dma_start3A_91 : memref<1x1x4x8x16xf32, #tpu.memory_space<vmem>> -> memref<4x8x16xf32, #tpu.memory_space<vmem>>
      %dma_start3A_93 = arith.constant 0 : i32
      %dma_start3A_94 = arith.constant 0 : i32
      %dma_start3A_95 = tpu.memref_slice %arg2[%dma_start3A_93, %dma_start3A_94, %multiple_of3A] : memref<4x8x1000000xf32, #tpu.memory_space<hbm>> -> memref<4x8x128xf32, #tpu.memory_space<hbm>>
      %dma_start3A_96 = arith.constant 0 : i32
      %dma_start3A_97 = arith.constant 0 : i32
      %dma_start3A_98 = tpu.memref_slice %dma_start3A_95[%dma_start3A_96, %dma_start3A_97, %multiple_of3A_87] : memref<4x8x128xf32, #tpu.memory_space<hbm>> -> memref<4x8x16xf32, #tpu.memory_space<hbm>>
      %dma_start3A_99 = tpu.memref_slice %arg8[%scan3A_71] : memref<8x!tpu.dma_semaphore, #tpu.memory_space<semaphore_mem>> -> memref<1x!tpu.dma_semaphore, #tpu.memory_space<semaphore_mem>>
      %dma_start3A_100 = tpu.memref_squeeze %dma_start3A_99 : memref<1x!tpu.dma_semaphore, #tpu.memory_space<semaphore_mem>> -> memref<!tpu.dma_semaphore, #tpu.memory_space<semaphore_mem>>
      %dma_start3A_101 = arith.constant 0 : i32
      %dma_start3A_102 = arith.constant 0 : i32
      %dma_start3A_103 = arith.constant 0 : i32
      %dma_start3A_104 = tpu.memref_slice %arg6[%scan3A_71, %dma_start3A, %dma_start3A_101, %dma_start3A_102, %dma_start3A_103] : memref<8x2x4x8x128xf32, #tpu.memory_space<vmem>> -> memref<1x1x4x8x16xf32, #tpu.memory_space<vmem>>
      %dma_start3A_105 = tpu.memref_squeeze %dma_start3A_104 : memref<1x1x4x8x16xf32, #tpu.memory_space<vmem>> -> memref<4x8x16xf32, #tpu.memory_space<vmem>>
      %dma_start3A_106 = arith.constant 0 : i32
      %dma_start3A_107 = arith.constant 0 : i32
      %dma_start3A_108 = tpu.memref_slice %arg2[%dma_start3A_106, %dma_start3A_107, %multiple_of3A] : memref<4x8x1000000xf32, #tpu.memory_space<hbm>> -> memref<4x8x128xf32, #tpu.memory_space<hbm>>
      %dma_start3A_109 = arith.constant 0 : i32
      %dma_start3A_110 = arith.constant 0 : i32
      %dma_start3A_111 = tpu.memref_slice %dma_start3A_108[%dma_start3A_109, %dma_start3A_110, %multiple_of3A_87] : memref<4x8x128xf32, #tpu.memory_space<hbm>> -> memref<4x8x16xf32, #tpu.memory_space<hbm>>
      tpu.enqueue_dma source(%dma_start3A_111 : memref<4x8x16xf32, #tpu.memory_space<hbm>>) target(%dma_start3A_105 : memref<4x8x16xf32, #tpu.memory_space<vmem>>) target_semaphore(%dma_start3A_100 : memref<!tpu.dma_semaphore, #tpu.memory_space<semaphore_mem>>)
      %slice3A_112 = vector.extract_strided_slice %and3A_77 {offsets = [1], sizes = [1], strides = [1]} : vector<16xi32> to vector<1xi32>
      %squeeze3A_113 = vector.extract %slice3A_112[0] : i32 from vector<1xi32>
      %multiple_of3A_114 = tpu.assume_multiple %squeeze3A_113, 128 : i32
      %slice3A_115 = vector.extract_strided_slice %and3A_82 {offsets = [1], sizes = [1], strides = [1]} : vector<16xi32> to vector<1xi32>
      %squeeze3A_116 = vector.extract %slice3A_115[0] : i32 from vector<1xi32>
      %mul3A_117 = arith.constant 16 : i32
      %mul3A_118 = arith.muli %squeeze3A_116, %mul3A_117 : i32
      %multiple_of3A_119 = tpu.assume_multiple %mul3A_118, 16 : i32
      %dma_start3A_120 = arith.constant 0 : i32
      %dma_start3A_121 = arith.constant 0 : i32
      %dma_start3A_122 = arith.constant 0 : i32
      %dma_start3A_123 = arith.constant 16 : i32
      %dma_start3A_124 = tpu.memref_slice %arg6[%scan3A_71, %dma_start3A_120, %dma_start3A_121, %dma_start3A_122, %dma_start3A_123] : memref<8x2x4x8x128xf32, #tpu.memory_space<vmem>> -> memref<1x1x4x8x16xf32, #tpu.memory_space<vmem>>
      %dma_start3A_125 = tpu.memref_squeeze %dma_start3A_124 : memref<1x1x4x8x16xf32, #tpu.memory_space<vmem>> -> memref<4x8x16xf32, #tpu.memory_space<vmem>>
      %dma_start3A_126 = arith.constant 0 : i32
      %dma_start3A_127 = arith.constant 0 : i32
      %dma_start3A_128 = tpu.memref_slice %arg2[%dma_start3A_126, %dma_start3A_127, %multiple_of3A_114] : memref<4x8x1000000xf32, #tpu.memory_space<hbm>> -> memref<4x8x128xf32, #tpu.memory_space<hbm>>
      %dma_start3A_129 = arith.constant 0 : i32
      %dma_start3A_130 = arith.constant 0 : i32
      %dma_start3A_131 = tpu.memref_slice %dma_start3A_128[%dma_start3A_129, %dma_start3A_130, %multiple_of3A_119] : memref<4x8x128xf32, #tpu.memory_space<hbm>> -> memref<4x8x16xf32, #tpu.memory_space<hbm>>
      %dma_start3A_132 = tpu.memref_slice %arg8[%scan3A_71] : memref<8x!tpu.dma_semaphore, #tpu.memory_space<semaphore_mem>> -> memref<1x!tpu.dma_semaphore, #tpu.memory_space<semaphore_mem>>
      %dma_start3A_133 = tpu.memref_squeeze %dma_start3A_132 : memref<1x!tpu.dma_semaphore, #tpu.memory_space<semaphore_mem>> -> memref<!tpu.dma_semaphore, #tpu.memory_space<semaphore_mem>>
      %dma_start3A_134 = arith.constant 0 : i32
      %dma_start3A_135 = arith.constant 0 : i32
      %dma_start3A_136 = arith.constant 16 : i32
      %dma_start3A_137 = tpu.memref_slice %arg6[%scan3A_71, %dma_start3A_120, %dma_start3A_134, %dma_start3A_135, %dma_start3A_136] : memref<8x2x4x8x128xf32, #tpu.memory_space<vmem>> -> memref<1x1x4x8x16xf32, #tpu.memory_space<vmem>>
      %dma_start3A_138 = tpu.memref_squeeze %dma_start3A_137 : memref<1x1x4x8x16xf32, #tpu.memory_space<vmem>> -> memref<4x8x16xf32, #tpu.memory_space<vmem>>
      %dma_start3A_139 = arith.constant 0 : i32
      %dma_start3A_140 = arith.constant 0 : i32
      %dma_start3A_141 = tpu.memref_slice %arg2[%dma_start3A_139, %dma_start3A_140, %multiple_of3A_114] : memref<4x8x1000000xf32, #tpu.memory_space<hbm>> -> memref<4x8x128xf32, #tpu.memory_space<hbm>>
      %dma_start3A_142 = arith.constant 0 : i32
      %dma_start3A_143 = arith.constant 0 : i32
      %dma_start3A_144 = tpu.memref_slice %dma_start3A_141[%dma_start3A_142, %dma_start3A_143, %multiple_of3A_119] : memref<4x8x128xf32, #tpu.memory_space<hbm>> -> memref<4x8x16xf32, #tpu.memory_space<hbm>>
      tpu.enqueue_dma source(%dma_start3A_144 : memref<4x8x16xf32, #tpu.memory_space<hbm>>) target(%dma_start3A_138 : memref<4x8x16xf32, #tpu.memory_space<vmem>>) target_semaphore(%dma_start3A_133 : memref<!tpu.dma_semaphore, #tpu.memory_space<semaphore_mem>>)
      %slice3A_145 = vector.extract_strided_slice %and3A_77 {offsets = [2], sizes = [1], strides = [1]} : vector<16xi32> to vector<1xi32>
      %squeeze3A_146 = vector.extract %slice3A_145[0] : i32 from vector<1xi32>
      %multiple_of3A_147 = tpu.assume_multiple %squeeze3A_146, 128 : i32
      %slice3A_148 = vector.extract_strided_slice %and3A_82 {offsets = [2], sizes = [1], strides = [1]} : vector<16xi32> to vector<1xi32>
      %squeeze3A_149 = vector.extract %slice3A_148[0] : i32 from vector<1xi32>
      %mul3A_150 = arith.constant 16 : i32
      %mul3A_151 = arith.muli %squeeze3A_149, %mul3A_150 : i32
      %multiple_of3A_152 = tpu.assume_multiple %mul3A_151, 16 : i32
      %dma_start3A_153 = arith.constant 0 : i32
      %dma_start3A_154 = arith.constant 0 : i32
      %dma_start3A_155 = arith.constant 0 : i32
      %dma_start3A_156 = arith.constant 32 : i32
      %dma_start3A_157 = tpu.memref_slice %arg6[%scan3A_71, %dma_start3A_153, %dma_start3A_154, %dma_start3A_155, %dma_start3A_156] : memref<8x2x4x8x128xf32, #tpu.memory_space<vmem>> -> memref<1x1x4x8x16xf32, #tpu.memory_space<vmem>>
      %dma_start3A_158 = tpu.memref_squeeze %dma_start3A_157 : memref<1x1x4x8x16xf32, #tpu.memory_space<vmem>> -> memref<4x8x16xf32, #tpu.memory_space<vmem>>
      %dma_start3A_159 = arith.constant 0 : i32
      %dma_start3A_160 = arith.constant 0 : i32
      %dma_start3A_161 = tpu.memref_slice %arg2[%dma_start3A_159, %dma_start3A_160, %multiple_of3A_147] : memref<4x8x1000000xf32, #tpu.memory_space<hbm>> -> memref<4x8x128xf32, #tpu.memory_space<hbm>>
      %dma_start3A_162 = arith.constant 0 : i32
      %dma_start3A_163 = arith.constant 0 : i32
      %dma_start3A_164 = tpu.memref_slice %dma_start3A_161[%dma_start3A_162, %dma_start3A_163, %multiple_of3A_152] : memref<4x8x128xf32, #tpu.memory_space<hbm>> -> memref<4x8x16xf32, #tpu.memory_space<hbm>>
      %dma_start3A_165 = tpu.memref_slice %arg8[%scan3A_71] : memref<8x!tpu.dma_semaphore, #tpu.memory_space<semaphore_mem>> -> memref<1x!tpu.dma_semaphore, #tpu.memory_space<semaphore_mem>>
      %dma_start3A_166 = tpu.memref_squeeze %dma_start3A_165 : memref<1x!tpu.dma_semaphore, #tpu.memory_space<semaphore_mem>> -> memref<!tpu.dma_semaphore, #tpu.memory_space<semaphore_mem>>
      %dma_start3A_167 = arith.constant 0 : i32
      %dma_start3A_168 = arith.constant 0 : i32
      %dma_start3A_169 = arith.constant 32 : i32
      %dma_start3A_170 = tpu.memref_slice %arg6[%scan3A_71, %dma_start3A_153, %dma_start3A_167, %dma_start3A_168, %dma_start3A_169] : memref<8x2x4x8x128xf32, #tpu.memory_space<vmem>> -> memref<1x1x4x8x16xf32, #tpu.memory_space<vmem>>
      %dma_start3A_171 = tpu.memref_squeeze %dma_start3A_170 : memref<1x1x4x8x16xf32, #tpu.memory_space<vmem>> -> memref<4x8x16xf32, #tpu.memory_space<vmem>>
      %dma_start3A_172 = arith.constant 0 : i32
      %dma_start3A_173 = arith.constant 0 : i32
      %dma_start3A_174 = tpu.memref_slice %arg2[%dma_start3A_172, %dma_start3A_173, %multiple_of3A_147] : memref<4x8x1000000xf32, #tpu.memory_space<hbm>> -> memref<4x8x128xf32, #tpu.memory_space<hbm>>
      %dma_start3A_175 = arith.constant 0 : i32
      %dma_start3A_176 = arith.constant 0 : i32
      %dma_start3A_177 = tpu.memref_slice %dma_start3A_174[%dma_start3A_175, %dma_start3A_176, %multiple_of3A_152] : memref<4x8x128xf32, #tpu.memory_space<hbm>> -> memref<4x8x16xf32, #tpu.memory_space<hbm>>
      tpu.enqueue_dma source(%dma_start3A_177 : memref<4x8x16xf32, #tpu.memory_space<hbm>>) target(%dma_start3A_171 : memref<4x8x16xf32, #tpu.memory_space<vmem>>) target_semaphore(%dma_start3A_166 : memref<!tpu.dma_semaphore, #tpu.memory_space<semaphore_mem>>)
      %slice3A_178 = vector.extract_strided_slice %and3A_77 {offsets = [3], sizes = [1], strides = [1]} : vector<16xi32> to vector<1xi32>
      %squeeze3A_179 = vector.extract %slice3A_178[0] : i32 from vector<1xi32>
      %multiple_of3A_180 = tpu.assume_multiple %squeeze3A_179, 128 : i32
      %slice3A_181 = vector.extract_strided_slice %and3A_82 {offsets = [3], sizes = [1], strides = [1]} : vector<16xi32> to vector<1xi32>
      %squeeze3A_182 = vector.extract %slice3A_181[0] : i32 from vector<1xi32>
      %mul3A_183 = arith.constant 16 : i32
      %mul3A_184 = arith.muli %squeeze3A_182, %mul3A_183 : i32
      %multiple_of3A_185 = tpu.assume_multiple %mul3A_184, 16 : i32
      %dma_start3A_186 = arith.constant 0 : i32
      %dma_start3A_187 = arith.constant 0 : i32
      %dma_start3A_188 = arith.constant 0 : i32
      %dma_start3A_189 = arith.constant 48 : i32
      %dma_start3A_190 = tpu.memref_slice %arg6[%scan3A_71, %dma_start3A_186, %dma_start3A_187, %dma_start3A_188, %dma_start3A_189] : memref<8x2x4x8x128xf32, #tpu.memory_space<vmem>> -> memref<1x1x4x8x16xf32, #tpu.memory_space<vmem>>
      %dma_start3A_191 = tpu.memref_squeeze %dma_start3A_190 : memref<1x1x4x8x16xf32, #tpu.memory_space<vmem>> -> memref<4x8x16xf32, #tpu.memory_space<vmem>>
      %dma_start3A_192 = arith.constant 0 : i32
      %dma_start3A_193 = arith.constant 0 : i32
      %dma_start3A_194 = tpu.memref_slice %arg2[%dma_start3A_192, %dma_start3A_193, %multiple_of3A_180] : memref<4x8x1000000xf32, #tpu.memory_space<hbm>> -> memref<4x8x128xf32, #tpu.memory_space<hbm>>
      %dma_start3A_195 = arith.constant 0 : i32
      %dma_start3A_196 = arith.constant 0 : i32
      %dma_start3A_197 = tpu.memref_slice %dma_start3A_194[%dma_start3A_195, %dma_start3A_196, %multiple_of3A_185] : memref<4x8x128xf32, #tpu.memory_space<hbm>> -> memref<4x8x16xf32, #tpu.memory_space<hbm>>
      %dma_start3A_198 = tpu.memref_slice %arg8[%scan3A_71] : memref<8x!tpu.dma_semaphore, #tpu.memory_space<semaphore_mem>> -> memref<1x!tpu.dma_semaphore, #tpu.memory_space<semaphore_mem>>
      %dma_start3A_199 = tpu.memref_squeeze %dma_start3A_198 : memref<1x!tpu.dma_semaphore, #tpu.memory_space<semaphore_mem>> -> memref<!tpu.dma_semaphore, #tpu.memory_space<semaphore_mem>>
      %dma_start3A_200 = arith.constant 0 : i32
      %dma_start3A_201 = arith.constant 0 : i32
      %dma_start3A_202 = arith.constant 48 : i32
      %dma_start3A_203 = tpu.memref_slice %arg6[%scan3A_71, %dma_start3A_186, %dma_start3A_200, %dma_start3A_201, %dma_start3A_202] : memref<8x2x4x8x128xf32, #tpu.memory_space<vmem>> -> memref<1x1x4x8x16xf32, #tpu.memory_space<vmem>>
      %dma_start3A_204 = tpu.memref_squeeze %dma_start3A_203 : memref<1x1x4x8x16xf32, #tpu.memory_space<vmem>> -> memref<4x8x16xf32, #tpu.memory_space<vmem>>
      %dma_start3A_205 = arith.constant 0 : i32
      %dma_start3A_206 = arith.constant 0 : i32
      %dma_start3A_207 = tpu.memref_slice %arg2[%dma_start3A_205, %dma_start3A_206, %multiple_of3A_180] : memref<4x8x1000000xf32, #tpu.memory_space<hbm>> -> memref<4x8x128xf32, #tpu.memory_space<hbm>>
      %dma_start3A_208 = arith.constant 0 : i32
      %dma_start3A_209 = arith.constant 0 : i32
      %dma_start3A_210 = tpu.memref_slice %dma_start3A_207[%dma_start3A_208, %dma_start3A_209, %multiple_of3A_185] : memref<4x8x128xf32, #tpu.memory_space<hbm>> -> memref<4x8x16xf32, #tpu.memory_space<hbm>>
      tpu.enqueue_dma source(%dma_start3A_210 : memref<4x8x16xf32, #tpu.memory_space<hbm>>) target(%dma_start3A_204 : memref<4x8x16xf32, #tpu.memory_space<vmem>>) target_semaphore(%dma_start3A_199 : memref<!tpu.dma_semaphore, #tpu.memory_space<semaphore_mem>>)
      %slice3A_211 = vector.extract_strided_slice %and3A_77 {offsets = [4], sizes = [1], strides = [1]} : vector<16xi32> to vector<1xi32>
      %squeeze3A_212 = vector.extract %slice3A_211[0] : i32 from vector<1xi32>
      %multiple_of3A_213 = tpu.assume_multiple %squeeze3A_212, 128 : i32
      %slice3A_214 = vector.extract_strided_slice %and3A_82 {offsets = [4], sizes = [1], strides = [1]} : vector<16xi32> to vector<1xi32>
      %squeeze3A_215 = vector.extract %slice3A_214[0] : i32 from vector<1xi32>
      %mul3A_216 = arith.constant 16 : i32
      %mul3A_217 = arith.muli %squeeze3A_215, %mul3A_216 : i32
      %multiple_of3A_218 = tpu.assume_multiple %mul3A_217, 16 : i32
      %dma_start3A_219 = arith.constant 0 : i32
      %dma_start3A_220 = arith.constant 0 : i32
      %dma_start3A_221 = arith.constant 0 : i32
      %dma_start3A_222 = arith.constant 64 : i32
      %dma_start3A_223 = tpu.memref_slice %arg6[%scan3A_71, %dma_start3A_219, %dma_start3A_220, %dma_start3A_221, %dma_start3A_222] : memref<8x2x4x8x128xf32, #tpu.memory_space<vmem>> -> memref<1x1x4x8x16xf32, #tpu.memory_space<vmem>>
      %dma_start3A_224 = tpu.memref_squeeze %dma_start3A_223 : memref<1x1x4x8x16xf32, #tpu.memory_space<vmem>> -> memref<4x8x16xf32, #tpu.memory_space<vmem>>
      %dma_start3A_225 = arith.constant 0 : i32
      %dma_start3A_226 = arith.constant 0 : i32
      %dma_start3A_227 = tpu.memref_slice %arg2[%dma_start3A_225, %dma_start3A_226, %multiple_of3A_213] : memref<4x8x1000000xf32, #tpu.memory_space<hbm>> -> memref<4x8x128xf32, #tpu.memory_space<hbm>>
      %dma_start3A_228 = arith.constant 0 : i32
      %dma_start3A_229 = arith.constant 0 : i32
      %dma_start3A_230 = tpu.memref_slice %dma_start3A_227[%dma_start3A_228, %dma_start3A_229, %multiple_of3A_218] : memref<4x8x128xf32, #tpu.memory_space<hbm>> -> memref<4x8x16xf32, #tpu.memory_space<hbm>>
      %dma_start3A_231 = tpu.memref_slice %arg8[%scan3A_71] : memref<8x!tpu.dma_semaphore, #tpu.memory_space<semaphore_mem>> -> memref<1x!tpu.dma_semaphore, #tpu.memory_space<semaphore_mem>>
      %dma_start3A_232 = tpu.memref_squeeze %dma_start3A_231 : memref<1x!tpu.dma_semaphore, #tpu.memory_space<semaphore_mem>> -> memref<!tpu.dma_semaphore, #tpu.memory_space<semaphore_mem>>
      %dma_start3A_233 = arith.constant 0 : i32
      %dma_start3A_234 = arith.constant 0 : i32
      %dma_start3A_235 = arith.constant 64 : i32
      %dma_start3A_236 = tpu.memref_slice %arg6[%scan3A_71, %dma_start3A_219, %dma_start3A_233, %dma_start3A_234, %dma_start3A_235] : memref<8x2x4x8x128xf32, #tpu.memory_space<vmem>> -> memref<1x1x4x8x16xf32, #tpu.memory_space<vmem>>
      %dma_start3A_237 = tpu.memref_squeeze %dma_start3A_236 : memref<1x1x4x8x16xf32, #tpu.memory_space<vmem>> -> memref<4x8x16xf32, #tpu.memory_space<vmem>>
      %dma_start3A_238 = arith.constant 0 : i32
      %dma_start3A_239 = arith.constant 0 : i32
      %dma_start3A_240 = tpu.memref_slice %arg2[%dma_start3A_238, %dma_start3A_239, %multiple_of3A_213] : memref<4x8x1000000xf32, #tpu.memory_space<hbm>> -> memref<4x8x128xf32, #tpu.memory_space<hbm>>
      %dma_start3A_241 = arith.constant 0 : i32
      %dma_start3A_242 = arith.constant 0 : i32
      %dma_start3A_243 = tpu.memref_slice %dma_start3A_240[%dma_start3A_241, %dma_start3A_242, %multiple_of3A_218] : memref<4x8x128xf32, #tpu.memory_space<hbm>> -> memref<4x8x16xf32, #tpu.memory_space<hbm>>
      tpu.enqueue_dma source(%dma_start3A_243 : memref<4x8x16xf32, #tpu.memory_space<hbm>>) target(%dma_start3A_237 : memref<4x8x16xf32, #tpu.memory_space<vmem>>) target_semaphore(%dma_start3A_232 : memref<!tpu.dma_semaphore, #tpu.memory_space<semaphore_mem>>)
      %slice3A_244 = vector.extract_strided_slice %and3A_77 {offsets = [5], sizes = [1], strides = [1]} : vector<16xi32> to vector<1xi32>
      %squeeze3A_245 = vector.extract %slice3A_244[0] : i32 from vector<1xi32>
      %multiple_of3A_246 = tpu.assume_multiple %squeeze3A_245, 128 : i32
      %slice3A_247 = vector.extract_strided_slice %and3A_82 {offsets = [5], sizes = [1], strides = [1]} : vector<16xi32> to vector<1xi32>
      %squeeze3A_248 = vector.extract %slice3A_247[0] : i32 from vector<1xi32>
      %mul3A_249 = arith.constant 16 : i32
      %mul3A_250 = arith.muli %squeeze3A_248, %mul3A_249 : i32
      %multiple_of3A_251 = tpu.assume_multiple %mul3A_250, 16 : i32
      %dma_start3A_252 = arith.constant 0 : i32
      %dma_start3A_253 = arith.constant 0 : i32
      %dma_start3A_254 = arith.constant 0 : i32
      %dma_start3A_255 = arith.constant 80 : i32
      %dma_start3A_256 = tpu.memref_slice %arg6[%scan3A_71, %dma_start3A_252, %dma_start3A_253, %dma_start3A_254, %dma_start3A_255] : memref<8x2x4x8x128xf32, #tpu.memory_space<vmem>> -> memref<1x1x4x8x16xf32, #tpu.memory_space<vmem>>
      %dma_start3A_257 = tpu.memref_squeeze %dma_start3A_256 : memref<1x1x4x8x16xf32, #tpu.memory_space<vmem>> -> memref<4x8x16xf32, #tpu.memory_space<vmem>>
      %dma_start3A_258 = arith.constant 0 : i32
      %dma_start3A_259 = arith.constant 0 : i32
      %dma_start3A_260 = tpu.memref_slice %arg2[%dma_start3A_258, %dma_start3A_259, %multiple_of3A_246] : memref<4x8x1000000xf32, #tpu.memory_space<hbm>> -> memref<4x8x128xf32, #tpu.memory_space<hbm>>
      %dma_start3A_261 = arith.constant 0 : i32
      %dma_start3A_262 = arith.constant 0 : i32
      %dma_start3A_263 = tpu.memref_slice %dma_start3A_260[%dma_start3A_261, %dma_start3A_262, %multiple_of3A_251] : memref<4x8x128xf32, #tpu.memory_space<hbm>> -> memref<4x8x16xf32, #tpu.memory_space<hbm>>
      %dma_start3A_264 = tpu.memref_slice %arg8[%scan3A_71] : memref<8x!tpu.dma_semaphore, #tpu.memory_space<semaphore_mem>> -> memref<1x!tpu.dma_semaphore, #tpu.memory_space<semaphore_mem>>
      %dma_start3A_265 = tpu.memref_squeeze %dma_start3A_264 : memref<1x!tpu.dma_semaphore, #tpu.memory_space<semaphore_mem>> -> memref<!tpu.dma_semaphore, #tpu.memory_space<semaphore_mem>>
      %dma_start3A_266 = arith.constant 0 : i32
      %dma_start3A_267 = arith.constant 0 : i32
      %dma_start3A_268 = arith.constant 80 : i32
      %dma_start3A_269 = tpu.memref_slice %arg6[%scan3A_71, %dma_start3A_252, %dma_start3A_266, %dma_start3A_267, %dma_start3A_268] : memref<8x2x4x8x128xf32, #tpu.memory_space<vmem>> -> memref<1x1x4x8x16xf32, #tpu.memory_space<vmem>>
      %dma_start3A_270 = tpu.memref_squeeze %dma_start3A_269 : memref<1x1x4x8x16xf32, #tpu.memory_space<vmem>> -> memref<4x8x16xf32, #tpu.memory_space<vmem>>
      %dma_start3A_271 = arith.constant 0 : i32
      %dma_start3A_272 = arith.constant 0 : i32
      %dma_start3A_273 = tpu.memref_slice %arg2[%dma_start3A_271, %dma_start3A_272, %multiple_of3A_246] : memref<4x8x1000000xf32, #tpu.memory_space<hbm>> -> memref<4x8x128xf32, #tpu.memory_space<hbm>>
      %dma_start3A_274 = arith.constant 0 : i32
      %dma_start3A_275 = arith.constant 0 : i32
      %dma_start3A_276 = tpu.memref_slice %dma_start3A_273[%dma_start3A_274, %dma_start3A_275, %multiple_of3A_251] : memref<4x8x128xf32, #tpu.memory_space<hbm>> -> memref<4x8x16xf32, #tpu.memory_space<hbm>>
      tpu.enqueue_dma source(%dma_start3A_276 : memref<4x8x16xf32, #tpu.memory_space<hbm>>) target(%dma_start3A_270 : memref<4x8x16xf32, #tpu.memory_space<vmem>>) target_semaphore(%dma_start3A_265 : memref<!tpu.dma_semaphore, #tpu.memory_space<semaphore_mem>>)
      %slice3A_277 = vector.extract_strided_slice %and3A_77 {offsets = [6], sizes = [1], strides = [1]} : vector<16xi32> to vector<1xi32>
      %squeeze3A_278 = vector.extract %slice3A_277[0] : i32 from vector<1xi32>
      %multiple_of3A_279 = tpu.assume_multiple %squeeze3A_278, 128 : i32
      %slice3A_280 = vector.extract_strided_slice %and3A_82 {offsets = [6], sizes = [1], strides = [1]} : vector<16xi32> to vector<1xi32>
      %squeeze3A_281 = vector.extract %slice3A_280[0] : i32 from vector<1xi32>
      %mul3A_282 = arith.constant 16 : i32
      %mul3A_283 = arith.muli %squeeze3A_281, %mul3A_282 : i32
      %multiple_of3A_284 = tpu.assume_multiple %mul3A_283, 16 : i32
      %dma_start3A_285 = arith.constant 0 : i32
      %dma_start3A_286 = arith.constant 0 : i32
      %dma_start3A_287 = arith.constant 0 : i32
      %dma_start3A_288 = arith.constant 96 : i32
      %dma_start3A_289 = tpu.memref_slice %arg6[%scan3A_71, %dma_start3A_285, %dma_start3A_286, %dma_start3A_287, %dma_start3A_288] : memref<8x2x4x8x128xf32, #tpu.memory_space<vmem>> -> memref<1x1x4x8x16xf32, #tpu.memory_space<vmem>>
      %dma_start3A_290 = tpu.memref_squeeze %dma_start3A_289 : memref<1x1x4x8x16xf32, #tpu.memory_space<vmem>> -> memref<4x8x16xf32, #tpu.memory_space<vmem>>
      %dma_start3A_291 = arith.constant 0 : i32
      %dma_start3A_292 = arith.constant 0 : i32
      %dma_start3A_293 = tpu.memref_slice %arg2[%dma_start3A_291, %dma_start3A_292, %multiple_of3A_279] : memref<4x8x1000000xf32, #tpu.memory_space<hbm>> -> memref<4x8x128xf32, #tpu.memory_space<hbm>>
      %dma_start3A_294 = arith.constant 0 : i32
      %dma_start3A_295 = arith.constant 0 : i32
      %dma_start3A_296 = tpu.memref_slice %dma_start3A_293[%dma_start3A_294, %dma_start3A_295, %multiple_of3A_284] : memref<4x8x128xf32, #tpu.memory_space<hbm>> -> memref<4x8x16xf32, #tpu.memory_space<hbm>>
      %dma_start3A_297 = tpu.memref_slice %arg8[%scan3A_71] : memref<8x!tpu.dma_semaphore, #tpu.memory_space<semaphore_mem>> -> memref<1x!tpu.dma_semaphore, #tpu.memory_space<semaphore_mem>>
      %dma_start3A_298 = tpu.memref_squeeze %dma_start3A_297 : memref<1x!tpu.dma_semaphore, #tpu.memory_space<semaphore_mem>> -> memref<!tpu.dma_semaphore, #tpu.memory_space<semaphore_mem>>
      %dma_start3A_299 = arith.constant 0 : i32
      %dma_start3A_300 = arith.constant 0 : i32
      %dma_start3A_301 = arith.constant 96 : i32
      %dma_start3A_302 = tpu.memref_slice %arg6[%scan3A_71, %dma_start3A_285, %dma_start3A_299, %dma_start3A_300, %dma_start3A_301] : memref<8x2x4x8x128xf32, #tpu.memory_space<vmem>> -> memref<1x1x4x8x16xf32, #tpu.memory_space<vmem>>
      %dma_start3A_303 = tpu.memref_squeeze %dma_start3A_302 : memref<1x1x4x8x16xf32, #tpu.memory_space<vmem>> -> memref<4x8x16xf32, #tpu.memory_space<vmem>>
      %dma_start3A_304 = arith.constant 0 : i32
      %dma_start3A_305 = arith.constant 0 : i32
      %dma_start3A_306 = tpu.memref_slice %arg2[%dma_start3A_304, %dma_start3A_305, %multiple_of3A_279] : memref<4x8x1000000xf32, #tpu.memory_space<hbm>> -> memref<4x8x128xf32, #tpu.memory_space<hbm>>
      %dma_start3A_307 = arith.constant 0 : i32
      %dma_start3A_308 = arith.constant 0 : i32
      %dma_start3A_309 = tpu.memref_slice %dma_start3A_306[%dma_start3A_307, %dma_start3A_308, %multiple_of3A_284] : memref<4x8x128xf32, #tpu.memory_space<hbm>> -> memref<4x8x16xf32, #tpu.memory_space<hbm>>
      tpu.enqueue_dma source(%dma_start3A_309 : memref<4x8x16xf32, #tpu.memory_space<hbm>>) target(%dma_start3A_303 : memref<4x8x16xf32, #tpu.memory_space<vmem>>) target_semaphore(%dma_start3A_298 : memref<!tpu.dma_semaphore, #tpu.memory_space<semaphore_mem>>)
      %slice3A_310 = vector.extract_strided_slice %and3A_77 {offsets = [7], sizes = [1], strides = [1]} : vector<16xi32> to vector<1xi32>
      %squeeze3A_311 = vector.extract %slice3A_310[0] : i32 from vector<1xi32>
      %multiple_of3A_312 = tpu.assume_multiple %squeeze3A_311, 128 : i32
      %slice3A_313 = vector.extract_strided_slice %and3A_82 {offsets = [7], sizes = [1], strides = [1]} : vector<16xi32> to vector<1xi32>
      %squeeze3A_314 = vector.extract %slice3A_313[0] : i32 from vector<1xi32>
      %mul3A_315 = arith.constant 16 : i32
      %mul3A_316 = arith.muli %squeeze3A_314, %mul3A_315 : i32
      %multiple_of3A_317 = tpu.assume_multiple %mul3A_316, 16 : i32
      %dma_start3A_318 = arith.constant 0 : i32
      %dma_start3A_319 = arith.constant 0 : i32
      %dma_start3A_320 = arith.constant 0 : i32
      %dma_start3A_321 = arith.constant 112 : i32
      %dma_start3A_322 = tpu.memref_slice %arg6[%scan3A_71, %dma_start3A_318, %dma_start3A_319, %dma_start3A_320, %dma_start3A_321] : memref<8x2x4x8x128xf32, #tpu.memory_space<vmem>> -> memref<1x1x4x8x16xf32, #tpu.memory_space<vmem>>
      %dma_start3A_323 = tpu.memref_squeeze %dma_start3A_322 : memref<1x1x4x8x16xf32, #tpu.memory_space<vmem>> -> memref<4x8x16xf32, #tpu.memory_space<vmem>>
      %dma_start3A_324 = arith.constant 0 : i32
      %dma_start3A_325 = arith.constant 0 : i32
      %dma_start3A_326 = tpu.memref_slice %arg2[%dma_start3A_324, %dma_start3A_325, %multiple_of3A_312] : memref<4x8x1000000xf32, #tpu.memory_space<hbm>> -> memref<4x8x128xf32, #tpu.memory_space<hbm>>
      %dma_start3A_327 = arith.constant 0 : i32
      %dma_start3A_328 = arith.constant 0 : i32
      %dma_start3A_329 = tpu.memref_slice %dma_start3A_326[%dma_start3A_327, %dma_start3A_328, %multiple_of3A_317] : memref<4x8x128xf32, #tpu.memory_space<hbm>> -> memref<4x8x16xf32, #tpu.memory_space<hbm>>
      %dma_start3A_330 = tpu.memref_slice %arg8[%scan3A_71] : memref<8x!tpu.dma_semaphore, #tpu.memory_space<semaphore_mem>> -> memref<1x!tpu.dma_semaphore, #tpu.memory_space<semaphore_mem>>
      %dma_start3A_331 = tpu.memref_squeeze %dma_start3A_330 : memref<1x!tpu.dma_semaphore, #tpu.memory_space<semaphore_mem>> -> memref<!tpu.dma_semaphore, #tpu.memory_space<semaphore_mem>>
      %dma_start3A_332 = arith.constant 0 : i32
      %dma_start3A_333 = arith.constant 0 : i32
      %dma_start3A_334 = arith.constant 112 : i32
      %dma_start3A_335 = tpu.memref_slice %arg6[%scan3A_71, %dma_start3A_318, %dma_start3A_332, %dma_start3A_333, %dma_start3A_334] : memref<8x2x4x8x128xf32, #tpu.memory_space<vmem>> -> memref<1x1x4x8x16xf32, #tpu.memory_space<vmem>>
      %dma_start3A_336 = tpu.memref_squeeze %dma_start3A_335 : memref<1x1x4x8x16xf32, #tpu.memory_space<vmem>> -> memref<4x8x16xf32, #tpu.memory_space<vmem>>
      %dma_start3A_337 = arith.constant 0 : i32
      %dma_start3A_338 = arith.constant 0 : i32
      %dma_start3A_339 = tpu.memref_slice %arg2[%dma_start3A_337, %dma_start3A_338, %multiple_of3A_312] : memref<4x8x1000000xf32, #tpu.memory_space<hbm>> -> memref<4x8x128xf32, #tpu.memory_space<hbm>>
      %dma_start3A_340 = arith.constant 0 : i32
      %dma_start3A_341 = arith.constant 0 : i32
      %dma_start3A_342 = tpu.memref_slice %dma_start3A_339[%dma_start3A_340, %dma_start3A_341, %multiple_of3A_317] : memref<4x8x128xf32, #tpu.memory_space<hbm>> -> memref<4x8x16xf32, #tpu.memory_space<hbm>>
      tpu.enqueue_dma source(%dma_start3A_342 : memref<4x8x16xf32, #tpu.memory_space<hbm>>) target(%dma_start3A_336 : memref<4x8x16xf32, #tpu.memory_space<vmem>>) target_semaphore(%dma_start3A_331 : memref<!tpu.dma_semaphore, #tpu.memory_space<semaphore_mem>>)
      %slice3A_343 = vector.extract_strided_slice %and3A_77 {offsets = [8], sizes = [1], strides = [1]} : vector<16xi32> to vector<1xi32>
      %squeeze3A_344 = vector.extract %slice3A_343[0] : i32 from vector<1xi32>
      %multiple_of3A_345 = tpu.assume_multiple %squeeze3A_344, 128 : i32
      %slice3A_346 = vector.extract_strided_slice %and3A_82 {offsets = [8], sizes = [1], strides = [1]} : vector<16xi32> to vector<1xi32>
      %squeeze3A_347 = vector.extract %slice3A_346[0] : i32 from vector<1xi32>
      %mul3A_348 = arith.constant 16 : i32
      %mul3A_349 = arith.muli %squeeze3A_347, %mul3A_348 : i32
      %multiple_of3A_350 = tpu.assume_multiple %mul3A_349, 16 : i32
      %dma_start3A_351 = arith.constant 1 : i32
      %dma_start3A_352 = arith.constant 0 : i32
      %dma_start3A_353 = arith.constant 0 : i32
      %dma_start3A_354 = arith.constant 0 : i32
      %dma_start3A_355 = tpu.memref_slice %arg6[%scan3A_71, %dma_start3A_351, %dma_start3A_352, %dma_start3A_353, %dma_start3A_354] : memref<8x2x4x8x128xf32, #tpu.memory_space<vmem>> -> memref<1x1x4x8x16xf32, #tpu.memory_space<vmem>>
      %dma_start3A_356 = tpu.memref_squeeze %dma_start3A_355 : memref<1x1x4x8x16xf32, #tpu.memory_space<vmem>> -> memref<4x8x16xf32, #tpu.memory_space<vmem>>
      %dma_start3A_357 = arith.constant 0 : i32
      %dma_start3A_358 = arith.constant 0 : i32
      %dma_start3A_359 = tpu.memref_slice %arg2[%dma_start3A_357, %dma_start3A_358, %multiple_of3A_345] : memref<4x8x1000000xf32, #tpu.memory_space<hbm>> -> memref<4x8x128xf32, #tpu.memory_space<hbm>>
      %dma_start3A_360 = arith.constant 0 : i32
      %dma_start3A_361 = arith.constant 0 : i32
      %dma_start3A_362 = tpu.memref_slice %dma_start3A_359[%dma_start3A_360, %dma_start3A_361, %multiple_of3A_350] : memref<4x8x128xf32, #tpu.memory_space<hbm>> -> memref<4x8x16xf32, #tpu.memory_space<hbm>>
      %dma_start3A_363 = tpu.memref_slice %arg8[%scan3A_71] : memref<8x!tpu.dma_semaphore, #tpu.memory_space<semaphore_mem>> -> memref<1x!tpu.dma_semaphore, #tpu.memory_space<semaphore_mem>>
      %dma_start3A_364 = tpu.memref_squeeze %dma_start3A_363 : memref<1x!tpu.dma_semaphore, #tpu.memory_space<semaphore_mem>> -> memref<!tpu.dma_semaphore, #tpu.memory_space<semaphore_mem>>
      %dma_start3A_365 = arith.constant 0 : i32
      %dma_start3A_366 = arith.constant 0 : i32
      %dma_start3A_367 = arith.constant 0 : i32
      %dma_start3A_368 = tpu.memref_slice %arg6[%scan3A_71, %dma_start3A_351, %dma_start3A_365, %dma_start3A_366, %dma_start3A_367] : memref<8x2x4x8x128xf32, #tpu.memory_space<vmem>> -> memref<1x1x4x8x16xf32, #tpu.memory_space<vmem>>
      %dma_start3A_369 = tpu.memref_squeeze %dma_start3A_368 : memref<1x1x4x8x16xf32, #tpu.memory_space<vmem>> -> memref<4x8x16xf32, #tpu.memory_space<vmem>>
      %dma_start3A_370 = arith.constant 0 : i32
      %dma_start3A_371 = arith.constant 0 : i32
      %dma_start3A_372 = tpu.memref_slice %arg2[%dma_start3A_370, %dma_start3A_371, %multiple_of3A_345] : memref<4x8x1000000xf32, #tpu.memory_space<hbm>> -> memref<4x8x128xf32, #tpu.memory_space<hbm>>
      %dma_start3A_373 = arith.constant 0 : i32
      %dma_start3A_374 = arith.constant 0 : i32
      %dma_start3A_375 = tpu.memref_slice %dma_start3A_372[%dma_start3A_373, %dma_start3A_374, %multiple_of3A_350] : memref<4x8x128xf32, #tpu.memory_space<hbm>> -> memref<4x8x16xf32, #tpu.memory_space<hbm>>
      tpu.enqueue_dma source(%dma_start3A_375 : memref<4x8x16xf32, #tpu.memory_space<hbm>>) target(%dma_start3A_369 : memref<4x8x16xf32, #tpu.memory_space<vmem>>) target_semaphore(%dma_start3A_364 : memref<!tpu.dma_semaphore, #tpu.memory_space<semaphore_mem>>)
      %slice3A_376 = vector.extract_strided_slice %and3A_77 {offsets = [9], sizes = [1], strides = [1]} : vector<16xi32> to vector<1xi32>
      %squeeze3A_377 = vector.extract %slice3A_376[0] : i32 from vector<1xi32>
      %multiple_of3A_378 = tpu.assume_multiple %squeeze3A_377, 128 : i32
      %slice3A_379 = vector.extract_strided_slice %and3A_82 {offsets = [9], sizes = [1], strides = [1]} : vector<16xi32> to vector<1xi32>
      %squeeze3A_380 = vector.extract %slice3A_379[0] : i32 from vector<1xi32>
      %mul3A_381 = arith.constant 16 : i32
      %mul3A_382 = arith.muli %squeeze3A_380, %mul3A_381 : i32
      %multiple_of3A_383 = tpu.assume_multiple %mul3A_382, 16 : i32
      %dma_start3A_384 = arith.constant 1 : i32
      %dma_start3A_385 = arith.constant 0 : i32
      %dma_start3A_386 = arith.constant 0 : i32
      %dma_start3A_387 = arith.constant 16 : i32
      %dma_start3A_388 = tpu.memref_slice %arg6[%scan3A_71, %dma_start3A_384, %dma_start3A_385, %dma_start3A_386, %dma_start3A_387] : memref<8x2x4x8x128xf32, #tpu.memory_space<vmem>> -> memref<1x1x4x8x16xf32, #tpu.memory_space<vmem>>
      %dma_start3A_389 = tpu.memref_squeeze %dma_start3A_388 : memref<1x1x4x8x16xf32, #tpu.memory_space<vmem>> -> memref<4x8x16xf32, #tpu.memory_space<vmem>>
      %dma_start3A_390 = arith.constant 0 : i32
      %dma_start3A_391 = arith.constant 0 : i32
      %dma_start3A_392 = tpu.memref_slice %arg2[%dma_start3A_390, %dma_start3A_391, %multiple_of3A_378] : memref<4x8x1000000xf32, #tpu.memory_space<hbm>> -> memref<4x8x128xf32, #tpu.memory_space<hbm>>
      %dma_start3A_393 = arith.constant 0 : i32
      %dma_start3A_394 = arith.constant 0 : i32
      %dma_start3A_395 = tpu.memref_slice %dma_start3A_392[%dma_start3A_393, %dma_start3A_394, %multiple_of3A_383] : memref<4x8x128xf32, #tpu.memory_space<hbm>> -> memref<4x8x16xf32, #tpu.memory_space<hbm>>
      %dma_start3A_396 = tpu.memref_slice %arg8[%scan3A_71] : memref<8x!tpu.dma_semaphore, #tpu.memory_space<semaphore_mem>> -> memref<1x!tpu.dma_semaphore, #tpu.memory_space<semaphore_mem>>
      %dma_start3A_397 = tpu.memref_squeeze %dma_start3A_396 : memref<1x!tpu.dma_semaphore, #tpu.memory_space<semaphore_mem>> -> memref<!tpu.dma_semaphore, #tpu.memory_space<semaphore_mem>>
      %dma_start3A_398 = arith.constant 0 : i32
      %dma_start3A_399 = arith.constant 0 : i32
      %dma_start3A_400 = arith.constant 16 : i32
      %dma_start3A_401 = tpu.memref_slice %arg6[%scan3A_71, %dma_start3A_384, %dma_start3A_398, %dma_start3A_399, %dma_start3A_400] : memref<8x2x4x8x128xf32, #tpu.memory_space<vmem>> -> memref<1x1x4x8x16xf32, #tpu.memory_space<vmem>>
      %dma_start3A_402 = tpu.memref_squeeze %dma_start3A_401 : memref<1x1x4x8x16xf32, #tpu.memory_space<vmem>> -> memref<4x8x16xf32, #tpu.memory_space<vmem>>
      %dma_start3A_403 = arith.constant 0 : i32
      %dma_start3A_404 = arith.constant 0 : i32
      %dma_start3A_405 = tpu.memref_slice %arg2[%dma_start3A_403, %dma_start3A_404, %multiple_of3A_378] : memref<4x8x1000000xf32, #tpu.memory_space<hbm>> -> memref<4x8x128xf32, #tpu.memory_space<hbm>>
      %dma_start3A_406 = arith.constant 0 : i32
      %dma_start3A_407 = arith.constant 0 : i32
      %dma_start3A_408 = tpu.memref_slice %dma_start3A_405[%dma_start3A_406, %dma_start3A_407, %multiple_of3A_383] : memref<4x8x128xf32, #tpu.memory_space<hbm>> -> memref<4x8x16xf32, #tpu.memory_space<hbm>>
      tpu.enqueue_dma source(%dma_start3A_408 : memref<4x8x16xf32, #tpu.memory_space<hbm>>) target(%dma_start3A_402 : memref<4x8x16xf32, #tpu.memory_space<vmem>>) target_semaphore(%dma_start3A_397 : memref<!tpu.dma_semaphore, #tpu.memory_space<semaphore_mem>>)
      %slice3A_409 = vector.extract_strided_slice %and3A_77 {offsets = [10], sizes = [1], strides = [1]} : vector<16xi32> to vector<1xi32>
      %squeeze3A_410 = vector.extract %slice3A_409[0] : i32 from vector<1xi32>
      %multiple_of3A_411 = tpu.assume_multiple %squeeze3A_410, 128 : i32
      %slice3A_412 = vector.extract_strided_slice %and3A_82 {offsets = [10], sizes = [1], strides = [1]} : vector<16xi32> to vector<1xi32>
      %squeeze3A_413 = vector.extract %slice3A_412[0] : i32 from vector<1xi32>
      %mul3A_414 = arith.constant 16 : i32
      %mul3A_415 = arith.muli %squeeze3A_413, %mul3A_414 : i32
      %multiple_of3A_416 = tpu.assume_multiple %mul3A_415, 16 : i32
      %dma_start3A_417 = arith.constant 1 : i32
      %dma_start3A_418 = arith.constant 0 : i32
      %dma_start3A_419 = arith.constant 0 : i32
      %dma_start3A_420 = arith.constant 32 : i32
      %dma_start3A_421 = tpu.memref_slice %arg6[%scan3A_71, %dma_start3A_417, %dma_start3A_418, %dma_start3A_419, %dma_start3A_420] : memref<8x2x4x8x128xf32, #tpu.memory_space<vmem>> -> memref<1x1x4x8x16xf32, #tpu.memory_space<vmem>>
      %dma_start3A_422 = tpu.memref_squeeze %dma_start3A_421 : memref<1x1x4x8x16xf32, #tpu.memory_space<vmem>> -> memref<4x8x16xf32, #tpu.memory_space<vmem>>
      %dma_start3A_423 = arith.constant 0 : i32
      %dma_start3A_424 = arith.constant 0 : i32
      %dma_start3A_425 = tpu.memref_slice %arg2[%dma_start3A_423, %dma_start3A_424, %multiple_of3A_411] : memref<4x8x1000000xf32, #tpu.memory_space<hbm>> -> memref<4x8x128xf32, #tpu.memory_space<hbm>>
      %dma_start3A_426 = arith.constant 0 : i32
      %dma_start3A_427 = arith.constant 0 : i32
      %dma_start3A_428 = tpu.memref_slice %dma_start3A_425[%dma_start3A_426, %dma_start3A_427, %multiple_of3A_416] : memref<4x8x128xf32, #tpu.memory_space<hbm>> -> memref<4x8x16xf32, #tpu.memory_space<hbm>>
      %dma_start3A_429 = tpu.memref_slice %arg8[%scan3A_71] : memref<8x!tpu.dma_semaphore, #tpu.memory_space<semaphore_mem>> -> memref<1x!tpu.dma_semaphore, #tpu.memory_space<semaphore_mem>>
      %dma_start3A_430 = tpu.memref_squeeze %dma_start3A_429 : memref<1x!tpu.dma_semaphore, #tpu.memory_space<semaphore_mem>> -> memref<!tpu.dma_semaphore, #tpu.memory_space<semaphore_mem>>
      %dma_start3A_431 = arith.constant 0 : i32
      %dma_start3A_432 = arith.constant 0 : i32
      %dma_start3A_433 = arith.constant 32 : i32
      %dma_start3A_434 = tpu.memref_slice %arg6[%scan3A_71, %dma_start3A_417, %dma_start3A_431, %dma_start3A_432, %dma_start3A_433] : memref<8x2x4x8x128xf32, #tpu.memory_space<vmem>> -> memref<1x1x4x8x16xf32, #tpu.memory_space<vmem>>
      %dma_start3A_435 = tpu.memref_squeeze %dma_start3A_434 : memref<1x1x4x8x16xf32, #tpu.memory_space<vmem>> -> memref<4x8x16xf32, #tpu.memory_space<vmem>>
      %dma_start3A_436 = arith.constant 0 : i32
      %dma_start3A_437 = arith.constant 0 : i32
      %dma_start3A_438 = tpu.memref_slice %arg2[%dma_start3A_436, %dma_start3A_437, %multiple_of3A_411] : memref<4x8x1000000xf32, #tpu.memory_space<hbm>> -> memref<4x8x128xf32, #tpu.memory_space<hbm>>
      %dma_start3A_439 = arith.constant 0 : i32
      %dma_start3A_440 = arith.constant 0 : i32
      %dma_start3A_441 = tpu.memref_slice %dma_start3A_438[%dma_start3A_439, %dma_start3A_440, %multiple_of3A_416] : memref<4x8x128xf32, #tpu.memory_space<hbm>> -> memref<4x8x16xf32, #tpu.memory_space<hbm>>
      tpu.enqueue_dma source(%dma_start3A_441 : memref<4x8x16xf32, #tpu.memory_space<hbm>>) target(%dma_start3A_435 : memref<4x8x16xf32, #tpu.memory_space<vmem>>) target_semaphore(%dma_start3A_430 : memref<!tpu.dma_semaphore, #tpu.memory_space<semaphore_mem>>)
      %slice3A_442 = vector.extract_strided_slice %and3A_77 {offsets = [11], sizes = [1], strides = [1]} : vector<16xi32> to vector<1xi32>
      %squeeze3A_443 = vector.extract %slice3A_442[0] : i32 from vector<1xi32>
      %multiple_of3A_444 = tpu.assume_multiple %squeeze3A_443, 128 : i32
      %slice3A_445 = vector.extract_strided_slice %and3A_82 {offsets = [11], sizes = [1], strides = [1]} : vector<16xi32> to vector<1xi32>
      %squeeze3A_446 = vector.extract %slice3A_445[0] : i32 from vector<1xi32>
      %mul3A_447 = arith.constant 16 : i32
      %mul3A_448 = arith.muli %squeeze3A_446, %mul3A_447 : i32
      %multiple_of3A_449 = tpu.assume_multiple %mul3A_448, 16 : i32
      %dma_start3A_450 = arith.constant 1 : i32
      %dma_start3A_451 = arith.constant 0 : i32
      %dma_start3A_452 = arith.constant 0 : i32
      %dma_start3A_453 = arith.constant 48 : i32
      %dma_start3A_454 = tpu.memref_slice %arg6[%scan3A_71, %dma_start3A_450, %dma_start3A_451, %dma_start3A_452, %dma_start3A_453] : memref<8x2x4x8x128xf32, #tpu.memory_space<vmem>> -> memref<1x1x4x8x16xf32, #tpu.memory_space<vmem>>
      %dma_start3A_455 = tpu.memref_squeeze %dma_start3A_454 : memref<1x1x4x8x16xf32, #tpu.memory_space<vmem>> -> memref<4x8x16xf32, #tpu.memory_space<vmem>>
      %dma_start3A_456 = arith.constant 0 : i32
      %dma_start3A_457 = arith.constant 0 : i32
      %dma_start3A_458 = tpu.memref_slice %arg2[%dma_start3A_456, %dma_start3A_457, %multiple_of3A_444] : memref<4x8x1000000xf32, #tpu.memory_space<hbm>> -> memref<4x8x128xf32, #tpu.memory_space<hbm>>
      %dma_start3A_459 = arith.constant 0 : i32
      %dma_start3A_460 = arith.constant 0 : i32
      %dma_start3A_461 = tpu.memref_slice %dma_start3A_458[%dma_start3A_459, %dma_start3A_460, %multiple_of3A_449] : memref<4x8x128xf32, #tpu.memory_space<hbm>> -> memref<4x8x16xf32, #tpu.memory_space<hbm>>
      %dma_start3A_462 = tpu.memref_slice %arg8[%scan3A_71] : memref<8x!tpu.dma_semaphore, #tpu.memory_space<semaphore_mem>> -> memref<1x!tpu.dma_semaphore, #tpu.memory_space<semaphore_mem>>
      %dma_start3A_463 = tpu.memref_squeeze %dma_start3A_462 : memref<1x!tpu.dma_semaphore, #tpu.memory_space<semaphore_mem>> -> memref<!tpu.dma_semaphore, #tpu.memory_space<semaphore_mem>>
      %dma_start3A_464 = arith.constant 0 : i32
      %dma_start3A_465 = arith.constant 0 : i32
      %dma_start3A_466 = arith.constant 48 : i32
      %dma_start3A_467 = tpu.memref_slice %arg6[%scan3A_71, %dma_start3A_450, %dma_start3A_464, %dma_start3A_465, %dma_start3A_466] : memref<8x2x4x8x128xf32, #tpu.memory_space<vmem>> -> memref<1x1x4x8x16xf32, #tpu.memory_space<vmem>>
      %dma_start3A_468 = tpu.memref_squeeze %dma_start3A_467 : memref<1x1x4x8x16xf32, #tpu.memory_space<vmem>> -> memref<4x8x16xf32, #tpu.memory_space<vmem>>
      %dma_start3A_469 = arith.constant 0 : i32
      %dma_start3A_470 = arith.constant 0 : i32
      %dma_start3A_471 = tpu.memref_slice %arg2[%dma_start3A_469, %dma_start3A_470, %multiple_of3A_444] : memref<4x8x1000000xf32, #tpu.memory_space<hbm>> -> memref<4x8x128xf32, #tpu.memory_space<hbm>>
      %dma_start3A_472 = arith.constant 0 : i32
      %dma_start3A_473 = arith.constant 0 : i32
      %dma_start3A_474 = tpu.memref_slice %dma_start3A_471[%dma_start3A_472, %dma_start3A_473, %multiple_of3A_449] : memref<4x8x128xf32, #tpu.memory_space<hbm>> -> memref<4x8x16xf32, #tpu.memory_space<hbm>>
      tpu.enqueue_dma source(%dma_start3A_474 : memref<4x8x16xf32, #tpu.memory_space<hbm>>) target(%dma_start3A_468 : memref<4x8x16xf32, #tpu.memory_space<vmem>>) target_semaphore(%dma_start3A_463 : memref<!tpu.dma_semaphore, #tpu.memory_space<semaphore_mem>>)
      %slice3A_475 = vector.extract_strided_slice %and3A_77 {offsets = [12], sizes = [1], strides = [1]} : vector<16xi32> to vector<1xi32>
      %squeeze3A_476 = vector.extract %slice3A_475[0] : i32 from vector<1xi32>
      %multiple_of3A_477 = tpu.assume_multiple %squeeze3A_476, 128 : i32
      %slice3A_478 = vector.extract_strided_slice %and3A_82 {offsets = [12], sizes = [1], strides = [1]} : vector<16xi32> to vector<1xi32>
      %squeeze3A_479 = vector.extract %slice3A_478[0] : i32 from vector<1xi32>
      %mul3A_480 = arith.constant 16 : i32
      %mul3A_481 = arith.muli %squeeze3A_479, %mul3A_480 : i32
      %multiple_of3A_482 = tpu.assume_multiple %mul3A_481, 16 : i32
      %dma_start3A_483 = arith.constant 1 : i32
      %dma_start3A_484 = arith.constant 0 : i32
      %dma_start3A_485 = arith.constant 0 : i32
      %dma_start3A_486 = arith.constant 64 : i32
      %dma_start3A_487 = tpu.memref_slice %arg6[%scan3A_71, %dma_start3A_483, %dma_start3A_484, %dma_start3A_485, %dma_start3A_486] : memref<8x2x4x8x128xf32, #tpu.memory_space<vmem>> -> memref<1x1x4x8x16xf32, #tpu.memory_space<vmem>>
      %dma_start3A_488 = tpu.memref_squeeze %dma_start3A_487 : memref<1x1x4x8x16xf32, #tpu.memory_space<vmem>> -> memref<4x8x16xf32, #tpu.memory_space<vmem>>
      %dma_start3A_489 = arith.constant 0 : i32
      %dma_start3A_490 = arith.constant 0 : i32
      %dma_start3A_491 = tpu.memref_slice %arg2[%dma_start3A_489, %dma_start3A_490, %multiple_of3A_477] : memref<4x8x1000000xf32, #tpu.memory_space<hbm>> -> memref<4x8x128xf32, #tpu.memory_space<hbm>>
      %dma_start3A_492 = arith.constant 0 : i32
      %dma_start3A_493 = arith.constant 0 : i32
      %dma_start3A_494 = tpu.memref_slice %dma_start3A_491[%dma_start3A_492, %dma_start3A_493, %multiple_of3A_482] : memref<4x8x128xf32, #tpu.memory_space<hbm>> -> memref<4x8x16xf32, #tpu.memory_space<hbm>>
      %dma_start3A_495 = tpu.memref_slice %arg8[%scan3A_71] : memref<8x!tpu.dma_semaphore, #tpu.memory_space<semaphore_mem>> -> memref<1x!tpu.dma_semaphore, #tpu.memory_space<semaphore_mem>>
      %dma_start3A_496 = tpu.memref_squeeze %dma_start3A_495 : memref<1x!tpu.dma_semaphore, #tpu.memory_space<semaphore_mem>> -> memref<!tpu.dma_semaphore, #tpu.memory_space<semaphore_mem>>
      %dma_start3A_497 = arith.constant 0 : i32
      %dma_start3A_498 = arith.constant 0 : i32
      %dma_start3A_499 = arith.constant 64 : i32
      %dma_start3A_500 = tpu.memref_slice %arg6[%scan3A_71, %dma_start3A_483, %dma_start3A_497, %dma_start3A_498, %dma_start3A_499] : memref<8x2x4x8x128xf32, #tpu.memory_space<vmem>> -> memref<1x1x4x8x16xf32, #tpu.memory_space<vmem>>
      %dma_start3A_501 = tpu.memref_squeeze %dma_start3A_500 : memref<1x1x4x8x16xf32, #tpu.memory_space<vmem>> -> memref<4x8x16xf32, #tpu.memory_space<vmem>>
      %dma_start3A_502 = arith.constant 0 : i32
      %dma_start3A_503 = arith.constant 0 : i32
      %dma_start3A_504 = tpu.memref_slice %arg2[%dma_start3A_502, %dma_start3A_503, %multiple_of3A_477] : memref<4x8x1000000xf32, #tpu.memory_space<hbm>> -> memref<4x8x128xf32, #tpu.memory_space<hbm>>
      %dma_start3A_505 = arith.constant 0 : i32
      %dma_start3A_506 = arith.constant 0 : i32
      %dma_start3A_507 = tpu.memref_slice %dma_start3A_504[%dma_start3A_505, %dma_start3A_506, %multiple_of3A_482] : memref<4x8x128xf32, #tpu.memory_space<hbm>> -> memref<4x8x16xf32, #tpu.memory_space<hbm>>
      tpu.enqueue_dma source(%dma_start3A_507 : memref<4x8x16xf32, #tpu.memory_space<hbm>>) target(%dma_start3A_501 : memref<4x8x16xf32, #tpu.memory_space<vmem>>) target_semaphore(%dma_start3A_496 : memref<!tpu.dma_semaphore, #tpu.memory_space<semaphore_mem>>)
      %slice3A_508 = vector.extract_strided_slice %and3A_77 {offsets = [13], sizes = [1], strides = [1]} : vector<16xi32> to vector<1xi32>
      %squeeze3A_509 = vector.extract %slice3A_508[0] : i32 from vector<1xi32>
      %multiple_of3A_510 = tpu.assume_multiple %squeeze3A_509, 128 : i32
      %slice3A_511 = vector.extract_strided_slice %and3A_82 {offsets = [13], sizes = [1], strides = [1]} : vector<16xi32> to vector<1xi32>
      %squeeze3A_512 = vector.extract %slice3A_511[0] : i32 from vector<1xi32>
      %mul3A_513 = arith.constant 16 : i32
      %mul3A_514 = arith.muli %squeeze3A_512, %mul3A_513 : i32
      %multiple_of3A_515 = tpu.assume_multiple %mul3A_514, 16 : i32
      %dma_start3A_516 = arith.constant 1 : i32
      %dma_start3A_517 = arith.constant 0 : i32
      %dma_start3A_518 = arith.constant 0 : i32
      %dma_start3A_519 = arith.constant 80 : i32
      %dma_start3A_520 = tpu.memref_slice %arg6[%scan3A_71, %dma_start3A_516, %dma_start3A_517, %dma_start3A_518, %dma_start3A_519] : memref<8x2x4x8x128xf32, #tpu.memory_space<vmem>> -> memref<1x1x4x8x16xf32, #tpu.memory_space<vmem>>
      %dma_start3A_521 = tpu.memref_squeeze %dma_start3A_520 : memref<1x1x4x8x16xf32, #tpu.memory_space<vmem>> -> memref<4x8x16xf32, #tpu.memory_space<vmem>>
      %dma_start3A_522 = arith.constant 0 : i32
      %dma_start3A_523 = arith.constant 0 : i32
      %dma_start3A_524 = tpu.memref_slice %arg2[%dma_start3A_522, %dma_start3A_523, %multiple_of3A_510] : memref<4x8x1000000xf32, #tpu.memory_space<hbm>> -> memref<4x8x128xf32, #tpu.memory_space<hbm>>
      %dma_start3A_525 = arith.constant 0 : i32
      %dma_start3A_526 = arith.constant 0 : i32
      %dma_start3A_527 = tpu.memref_slice %dma_start3A_524[%dma_start3A_525, %dma_start3A_526, %multiple_of3A_515] : memref<4x8x128xf32, #tpu.memory_space<hbm>> -> memref<4x8x16xf32, #tpu.memory_space<hbm>>
      %dma_start3A_528 = tpu.memref_slice %arg8[%scan3A_71] : memref<8x!tpu.dma_semaphore, #tpu.memory_space<semaphore_mem>> -> memref<1x!tpu.dma_semaphore, #tpu.memory_space<semaphore_mem>>
      %dma_start3A_529 = tpu.memref_squeeze %dma_start3A_528 : memref<1x!tpu.dma_semaphore, #tpu.memory_space<semaphore_mem>> -> memref<!tpu.dma_semaphore, #tpu.memory_space<semaphore_mem>>
      %dma_start3A_530 = arith.constant 0 : i32
      %dma_start3A_531 = arith.constant 0 : i32
      %dma_start3A_532 = arith.constant 80 : i32
      %dma_start3A_533 = tpu.memref_slice %arg6[%scan3A_71, %dma_start3A_516, %dma_start3A_530, %dma_start3A_531, %dma_start3A_532] : memref<8x2x4x8x128xf32, #tpu.memory_space<vmem>> -> memref<1x1x4x8x16xf32, #tpu.memory_space<vmem>>
      %dma_start3A_534 = tpu.memref_squeeze %dma_start3A_533 : memref<1x1x4x8x16xf32, #tpu.memory_space<vmem>> -> memref<4x8x16xf32, #tpu.memory_space<vmem>>
      %dma_start3A_535 = arith.constant 0 : i32
      %dma_start3A_536 = arith.constant 0 : i32
      %dma_start3A_537 = tpu.memref_slice %arg2[%dma_start3A_535, %dma_start3A_536, %multiple_of3A_510] : memref<4x8x1000000xf32, #tpu.memory_space<hbm>> -> memref<4x8x128xf32, #tpu.memory_space<hbm>>
      %dma_start3A_538 = arith.constant 0 : i32
      %dma_start3A_539 = arith.constant 0 : i32
      %dma_start3A_540 = tpu.memref_slice %dma_start3A_537[%dma_start3A_538, %dma_start3A_539, %multiple_of3A_515] : memref<4x8x128xf32, #tpu.memory_space<hbm>> -> memref<4x8x16xf32, #tpu.memory_space<hbm>>
      tpu.enqueue_dma source(%dma_start3A_540 : memref<4x8x16xf32, #tpu.memory_space<hbm>>) target(%dma_start3A_534 : memref<4x8x16xf32, #tpu.memory_space<vmem>>) target_semaphore(%dma_start3A_529 : memref<!tpu.dma_semaphore, #tpu.memory_space<semaphore_mem>>)
      %slice3A_541 = vector.extract_strided_slice %and3A_77 {offsets = [14], sizes = [1], strides = [1]} : vector<16xi32> to vector<1xi32>
      %squeeze3A_542 = vector.extract %slice3A_541[0] : i32 from vector<1xi32>
      %multiple_of3A_543 = tpu.assume_multiple %squeeze3A_542, 128 : i32
      %slice3A_544 = vector.extract_strided_slice %and3A_82 {offsets = [14], sizes = [1], strides = [1]} : vector<16xi32> to vector<1xi32>
      %squeeze3A_545 = vector.extract %slice3A_544[0] : i32 from vector<1xi32>
      %mul3A_546 = arith.constant 16 : i32
      %mul3A_547 = arith.muli %squeeze3A_545, %mul3A_546 : i32
      %multiple_of3A_548 = tpu.assume_multiple %mul3A_547, 16 : i32
      %dma_start3A_549 = arith.constant 1 : i32
      %dma_start3A_550 = arith.constant 0 : i32
      %dma_start3A_551 = arith.constant 0 : i32
      %dma_start3A_552 = arith.constant 96 : i32
      %dma_start3A_553 = tpu.memref_slice %arg6[%scan3A_71, %dma_start3A_549, %dma_start3A_550, %dma_start3A_551, %dma_start3A_552] : memref<8x2x4x8x128xf32, #tpu.memory_space<vmem>> -> memref<1x1x4x8x16xf32, #tpu.memory_space<vmem>>
      %dma_start3A_554 = tpu.memref_squeeze %dma_start3A_553 : memref<1x1x4x8x16xf32, #tpu.memory_space<vmem>> -> memref<4x8x16xf32, #tpu.memory_space<vmem>>
      %dma_start3A_555 = arith.constant 0 : i32
      %dma_start3A_556 = arith.constant 0 : i32
      %dma_start3A_557 = tpu.memref_slice %arg2[%dma_start3A_555, %dma_start3A_556, %multiple_of3A_543] : memref<4x8x1000000xf32, #tpu.memory_space<hbm>> -> memref<4x8x128xf32, #tpu.memory_space<hbm>>
      %dma_start3A_558 = arith.constant 0 : i32
      %dma_start3A_559 = arith.constant 0 : i32
      %dma_start3A_560 = tpu.memref_slice %dma_start3A_557[%dma_start3A_558, %dma_start3A_559, %multiple_of3A_548] : memref<4x8x128xf32, #tpu.memory_space<hbm>> -> memref<4x8x16xf32, #tpu.memory_space<hbm>>
      %dma_start3A_561 = tpu.memref_slice %arg8[%scan3A_71] : memref<8x!tpu.dma_semaphore, #tpu.memory_space<semaphore_mem>> -> memref<1x!tpu.dma_semaphore, #tpu.memory_space<semaphore_mem>>
      %dma_start3A_562 = tpu.memref_squeeze %dma_start3A_561 : memref<1x!tpu.dma_semaphore, #tpu.memory_space<semaphore_mem>> -> memref<!tpu.dma_semaphore, #tpu.memory_space<semaphore_mem>>
      %dma_start3A_563 = arith.constant 0 : i32
      %dma_start3A_564 = arith.constant 0 : i32
      %dma_start3A_565 = arith.constant 96 : i32
      %dma_start3A_566 = tpu.memref_slice %arg6[%scan3A_71, %dma_start3A_549, %dma_start3A_563, %dma_start3A_564, %dma_start3A_565] : memref<8x2x4x8x128xf32, #tpu.memory_space<vmem>> -> memref<1x1x4x8x16xf32, #tpu.memory_space<vmem>>
      %dma_start3A_567 = tpu.memref_squeeze %dma_start3A_566 : memref<1x1x4x8x16xf32, #tpu.memory_space<vmem>> -> memref<4x8x16xf32, #tpu.memory_space<vmem>>
      %dma_start3A_568 = arith.constant 0 : i32
      %dma_start3A_569 = arith.constant 0 : i32
      %dma_start3A_570 = tpu.memref_slice %arg2[%dma_start3A_568, %dma_start3A_569, %multiple_of3A_543] : memref<4x8x1000000xf32, #tpu.memory_space<hbm>> -> memref<4x8x128xf32, #tpu.memory_space<hbm>>
      %dma_start3A_571 = arith.constant 0 : i32
      %dma_start3A_572 = arith.constant 0 : i32
      %dma_start3A_573 = tpu.memref_slice %dma_start3A_570[%dma_start3A_571, %dma_start3A_572, %multiple_of3A_548] : memref<4x8x128xf32, #tpu.memory_space<hbm>> -> memref<4x8x16xf32, #tpu.memory_space<hbm>>
      tpu.enqueue_dma source(%dma_start3A_573 : memref<4x8x16xf32, #tpu.memory_space<hbm>>) target(%dma_start3A_567 : memref<4x8x16xf32, #tpu.memory_space<vmem>>) target_semaphore(%dma_start3A_562 : memref<!tpu.dma_semaphore, #tpu.memory_space<semaphore_mem>>)
      %slice3A_574 = vector.extract_strided_slice %and3A_77 {offsets = [15], sizes = [1], strides = [1]} : vector<16xi32> to vector<1xi32>
      %squeeze3A_575 = vector.extract %slice3A_574[0] : i32 from vector<1xi32>
      %multiple_of3A_576 = tpu.assume_multiple %squeeze3A_575, 128 : i32
      %slice3A_577 = vector.extract_strided_slice %and3A_82 {offsets = [15], sizes = [1], strides = [1]} : vector<16xi32> to vector<1xi32>
      %squeeze3A_578 = vector.extract %slice3A_577[0] : i32 from vector<1xi32>
      %mul3A_579 = arith.constant 16 : i32
      %mul3A_580 = arith.muli %squeeze3A_578, %mul3A_579 : i32
      %multiple_of3A_581 = tpu.assume_multiple %mul3A_580, 16 : i32
      %dma_start3A_582 = arith.constant 1 : i32
      %dma_start3A_583 = arith.constant 0 : i32
      %dma_start3A_584 = arith.constant 0 : i32
      %dma_start3A_585 = arith.constant 112 : i32
      %dma_start3A_586 = tpu.memref_slice %arg6[%scan3A_71, %dma_start3A_582, %dma_start3A_583, %dma_start3A_584, %dma_start3A_585] : memref<8x2x4x8x128xf32, #tpu.memory_space<vmem>> -> memref<1x1x4x8x16xf32, #tpu.memory_space<vmem>>
      %dma_start3A_587 = tpu.memref_squeeze %dma_start3A_586 : memref<1x1x4x8x16xf32, #tpu.memory_space<vmem>> -> memref<4x8x16xf32, #tpu.memory_space<vmem>>
      %dma_start3A_588 = arith.constant 0 : i32
      %dma_start3A_589 = arith.constant 0 : i32
      %dma_start3A_590 = tpu.memref_slice %arg2[%dma_start3A_588, %dma_start3A_589, %multiple_of3A_576] : memref<4x8x1000000xf32, #tpu.memory_space<hbm>> -> memref<4x8x128xf32, #tpu.memory_space<hbm>>
      %dma_start3A_591 = arith.constant 0 : i32
      %dma_start3A_592 = arith.constant 0 : i32
      %dma_start3A_593 = tpu.memref_slice %dma_start3A_590[%dma_start3A_591, %dma_start3A_592, %multiple_of3A_581] : memref<4x8x128xf32, #tpu.memory_space<hbm>> -> memref<4x8x16xf32, #tpu.memory_space<hbm>>
      %dma_start3A_594 = tpu.memref_slice %arg8[%scan3A_71] : memref<8x!tpu.dma_semaphore, #tpu.memory_space<semaphore_mem>> -> memref<1x!tpu.dma_semaphore, #tpu.memory_space<semaphore_mem>>
      %dma_start3A_595 = tpu.memref_squeeze %dma_start3A_594 : memref<1x!tpu.dma_semaphore, #tpu.memory_space<semaphore_mem>> -> memref<!tpu.dma_semaphore, #tpu.memory_space<semaphore_mem>>
      %dma_start3A_596 = arith.constant 0 : i32
      %dma_start3A_597 = arith.constant 0 : i32
      %dma_start3A_598 = arith.constant 112 : i32
      %dma_start3A_599 = tpu.memref_slice %arg6[%scan3A_71, %dma_start3A_582, %dma_start3A_596, %dma_start3A_597, %dma_start3A_598] : memref<8x2x4x8x128xf32, #tpu.memory_space<vmem>> -> memref<1x1x4x8x16xf32, #tpu.memory_space<vmem>>
      %dma_start3A_600 = tpu.memref_squeeze %dma_start3A_599 : memref<1x1x4x8x16xf32, #tpu.memory_space<vmem>> -> memref<4x8x16xf32, #tpu.memory_space<vmem>>
      %dma_start3A_601 = arith.constant 0 : i32
      %dma_start3A_602 = arith.constant 0 : i32
      %dma_start3A_603 = tpu.memref_slice %arg2[%dma_start3A_601, %dma_start3A_602, %multiple_of3A_576] : memref<4x8x1000000xf32, #tpu.memory_space<hbm>> -> memref<4x8x128xf32, #tpu.memory_space<hbm>>
      %dma_start3A_604 = arith.constant 0 : i32
      %dma_start3A_605 = arith.constant 0 : i32
      %dma_start3A_606 = tpu.memref_slice %dma_start3A_603[%dma_start3A_604, %dma_start3A_605, %multiple_of3A_581] : memref<4x8x128xf32, #tpu.memory_space<hbm>> -> memref<4x8x16xf32, #tpu.memory_space<hbm>>
      tpu.enqueue_dma source(%dma_start3A_606 : memref<4x8x16xf32, #tpu.memory_space<hbm>>) target(%dma_start3A_600 : memref<4x8x16xf32, #tpu.memory_space<vmem>>) target_semaphore(%dma_start3A_595 : memref<!tpu.dma_semaphore, #tpu.memory_space<semaphore_mem>>)
    }
    %scan3A_53 = arith.constant 7 : i32
    %scan3A_54 = arith.constant 0 : i32
    %scan3A_55 = arith.constant 0 : i32
    %scan3A_56 = arith.constant 32 : i32
    %scan3A_57 = arith.addi %scan3A_55, %scan3A_56 : i32
    %scan3A_58 = arith.constant 1 : i32
    scf.for %scan3A_71 = %scan3A_55 to %scan3A_57 step %scan3A_58  : i32 {
      %jit3A_72 = arith.constant 8 : i32
      %eq3A_73 = arith.constant 0 : i32
      %eq3A_74 = arith.cmpi eq, %jit3A_72, %eq3A_73 : i32
      %jit3A_75 = arith.constant 1 : i32
      %select_n3A_76 = arith.select %eq3A_74, %jit3A_75, %jit3A_72 : i32
      %rem3A_77 = arith.remsi %scan3A_71, %select_n3A_76 : i32
      %ne3A_78 = arith.constant 0 : i32
      %ne3A_79 = arith.cmpi ne, %rem3A_77, %ne3A_78 : i32
      %lt3A_80 = arith.constant 0 : i32
      %lt3A_81 = arith.cmpi slt, %rem3A_77, %lt3A_80 : i32
      %lt3A_82 = arith.constant 0 : i32
      %lt3A_83 = arith.cmpi slt, %select_n3A_76, %lt3A_82 : i32
      %ne3A_84 = arith.xori %lt3A_81, %lt3A_83 : i1
      %and3A_85 = arith.andi %ne3A_84, %ne3A_79 : i1
      %add3A_86 = arith.addi %rem3A_77, %select_n3A_76 : i32
      %select_n3A_87 = arith.select %and3A_85, %add3A_86, %rem3A_77 : i32
      %add3A_88 = arith.constant 8 : i32
      %add3A_89 = arith.addi %scan3A_71, %add3A_88 : i32
      %sub3A_90 = arith.constant 1 : i32
      %sub3A_91 = arith.subi %add3A_89, %sub3A_90 : i32
      %lt3A_92 = arith.constant 32 : i32
      %lt3A_93 = arith.cmpi slt, %sub3A_91, %lt3A_92 : i32
      %convert_element_type3A = arith.extui %lt3A_93 : i1 to i32
      %cond3A = arith.constant 0 : i32
      %cond3A_94 = arith.cmpi ne, %convert_element_type3A, %cond3A : i32
      scf.if %cond3A_94 {
        %jit3A_506 = arith.constant 8 : i32
        %eq3A_507 = arith.constant 0 : i32
        %eq3A_508 = arith.cmpi eq, %jit3A_506, %eq3A_507 : i32
        %jit3A_509 = arith.constant 1 : i32
        %select_n3A_510 = arith.select %eq3A_508, %jit3A_509, %jit3A_506 : i32
        %rem3A_511 = arith.remsi %sub3A_91, %select_n3A_510 : i32
        %ne3A_512 = arith.constant 0 : i32
        %ne3A_513 = arith.cmpi ne, %rem3A_511, %ne3A_512 : i32
        %lt3A_514 = arith.constant 0 : i32
        %lt3A_515 = arith.cmpi slt, %rem3A_511, %lt3A_514 : i32
        %lt3A_516 = arith.constant 0 : i32
        %lt3A_517 = arith.cmpi slt, %select_n3A_510, %lt3A_516 : i32
        %ne3A_518 = arith.xori %lt3A_515, %lt3A_517 : i1
        %and3A_519 = arith.andi %ne3A_518, %ne3A_513 : i1
        %add3A_520 = arith.addi %rem3A_511, %select_n3A_510 : i32
        %select_n3A_521 = arith.select %and3A_519, %add3A_520, %rem3A_511 : i32
        %mul3A_522 = arith.constant 16 : i32
        %mul3A_523 = arith.muli %sub3A_91, %mul3A_522 : i32
        %get3A_524 = arith.index_cast %mul3A_523 : i32 to index
        %get3A_525 = tpu.vector_load %arg5[%get3A_524] {strides = array<i32>} : memref<512xi32, #tpu.memory_space<vmem>>, vector<16xi32>,
        %and3A_526 = arith.constant -128 : i32
        %and3A_527 = vector.broadcast %and3A_526 : i32 to vector<16xi32>
        %and3A_528 = arith.andi %get3A_525, %and3A_527 : vector<16xi32>
        %shift_right_arithmetic3A = arith.constant 4 : i32
        %shift_right_arithmetic3A_529 = vector.broadcast %shift_right_arithmetic3A : i32 to vector<16xi32>
        %shift_right_arithmetic3A_530 = arith.shrsi %get3A_525, %shift_right_arithmetic3A_529 : vector<16xi32>
        %and3A_531 = arith.constant 7 : i32
        %and3A_532 = vector.broadcast %and3A_531 : i32 to vector<16xi32>
        %and3A_533 = arith.andi %shift_right_arithmetic3A_530, %and3A_532 : vector<16xi32>
        %slice3A = vector.extract_strided_slice %and3A_528 {offsets = [0], sizes = [1], strides = [1]} : vector<16xi32> to vector<1xi32>
        %squeeze3A = vector.extract %slice3A[0] : i32 from vector<1xi32>
        %multiple_of3A = tpu.assume_multiple %squeeze3A, 128 : i32
        %slice3A_534 = vector.extract_strided_slice %and3A_533 {offsets = [0], sizes = [1], strides = [1]} : vector<16xi32> to vector<1xi32>
        %squeeze3A_535 = vector.extract %slice3A_534[0] : i32 from vector<1xi32>
        %mul3A_536 = arith.constant 16 : i32
        %mul3A_537 = arith.muli %squeeze3A_535, %mul3A_536 : i32
        %multiple_of3A_538 = tpu.assume_multiple %mul3A_537, 16 : i32
        %dma_start3A = arith.constant 0 : i32
        %dma_start3A_539 = arith.constant 0 : i32
        %dma_start3A_540 = arith.constant 0 : i32
        %dma_start3A_541 = arith.constant 0 : i32
        %dma_start3A_542 = tpu.memref_slice %arg6[%select_n3A_521, %dma_start3A, %dma_start3A_539, %dma_start3A_540, %dma_start3A_541] : memref<8x2x4x8x128xf32, #tpu.memory_space<vmem>> -> memref<1x1x4x8x16xf32, #tpu.memory_space<vmem>>
        %dma_start3A_543 = tpu.memref_squeeze %dma_start3A_542 : memref<1x1x4x8x16xf32, #tpu.memory_space<vmem>> -> memref<4x8x16xf32, #tpu.memory_space<vmem>>
        %dma_start3A_544 = arith.constant 0 : i32
        %dma_start3A_545 = arith.constant 0 : i32
        %dma_start3A_546 = tpu.memref_slice %arg2[%dma_start3A_544, %dma_start3A_545, %multiple_of3A] : memref<4x8x1000000xf32, #tpu.memory_space<hbm>> -> memref<4x8x128xf32, #tpu.memory_space<hbm>>
        %dma_start3A_547 = arith.constant 0 : i32
        %dma_start3A_548 = arith.constant 0 : i32
        %dma_start3A_549 = tpu.memref_slice %dma_start3A_546[%dma_start3A_547, %dma_start3A_548, %multiple_of3A_538] : memref<4x8x128xf32, #tpu.memory_space<hbm>> -> memref<4x8x16xf32, #tpu.memory_space<hbm>>
        %dma_start3A_550 = tpu.memref_slice %arg8[%select_n3A_521] : memref<8x!tpu.dma_semaphore, #tpu.memory_space<semaphore_mem>> -> memref<1x!tpu.dma_semaphore, #tpu.memory_space<semaphore_mem>>
        %dma_start3A_551 = tpu.memref_squeeze %dma_start3A_550 : memref<1x!tpu.dma_semaphore, #tpu.memory_space<semaphore_mem>> -> memref<!tpu.dma_semaphore, #tpu.memory_space<semaphore_mem>>
        %dma_start3A_552 = arith.constant 0 : i32
        %dma_start3A_553 = arith.constant 0 : i32
        %dma_start3A_554 = arith.constant 0 : i32
        %dma_start3A_555 = tpu.memref_slice %arg6[%select_n3A_521, %dma_start3A, %dma_start3A_552, %dma_start3A_553, %dma_start3A_554] : memref<8x2x4x8x128xf32, #tpu.memory_space<vmem>> -> memref<1x1x4x8x16xf32, #tpu.memory_space<vmem>>
        %dma_start3A_556 = tpu.memref_squeeze %dma_start3A_555 : memref<1x1x4x8x16xf32, #tpu.memory_space<vmem>> -> memref<4x8x16xf32, #tpu.memory_space<vmem>>
        %dma_start3A_557 = arith.constant 0 : i32
        %dma_start3A_558 = arith.constant 0 : i32
        %dma_start3A_559 = tpu.memref_slice %arg2[%dma_start3A_557, %dma_start3A_558, %multiple_of3A] : memref<4x8x1000000xf32, #tpu.memory_space<hbm>> -> memref<4x8x128xf32, #tpu.memory_space<hbm>>
        %dma_start3A_560 = arith.constant 0 : i32
        %dma_start3A_561 = arith.constant 0 : i32
        %dma_start3A_562 = tpu.memref_slice %dma_start3A_559[%dma_start3A_560, %dma_start3A_561, %multiple_of3A_538] : memref<4x8x128xf32, #tpu.memory_space<hbm>> -> memref<4x8x16xf32, #tpu.memory_space<hbm>>
        tpu.enqueue_dma source(%dma_start3A_562 : memref<4x8x16xf32, #tpu.memory_space<hbm>>) target(%dma_start3A_556 : memref<4x8x16xf32, #tpu.memory_space<vmem>>) target_semaphore(%dma_start3A_551 : memref<!tpu.dma_semaphore, #tpu.memory_space<semaphore_mem>>)
        %slice3A_563 = vector.extract_strided_slice %and3A_528 {offsets = [1], sizes = [1], strides = [1]} : vector<16xi32> to vector<1xi32>
        %squeeze3A_564 = vector.extract %slice3A_563[0] : i32 from vector<1xi32>
        %multiple_of3A_565 = tpu.assume_multiple %squeeze3A_564, 128 : i32
        %slice3A_566 = vector.extract_strided_slice %and3A_533 {offsets = [1], sizes = [1], strides = [1]} : vector<16xi32> to vector<1xi32>
        %squeeze3A_567 = vector.extract %slice3A_566[0] : i32 from vector<1xi32>
        %mul3A_568 = arith.constant 16 : i32
        %mul3A_569 = arith.muli %squeeze3A_567, %mul3A_568 : i32
        %multiple_of3A_570 = tpu.assume_multiple %mul3A_569, 16 : i32
        %dma_start3A_571 = arith.constant 0 : i32
        %dma_start3A_572 = arith.constant 0 : i32
        %dma_start3A_573 = arith.constant 0 : i32
        %dma_start3A_574 = arith.constant 16 : i32
        %dma_start3A_575 = tpu.memref_slice %arg6[%select_n3A_521, %dma_start3A_571, %dma_start3A_572, %dma_start3A_573, %dma_start3A_574] : memref<8x2x4x8x128xf32, #tpu.memory_space<vmem>> -> memref<1x1x4x8x16xf32, #tpu.memory_space<vmem>>
        %dma_start3A_576 = tpu.memref_squeeze %dma_start3A_575 : memref<1x1x4x8x16xf32, #tpu.memory_space<vmem>> -> memref<4x8x16xf32, #tpu.memory_space<vmem>>
        %dma_start3A_577 = arith.constant 0 : i32
        %dma_start3A_578 = arith.constant 0 : i32
        %dma_start3A_579 = tpu.memref_slice %arg2[%dma_start3A_577, %dma_start3A_578, %multiple_of3A_565] : memref<4x8x1000000xf32, #tpu.memory_space<hbm>> -> memref<4x8x128xf32, #tpu.memory_space<hbm>>
        %dma_start3A_580 = arith.constant 0 : i32
        %dma_start3A_581 = arith.constant 0 : i32
        %dma_start3A_582 = tpu.memref_slice %dma_start3A_579[%dma_start3A_580, %dma_start3A_581, %multiple_of3A_570] : memref<4x8x128xf32, #tpu.memory_space<hbm>> -> memref<4x8x16xf32, #tpu.memory_space<hbm>>
        %dma_start3A_583 = tpu.memref_slice %arg8[%select_n3A_521] : memref<8x!tpu.dma_semaphore, #tpu.memory_space<semaphore_mem>> -> memref<1x!tpu.dma_semaphore, #tpu.memory_space<semaphore_mem>>
        %dma_start3A_584 = tpu.memref_squeeze %dma_start3A_583 : memref<1x!tpu.dma_semaphore, #tpu.memory_space<semaphore_mem>> -> memref<!tpu.dma_semaphore, #tpu.memory_space<semaphore_mem>>
        %dma_start3A_585 = arith.constant 0 : i32
        %dma_start3A_586 = arith.constant 0 : i32
        %dma_start3A_587 = arith.constant 16 : i32
        %dma_start3A_588 = tpu.memref_slice %arg6[%select_n3A_521, %dma_start3A_571, %dma_start3A_585, %dma_start3A_586, %dma_start3A_587] : memref<8x2x4x8x128xf32, #tpu.memory_space<vmem>> -> memref<1x1x4x8x16xf32, #tpu.memory_space<vmem>>
        %dma_start3A_589 = tpu.memref_squeeze %dma_start3A_588 : memref<1x1x4x8x16xf32, #tpu.memory_space<vmem>> -> memref<4x8x16xf32, #tpu.memory_space<vmem>>
        %dma_start3A_590 = arith.constant 0 : i32
        %dma_start3A_591 = arith.constant 0 : i32
        %dma_start3A_592 = tpu.memref_slice %arg2[%dma_start3A_590, %dma_start3A_591, %multiple_of3A_565] : memref<4x8x1000000xf32, #tpu.memory_space<hbm>> -> memref<4x8x128xf32, #tpu.memory_space<hbm>>
        %dma_start3A_593 = arith.constant 0 : i32
        %dma_start3A_594 = arith.constant 0 : i32
        %dma_start3A_595 = tpu.memref_slice %dma_start3A_592[%dma_start3A_593, %dma_start3A_594, %multiple_of3A_570] : memref<4x8x128xf32, #tpu.memory_space<hbm>> -> memref<4x8x16xf32, #tpu.memory_space<hbm>>
        tpu.enqueue_dma source(%dma_start3A_595 : memref<4x8x16xf32, #tpu.memory_space<hbm>>) target(%dma_start3A_589 : memref<4x8x16xf32, #tpu.memory_space<vmem>>) target_semaphore(%dma_start3A_584 : memref<!tpu.dma_semaphore, #tpu.memory_space<semaphore_mem>>)
        %slice3A_596 = vector.extract_strided_slice %and3A_528 {offsets = [2], sizes = [1], strides = [1]} : vector<16xi32> to vector<1xi32>
        %squeeze3A_597 = vector.extract %slice3A_596[0] : i32 from vector<1xi32>
        %multiple_of3A_598 = tpu.assume_multiple %squeeze3A_597, 128 : i32
        %slice3A_599 = vector.extract_strided_slice %and3A_533 {offsets = [2], sizes = [1], strides = [1]} : vector<16xi32> to vector<1xi32>
        %squeeze3A_600 = vector.extract %slice3A_599[0] : i32 from vector<1xi32>
        %mul3A_601 = arith.constant 16 : i32
        %mul3A_602 = arith.muli %squeeze3A_600, %mul3A_601 : i32
        %multiple_of3A_603 = tpu.assume_multiple %mul3A_602, 16 : i32
        %dma_start3A_604 = arith.constant 0 : i32
        %dma_start3A_605 = arith.constant 0 : i32
        %dma_start3A_606 = arith.constant 0 : i32
        %dma_start3A_607 = arith.constant 32 : i32
        %dma_start3A_608 = tpu.memref_slice %arg6[%select_n3A_521, %dma_start3A_604, %dma_start3A_605, %dma_start3A_606, %dma_start3A_607] : memref<8x2x4x8x128xf32, #tpu.memory_space<vmem>> -> memref<1x1x4x8x16xf32, #tpu.memory_space<vmem>>
        %dma_start3A_609 = tpu.memref_squeeze %dma_start3A_608 : memref<1x1x4x8x16xf32, #tpu.memory_space<vmem>> -> memref<4x8x16xf32, #tpu.memory_space<vmem>>
        %dma_start3A_610 = arith.constant 0 : i32
        %dma_start3A_611 = arith.constant 0 : i32
        %dma_start3A_612 = tpu.memref_slice %arg2[%dma_start3A_610, %dma_start3A_611, %multiple_of3A_598] : memref<4x8x1000000xf32, #tpu.memory_space<hbm>> -> memref<4x8x128xf32, #tpu.memory_space<hbm>>
        %dma_start3A_613 = arith.constant 0 : i32
        %dma_start3A_614 = arith.constant 0 : i32
        %dma_start3A_615 = tpu.memref_slice %dma_start3A_612[%dma_start3A_613, %dma_start3A_614, %multiple_of3A_603] : memref<4x8x128xf32, #tpu.memory_space<hbm>> -> memref<4x8x16xf32, #tpu.memory_space<hbm>>
        %dma_start3A_616 = tpu.memref_slice %arg8[%select_n3A_521] : memref<8x!tpu.dma_semaphore, #tpu.memory_space<semaphore_mem>> -> memref<1x!tpu.dma_semaphore, #tpu.memory_space<semaphore_mem>>
        %dma_start3A_617 = tpu.memref_squeeze %dma_start3A_616 : memref<1x!tpu.dma_semaphore, #tpu.memory_space<semaphore_mem>> -> memref<!tpu.dma_semaphore, #tpu.memory_space<semaphore_mem>>
        %dma_start3A_618 = arith.constant 0 : i32
        %dma_start3A_619 = arith.constant 0 : i32
        %dma_start3A_620 = arith.constant 32 : i32
        %dma_start3A_621 = tpu.memref_slice %arg6[%select_n3A_521, %dma_start3A_604, %dma_start3A_618, %dma_start3A_619, %dma_start3A_620] : memref<8x2x4x8x128xf32, #tpu.memory_space<vmem>> -> memref<1x1x4x8x16xf32, #tpu.memory_space<vmem>>
        %dma_start3A_622 = tpu.memref_squeeze %dma_start3A_621 : memref<1x1x4x8x16xf32, #tpu.memory_space<vmem>> -> memref<4x8x16xf32, #tpu.memory_space<vmem>>
        %dma_start3A_623 = arith.constant 0 : i32
        %dma_start3A_624 = arith.constant 0 : i32
        %dma_start3A_625 = tpu.memref_slice %arg2[%dma_start3A_623, %dma_start3A_624, %multiple_of3A_598] : memref<4x8x1000000xf32, #tpu.memory_space<hbm>> -> memref<4x8x128xf32, #tpu.memory_space<hbm>>
        %dma_start3A_626 = arith.constant 0 : i32
        %dma_start3A_627 = arith.constant 0 : i32
        %dma_start3A_628 = tpu.memref_slice %dma_start3A_625[%dma_start3A_626, %dma_start3A_627, %multiple_of3A_603] : memref<4x8x128xf32, #tpu.memory_space<hbm>> -> memref<4x8x16xf32, #tpu.memory_space<hbm>>
        tpu.enqueue_dma source(%dma_start3A_628 : memref<4x8x16xf32, #tpu.memory_space<hbm>>) target(%dma_start3A_622 : memref<4x8x16xf32, #tpu.memory_space<vmem>>) target_semaphore(%dma_start3A_617 : memref<!tpu.dma_semaphore, #tpu.memory_space<semaphore_mem>>)
        %slice3A_629 = vector.extract_strided_slice %and3A_528 {offsets = [3], sizes = [1], strides = [1]} : vector<16xi32> to vector<1xi32>
        %squeeze3A_630 = vector.extract %slice3A_629[0] : i32 from vector<1xi32>
        %multiple_of3A_631 = tpu.assume_multiple %squeeze3A_630, 128 : i32
        %slice3A_632 = vector.extract_strided_slice %and3A_533 {offsets = [3], sizes = [1], strides = [1]} : vector<16xi32> to vector<1xi32>
        %squeeze3A_633 = vector.extract %slice3A_632[0] : i32 from vector<1xi32>
        %mul3A_634 = arith.constant 16 : i32
        %mul3A_635 = arith.muli %squeeze3A_633, %mul3A_634 : i32
        %multiple_of3A_636 = tpu.assume_multiple %mul3A_635, 16 : i32
        %dma_start3A_637 = arith.constant 0 : i32
        %dma_start3A_638 = arith.constant 0 : i32
        %dma_start3A_639 = arith.constant 0 : i32
        %dma_start3A_640 = arith.constant 48 : i32
        %dma_start3A_641 = tpu.memref_slice %arg6[%select_n3A_521, %dma_start3A_637, %dma_start3A_638, %dma_start3A_639, %dma_start3A_640] : memref<8x2x4x8x128xf32, #tpu.memory_space<vmem>> -> memref<1x1x4x8x16xf32, #tpu.memory_space<vmem>>
        %dma_start3A_642 = tpu.memref_squeeze %dma_start3A_641 : memref<1x1x4x8x16xf32, #tpu.memory_space<vmem>> -> memref<4x8x16xf32, #tpu.memory_space<vmem>>
        %dma_start3A_643 = arith.constant 0 : i32
        %dma_start3A_644 = arith.constant 0 : i32
        %dma_start3A_645 = tpu.memref_slice %arg2[%dma_start3A_643, %dma_start3A_644, %multiple_of3A_631] : memref<4x8x1000000xf32, #tpu.memory_space<hbm>> -> memref<4x8x128xf32, #tpu.memory_space<hbm>>
        %dma_start3A_646 = arith.constant 0 : i32
        %dma_start3A_647 = arith.constant 0 : i32
        %dma_start3A_648 = tpu.memref_slice %dma_start3A_645[%dma_start3A_646, %dma_start3A_647, %multiple_of3A_636] : memref<4x8x128xf32, #tpu.memory_space<hbm>> -> memref<4x8x16xf32, #tpu.memory_space<hbm>>
        %dma_start3A_649 = tpu.memref_slice %arg8[%select_n3A_521] : memref<8x!tpu.dma_semaphore, #tpu.memory_space<semaphore_mem>> -> memref<1x!tpu.dma_semaphore, #tpu.memory_space<semaphore_mem>>
        %dma_start3A_650 = tpu.memref_squeeze %dma_start3A_649 : memref<1x!tpu.dma_semaphore, #tpu.memory_space<semaphore_mem>> -> memref<!tpu.dma_semaphore, #tpu.memory_space<semaphore_mem>>
        %dma_start3A_651 = arith.constant 0 : i32
        %dma_start3A_652 = arith.constant 0 : i32
        %dma_start3A_653 = arith.constant 48 : i32
        %dma_start3A_654 = tpu.memref_slice %arg6[%select_n3A_521, %dma_start3A_637, %dma_start3A_651, %dma_start3A_652, %dma_start3A_653] : memref<8x2x4x8x128xf32, #tpu.memory_space<vmem>> -> memref<1x1x4x8x16xf32, #tpu.memory_space<vmem>>
        %dma_start3A_655 = tpu.memref_squeeze %dma_start3A_654 : memref<1x1x4x8x16xf32, #tpu.memory_space<vmem>> -> memref<4x8x16xf32, #tpu.memory_space<vmem>>
        %dma_start3A_656 = arith.constant 0 : i32
        %dma_start3A_657 = arith.constant 0 : i32
        %dma_start3A_658 = tpu.memref_slice %arg2[%dma_start3A_656, %dma_start3A_657, %multiple_of3A_631] : memref<4x8x1000000xf32, #tpu.memory_space<hbm>> -> memref<4x8x128xf32, #tpu.memory_space<hbm>>
        %dma_start3A_659 = arith.constant 0 : i32
        %dma_start3A_660 = arith.constant 0 : i32
        %dma_start3A_661 = tpu.memref_slice %dma_start3A_658[%dma_start3A_659, %dma_start3A_660, %multiple_of3A_636] : memref<4x8x128xf32, #tpu.memory_space<hbm>> -> memref<4x8x16xf32, #tpu.memory_space<hbm>>
        tpu.enqueue_dma source(%dma_start3A_661 : memref<4x8x16xf32, #tpu.memory_space<hbm>>) target(%dma_start3A_655 : memref<4x8x16xf32, #tpu.memory_space<vmem>>) target_semaphore(%dma_start3A_650 : memref<!tpu.dma_semaphore, #tpu.memory_space<semaphore_mem>>)
        %slice3A_662 = vector.extract_strided_slice %and3A_528 {offsets = [4], sizes = [1], strides = [1]} : vector<16xi32> to vector<1xi32>
        %squeeze3A_663 = vector.extract %slice3A_662[0] : i32 from vector<1xi32>
        %multiple_of3A_664 = tpu.assume_multiple %squeeze3A_663, 128 : i32
        %slice3A_665 = vector.extract_strided_slice %and3A_533 {offsets = [4], sizes = [1], strides = [1]} : vector<16xi32> to vector<1xi32>
        %squeeze3A_666 = vector.extract %slice3A_665[0] : i32 from vector<1xi32>
        %mul3A_667 = arith.constant 16 : i32
        %mul3A_668 = arith.muli %squeeze3A_666, %mul3A_667 : i32
        %multiple_of3A_669 = tpu.assume_multiple %mul3A_668, 16 : i32
        %dma_start3A_670 = arith.constant 0 : i32
        %dma_start3A_671 = arith.constant 0 : i32
        %dma_start3A_672 = arith.constant 0 : i32
        %dma_start3A_673 = arith.constant 64 : i32
        %dma_start3A_674 = tpu.memref_slice %arg6[%select_n3A_521, %dma_start3A_670, %dma_start3A_671, %dma_start3A_672, %dma_start3A_673] : memref<8x2x4x8x128xf32, #tpu.memory_space<vmem>> -> memref<1x1x4x8x16xf32, #tpu.memory_space<vmem>>
        %dma_start3A_675 = tpu.memref_squeeze %dma_start3A_674 : memref<1x1x4x8x16xf32, #tpu.memory_space<vmem>> -> memref<4x8x16xf32, #tpu.memory_space<vmem>>
        %dma_start3A_676 = arith.constant 0 : i32
        %dma_start3A_677 = arith.constant 0 : i32
        %dma_start3A_678 = tpu.memref_slice %arg2[%dma_start3A_676, %dma_start3A_677, %multiple_of3A_664] : memref<4x8x1000000xf32, #tpu.memory_space<hbm>> -> memref<4x8x128xf32, #tpu.memory_space<hbm>>
        %dma_start3A_679 = arith.constant 0 : i32
        %dma_start3A_680 = arith.constant 0 : i32
        %dma_start3A_681 = tpu.memref_slice %dma_start3A_678[%dma_start3A_679, %dma_start3A_680, %multiple_of3A_669] : memref<4x8x128xf32, #tpu.memory_space<hbm>> -> memref<4x8x16xf32, #tpu.memory_space<hbm>>
        %dma_start3A_682 = tpu.memref_slice %arg8[%select_n3A_521] : memref<8x!tpu.dma_semaphore, #tpu.memory_space<semaphore_mem>> -> memref<1x!tpu.dma_semaphore, #tpu.memory_space<semaphore_mem>>
        %dma_start3A_683 = tpu.memref_squeeze %dma_start3A_682 : memref<1x!tpu.dma_semaphore, #tpu.memory_space<semaphore_mem>> -> memref<!tpu.dma_semaphore, #tpu.memory_space<semaphore_mem>>
        %dma_start3A_684 = arith.constant 0 : i32
        %dma_start3A_685 = arith.constant 0 : i32
        %dma_start3A_686 = arith.constant 64 : i32
        %dma_start3A_687 = tpu.memref_slice %arg6[%select_n3A_521, %dma_start3A_670, %dma_start3A_684, %dma_start3A_685, %dma_start3A_686] : memref<8x2x4x8x128xf32, #tpu.memory_space<vmem>> -> memref<1x1x4x8x16xf32, #tpu.memory_space<vmem>>
        %dma_start3A_688 = tpu.memref_squeeze %dma_start3A_687 : memref<1x1x4x8x16xf32, #tpu.memory_space<vmem>> -> memref<4x8x16xf32, #tpu.memory_space<vmem>>
        %dma_start3A_689 = arith.constant 0 : i32
        %dma_start3A_690 = arith.constant 0 : i32
        %dma_start3A_691 = tpu.memref_slice %arg2[%dma_start3A_689, %dma_start3A_690, %multiple_of3A_664] : memref<4x8x1000000xf32, #tpu.memory_space<hbm>> -> memref<4x8x128xf32, #tpu.memory_space<hbm>>
        %dma_start3A_692 = arith.constant 0 : i32
        %dma_start3A_693 = arith.constant 0 : i32
        %dma_start3A_694 = tpu.memref_slice %dma_start3A_691[%dma_start3A_692, %dma_start3A_693, %multiple_of3A_669] : memref<4x8x128xf32, #tpu.memory_space<hbm>> -> memref<4x8x16xf32, #tpu.memory_space<hbm>>
        tpu.enqueue_dma source(%dma_start3A_694 : memref<4x8x16xf32, #tpu.memory_space<hbm>>) target(%dma_start3A_688 : memref<4x8x16xf32, #tpu.memory_space<vmem>>) target_semaphore(%dma_start3A_683 : memref<!tpu.dma_semaphore, #tpu.memory_space<semaphore_mem>>)
        %slice3A_695 = vector.extract_strided_slice %and3A_528 {offsets = [5], sizes = [1], strides = [1]} : vector<16xi32> to vector<1xi32>
        %squeeze3A_696 = vector.extract %slice3A_695[0] : i32 from vector<1xi32>
        %multiple_of3A_697 = tpu.assume_multiple %squeeze3A_696, 128 : i32
        %slice3A_698 = vector.extract_strided_slice %and3A_533 {offsets = [5], sizes = [1], strides = [1]} : vector<16xi32> to vector<1xi32>
        %squeeze3A_699 = vector.extract %slice3A_698[0] : i32 from vector<1xi32>
        %mul3A_700 = arith.constant 16 : i32
        %mul3A_701 = arith.muli %squeeze3A_699, %mul3A_700 : i32
        %multiple_of3A_702 = tpu.assume_multiple %mul3A_701, 16 : i32
        %dma_start3A_703 = arith.constant 0 : i32
        %dma_start3A_704 = arith.constant 0 : i32
        %dma_start3A_705 = arith.constant 0 : i32
        %dma_start3A_706 = arith.constant 80 : i32
        %dma_start3A_707 = tpu.memref_slice %arg6[%select_n3A_521, %dma_start3A_703, %dma_start3A_704, %dma_start3A_705, %dma_start3A_706] : memref<8x2x4x8x128xf32, #tpu.memory_space<vmem>> -> memref<1x1x4x8x16xf32, #tpu.memory_space<vmem>>
        %dma_start3A_708 = tpu.memref_squeeze %dma_start3A_707 : memref<1x1x4x8x16xf32, #tpu.memory_space<vmem>> -> memref<4x8x16xf32, #tpu.memory_space<vmem>>
        %dma_start3A_709 = arith.constant 0 : i32
        %dma_start3A_710 = arith.constant 0 : i32
        %dma_start3A_711 = tpu.memref_slice %arg2[%dma_start3A_709, %dma_start3A_710, %multiple_of3A_697] : memref<4x8x1000000xf32, #tpu.memory_space<hbm>> -> memref<4x8x128xf32, #tpu.memory_space<hbm>>
        %dma_start3A_712 = arith.constant 0 : i32
        %dma_start3A_713 = arith.constant 0 : i32
        %dma_start3A_714 = tpu.memref_slice %dma_start3A_711[%dma_start3A_712, %dma_start3A_713, %multiple_of3A_702] : memref<4x8x128xf32, #tpu.memory_space<hbm>> -> memref<4x8x16xf32, #tpu.memory_space<hbm>>
        %dma_start3A_715 = tpu.memref_slice %arg8[%select_n3A_521] : memref<8x!tpu.dma_semaphore, #tpu.memory_space<semaphore_mem>> -> memref<1x!tpu.dma_semaphore, #tpu.memory_space<semaphore_mem>>
        %dma_start3A_716 = tpu.memref_squeeze %dma_start3A_715 : memref<1x!tpu.dma_semaphore, #tpu.memory_space<semaphore_mem>> -> memref<!tpu.dma_semaphore, #tpu.memory_space<semaphore_mem>>
        %dma_start3A_717 = arith.constant 0 : i32
        %dma_start3A_718 = arith.constant 0 : i32
        %dma_start3A_719 = arith.constant 80 : i32
        %dma_start3A_720 = tpu.memref_slice %arg6[%select_n3A_521, %dma_start3A_703, %dma_start3A_717, %dma_start3A_718, %dma_start3A_719] : memref<8x2x4x8x128xf32, #tpu.memory_space<vmem>> -> memref<1x1x4x8x16xf32, #tpu.memory_space<vmem>>
        %dma_start3A_721 = tpu.memref_squeeze %dma_start3A_720 : memref<1x1x4x8x16xf32, #tpu.memory_space<vmem>> -> memref<4x8x16xf32, #tpu.memory_space<vmem>>
        %dma_start3A_722 = arith.constant 0 : i32
        %dma_start3A_723 = arith.constant 0 : i32
        %dma_start3A_724 = tpu.memref_slice %arg2[%dma_start3A_722, %dma_start3A_723, %multiple_of3A_697] : memref<4x8x1000000xf32, #tpu.memory_space<hbm>> -> memref<4x8x128xf32, #tpu.memory_space<hbm>>
        %dma_start3A_725 = arith.constant 0 : i32
        %dma_start3A_726 = arith.constant 0 : i32
        %dma_start3A_727 = tpu.memref_slice %dma_start3A_724[%dma_start3A_725, %dma_start3A_726, %multiple_of3A_702] : memref<4x8x128xf32, #tpu.memory_space<hbm>> -> memref<4x8x16xf32, #tpu.memory_space<hbm>>
        tpu.enqueue_dma source(%dma_start3A_727 : memref<4x8x16xf32, #tpu.memory_space<hbm>>) target(%dma_start3A_721 : memref<4x8x16xf32, #tpu.memory_space<vmem>>) target_semaphore(%dma_start3A_716 : memref<!tpu.dma_semaphore, #tpu.memory_space<semaphore_mem>>)
        %slice3A_728 = vector.extract_strided_slice %and3A_528 {offsets = [6], sizes = [1], strides = [1]} : vector<16xi32> to vector<1xi32>
        %squeeze3A_729 = vector.extract %slice3A_728[0] : i32 from vector<1xi32>
        %multiple_of3A_730 = tpu.assume_multiple %squeeze3A_729, 128 : i32
        %slice3A_731 = vector.extract_strided_slice %and3A_533 {offsets = [6], sizes = [1], strides = [1]} : vector<16xi32> to vector<1xi32>
        %squeeze3A_732 = vector.extract %slice3A_731[0] : i32 from vector<1xi32>
        %mul3A_733 = arith.constant 16 : i32
        %mul3A_734 = arith.muli %squeeze3A_732, %mul3A_733 : i32
        %multiple_of3A_735 = tpu.assume_multiple %mul3A_734, 16 : i32
        %dma_start3A_736 = arith.constant 0 : i32
        %dma_start3A_737 = arith.constant 0 : i32
        %dma_start3A_738 = arith.constant 0 : i32
        %dma_start3A_739 = arith.constant 96 : i32
        %dma_start3A_740 = tpu.memref_slice %arg6[%select_n3A_521, %dma_start3A_736, %dma_start3A_737, %dma_start3A_738, %dma_start3A_739] : memref<8x2x4x8x128xf32, #tpu.memory_space<vmem>> -> memref<1x1x4x8x16xf32, #tpu.memory_space<vmem>>
        %dma_start3A_741 = tpu.memref_squeeze %dma_start3A_740 : memref<1x1x4x8x16xf32, #tpu.memory_space<vmem>> -> memref<4x8x16xf32, #tpu.memory_space<vmem>>
        %dma_start3A_742 = arith.constant 0 : i32
        %dma_start3A_743 = arith.constant 0 : i32
        %dma_start3A_744 = tpu.memref_slice %arg2[%dma_start3A_742, %dma_start3A_743, %multiple_of3A_730] : memref<4x8x1000000xf32, #tpu.memory_space<hbm>> -> memref<4x8x128xf32, #tpu.memory_space<hbm>>
        %dma_start3A_745 = arith.constant 0 : i32
        %dma_start3A_746 = arith.constant 0 : i32
        %dma_start3A_747 = tpu.memref_slice %dma_start3A_744[%dma_start3A_745, %dma_start3A_746, %multiple_of3A_735] : memref<4x8x128xf32, #tpu.memory_space<hbm>> -> memref<4x8x16xf32, #tpu.memory_space<hbm>>
        %dma_start3A_748 = tpu.memref_slice %arg8[%select_n3A_521] : memref<8x!tpu.dma_semaphore, #tpu.memory_space<semaphore_mem>> -> memref<1x!tpu.dma_semaphore, #tpu.memory_space<semaphore_mem>>
        %dma_start3A_749 = tpu.memref_squeeze %dma_start3A_748 : memref<1x!tpu.dma_semaphore, #tpu.memory_space<semaphore_mem>> -> memref<!tpu.dma_semaphore, #tpu.memory_space<semaphore_mem>>
        %dma_start3A_750 = arith.constant 0 : i32
        %dma_start3A_751 = arith.constant 0 : i32
        %dma_start3A_752 = arith.constant 96 : i32
        %dma_start3A_753 = tpu.memref_slice %arg6[%select_n3A_521, %dma_start3A_736, %dma_start3A_750, %dma_start3A_751, %dma_start3A_752] : memref<8x2x4x8x128xf32, #tpu.memory_space<vmem>> -> memref<1x1x4x8x16xf32, #tpu.memory_space<vmem>>
        %dma_start3A_754 = tpu.memref_squeeze %dma_start3A_753 : memref<1x1x4x8x16xf32, #tpu.memory_space<vmem>> -> memref<4x8x16xf32, #tpu.memory_space<vmem>>
        %dma_start3A_755 = arith.constant 0 : i32
        %dma_start3A_756 = arith.constant 0 : i32
        %dma_start3A_757 = tpu.memref_slice %arg2[%dma_start3A_755, %dma_start3A_756, %multiple_of3A_730] : memref<4x8x1000000xf32, #tpu.memory_space<hbm>> -> memref<4x8x128xf32, #tpu.memory_space<hbm>>
        %dma_start3A_758 = arith.constant 0 : i32
        %dma_start3A_759 = arith.constant 0 : i32
        %dma_start3A_760 = tpu.memref_slice %dma_start3A_757[%dma_start3A_758, %dma_start3A_759, %multiple_of3A_735] : memref<4x8x128xf32, #tpu.memory_space<hbm>> -> memref<4x8x16xf32, #tpu.memory_space<hbm>>
        tpu.enqueue_dma source(%dma_start3A_760 : memref<4x8x16xf32, #tpu.memory_space<hbm>>) target(%dma_start3A_754 : memref<4x8x16xf32, #tpu.memory_space<vmem>>) target_semaphore(%dma_start3A_749 : memref<!tpu.dma_semaphore, #tpu.memory_space<semaphore_mem>>)
        %slice3A_761 = vector.extract_strided_slice %and3A_528 {offsets = [7], sizes = [1], strides = [1]} : vector<16xi32> to vector<1xi32>
        %squeeze3A_762 = vector.extract %slice3A_761[0] : i32 from vector<1xi32>
        %multiple_of3A_763 = tpu.assume_multiple %squeeze3A_762, 128 : i32
        %slice3A_764 = vector.extract_strided_slice %and3A_533 {offsets = [7], sizes = [1], strides = [1]} : vector<16xi32> to vector<1xi32>
        %squeeze3A_765 = vector.extract %slice3A_764[0] : i32 from vector<1xi32>
        %mul3A_766 = arith.constant 16 : i32
        %mul3A_767 = arith.muli %squeeze3A_765, %mul3A_766 : i32
        %multiple_of3A_768 = tpu.assume_multiple %mul3A_767, 16 : i32
        %dma_start3A_769 = arith.constant 0 : i32
        %dma_start3A_770 = arith.constant 0 : i32
        %dma_start3A_771 = arith.constant 0 : i32
        %dma_start3A_772 = arith.constant 112 : i32
        %dma_start3A_773 = tpu.memref_slice %arg6[%select_n3A_521, %dma_start3A_769, %dma_start3A_770, %dma_start3A_771, %dma_start3A_772] : memref<8x2x4x8x128xf32, #tpu.memory_space<vmem>> -> memref<1x1x4x8x16xf32, #tpu.memory_space<vmem>>
        %dma_start3A_774 = tpu.memref_squeeze %dma_start3A_773 : memref<1x1x4x8x16xf32, #tpu.memory_space<vmem>> -> memref<4x8x16xf32, #tpu.memory_space<vmem>>
        %dma_start3A_775 = arith.constant 0 : i32
        %dma_start3A_776 = arith.constant 0 : i32
        %dma_start3A_777 = tpu.memref_slice %arg2[%dma_start3A_775, %dma_start3A_776, %multiple_of3A_763] : memref<4x8x1000000xf32, #tpu.memory_space<hbm>> -> memref<4x8x128xf32, #tpu.memory_space<hbm>>
        %dma_start3A_778 = arith.constant 0 : i32
        %dma_start3A_779 = arith.constant 0 : i32
        %dma_start3A_780 = tpu.memref_slice %dma_start3A_777[%dma_start3A_778, %dma_start3A_779, %multiple_of3A_768] : memref<4x8x128xf32, #tpu.memory_space<hbm>> -> memref<4x8x16xf32, #tpu.memory_space<hbm>>
        %dma_start3A_781 = tpu.memref_slice %arg8[%select_n3A_521] : memref<8x!tpu.dma_semaphore, #tpu.memory_space<semaphore_mem>> -> memref<1x!tpu.dma_semaphore, #tpu.memory_space<semaphore_mem>>
        %dma_start3A_782 = tpu.memref_squeeze %dma_start3A_781 : memref<1x!tpu.dma_semaphore, #tpu.memory_space<semaphore_mem>> -> memref<!tpu.dma_semaphore, #tpu.memory_space<semaphore_mem>>
        %dma_start3A_783 = arith.constant 0 : i32
        %dma_start3A_784 = arith.constant 0 : i32
        %dma_start3A_785 = arith.constant 112 : i32
        %dma_start3A_786 = tpu.memref_slice %arg6[%select_n3A_521, %dma_start3A_769, %dma_start3A_783, %dma_start3A_784, %dma_start3A_785] : memref<8x2x4x8x128xf32, #tpu.memory_space<vmem>> -> memref<1x1x4x8x16xf32, #tpu.memory_space<vmem>>
        %dma_start3A_787 = tpu.memref_squeeze %dma_start3A_786 : memref<1x1x4x8x16xf32, #tpu.memory_space<vmem>> -> memref<4x8x16xf32, #tpu.memory_space<vmem>>
        %dma_start3A_788 = arith.constant 0 : i32
        %dma_start3A_789 = arith.constant 0 : i32
        %dma_start3A_790 = tpu.memref_slice %arg2[%dma_start3A_788, %dma_start3A_789, %multiple_of3A_763] : memref<4x8x1000000xf32, #tpu.memory_space<hbm>> -> memref<4x8x128xf32, #tpu.memory_space<hbm>>
        %dma_start3A_791 = arith.constant 0 : i32
        %dma_start3A_792 = arith.constant 0 : i32
        %dma_start3A_793 = tpu.memref_slice %dma_start3A_790[%dma_start3A_791, %dma_start3A_792, %multiple_of3A_768] : memref<4x8x128xf32, #tpu.memory_space<hbm>> -> memref<4x8x16xf32, #tpu.memory_space<hbm>>
        tpu.enqueue_dma source(%dma_start3A_793 : memref<4x8x16xf32, #tpu.memory_space<hbm>>) target(%dma_start3A_787 : memref<4x8x16xf32, #tpu.memory_space<vmem>>) target_semaphore(%dma_start3A_782 : memref<!tpu.dma_semaphore, #tpu.memory_space<semaphore_mem>>)
        %slice3A_794 = vector.extract_strided_slice %and3A_528 {offsets = [8], sizes = [1], strides = [1]} : vector<16xi32> to vector<1xi32>
        %squeeze3A_795 = vector.extract %slice3A_794[0] : i32 from vector<1xi32>
        %multiple_of3A_796 = tpu.assume_multiple %squeeze3A_795, 128 : i32
        %slice3A_797 = vector.extract_strided_slice %and3A_533 {offsets = [8], sizes = [1], strides = [1]} : vector<16xi32> to vector<1xi32>
        %squeeze3A_798 = vector.extract %slice3A_797[0] : i32 from vector<1xi32>
        %mul3A_799 = arith.constant 16 : i32
        %mul3A_800 = arith.muli %squeeze3A_798, %mul3A_799 : i32
        %multiple_of3A_801 = tpu.assume_multiple %mul3A_800, 16 : i32
        %dma_start3A_802 = arith.constant 1 : i32
        %dma_start3A_803 = arith.constant 0 : i32
        %dma_start3A_804 = arith.constant 0 : i32
        %dma_start3A_805 = arith.constant 0 : i32
        %dma_start3A_806 = tpu.memref_slice %arg6[%select_n3A_521, %dma_start3A_802, %dma_start3A_803, %dma_start3A_804, %dma_start3A_805] : memref<8x2x4x8x128xf32, #tpu.memory_space<vmem>> -> memref<1x1x4x8x16xf32, #tpu.memory_space<vmem>>
        %dma_start3A_807 = tpu.memref_squeeze %dma_start3A_806 : memref<1x1x4x8x16xf32, #tpu.memory_space<vmem>> -> memref<4x8x16xf32, #tpu.memory_space<vmem>>
        %dma_start3A_808 = arith.constant 0 : i32
        %dma_start3A_809 = arith.constant 0 : i32
        %dma_start3A_810 = tpu.memref_slice %arg2[%dma_start3A_808, %dma_start3A_809, %multiple_of3A_796] : memref<4x8x1000000xf32, #tpu.memory_space<hbm>> -> memref<4x8x128xf32, #tpu.memory_space<hbm>>
        %dma_start3A_811 = arith.constant 0 : i32
        %dma_start3A_812 = arith.constant 0 : i32
        %dma_start3A_813 = tpu.memref_slice %dma_start3A_810[%dma_start3A_811, %dma_start3A_812, %multiple_of3A_801] : memref<4x8x128xf32, #tpu.memory_space<hbm>> -> memref<4x8x16xf32, #tpu.memory_space<hbm>>
        %dma_start3A_814 = tpu.memref_slice %arg8[%select_n3A_521] : memref<8x!tpu.dma_semaphore, #tpu.memory_space<semaphore_mem>> -> memref<1x!tpu.dma_semaphore, #tpu.memory_space<semaphore_mem>>
        %dma_start3A_815 = tpu.memref_squeeze %dma_start3A_814 : memref<1x!tpu.dma_semaphore, #tpu.memory_space<semaphore_mem>> -> memref<!tpu.dma_semaphore, #tpu.memory_space<semaphore_mem>>
        %dma_start3A_816 = arith.constant 0 : i32
        %dma_start3A_817 = arith.constant 0 : i32
        %dma_start3A_818 = arith.constant 0 : i32
        %dma_start3A_819 = tpu.memref_slice %arg6[%select_n3A_521, %dma_start3A_802, %dma_start3A_816, %dma_start3A_817, %dma_start3A_818] : memref<8x2x4x8x128xf32, #tpu.memory_space<vmem>> -> memref<1x1x4x8x16xf32, #tpu.memory_space<vmem>>
        %dma_start3A_820 = tpu.memref_squeeze %dma_start3A_819 : memref<1x1x4x8x16xf32, #tpu.memory_space<vmem>> -> memref<4x8x16xf32, #tpu.memory_space<vmem>>
        %dma_start3A_821 = arith.constant 0 : i32
        %dma_start3A_822 = arith.constant 0 : i32
        %dma_start3A_823 = tpu.memref_slice %arg2[%dma_start3A_821, %dma_start3A_822, %multiple_of3A_796] : memref<4x8x1000000xf32, #tpu.memory_space<hbm>> -> memref<4x8x128xf32, #tpu.memory_space<hbm>>
        %dma_start3A_824 = arith.constant 0 : i32
        %dma_start3A_825 = arith.constant 0 : i32
        %dma_start3A_826 = tpu.memref_slice %dma_start3A_823[%dma_start3A_824, %dma_start3A_825, %multiple_of3A_801] : memref<4x8x128xf32, #tpu.memory_space<hbm>> -> memref<4x8x16xf32, #tpu.memory_space<hbm>>
        tpu.enqueue_dma source(%dma_start3A_826 : memref<4x8x16xf32, #tpu.memory_space<hbm>>) target(%dma_start3A_820 : memref<4x8x16xf32, #tpu.memory_space<vmem>>) target_semaphore(%dma_start3A_815 : memref<!tpu.dma_semaphore, #tpu.memory_space<semaphore_mem>>)
        %slice3A_827 = vector.extract_strided_slice %and3A_528 {offsets = [9], sizes = [1], strides = [1]} : vector<16xi32> to vector<1xi32>
        %squeeze3A_828 = vector.extract %slice3A_827[0] : i32 from vector<1xi32>
        %multiple_of3A_829 = tpu.assume_multiple %squeeze3A_828, 128 : i32
        %slice3A_830 = vector.extract_strided_slice %and3A_533 {offsets = [9], sizes = [1], strides = [1]} : vector<16xi32> to vector<1xi32>
        %squeeze3A_831 = vector.extract %slice3A_830[0] : i32 from vector<1xi32>
        %mul3A_832 = arith.constant 16 : i32
        %mul3A_833 = arith.muli %squeeze3A_831, %mul3A_832 : i32
        %multiple_of3A_834 = tpu.assume_multiple %mul3A_833, 16 : i32
        %dma_start3A_835 = arith.constant 1 : i32
        %dma_start3A_836 = arith.constant 0 : i32
        %dma_start3A_837 = arith.constant 0 : i32
        %dma_start3A_838 = arith.constant 16 : i32
        %dma_start3A_839 = tpu.memref_slice %arg6[%select_n3A_521, %dma_start3A_835, %dma_start3A_836, %dma_start3A_837, %dma_start3A_838] : memref<8x2x4x8x128xf32, #tpu.memory_space<vmem>> -> memref<1x1x4x8x16xf32, #tpu.memory_space<vmem>>
        %dma_start3A_840 = tpu.memref_squeeze %dma_start3A_839 : memref<1x1x4x8x16xf32, #tpu.memory_space<vmem>> -> memref<4x8x16xf32, #tpu.memory_space<vmem>>
        %dma_start3A_841 = arith.constant 0 : i32
        %dma_start3A_842 = arith.constant 0 : i32
        %dma_start3A_843 = tpu.memref_slice %arg2[%dma_start3A_841, %dma_start3A_842, %multiple_of3A_829] : memref<4x8x1000000xf32, #tpu.memory_space<hbm>> -> memref<4x8x128xf32, #tpu.memory_space<hbm>>
        %dma_start3A_844 = arith.constant 0 : i32
        %dma_start3A_845 = arith.constant 0 : i32
        %dma_start3A_846 = tpu.memref_slice %dma_start3A_843[%dma_start3A_844, %dma_start3A_845, %multiple_of3A_834] : memref<4x8x128xf32, #tpu.memory_space<hbm>> -> memref<4x8x16xf32, #tpu.memory_space<hbm>>
        %dma_start3A_847 = tpu.memref_slice %arg8[%select_n3A_521] : memref<8x!tpu.dma_semaphore, #tpu.memory_space<semaphore_mem>> -> memref<1x!tpu.dma_semaphore, #tpu.memory_space<semaphore_mem>>
        %dma_start3A_848 = tpu.memref_squeeze %dma_start3A_847 : memref<1x!tpu.dma_semaphore, #tpu.memory_space<semaphore_mem>> -> memref<!tpu.dma_semaphore, #tpu.memory_space<semaphore_mem>>
        %dma_start3A_849 = arith.constant 0 : i32
        %dma_start3A_850 = arith.constant 0 : i32
        %dma_start3A_851 = arith.constant 16 : i32
        %dma_start3A_852 = tpu.memref_slice %arg6[%select_n3A_521, %dma_start3A_835, %dma_start3A_849, %dma_start3A_850, %dma_start3A_851] : memref<8x2x4x8x128xf32, #tpu.memory_space<vmem>> -> memref<1x1x4x8x16xf32, #tpu.memory_space<vmem>>
        %dma_start3A_853 = tpu.memref_squeeze %dma_start3A_852 : memref<1x1x4x8x16xf32, #tpu.memory_space<vmem>> -> memref<4x8x16xf32, #tpu.memory_space<vmem>>
        %dma_start3A_854 = arith.constant 0 : i32
        %dma_start3A_855 = arith.constant 0 : i32
        %dma_start3A_856 = tpu.memref_slice %arg2[%dma_start3A_854, %dma_start3A_855, %multiple_of3A_829] : memref<4x8x1000000xf32, #tpu.memory_space<hbm>> -> memref<4x8x128xf32, #tpu.memory_space<hbm>>
        %dma_start3A_857 = arith.constant 0 : i32
        %dma_start3A_858 = arith.constant 0 : i32
        %dma_start3A_859 = tpu.memref_slice %dma_start3A_856[%dma_start3A_857, %dma_start3A_858, %multiple_of3A_834] : memref<4x8x128xf32, #tpu.memory_space<hbm>> -> memref<4x8x16xf32, #tpu.memory_space<hbm>>
        tpu.enqueue_dma source(%dma_start3A_859 : memref<4x8x16xf32, #tpu.memory_space<hbm>>) target(%dma_start3A_853 : memref<4x8x16xf32, #tpu.memory_space<vmem>>) target_semaphore(%dma_start3A_848 : memref<!tpu.dma_semaphore, #tpu.memory_space<semaphore_mem>>)
        %slice3A_860 = vector.extract_strided_slice %and3A_528 {offsets = [10], sizes = [1], strides = [1]} : vector<16xi32> to vector<1xi32>
        %squeeze3A_861 = vector.extract %slice3A_860[0] : i32 from vector<1xi32>
        %multiple_of3A_862 = tpu.assume_multiple %squeeze3A_861, 128 : i32
        %slice3A_863 = vector.extract_strided_slice %and3A_533 {offsets = [10], sizes = [1], strides = [1]} : vector<16xi32> to vector<1xi32>
        %squeeze3A_864 = vector.extract %slice3A_863[0] : i32 from vector<1xi32>
        %mul3A_865 = arith.constant 16 : i32
        %mul3A_866 = arith.muli %squeeze3A_864, %mul3A_865 : i32
        %multiple_of3A_867 = tpu.assume_multiple %mul3A_866, 16 : i32
        %dma_start3A_868 = arith.constant 1 : i32
        %dma_start3A_869 = arith.constant 0 : i32
        %dma_start3A_870 = arith.constant 0 : i32
        %dma_start3A_871 = arith.constant 32 : i32
        %dma_start3A_872 = tpu.memref_slice %arg6[%select_n3A_521, %dma_start3A_868, %dma_start3A_869, %dma_start3A_870, %dma_start3A_871] : memref<8x2x4x8x128xf32, #tpu.memory_space<vmem>> -> memref<1x1x4x8x16xf32, #tpu.memory_space<vmem>>
        %dma_start3A_873 = tpu.memref_squeeze %dma_start3A_872 : memref<1x1x4x8x16xf32, #tpu.memory_space<vmem>> -> memref<4x8x16xf32, #tpu.memory_space<vmem>>
        %dma_start3A_874 = arith.constant 0 : i32
        %dma_start3A_875 = arith.constant 0 : i32
        %dma_start3A_876 = tpu.memref_slice %arg2[%dma_start3A_874, %dma_start3A_875, %multiple_of3A_862] : memref<4x8x1000000xf32, #tpu.memory_space<hbm>> -> memref<4x8x128xf32, #tpu.memory_space<hbm>>
        %dma_start3A_877 = arith.constant 0 : i32
        %dma_start3A_878 = arith.constant 0 : i32
        %dma_start3A_879 = tpu.memref_slice %dma_start3A_876[%dma_start3A_877, %dma_start3A_878, %multiple_of3A_867] : memref<4x8x128xf32, #tpu.memory_space<hbm>> -> memref<4x8x16xf32, #tpu.memory_space<hbm>>
        %dma_start3A_880 = tpu.memref_slice %arg8[%select_n3A_521] : memref<8x!tpu.dma_semaphore, #tpu.memory_space<semaphore_mem>> -> memref<1x!tpu.dma_semaphore, #tpu.memory_space<semaphore_mem>>
        %dma_start3A_881 = tpu.memref_squeeze %dma_start3A_880 : memref<1x!tpu.dma_semaphore, #tpu.memory_space<semaphore_mem>> -> memref<!tpu.dma_semaphore, #tpu.memory_space<semaphore_mem>>
        %dma_start3A_882 = arith.constant 0 : i32
        %dma_start3A_883 = arith.constant 0 : i32
        %dma_start3A_884 = arith.constant 32 : i32
        %dma_start3A_885 = tpu.memref_slice %arg6[%select_n3A_521, %dma_start3A_868, %dma_start3A_882, %dma_start3A_883, %dma_start3A_884] : memref<8x2x4x8x128xf32, #tpu.memory_space<vmem>> -> memref<1x1x4x8x16xf32, #tpu.memory_space<vmem>>
        %dma_start3A_886 = tpu.memref_squeeze %dma_start3A_885 : memref<1x1x4x8x16xf32, #tpu.memory_space<vmem>> -> memref<4x8x16xf32, #tpu.memory_space<vmem>>
        %dma_start3A_887 = arith.constant 0 : i32
        %dma_start3A_888 = arith.constant 0 : i32
        %dma_start3A_889 = tpu.memref_slice %arg2[%dma_start3A_887, %dma_start3A_888, %multiple_of3A_862] : memref<4x8x1000000xf32, #tpu.memory_space<hbm>> -> memref<4x8x128xf32, #tpu.memory_space<hbm>>
        %dma_start3A_890 = arith.constant 0 : i32
        %dma_start3A_891 = arith.constant 0 : i32
        %dma_start3A_892 = tpu.memref_slice %dma_start3A_889[%dma_start3A_890, %dma_start3A_891, %multiple_of3A_867] : memref<4x8x128xf32, #tpu.memory_space<hbm>> -> memref<4x8x16xf32, #tpu.memory_space<hbm>>
        tpu.enqueue_dma source(%dma_start3A_892 : memref<4x8x16xf32, #tpu.memory_space<hbm>>) target(%dma_start3A_886 : memref<4x8x16xf32, #tpu.memory_space<vmem>>) target_semaphore(%dma_start3A_881 : memref<!tpu.dma_semaphore, #tpu.memory_space<semaphore_mem>>)
        %slice3A_893 = vector.extract_strided_slice %and3A_528 {offsets = [11], sizes = [1], strides = [1]} : vector<16xi32> to vector<1xi32>
        %squeeze3A_894 = vector.extract %slice3A_893[0] : i32 from vector<1xi32>
        %multiple_of3A_895 = tpu.assume_multiple %squeeze3A_894, 128 : i32
        %slice3A_896 = vector.extract_strided_slice %and3A_533 {offsets = [11], sizes = [1], strides = [1]} : vector<16xi32> to vector<1xi32>
        %squeeze3A_897 = vector.extract %slice3A_896[0] : i32 from vector<1xi32>
        %mul3A_898 = arith.constant 16 : i32
        %mul3A_899 = arith.muli %squeeze3A_897, %mul3A_898 : i32
        %multiple_of3A_900 = tpu.assume_multiple %mul3A_899, 16 : i32
        %dma_start3A_901 = arith.constant 1 : i32
        %dma_start3A_902 = arith.constant 0 : i32
        %dma_start3A_903 = arith.constant 0 : i32
        %dma_start3A_904 = arith.constant 48 : i32
        %dma_start3A_905 = tpu.memref_slice %arg6[%select_n3A_521, %dma_start3A_901, %dma_start3A_902, %dma_start3A_903, %dma_start3A_904] : memref<8x2x4x8x128xf32, #tpu.memory_space<vmem>> -> memref<1x1x4x8x16xf32, #tpu.memory_space<vmem>>
        %dma_start3A_906 = tpu.memref_squeeze %dma_start3A_905 : memref<1x1x4x8x16xf32, #tpu.memory_space<vmem>> -> memref<4x8x16xf32, #tpu.memory_space<vmem>>
        %dma_start3A_907 = arith.constant 0 : i32
        %dma_start3A_908 = arith.constant 0 : i32
        %dma_start3A_909 = tpu.memref_slice %arg2[%dma_start3A_907, %dma_start3A_908, %multiple_of3A_895] : memref<4x8x1000000xf32, #tpu.memory_space<hbm>> -> memref<4x8x128xf32, #tpu.memory_space<hbm>>
        %dma_start3A_910 = arith.constant 0 : i32
        %dma_start3A_911 = arith.constant 0 : i32
        %dma_start3A_912 = tpu.memref_slice %dma_start3A_909[%dma_start3A_910, %dma_start3A_911, %multiple_of3A_900] : memref<4x8x128xf32, #tpu.memory_space<hbm>> -> memref<4x8x16xf32, #tpu.memory_space<hbm>>
        %dma_start3A_913 = tpu.memref_slice %arg8[%select_n3A_521] : memref<8x!tpu.dma_semaphore, #tpu.memory_space<semaphore_mem>> -> memref<1x!tpu.dma_semaphore, #tpu.memory_space<semaphore_mem>>
        %dma_start3A_914 = tpu.memref_squeeze %dma_start3A_913 : memref<1x!tpu.dma_semaphore, #tpu.memory_space<semaphore_mem>> -> memref<!tpu.dma_semaphore, #tpu.memory_space<semaphore_mem>>
        %dma_start3A_915 = arith.constant 0 : i32
        %dma_start3A_916 = arith.constant 0 : i32
        %dma_start3A_917 = arith.constant 48 : i32
        %dma_start3A_918 = tpu.memref_slice %arg6[%select_n3A_521, %dma_start3A_901, %dma_start3A_915, %dma_start3A_916, %dma_start3A_917] : memref<8x2x4x8x128xf32, #tpu.memory_space<vmem>> -> memref<1x1x4x8x16xf32, #tpu.memory_space<vmem>>
        %dma_start3A_919 = tpu.memref_squeeze %dma_start3A_918 : memref<1x1x4x8x16xf32, #tpu.memory_space<vmem>> -> memref<4x8x16xf32, #tpu.memory_space<vmem>>
        %dma_start3A_920 = arith.constant 0 : i32
        %dma_start3A_921 = arith.constant 0 : i32
        %dma_start3A_922 = tpu.memref_slice %arg2[%dma_start3A_920, %dma_start3A_921, %multiple_of3A_895] : memref<4x8x1000000xf32, #tpu.memory_space<hbm>> -> memref<4x8x128xf32, #tpu.memory_space<hbm>>
        %dma_start3A_923 = arith.constant 0 : i32
        %dma_start3A_924 = arith.constant 0 : i32
        %dma_start3A_925 = tpu.memref_slice %dma_start3A_922[%dma_start3A_923, %dma_start3A_924, %multiple_of3A_900] : memref<4x8x128xf32, #tpu.memory_space<hbm>> -> memref<4x8x16xf32, #tpu.memory_space<hbm>>
        tpu.enqueue_dma source(%dma_start3A_925 : memref<4x8x16xf32, #tpu.memory_space<hbm>>) target(%dma_start3A_919 : memref<4x8x16xf32, #tpu.memory_space<vmem>>) target_semaphore(%dma_start3A_914 : memref<!tpu.dma_semaphore, #tpu.memory_space<semaphore_mem>>)
        %slice3A_926 = vector.extract_strided_slice %and3A_528 {offsets = [12], sizes = [1], strides = [1]} : vector<16xi32> to vector<1xi32>
        %squeeze3A_927 = vector.extract %slice3A_926[0] : i32 from vector<1xi32>
        %multiple_of3A_928 = tpu.assume_multiple %squeeze3A_927, 128 : i32
        %slice3A_929 = vector.extract_strided_slice %and3A_533 {offsets = [12], sizes = [1], strides = [1]} : vector<16xi32> to vector<1xi32>
        %squeeze3A_930 = vector.extract %slice3A_929[0] : i32 from vector<1xi32>
        %mul3A_931 = arith.constant 16 : i32
        %mul3A_932 = arith.muli %squeeze3A_930, %mul3A_931 : i32
        %multiple_of3A_933 = tpu.assume_multiple %mul3A_932, 16 : i32
        %dma_start3A_934 = arith.constant 1 : i32
        %dma_start3A_935 = arith.constant 0 : i32
        %dma_start3A_936 = arith.constant 0 : i32
        %dma_start3A_937 = arith.constant 64 : i32
        %dma_start3A_938 = tpu.memref_slice %arg6[%select_n3A_521, %dma_start3A_934, %dma_start3A_935, %dma_start3A_936, %dma_start3A_937] : memref<8x2x4x8x128xf32, #tpu.memory_space<vmem>> -> memref<1x1x4x8x16xf32, #tpu.memory_space<vmem>>
        %dma_start3A_939 = tpu.memref_squeeze %dma_start3A_938 : memref<1x1x4x8x16xf32, #tpu.memory_space<vmem>> -> memref<4x8x16xf32, #tpu.memory_space<vmem>>
        %dma_start3A_940 = arith.constant 0 : i32
        %dma_start3A_941 = arith.constant 0 : i32
        %dma_start3A_942 = tpu.memref_slice %arg2[%dma_start3A_940, %dma_start3A_941, %multiple_of3A_928] : memref<4x8x1000000xf32, #tpu.memory_space<hbm>> -> memref<4x8x128xf32, #tpu.memory_space<hbm>>
        %dma_start3A_943 = arith.constant 0 : i32
        %dma_start3A_944 = arith.constant 0 : i32
        %dma_start3A_945 = tpu.memref_slice %dma_start3A_942[%dma_start3A_943, %dma_start3A_944, %multiple_of3A_933] : memref<4x8x128xf32, #tpu.memory_space<hbm>> -> memref<4x8x16xf32, #tpu.memory_space<hbm>>
        %dma_start3A_946 = tpu.memref_slice %arg8[%select_n3A_521] : memref<8x!tpu.dma_semaphore, #tpu.memory_space<semaphore_mem>> -> memref<1x!tpu.dma_semaphore, #tpu.memory_space<semaphore_mem>>
        %dma_start3A_947 = tpu.memref_squeeze %dma_start3A_946 : memref<1x!tpu.dma_semaphore, #tpu.memory_space<semaphore_mem>> -> memref<!tpu.dma_semaphore, #tpu.memory_space<semaphore_mem>>
        %dma_start3A_948 = arith.constant 0 : i32
        %dma_start3A_949 = arith.constant 0 : i32
        %dma_start3A_950 = arith.constant 64 : i32
        %dma_start3A_951 = tpu.memref_slice %arg6[%select_n3A_521, %dma_start3A_934, %dma_start3A_948, %dma_start3A_949, %dma_start3A_950] : memref<8x2x4x8x128xf32, #tpu.memory_space<vmem>> -> memref<1x1x4x8x16xf32, #tpu.memory_space<vmem>>
        %dma_start3A_952 = tpu.memref_squeeze %dma_start3A_951 : memref<1x1x4x8x16xf32, #tpu.memory_space<vmem>> -> memref<4x8x16xf32, #tpu.memory_space<vmem>>
        %dma_start3A_953 = arith.constant 0 : i32
        %dma_start3A_954 = arith.constant 0 : i32
        %dma_start3A_955 = tpu.memref_slice %arg2[%dma_start3A_953, %dma_start3A_954, %multiple_of3A_928] : memref<4x8x1000000xf32, #tpu.memory_space<hbm>> -> memref<4x8x128xf32, #tpu.memory_space<hbm>>
        %dma_start3A_956 = arith.constant 0 : i32
        %dma_start3A_957 = arith.constant 0 : i32
        %dma_start3A_958 = tpu.memref_slice %dma_start3A_955[%dma_start3A_956, %dma_start3A_957, %multiple_of3A_933] : memref<4x8x128xf32, #tpu.memory_space<hbm>> -> memref<4x8x16xf32, #tpu.memory_space<hbm>>
        tpu.enqueue_dma source(%dma_start3A_958 : memref<4x8x16xf32, #tpu.memory_space<hbm>>) target(%dma_start3A_952 : memref<4x8x16xf32, #tpu.memory_space<vmem>>) target_semaphore(%dma_start3A_947 : memref<!tpu.dma_semaphore, #tpu.memory_space<semaphore_mem>>)
        %slice3A_959 = vector.extract_strided_slice %and3A_528 {offsets = [13], sizes = [1], strides = [1]} : vector<16xi32> to vector<1xi32>
        %squeeze3A_960 = vector.extract %slice3A_959[0] : i32 from vector<1xi32>
        %multiple_of3A_961 = tpu.assume_multiple %squeeze3A_960, 128 : i32
        %slice3A_962 = vector.extract_strided_slice %and3A_533 {offsets = [13], sizes = [1], strides = [1]} : vector<16xi32> to vector<1xi32>
        %squeeze3A_963 = vector.extract %slice3A_962[0] : i32 from vector<1xi32>
        %mul3A_964 = arith.constant 16 : i32
        %mul3A_965 = arith.muli %squeeze3A_963, %mul3A_964 : i32
        %multiple_of3A_966 = tpu.assume_multiple %mul3A_965, 16 : i32
        %dma_start3A_967 = arith.constant 1 : i32
        %dma_start3A_968 = arith.constant 0 : i32
        %dma_start3A_969 = arith.constant 0 : i32
        %dma_start3A_970 = arith.constant 80 : i32
        %dma_start3A_971 = tpu.memref_slice %arg6[%select_n3A_521, %dma_start3A_967, %dma_start3A_968, %dma_start3A_969, %dma_start3A_970] : memref<8x2x4x8x128xf32, #tpu.memory_space<vmem>> -> memref<1x1x4x8x16xf32, #tpu.memory_space<vmem>>
        %dma_start3A_972 = tpu.memref_squeeze %dma_start3A_971 : memref<1x1x4x8x16xf32, #tpu.memory_space<vmem>> -> memref<4x8x16xf32, #tpu.memory_space<vmem>>
        %dma_start3A_973 = arith.constant 0 : i32
        %dma_start3A_974 = arith.constant 0 : i32
        %dma_start3A_975 = tpu.memref_slice %arg2[%dma_start3A_973, %dma_start3A_974, %multiple_of3A_961] : memref<4x8x1000000xf32, #tpu.memory_space<hbm>> -> memref<4x8x128xf32, #tpu.memory_space<hbm>>
        %dma_start3A_976 = arith.constant 0 : i32
        %dma_start3A_977 = arith.constant 0 : i32
        %dma_start3A_978 = tpu.memref_slice %dma_start3A_975[%dma_start3A_976, %dma_start3A_977, %multiple_of3A_966] : memref<4x8x128xf32, #tpu.memory_space<hbm>> -> memref<4x8x16xf32, #tpu.memory_space<hbm>>
        %dma_start3A_979 = tpu.memref_slice %arg8[%select_n3A_521] : memref<8x!tpu.dma_semaphore, #tpu.memory_space<semaphore_mem>> -> memref<1x!tpu.dma_semaphore, #tpu.memory_space<semaphore_mem>>
        %dma_start3A_980 = tpu.memref_squeeze %dma_start3A_979 : memref<1x!tpu.dma_semaphore, #tpu.memory_space<semaphore_mem>> -> memref<!tpu.dma_semaphore, #tpu.memory_space<semaphore_mem>>
        %dma_start3A_981 = arith.constant 0 : i32
        %dma_start3A_982 = arith.constant 0 : i32
        %dma_start3A_983 = arith.constant 80 : i32
        %dma_start3A_984 = tpu.memref_slice %arg6[%select_n3A_521, %dma_start3A_967, %dma_start3A_981, %dma_start3A_982, %dma_start3A_983] : memref<8x2x4x8x128xf32, #tpu.memory_space<vmem>> -> memref<1x1x4x8x16xf32, #tpu.memory_space<vmem>>
        %dma_start3A_985 = tpu.memref_squeeze %dma_start3A_984 : memref<1x1x4x8x16xf32, #tpu.memory_space<vmem>> -> memref<4x8x16xf32, #tpu.memory_space<vmem>>
        %dma_start3A_986 = arith.constant 0 : i32
        %dma_start3A_987 = arith.constant 0 : i32
        %dma_start3A_988 = tpu.memref_slice %arg2[%dma_start3A_986, %dma_start3A_987, %multiple_of3A_961] : memref<4x8x1000000xf32, #tpu.memory_space<hbm>> -> memref<4x8x128xf32, #tpu.memory_space<hbm>>
        %dma_start3A_989 = arith.constant 0 : i32
        %dma_start3A_990 = arith.constant 0 : i32
        %dma_start3A_991 = tpu.memref_slice %dma_start3A_988[%dma_start3A_989, %dma_start3A_990, %multiple_of3A_966] : memref<4x8x128xf32, #tpu.memory_space<hbm>> -> memref<4x8x16xf32, #tpu.memory_space<hbm>>
        tpu.enqueue_dma source(%dma_start3A_991 : memref<4x8x16xf32, #tpu.memory_space<hbm>>) target(%dma_start3A_985 : memref<4x8x16xf32, #tpu.memory_space<vmem>>) target_semaphore(%dma_start3A_980 : memref<!tpu.dma_semaphore, #tpu.memory_space<semaphore_mem>>)
        %slice3A_992 = vector.extract_strided_slice %and3A_528 {offsets = [14], sizes = [1], strides = [1]} : vector<16xi32> to vector<1xi32>
        %squeeze3A_993 = vector.extract %slice3A_992[0] : i32 from vector<1xi32>
        %multiple_of3A_994 = tpu.assume_multiple %squeeze3A_993, 128 : i32
        %slice3A_995 = vector.extract_strided_slice %and3A_533 {offsets = [14], sizes = [1], strides = [1]} : vector<16xi32> to vector<1xi32>
        %squeeze3A_996 = vector.extract %slice3A_995[0] : i32 from vector<1xi32>
        %mul3A_997 = arith.constant 16 : i32
        %mul3A_998 = arith.muli %squeeze3A_996, %mul3A_997 : i32
        %multiple_of3A_999 = tpu.assume_multiple %mul3A_998, 16 : i32
        %dma_start3A_1000 = arith.constant 1 : i32
        %dma_start3A_1001 = arith.constant 0 : i32
        %dma_start3A_1002 = arith.constant 0 : i32
        %dma_start3A_1003 = arith.constant 96 : i32
        %dma_start3A_1004 = tpu.memref_slice %arg6[%select_n3A_521, %dma_start3A_1000, %dma_start3A_1001, %dma_start3A_1002, %dma_start3A_1003] : memref<8x2x4x8x128xf32, #tpu.memory_space<vmem>> -> memref<1x1x4x8x16xf32, #tpu.memory_space<vmem>>
        %dma_start3A_1005 = tpu.memref_squeeze %dma_start3A_1004 : memref<1x1x4x8x16xf32, #tpu.memory_space<vmem>> -> memref<4x8x16xf32, #tpu.memory_space<vmem>>
        %dma_start3A_1006 = arith.constant 0 : i32
        %dma_start3A_1007 = arith.constant 0 : i32
        %dma_start3A_1008 = tpu.memref_slice %arg2[%dma_start3A_1006, %dma_start3A_1007, %multiple_of3A_994] : memref<4x8x1000000xf32, #tpu.memory_space<hbm>> -> memref<4x8x128xf32, #tpu.memory_space<hbm>>
        %dma_start3A_1009 = arith.constant 0 : i32
        %dma_start3A_1010 = arith.constant 0 : i32
        %dma_start3A_1011 = tpu.memref_slice %dma_start3A_1008[%dma_start3A_1009, %dma_start3A_1010, %multiple_of3A_999] : memref<4x8x128xf32, #tpu.memory_space<hbm>> -> memref<4x8x16xf32, #tpu.memory_space<hbm>>
        %dma_start3A_1012 = tpu.memref_slice %arg8[%select_n3A_521] : memref<8x!tpu.dma_semaphore, #tpu.memory_space<semaphore_mem>> -> memref<1x!tpu.dma_semaphore, #tpu.memory_space<semaphore_mem>>
        %dma_start3A_1013 = tpu.memref_squeeze %dma_start3A_1012 : memref<1x!tpu.dma_semaphore, #tpu.memory_space<semaphore_mem>> -> memref<!tpu.dma_semaphore, #tpu.memory_space<semaphore_mem>>
        %dma_start3A_1014 = arith.constant 0 : i32
        %dma_start3A_1015 = arith.constant 0 : i32
        %dma_start3A_1016 = arith.constant 96 : i32
        %dma_start3A_1017 = tpu.memref_slice %arg6[%select_n3A_521, %dma_start3A_1000, %dma_start3A_1014, %dma_start3A_1015, %dma_start3A_1016] : memref<8x2x4x8x128xf32, #tpu.memory_space<vmem>> -> memref<1x1x4x8x16xf32, #tpu.memory_space<vmem>>
        %dma_start3A_1018 = tpu.memref_squeeze %dma_start3A_1017 : memref<1x1x4x8x16xf32, #tpu.memory_space<vmem>> -> memref<4x8x16xf32, #tpu.memory_space<vmem>>
        %dma_start3A_1019 = arith.constant 0 : i32
        %dma_start3A_1020 = arith.constant 0 : i32
        %dma_start3A_1021 = tpu.memref_slice %arg2[%dma_start3A_1019, %dma_start3A_1020, %multiple_of3A_994] : memref<4x8x1000000xf32, #tpu.memory_space<hbm>> -> memref<4x8x128xf32, #tpu.memory_space<hbm>>
        %dma_start3A_1022 = arith.constant 0 : i32
        %dma_start3A_1023 = arith.constant 0 : i32
        %dma_start3A_1024 = tpu.memref_slice %dma_start3A_1021[%dma_start3A_1022, %dma_start3A_1023, %multiple_of3A_999] : memref<4x8x128xf32, #tpu.memory_space<hbm>> -> memref<4x8x16xf32, #tpu.memory_space<hbm>>
        tpu.enqueue_dma source(%dma_start3A_1024 : memref<4x8x16xf32, #tpu.memory_space<hbm>>) target(%dma_start3A_1018 : memref<4x8x16xf32, #tpu.memory_space<vmem>>) target_semaphore(%dma_start3A_1013 : memref<!tpu.dma_semaphore, #tpu.memory_space<semaphore_mem>>)
        %slice3A_1025 = vector.extract_strided_slice %and3A_528 {offsets = [15], sizes = [1], strides = [1]} : vector<16xi32> to vector<1xi32>
        %squeeze3A_1026 = vector.extract %slice3A_1025[0] : i32 from vector<1xi32>
        %multiple_of3A_1027 = tpu.assume_multiple %squeeze3A_1026, 128 : i32
        %slice3A_1028 = vector.extract_strided_slice %and3A_533 {offsets = [15], sizes = [1], strides = [1]} : vector<16xi32> to vector<1xi32>
        %squeeze3A_1029 = vector.extract %slice3A_1028[0] : i32 from vector<1xi32>
        %mul3A_1030 = arith.constant 16 : i32
        %mul3A_1031 = arith.muli %squeeze3A_1029, %mul3A_1030 : i32
        %multiple_of3A_1032 = tpu.assume_multiple %mul3A_1031, 16 : i32
        %dma_start3A_1033 = arith.constant 1 : i32
        %dma_start3A_1034 = arith.constant 0 : i32
        %dma_start3A_1035 = arith.constant 0 : i32
        %dma_start3A_1036 = arith.constant 112 : i32
        %dma_start3A_1037 = tpu.memref_slice %arg6[%select_n3A_521, %dma_start3A_1033, %dma_start3A_1034, %dma_start3A_1035, %dma_start3A_1036] : memref<8x2x4x8x128xf32, #tpu.memory_space<vmem>> -> memref<1x1x4x8x16xf32, #tpu.memory_space<vmem>>
        %dma_start3A_1038 = tpu.memref_squeeze %dma_start3A_1037 : memref<1x1x4x8x16xf32, #tpu.memory_space<vmem>> -> memref<4x8x16xf32, #tpu.memory_space<vmem>>
        %dma_start3A_1039 = arith.constant 0 : i32
        %dma_start3A_1040 = arith.constant 0 : i32
        %dma_start3A_1041 = tpu.memref_slice %arg2[%dma_start3A_1039, %dma_start3A_1040, %multiple_of3A_1027] : memref<4x8x1000000xf32, #tpu.memory_space<hbm>> -> memref<4x8x128xf32, #tpu.memory_space<hbm>>
        %dma_start3A_1042 = arith.constant 0 : i32
        %dma_start3A_1043 = arith.constant 0 : i32
        %dma_start3A_1044 = tpu.memref_slice %dma_start3A_1041[%dma_start3A_1042, %dma_start3A_1043, %multiple_of3A_1032] : memref<4x8x128xf32, #tpu.memory_space<hbm>> -> memref<4x8x16xf32, #tpu.memory_space<hbm>>
        %dma_start3A_1045 = tpu.memref_slice %arg8[%select_n3A_521] : memref<8x!tpu.dma_semaphore, #tpu.memory_space<semaphore_mem>> -> memref<1x!tpu.dma_semaphore, #tpu.memory_space<semaphore_mem>>
        %dma_start3A_1046 = tpu.memref_squeeze %dma_start3A_1045 : memref<1x!tpu.dma_semaphore, #tpu.memory_space<semaphore_mem>> -> memref<!tpu.dma_semaphore, #tpu.memory_space<semaphore_mem>>
        %dma_start3A_1047 = arith.constant 0 : i32
        %dma_start3A_1048 = arith.constant 0 : i32
        %dma_start3A_1049 = arith.constant 112 : i32
        %dma_start3A_1050 = tpu.memref_slice %arg6[%select_n3A_521, %dma_start3A_1033, %dma_start3A_1047, %dma_start3A_1048, %dma_start3A_1049] : memref<8x2x4x8x128xf32, #tpu.memory_space<vmem>> -> memref<1x1x4x8x16xf32, #tpu.memory_space<vmem>>
        %dma_start3A_1051 = tpu.memref_squeeze %dma_start3A_1050 : memref<1x1x4x8x16xf32, #tpu.memory_space<vmem>> -> memref<4x8x16xf32, #tpu.memory_space<vmem>>
        %dma_start3A_1052 = arith.constant 0 : i32
        %dma_start3A_1053 = arith.constant 0 : i32
        %dma_start3A_1054 = tpu.memref_slice %arg2[%dma_start3A_1052, %dma_start3A_1053, %multiple_of3A_1027] : memref<4x8x1000000xf32, #tpu.memory_space<hbm>> -> memref<4x8x128xf32, #tpu.memory_space<hbm>>
        %dma_start3A_1055 = arith.constant 0 : i32
        %dma_start3A_1056 = arith.constant 0 : i32
        %dma_start3A_1057 = tpu.memref_slice %dma_start3A_1054[%dma_start3A_1055, %dma_start3A_1056, %multiple_of3A_1032] : memref<4x8x128xf32, #tpu.memory_space<hbm>> -> memref<4x8x16xf32, #tpu.memory_space<hbm>>
        tpu.enqueue_dma source(%dma_start3A_1057 : memref<4x8x16xf32, #tpu.memory_space<hbm>>) target(%dma_start3A_1051 : memref<4x8x16xf32, #tpu.memory_space<vmem>>) target_semaphore(%dma_start3A_1046 : memref<!tpu.dma_semaphore, #tpu.memory_space<semaphore_mem>>)
      } else {
      }
      %dma_wait3A = arith.constant 0 : i32
      %dma_wait3A_95 = arith.constant 0 : i32
      %dma_wait3A_96 = arith.constant 0 : i32
      %dma_wait3A_97 = arith.constant 0 : i32
      %dma_wait3A_98 = tpu.memref_slice %arg6[%select_n3A_87, %dma_wait3A, %dma_wait3A_95, %dma_wait3A_96, %dma_wait3A_97] : memref<8x2x4x8x128xf32, #tpu.memory_space<vmem>> -> memref<1x1x4x8x128xf32, #tpu.memory_space<vmem>>
      %dma_wait3A_99 = tpu.memref_squeeze %dma_wait3A_98 : memref<1x1x4x8x128xf32, #tpu.memory_space<vmem>> -> memref<4x8x128xf32, #tpu.memory_space<vmem>>
      %dma_wait3A_100 = arith.constant 0 : i32
      %dma_wait3A_101 = arith.constant 0 : i32
      %dma_wait3A_102 = arith.constant 0 : i32
      %dma_wait3A_103 = tpu.memref_slice %arg2[%dma_wait3A_100, %dma_wait3A_101, %dma_wait3A_102] : memref<4x8x1000000xf32, #tpu.memory_space<hbm>> -> memref<4x8x128xf32, #tpu.memory_space<hbm>>
      %dma_wait3A_104 = tpu.memref_slice %arg8[%select_n3A_87] : memref<8x!tpu.dma_semaphore, #tpu.memory_space<semaphore_mem>> -> memref<1x!tpu.dma_semaphore, #tpu.memory_space<semaphore_mem>>
      %dma_wait3A_105 = tpu.memref_squeeze %dma_wait3A_104 : memref<1x!tpu.dma_semaphore, #tpu.memory_space<semaphore_mem>> -> memref<!tpu.dma_semaphore, #tpu.memory_space<semaphore_mem>>
      %dma_wait3A_106 = arith.constant 0 : i32
      %dma_wait3A_107 = arith.constant 0 : i32
      %dma_wait3A_108 = arith.constant 0 : i32
      %dma_wait3A_109 = tpu.memref_slice %arg6[%select_n3A_87, %dma_wait3A, %dma_wait3A_106, %dma_wait3A_107, %dma_wait3A_108] : memref<8x2x4x8x128xf32, #tpu.memory_space<vmem>> -> memref<1x1x4x8x128xf32, #tpu.memory_space<vmem>>
      %dma_wait3A_110 = tpu.memref_squeeze %dma_wait3A_109 : memref<1x1x4x8x128xf32, #tpu.memory_space<vmem>> -> memref<4x8x128xf32, #tpu.memory_space<vmem>>
      %dma_wait3A_111 = arith.constant 0 : i32
      %dma_wait3A_112 = arith.constant 0 : i32
      %dma_wait3A_113 = arith.constant 0 : i32
      %dma_wait3A_114 = tpu.memref_slice %arg2[%dma_wait3A_111, %dma_wait3A_112, %dma_wait3A_113] : memref<4x8x1000000xf32, #tpu.memory_space<hbm>> -> memref<4x8x128xf32, #tpu.memory_space<hbm>>
      tpu.wait_dma2 semaphore(%dma_wait3A_105 : memref<!tpu.dma_semaphore, #tpu.memory_space<semaphore_mem>>) src(%dma_wait3A_114 : memref<4x8x128xf32, #tpu.memory_space<hbm>>) dst(%dma_wait3A_110 : memref<4x8x128xf32, #tpu.memory_space<vmem>>)
      %dma_wait3A_115 = arith.constant 1 : i32
      %dma_wait3A_116 = arith.constant 0 : i32
      %dma_wait3A_117 = arith.constant 0 : i32
      %dma_wait3A_118 = arith.constant 0 : i32
      %dma_wait3A_119 = tpu.memref_slice %arg6[%select_n3A_87, %dma_wait3A_115, %dma_wait3A_116, %dma_wait3A_117, %dma_wait3A_118] : memref<8x2x4x8x128xf32, #tpu.memory_space<vmem>> -> memref<1x1x4x8x128xf32, #tpu.memory_space<vmem>>
      %dma_wait3A_120 = tpu.memref_squeeze %dma_wait3A_119 : memref<1x1x4x8x128xf32, #tpu.memory_space<vmem>> -> memref<4x8x128xf32, #tpu.memory_space<vmem>>
      %dma_wait3A_121 = arith.constant 0 : i32
      %dma_wait3A_122 = arith.constant 0 : i32
      %dma_wait3A_123 = arith.constant 0 : i32
      %dma_wait3A_124 = tpu.memref_slice %arg2[%dma_wait3A_121, %dma_wait3A_122, %dma_wait3A_123] : memref<4x8x1000000xf32, #tpu.memory_space<hbm>> -> memref<4x8x128xf32, #tpu.memory_space<hbm>>
      %dma_wait3A_125 = tpu.memref_slice %arg8[%select_n3A_87] : memref<8x!tpu.dma_semaphore, #tpu.memory_space<semaphore_mem>> -> memref<1x!tpu.dma_semaphore, #tpu.memory_space<semaphore_mem>>
      %dma_wait3A_126 = tpu.memref_squeeze %dma_wait3A_125 : memref<1x!tpu.dma_semaphore, #tpu.memory_space<semaphore_mem>> -> memref<!tpu.dma_semaphore, #tpu.memory_space<semaphore_mem>>
      %dma_wait3A_127 = arith.constant 0 : i32
      %dma_wait3A_128 = arith.constant 0 : i32
      %dma_wait3A_129 = arith.constant 0 : i32
      %dma_wait3A_130 = tpu.memref_slice %arg6[%select_n3A_87, %dma_wait3A_115, %dma_wait3A_127, %dma_wait3A_128, %dma_wait3A_129] : memref<8x2x4x8x128xf32, #tpu.memory_space<vmem>> -> memref<1x1x4x8x128xf32, #tpu.memory_space<vmem>>
      %dma_wait3A_131 = tpu.memref_squeeze %dma_wait3A_130 : memref<1x1x4x8x128xf32, #tpu.memory_space<vmem>> -> memref<4x8x128xf32, #tpu.memory_space<vmem>>
      %dma_wait3A_132 = arith.constant 0 : i32
      %dma_wait3A_133 = arith.constant 0 : i32
      %dma_wait3A_134 = arith.constant 0 : i32
      %dma_wait3A_135 = tpu.memref_slice %arg2[%dma_wait3A_132, %dma_wait3A_133, %dma_wait3A_134] : memref<4x8x1000000xf32, #tpu.memory_space<hbm>> -> memref<4x8x128xf32, #tpu.memory_space<hbm>>
      tpu.wait_dma2 semaphore(%dma_wait3A_126 : memref<!tpu.dma_semaphore, #tpu.memory_space<semaphore_mem>>) src(%dma_wait3A_135 : memref<4x8x128xf32, #tpu.memory_space<hbm>>) dst(%dma_wait3A_131 : memref<4x8x128xf32, #tpu.memory_space<vmem>>)
      %mul3A_136 = arith.constant 16 : i32
      %mul3A_137 = arith.muli %scan3A_71, %mul3A_136 : i32
      %get3A = arith.index_cast %mul3A_137 : i32 to index
      %get3A_138 = tpu.vector_load %arg5[%get3A] {strides = array<i32>} : memref<512xi32, #tpu.memory_space<vmem>>, vector<16xi32>,
      %and3A_139 = arith.constant 15 : i32
      %and3A_140 = vector.broadcast %and3A_139 : i32 to vector<16xi32>
      %and3A_141 = arith.andi %get3A_138, %and3A_140 : vector<16xi32>
      %add3A_142 = arith.addi %mul3A_48, %and3A_141 : vector<16xi32>
      %broadcast_in_dim3A = arith.constant 1 : i32
      %broadcast_in_dim3A_143 = vector.broadcast %broadcast_in_dim3A : i32 to vector<16xi32>
      %mul3A_144 = vector.broadcast %select_n3A_87 : i32 to vector<16xi32>
      %mul3A_145 = arith.muli %broadcast_in_dim3A_143, %mul3A_144 : vector<16xi32>
      %jit3A_146 = arith.constant 8 : i32
      %div3A_147 = arith.divsi %scan3A_71, %jit3A_146 : i32
      %sign3A_148 = arith.constant 0 : i32
      %sign3A_149 = arith.cmpi sgt, %scan3A_71, %sign3A_148 : i32
      %sign3A_150 = arith.extui %sign3A_149 : i1 to i32
      %sign3A_151 = arith.constant 0 : i32
      %sign3A_152 = arith.cmpi slt, %scan3A_71, %sign3A_151 : i32
      %sign3A_153 = arith.extui %sign3A_152 : i1 to i32
      %sign3A_154 = arith.subi %sign3A_150, %sign3A_153 : i32
      %sign3A_155 = arith.constant 0 : i32
      %sign3A_156 = arith.cmpi sgt, %jit3A_146, %sign3A_155 : i32
      %sign3A_157 = arith.extui %sign3A_156 : i1 to i32
      %sign3A_158 = arith.constant 0 : i32
      %sign3A_159 = arith.cmpi slt, %jit3A_146, %sign3A_158 : i32
      %sign3A_160 = arith.extui %sign3A_159 : i1 to i32
      %sign3A_161 = arith.subi %sign3A_157, %sign3A_160 : i32
      %ne3A_162 = arith.cmpi ne, %sign3A_154, %sign3A_161 : i32
      %rem3A_163 = arith.remsi %scan3A_71, %jit3A_146 : i32
      %ne3A_164 = arith.constant 0 : i32
      %ne3A_165 = arith.cmpi ne, %rem3A_163, %ne3A_164 : i32
      %and3A_166 = arith.andi %ne3A_162, %ne3A_165 : i1
      %sub3A_167 = arith.constant 1 : i32
      %sub3A_168 = arith.subi %div3A_147, %sub3A_167 : i32
      %select_n3A_169 = arith.select %and3A_166, %sub3A_168, %div3A_147 : i32
      %jit3A_170 = arith.constant 8 : i32
      %eq3A_171 = arith.constant 0 : i32
      %eq3A_172 = arith.cmpi eq, %jit3A_170, %eq3A_171 : i32
      %jit3A_173 = arith.constant 1 : i32
      %select_n3A_174 = arith.select %eq3A_172, %jit3A_173, %jit3A_170 : i32
      %rem3A_175 = arith.remsi %scan3A_71, %select_n3A_174 : i32
      %ne3A_176 = arith.constant 0 : i32
      %ne3A_177 = arith.cmpi ne, %rem3A_175, %ne3A_176 : i32
      %lt3A_178 = arith.constant 0 : i32
      %lt3A_179 = arith.cmpi slt, %rem3A_175, %lt3A_178 : i32
      %lt3A_180 = arith.constant 0 : i32
      %lt3A_181 = arith.cmpi slt, %select_n3A_174, %lt3A_180 : i32
      %ne3A_182 = arith.xori %lt3A_179, %lt3A_181 : i1
      %and3A_183 = arith.andi %ne3A_182, %ne3A_177 : i1
      %add3A_184 = arith.addi %rem3A_175, %select_n3A_174 : i32
      %select_n3A_185 = arith.select %and3A_183, %add3A_184, %rem3A_175 : i32
      %mul3A_186 = arith.constant 16 : i32
      %mul3A_187 = arith.muli %mul3A_186, %select_n3A_185 : i32
      %broadcast_in_dim3A_188 = arith.constant 0 : i32
      %broadcast_in_dim3A_189 = vector.broadcast %broadcast_in_dim3A_188 : i32 to vector<16xi32>
      %broadcast_in_dim3A_190 = arith.constant 0 : i32
      %broadcast_in_dim3A_191 = vector.broadcast %broadcast_in_dim3A_190 : i32 to vector<16xi32>
      %gather3A = tpu.vector_load_idx %arg6[%mul3A_145, %select_n3A, %broadcast_in_dim3A_189, %broadcast_in_dim3A_191, %add3A_142] : memref<8x2x4x8x128xf32, #tpu.memory_space<vmem>>[vector<16xi32>, vector<16xi32>, vector<16xi32>, vector<16xi32>, vector<16xi32>], vector<16xf32>,
      %swap3A = arith.constant 0 : i32
      %swap3A_192 = arith.index_cast %select_n3A_169 : i32 to index
      %swap3A_193 = arith.index_cast %swap3A : i32 to index
      %swap3A_194 = arith.index_cast %mul3A_187 : i32 to index
      %swap3A_195 = tpu.vector_load %arg7[%swap3A_192, %swap3A_193, %swap3A_194] {strides = array<i32>} : memref<4x32x128xf32, #tpu.memory_space<vmem>>, vector<16xf32>,
      tpu.vector_store %arg7[%swap3A_192, %swap3A_193, %swap3A_194], %gather3A {strides = array<i32>} : memref<4x32x128xf32, #tpu.memory_space<vmem>>, vector<16xf32>,
      %broadcast_in_dim3A_196 = arith.constant 0 : i32
      %broadcast_in_dim3A_197 = vector.broadcast %broadcast_in_dim3A_196 : i32 to vector<16xi32>
      %broadcast_in_dim3A_198 = arith.constant 1 : i32
      %broadcast_in_dim3A_199 = vector.broadcast %broadcast_in_dim3A_198 : i32 to vector<16xi32>
      %gather3A_200 = tpu.vector_load_idx %arg6[%mul3A_145, %select_n3A, %broadcast_in_dim3A_197, %broadcast_in_dim3A_199, %add3A_142] : memref<8x2x4x8x128xf32, #tpu.memory_space<vmem>>[vector<16xi32>, vector<16xi32>, vector<16xi32>, vector<16xi32>, vector<16xi32>], vector<16xf32>,
      %swap3A_201 = arith.constant 1 : i32
      %swap3A_202 = arith.index_cast %select_n3A_169 : i32 to index
      %swap3A_203 = arith.index_cast %swap3A_201 : i32 to index
      %swap3A_204 = arith.index_cast %mul3A_187 : i32 to index
      %swap3A_205 = tpu.vector_load %arg7[%swap3A_202, %swap3A_203, %swap3A_204] {strides = array<i32>} : memref<4x32x128xf32, #tpu.memory_space<vmem>>, vector<16xf32>,
      tpu.vector_store %arg7[%swap3A_202, %swap3A_203, %swap3A_204], %gather3A_200 {strides = array<i32>} : memref<4x32x128xf32, #tpu.memory_space<vmem>>, vector<16xf32>,
      %broadcast_in_dim3A_206 = arith.constant 0 : i32
      %broadcast_in_dim3A_207 = vector.broadcast %broadcast_in_dim3A_206 : i32 to vector<16xi32>
      %broadcast_in_dim3A_208 = arith.constant 2 : i32
      %broadcast_in_dim3A_209 = vector.broadcast %broadcast_in_dim3A_208 : i32 to vector<16xi32>
      %gather3A_210 = tpu.vector_load_idx %arg6[%mul3A_145, %select_n3A, %broadcast_in_dim3A_207, %broadcast_in_dim3A_209, %add3A_142] : memref<8x2x4x8x128xf32, #tpu.memory_space<vmem>>[vector<16xi32>, vector<16xi32>, vector<16xi32>, vector<16xi32>, vector<16xi32>], vector<16xf32>,
      %swap3A_211 = arith.constant 2 : i32
      %swap3A_212 = arith.index_cast %select_n3A_169 : i32 to index
      %swap3A_213 = arith.index_cast %swap3A_211 : i32 to index
      %swap3A_214 = arith.index_cast %mul3A_187 : i32 to index
      %swap3A_215 = tpu.vector_load %arg7[%swap3A_212, %swap3A_213, %swap3A_214] {strides = array<i32>} : memref<4x32x128xf32, #tpu.memory_space<vmem>>, vector<16xf32>,
      tpu.vector_store %arg7[%swap3A_212, %swap3A_213, %swap3A_214], %gather3A_210 {strides = array<i32>} : memref<4x32x128xf32, #tpu.memory_space<vmem>>, vector<16xf32>,
      %broadcast_in_dim3A_216 = arith.constant 0 : i32
      %broadcast_in_dim3A_217 = vector.broadcast %broadcast_in_dim3A_216 : i32 to vector<16xi32>
      %broadcast_in_dim3A_218 = arith.constant 3 : i32
      %broadcast_in_dim3A_219 = vector.broadcast %broadcast_in_dim3A_218 : i32 to vector<16xi32>
      %gather3A_220 = tpu.vector_load_idx %arg6[%mul3A_145, %select_n3A, %broadcast_in_dim3A_217, %broadcast_in_dim3A_219, %add3A_142] : memref<8x2x4x8x128xf32, #tpu.memory_space<vmem>>[vector<16xi32>, vector<16xi32>, vector<16xi32>, vector<16xi32>, vector<16xi32>], vector<16xf32>,
      %swap3A_221 = arith.constant 3 : i32
      %swap3A_222 = arith.index_cast %select_n3A_169 : i32 to index
      %swap3A_223 = arith.index_cast %swap3A_221 : i32 to index
      %swap3A_224 = arith.index_cast %mul3A_187 : i32 to index
      %swap3A_225 = tpu.vector_load %arg7[%swap3A_222, %swap3A_223, %swap3A_224] {strides = array<i32>} : memref<4x32x128xf32, #tpu.memory_space<vmem>>, vector<16xf32>,
      tpu.vector_store %arg7[%swap3A_222, %swap3A_223, %swap3A_224], %gather3A_220 {strides = array<i32>} : memref<4x32x128xf32, #tpu.memory_space<vmem>>, vector<16xf32>,
      %broadcast_in_dim3A_226 = arith.constant 0 : i32
      %broadcast_in_dim3A_227 = vector.broadcast %broadcast_in_dim3A_226 : i32 to vector<16xi32>
      %broadcast_in_dim3A_228 = arith.constant 4 : i32
      %broadcast_in_dim3A_229 = vector.broadcast %broadcast_in_dim3A_228 : i32 to vector<16xi32>
      %gather3A_230 = tpu.vector_load_idx %arg6[%mul3A_145, %select_n3A, %broadcast_in_dim3A_227, %broadcast_in_dim3A_229, %add3A_142] : memref<8x2x4x8x128xf32, #tpu.memory_space<vmem>>[vector<16xi32>, vector<16xi32>, vector<16xi32>, vector<16xi32>, vector<16xi32>], vector<16xf32>,
      %swap3A_231 = arith.constant 4 : i32
      %swap3A_232 = arith.index_cast %select_n3A_169 : i32 to index
      %swap3A_233 = arith.index_cast %swap3A_231 : i32 to index
      %swap3A_234 = arith.index_cast %mul3A_187 : i32 to index
      %swap3A_235 = tpu.vector_load %arg7[%swap3A_232, %swap3A_233, %swap3A_234] {strides = array<i32>} : memref<4x32x128xf32, #tpu.memory_space<vmem>>, vector<16xf32>,
      tpu.vector_store %arg7[%swap3A_232, %swap3A_233, %swap3A_234], %gather3A_230 {strides = array<i32>} : memref<4x32x128xf32, #tpu.memory_space<vmem>>, vector<16xf32>,
      %broadcast_in_dim3A_236 = arith.constant 0 : i32
      %broadcast_in_dim3A_237 = vector.broadcast %broadcast_in_dim3A_236 : i32 to vector<16xi32>
      %broadcast_in_dim3A_238 = arith.constant 5 : i32
      %broadcast_in_dim3A_239 = vector.broadcast %broadcast_in_dim3A_238 : i32 to vector<16xi32>
      %gather3A_240 = tpu.vector_load_idx %arg6[%mul3A_145, %select_n3A, %broadcast_in_dim3A_237, %broadcast_in_dim3A_239, %add3A_142] : memref<8x2x4x8x128xf32, #tpu.memory_space<vmem>>[vector<16xi32>, vector<16xi32>, vector<16xi32>, vector<16xi32>, vector<16xi32>], vector<16xf32>,
      %swap3A_241 = arith.constant 5 : i32
      %swap3A_242 = arith.index_cast %select_n3A_169 : i32 to index
      %swap3A_243 = arith.index_cast %swap3A_241 : i32 to index
      %swap3A_244 = arith.index_cast %mul3A_187 : i32 to index
      %swap3A_245 = tpu.vector_load %arg7[%swap3A_242, %swap3A_243, %swap3A_244] {strides = array<i32>} : memref<4x32x128xf32, #tpu.memory_space<vmem>>, vector<16xf32>,
      tpu.vector_store %arg7[%swap3A_242, %swap3A_243, %swap3A_244], %gather3A_240 {strides = array<i32>} : memref<4x32x128xf32, #tpu.memory_space<vmem>>, vector<16xf32>,
      %broadcast_in_dim3A_246 = arith.constant 0 : i32
      %broadcast_in_dim3A_247 = vector.broadcast %broadcast_in_dim3A_246 : i32 to vector<16xi32>
      %broadcast_in_dim3A_248 = arith.constant 6 : i32
      %broadcast_in_dim3A_249 = vector.broadcast %broadcast_in_dim3A_248 : i32 to vector<16xi32>
      %gather3A_250 = tpu.vector_load_idx %arg6[%mul3A_145, %select_n3A, %broadcast_in_dim3A_247, %broadcast_in_dim3A_249, %add3A_142] : memref<8x2x4x8x128xf32, #tpu.memory_space<vmem>>[vector<16xi32>, vector<16xi32>, vector<16xi32>, vector<16xi32>, vector<16xi32>], vector<16xf32>,
      %swap3A_251 = arith.constant 6 : i32
      %swap3A_252 = arith.index_cast %select_n3A_169 : i32 to index
      %swap3A_253 = arith.index_cast %swap3A_251 : i32 to index
      %swap3A_254 = arith.index_cast %mul3A_187 : i32 to index
      %swap3A_255 = tpu.vector_load %arg7[%swap3A_252, %swap3A_253, %swap3A_254] {strides = array<i32>} : memref<4x32x128xf32, #tpu.memory_space<vmem>>, vector<16xf32>,
      tpu.vector_store %arg7[%swap3A_252, %swap3A_253, %swap3A_254], %gather3A_250 {strides = array<i32>} : memref<4x32x128xf32, #tpu.memory_space<vmem>>, vector<16xf32>,
      %broadcast_in_dim3A_256 = arith.constant 0 : i32
      %broadcast_in_dim3A_257 = vector.broadcast %broadcast_in_dim3A_256 : i32 to vector<16xi32>
      %broadcast_in_dim3A_258 = arith.constant 7 : i32
      %broadcast_in_dim3A_259 = vector.broadcast %broadcast_in_dim3A_258 : i32 to vector<16xi32>
      %gather3A_260 = tpu.vector_load_idx %arg6[%mul3A_145, %select_n3A, %broadcast_in_dim3A_257, %broadcast_in_dim3A_259, %add3A_142] : memref<8x2x4x8x128xf32, #tpu.memory_space<vmem>>[vector<16xi32>, vector<16xi32>, vector<16xi32>, vector<16xi32>, vector<16xi32>], vector<16xf32>,
      %swap3A_261 = arith.constant 7 : i32
      %swap3A_262 = arith.index_cast %select_n3A_169 : i32 to index
      %swap3A_263 = arith.index_cast %swap3A_261 : i32 to index
      %swap3A_264 = arith.index_cast %mul3A_187 : i32 to index
      %swap3A_265 = tpu.vector_load %arg7[%swap3A_262, %swap3A_263, %swap3A_264] {strides = array<i32>} : memref<4x32x128xf32, #tpu.memory_space<vmem>>, vector<16xf32>,
      tpu.vector_store %arg7[%swap3A_262, %swap3A_263, %swap3A_264], %gather3A_260 {strides = array<i32>} : memref<4x32x128xf32, #tpu.memory_space<vmem>>, vector<16xf32>,
      %broadcast_in_dim3A_266 = arith.constant 1 : i32
      %broadcast_in_dim3A_267 = vector.broadcast %broadcast_in_dim3A_266 : i32 to vector<16xi32>
      %broadcast_in_dim3A_268 = arith.constant 0 : i32
      %broadcast_in_dim3A_269 = vector.broadcast %broadcast_in_dim3A_268 : i32 to vector<16xi32>
      %gather3A_270 = tpu.vector_load_idx %arg6[%mul3A_145, %select_n3A, %broadcast_in_dim3A_267, %broadcast_in_dim3A_269, %add3A_142] : memref<8x2x4x8x128xf32, #tpu.memory_space<vmem>>[vector<16xi32>, vector<16xi32>, vector<16xi32>, vector<16xi32>, vector<16xi32>], vector<16xf32>,
      %swap3A_271 = arith.constant 8 : i32
      %swap3A_272 = arith.index_cast %select_n3A_169 : i32 to index
      %swap3A_273 = arith.index_cast %swap3A_271 : i32 to index
      %swap3A_274 = arith.index_cast %mul3A_187 : i32 to index
      %swap3A_275 = tpu.vector_load %arg7[%swap3A_272, %swap3A_273, %swap3A_274] {strides = array<i32>} : memref<4x32x128xf32, #tpu.memory_space<vmem>>, vector<16xf32>,
      tpu.vector_store %arg7[%swap3A_272, %swap3A_273, %swap3A_274], %gather3A_270 {strides = array<i32>} : memref<4x32x128xf32, #tpu.memory_space<vmem>>, vector<16xf32>,
      %broadcast_in_dim3A_276 = arith.constant 1 : i32
      %broadcast_in_dim3A_277 = vector.broadcast %broadcast_in_dim3A_276 : i32 to vector<16xi32>
      %broadcast_in_dim3A_278 = arith.constant 1 : i32
      %broadcast_in_dim3A_279 = vector.broadcast %broadcast_in_dim3A_278 : i32 to vector<16xi32>
      %gather3A_280 = tpu.vector_load_idx %arg6[%mul3A_145, %select_n3A, %broadcast_in_dim3A_277, %broadcast_in_dim3A_279, %add3A_142] : memref<8x2x4x8x128xf32, #tpu.memory_space<vmem>>[vector<16xi32>, vector<16xi32>, vector<16xi32>, vector<16xi32>, vector<16xi32>], vector<16xf32>,
      %swap3A_281 = arith.constant 9 : i32
      %swap3A_282 = arith.index_cast %select_n3A_169 : i32 to index
      %swap3A_283 = arith.index_cast %swap3A_281 : i32 to index
      %swap3A_284 = arith.index_cast %mul3A_187 : i32 to index
      %swap3A_285 = tpu.vector_load %arg7[%swap3A_282, %swap3A_283, %swap3A_284] {strides = array<i32>} : memref<4x32x128xf32, #tpu.memory_space<vmem>>, vector<16xf32>,
      tpu.vector_store %arg7[%swap3A_282, %swap3A_283, %swap3A_284], %gather3A_280 {strides = array<i32>} : memref<4x32x128xf32, #tpu.memory_space<vmem>>, vector<16xf32>,
      %broadcast_in_dim3A_286 = arith.constant 1 : i32
      %broadcast_in_dim3A_287 = vector.broadcast %broadcast_in_dim3A_286 : i32 to vector<16xi32>
      %broadcast_in_dim3A_288 = arith.constant 2 : i32
      %broadcast_in_dim3A_289 = vector.broadcast %broadcast_in_dim3A_288 : i32 to vector<16xi32>
      %gather3A_290 = tpu.vector_load_idx %arg6[%mul3A_145, %select_n3A, %broadcast_in_dim3A_287, %broadcast_in_dim3A_289, %add3A_142] : memref<8x2x4x8x128xf32, #tpu.memory_space<vmem>>[vector<16xi32>, vector<16xi32>, vector<16xi32>, vector<16xi32>, vector<16xi32>], vector<16xf32>,
      %swap3A_291 = arith.constant 10 : i32
      %swap3A_292 = arith.index_cast %select_n3A_169 : i32 to index
      %swap3A_293 = arith.index_cast %swap3A_291 : i32 to index
      %swap3A_294 = arith.index_cast %mul3A_187 : i32 to index
      %swap3A_295 = tpu.vector_load %arg7[%swap3A_292, %swap3A_293, %swap3A_294] {strides = array<i32>} : memref<4x32x128xf32, #tpu.memory_space<vmem>>, vector<16xf32>,
      tpu.vector_store %arg7[%swap3A_292, %swap3A_293, %swap3A_294], %gather3A_290 {strides = array<i32>} : memref<4x32x128xf32, #tpu.memory_space<vmem>>, vector<16xf32>,
      %broadcast_in_dim3A_296 = arith.constant 1 : i32
      %broadcast_in_dim3A_297 = vector.broadcast %broadcast_in_dim3A_296 : i32 to vector<16xi32>
      %broadcast_in_dim3A_298 = arith.constant 3 : i32
      %broadcast_in_dim3A_299 = vector.broadcast %broadcast_in_dim3A_298 : i32 to vector<16xi32>
      %gather3A_300 = tpu.vector_load_idx %arg6[%mul3A_145, %select_n3A, %broadcast_in_dim3A_297, %broadcast_in_dim3A_299, %add3A_142] : memref<8x2x4x8x128xf32, #tpu.memory_space<vmem>>[vector<16xi32>, vector<16xi32>, vector<16xi32>, vector<16xi32>, vector<16xi32>], vector<16xf32>,
      %swap3A_301 = arith.constant 11 : i32
      %swap3A_302 = arith.index_cast %select_n3A_169 : i32 to index
      %swap3A_303 = arith.index_cast %swap3A_301 : i32 to index
      %swap3A_304 = arith.index_cast %mul3A_187 : i32 to index
      %swap3A_305 = tpu.vector_load %arg7[%swap3A_302, %swap3A_303, %swap3A_304] {strides = array<i32>} : memref<4x32x128xf32, #tpu.memory_space<vmem>>, vector<16xf32>,
      tpu.vector_store %arg7[%swap3A_302, %swap3A_303, %swap3A_304], %gather3A_300 {strides = array<i32>} : memref<4x32x128xf32, #tpu.memory_space<vmem>>, vector<16xf32>,
      %broadcast_in_dim3A_306 = arith.constant 1 : i32
      %broadcast_in_dim3A_307 = vector.broadcast %broadcast_in_dim3A_306 : i32 to vector<16xi32>
      %broadcast_in_dim3A_308 = arith.constant 4 : i32
      %broadcast_in_dim3A_309 = vector.broadcast %broadcast_in_dim3A_308 : i32 to vector<16xi32>
      %gather3A_310 = tpu.vector_load_idx %arg6[%mul3A_145, %select_n3A, %broadcast_in_dim3A_307, %broadcast_in_dim3A_309, %add3A_142] : memref<8x2x4x8x128xf32, #tpu.memory_space<vmem>>[vector<16xi32>, vector<16xi32>, vector<16xi32>, vector<16xi32>, vector<16xi32>], vector<16xf32>,
      %swap3A_311 = arith.constant 12 : i32
      %swap3A_312 = arith.index_cast %select_n3A_169 : i32 to index
      %swap3A_313 = arith.index_cast %swap3A_311 : i32 to index
      %swap3A_314 = arith.index_cast %mul3A_187 : i32 to index
      %swap3A_315 = tpu.vector_load %arg7[%swap3A_312, %swap3A_313, %swap3A_314] {strides = array<i32>} : memref<4x32x128xf32, #tpu.memory_space<vmem>>, vector<16xf32>,
      tpu.vector_store %arg7[%swap3A_312, %swap3A_313, %swap3A_314], %gather3A_310 {strides = array<i32>} : memref<4x32x128xf32, #tpu.memory_space<vmem>>, vector<16xf32>,
      %broadcast_in_dim3A_316 = arith.constant 1 : i32
      %broadcast_in_dim3A_317 = vector.broadcast %broadcast_in_dim3A_316 : i32 to vector<16xi32>
      %broadcast_in_dim3A_318 = arith.constant 5 : i32
      %broadcast_in_dim3A_319 = vector.broadcast %broadcast_in_dim3A_318 : i32 to vector<16xi32>
      %gather3A_320 = tpu.vector_load_idx %arg6[%mul3A_145, %select_n3A, %broadcast_in_dim3A_317, %broadcast_in_dim3A_319, %add3A_142] : memref<8x2x4x8x128xf32, #tpu.memory_space<vmem>>[vector<16xi32>, vector<16xi32>, vector<16xi32>, vector<16xi32>, vector<16xi32>], vector<16xf32>,
      %swap3A_321 = arith.constant 13 : i32
      %swap3A_322 = arith.index_cast %select_n3A_169 : i32 to index
      %swap3A_323 = arith.index_cast %swap3A_321 : i32 to index
      %swap3A_324 = arith.index_cast %mul3A_187 : i32 to index
      %swap3A_325 = tpu.vector_load %arg7[%swap3A_322, %swap3A_323, %swap3A_324] {strides = array<i32>} : memref<4x32x128xf32, #tpu.memory_space<vmem>>, vector<16xf32>,
      tpu.vector_store %arg7[%swap3A_322, %swap3A_323, %swap3A_324], %gather3A_320 {strides = array<i32>} : memref<4x32x128xf32, #tpu.memory_space<vmem>>, vector<16xf32>,
      %broadcast_in_dim3A_326 = arith.constant 1 : i32
      %broadcast_in_dim3A_327 = vector.broadcast %broadcast_in_dim3A_326 : i32 to vector<16xi32>
      %broadcast_in_dim3A_328 = arith.constant 6 : i32
      %broadcast_in_dim3A_329 = vector.broadcast %broadcast_in_dim3A_328 : i32 to vector<16xi32>
      %gather3A_330 = tpu.vector_load_idx %arg6[%mul3A_145, %select_n3A, %broadcast_in_dim3A_327, %broadcast_in_dim3A_329, %add3A_142] : memref<8x2x4x8x128xf32, #tpu.memory_space<vmem>>[vector<16xi32>, vector<16xi32>, vector<16xi32>, vector<16xi32>, vector<16xi32>], vector<16xf32>,
      %swap3A_331 = arith.constant 14 : i32
      %swap3A_332 = arith.index_cast %select_n3A_169 : i32 to index
      %swap3A_333 = arith.index_cast %swap3A_331 : i32 to index
      %swap3A_334 = arith.index_cast %mul3A_187 : i32 to index
      %swap3A_335 = tpu.vector_load %arg7[%swap3A_332, %swap3A_333, %swap3A_334] {strides = array<i32>} : memref<4x32x128xf32, #tpu.memory_space<vmem>>, vector<16xf32>,
      tpu.vector_store %arg7[%swap3A_332, %swap3A_333, %swap3A_334], %gather3A_330 {strides = array<i32>} : memref<4x32x128xf32, #tpu.memory_space<vmem>>, vector<16xf32>,
      %broadcast_in_dim3A_336 = arith.constant 1 : i32
      %broadcast_in_dim3A_337 = vector.broadcast %broadcast_in_dim3A_336 : i32 to vector<16xi32>
      %broadcast_in_dim3A_338 = arith.constant 7 : i32
      %broadcast_in_dim3A_339 = vector.broadcast %broadcast_in_dim3A_338 : i32 to vector<16xi32>
      %gather3A_340 = tpu.vector_load_idx %arg6[%mul3A_145, %select_n3A, %broadcast_in_dim3A_337, %broadcast_in_dim3A_339, %add3A_142] : memref<8x2x4x8x128xf32, #tpu.memory_space<vmem>>[vector<16xi32>, vector<16xi32>, vector<16xi32>, vector<16xi32>, vector<16xi32>], vector<16xf32>,
      %swap3A_341 = arith.constant 15 : i32
      %swap3A_342 = arith.index_cast %select_n3A_169 : i32 to index
      %swap3A_343 = arith.index_cast %swap3A_341 : i32 to index
      %swap3A_344 = arith.index_cast %mul3A_187 : i32 to index
      %swap3A_345 = tpu.vector_load %arg7[%swap3A_342, %swap3A_343, %swap3A_344] {strides = array<i32>} : memref<4x32x128xf32, #tpu.memory_space<vmem>>, vector<16xf32>,
      tpu.vector_store %arg7[%swap3A_342, %swap3A_343, %swap3A_344], %gather3A_340 {strides = array<i32>} : memref<4x32x128xf32, #tpu.memory_space<vmem>>, vector<16xf32>,
      %broadcast_in_dim3A_346 = arith.constant 2 : i32
      %broadcast_in_dim3A_347 = vector.broadcast %broadcast_in_dim3A_346 : i32 to vector<16xi32>
      %broadcast_in_dim3A_348 = arith.constant 0 : i32
      %broadcast_in_dim3A_349 = vector.broadcast %broadcast_in_dim3A_348 : i32 to vector<16xi32>
      %gather3A_350 = tpu.vector_load_idx %arg6[%mul3A_145, %select_n3A, %broadcast_in_dim3A_347, %broadcast_in_dim3A_349, %add3A_142] : memref<8x2x4x8x128xf32, #tpu.memory_space<vmem>>[vector<16xi32>, vector<16xi32>, vector<16xi32>, vector<16xi32>, vector<16xi32>], vector<16xf32>,
      %swap3A_351 = arith.constant 16 : i32
      %swap3A_352 = arith.index_cast %select_n3A_169 : i32 to index
      %swap3A_353 = arith.index_cast %swap3A_351 : i32 to index
      %swap3A_354 = arith.index_cast %mul3A_187 : i32 to index
      %swap3A_355 = tpu.vector_load %arg7[%swap3A_352, %swap3A_353, %swap3A_354] {strides = array<i32>} : memref<4x32x128xf32, #tpu.memory_space<vmem>>, vector<16xf32>,
      tpu.vector_store %arg7[%swap3A_352, %swap3A_353, %swap3A_354], %gather3A_350 {strides = array<i32>} : memref<4x32x128xf32, #tpu.memory_space<vmem>>, vector<16xf32>,
      %broadcast_in_dim3A_356 = arith.constant 2 : i32
      %broadcast_in_dim3A_357 = vector.broadcast %broadcast_in_dim3A_356 : i32 to vector<16xi32>
      %broadcast_in_dim3A_358 = arith.constant 1 : i32
      %broadcast_in_dim3A_359 = vector.broadcast %broadcast_in_dim3A_358 : i32 to vector<16xi32>
      %gather3A_360 = tpu.vector_load_idx %arg6[%mul3A_145, %select_n3A, %broadcast_in_dim3A_357, %broadcast_in_dim3A_359, %add3A_142] : memref<8x2x4x8x128xf32, #tpu.memory_space<vmem>>[vector<16xi32>, vector<16xi32>, vector<16xi32>, vector<16xi32>, vector<16xi32>], vector<16xf32>,
      %swap3A_361 = arith.constant 17 : i32
      %swap3A_362 = arith.index_cast %select_n3A_169 : i32 to index
      %swap3A_363 = arith.index_cast %swap3A_361 : i32 to index
      %swap3A_364 = arith.index_cast %mul3A_187 : i32 to index
      %swap3A_365 = tpu.vector_load %arg7[%swap3A_362, %swap3A_363, %swap3A_364] {strides = array<i32>} : memref<4x32x128xf32, #tpu.memory_space<vmem>>, vector<16xf32>,
      tpu.vector_store %arg7[%swap3A_362, %swap3A_363, %swap3A_364], %gather3A_360 {strides = array<i32>} : memref<4x32x128xf32, #tpu.memory_space<vmem>>, vector<16xf32>,
      %broadcast_in_dim3A_366 = arith.constant 2 : i32
      %broadcast_in_dim3A_367 = vector.broadcast %broadcast_in_dim3A_366 : i32 to vector<16xi32>
      %broadcast_in_dim3A_368 = arith.constant 2 : i32
      %broadcast_in_dim3A_369 = vector.broadcast %broadcast_in_dim3A_368 : i32 to vector<16xi32>
      %gather3A_370 = tpu.vector_load_idx %arg6[%mul3A_145, %select_n3A, %broadcast_in_dim3A_367, %broadcast_in_dim3A_369, %add3A_142] : memref<8x2x4x8x128xf32, #tpu.memory_space<vmem>>[vector<16xi32>, vector<16xi32>, vector<16xi32>, vector<16xi32>, vector<16xi32>], vector<16xf32>,
      %swap3A_371 = arith.constant 18 : i32
      %swap3A_372 = arith.index_cast %select_n3A_169 : i32 to index
      %swap3A_373 = arith.index_cast %swap3A_371 : i32 to index
      %swap3A_374 = arith.index_cast %mul3A_187 : i32 to index
      %swap3A_375 = tpu.vector_load %arg7[%swap3A_372, %swap3A_373, %swap3A_374] {strides = array<i32>} : memref<4x32x128xf32, #tpu.memory_space<vmem>>, vector<16xf32>,
      tpu.vector_store %arg7[%swap3A_372, %swap3A_373, %swap3A_374], %gather3A_370 {strides = array<i32>} : memref<4x32x128xf32, #tpu.memory_space<vmem>>, vector<16xf32>,
      %broadcast_in_dim3A_376 = arith.constant 2 : i32
      %broadcast_in_dim3A_377 = vector.broadcast %broadcast_in_dim3A_376 : i32 to vector<16xi32>
      %broadcast_in_dim3A_378 = arith.constant 3 : i32
      %broadcast_in_dim3A_379 = vector.broadcast %broadcast_in_dim3A_378 : i32 to vector<16xi32>
      %gather3A_380 = tpu.vector_load_idx %arg6[%mul3A_145, %select_n3A, %broadcast_in_dim3A_377, %broadcast_in_dim3A_379, %add3A_142] : memref<8x2x4x8x128xf32, #tpu.memory_space<vmem>>[vector<16xi32>, vector<16xi32>, vector<16xi32>, vector<16xi32>, vector<16xi32>], vector<16xf32>,
      %swap3A_381 = arith.constant 19 : i32
      %swap3A_382 = arith.index_cast %select_n3A_169 : i32 to index
      %swap3A_383 = arith.index_cast %swap3A_381 : i32 to index
      %swap3A_384 = arith.index_cast %mul3A_187 : i32 to index
      %swap3A_385 = tpu.vector_load %arg7[%swap3A_382, %swap3A_383, %swap3A_384] {strides = array<i32>} : memref<4x32x128xf32, #tpu.memory_space<vmem>>, vector<16xf32>,
      tpu.vector_store %arg7[%swap3A_382, %swap3A_383, %swap3A_384], %gather3A_380 {strides = array<i32>} : memref<4x32x128xf32, #tpu.memory_space<vmem>>, vector<16xf32>,
      %broadcast_in_dim3A_386 = arith.constant 2 : i32
      %broadcast_in_dim3A_387 = vector.broadcast %broadcast_in_dim3A_386 : i32 to vector<16xi32>
      %broadcast_in_dim3A_388 = arith.constant 4 : i32
      %broadcast_in_dim3A_389 = vector.broadcast %broadcast_in_dim3A_388 : i32 to vector<16xi32>
      %gather3A_390 = tpu.vector_load_idx %arg6[%mul3A_145, %select_n3A, %broadcast_in_dim3A_387, %broadcast_in_dim3A_389, %add3A_142] : memref<8x2x4x8x128xf32, #tpu.memory_space<vmem>>[vector<16xi32>, vector<16xi32>, vector<16xi32>, vector<16xi32>, vector<16xi32>], vector<16xf32>,
      %swap3A_391 = arith.constant 20 : i32
      %swap3A_392 = arith.index_cast %select_n3A_169 : i32 to index
      %swap3A_393 = arith.index_cast %swap3A_391 : i32 to index
      %swap3A_394 = arith.index_cast %mul3A_187 : i32 to index
      %swap3A_395 = tpu.vector_load %arg7[%swap3A_392, %swap3A_393, %swap3A_394] {strides = array<i32>} : memref<4x32x128xf32, #tpu.memory_space<vmem>>, vector<16xf32>,
      tpu.vector_store %arg7[%swap3A_392, %swap3A_393, %swap3A_394], %gather3A_390 {strides = array<i32>} : memref<4x32x128xf32, #tpu.memory_space<vmem>>, vector<16xf32>,
      %broadcast_in_dim3A_396 = arith.constant 2 : i32
      %broadcast_in_dim3A_397 = vector.broadcast %broadcast_in_dim3A_396 : i32 to vector<16xi32>
      %broadcast_in_dim3A_398 = arith.constant 5 : i32
      %broadcast_in_dim3A_399 = vector.broadcast %broadcast_in_dim3A_398 : i32 to vector<16xi32>
      %gather3A_400 = tpu.vector_load_idx %arg6[%mul3A_145, %select_n3A, %broadcast_in_dim3A_397, %broadcast_in_dim3A_399, %add3A_142] : memref<8x2x4x8x128xf32, #tpu.memory_space<vmem>>[vector<16xi32>, vector<16xi32>, vector<16xi32>, vector<16xi32>, vector<16xi32>], vector<16xf32>,
      %swap3A_401 = arith.constant 21 : i32
      %swap3A_402 = arith.index_cast %select_n3A_169 : i32 to index
      %swap3A_403 = arith.index_cast %swap3A_401 : i32 to index
      %swap3A_404 = arith.index_cast %mul3A_187 : i32 to index
      %swap3A_405 = tpu.vector_load %arg7[%swap3A_402, %swap3A_403, %swap3A_404] {strides = array<i32>} : memref<4x32x128xf32, #tpu.memory_space<vmem>>, vector<16xf32>,
      tpu.vector_store %arg7[%swap3A_402, %swap3A_403, %swap3A_404], %gather3A_400 {strides = array<i32>} : memref<4x32x128xf32, #tpu.memory_space<vmem>>, vector<16xf32>,
      %broadcast_in_dim3A_406 = arith.constant 2 : i32
      %broadcast_in_dim3A_407 = vector.broadcast %broadcast_in_dim3A_406 : i32 to vector<16xi32>
      %broadcast_in_dim3A_408 = arith.constant 6 : i32
      %broadcast_in_dim3A_409 = vector.broadcast %broadcast_in_dim3A_408 : i32 to vector<16xi32>
      %gather3A_410 = tpu.vector_load_idx %arg6[%mul3A_145, %select_n3A, %broadcast_in_dim3A_407, %broadcast_in_dim3A_409, %add3A_142] : memref<8x2x4x8x128xf32, #tpu.memory_space<vmem>>[vector<16xi32>, vector<16xi32>, vector<16xi32>, vector<16xi32>, vector<16xi32>], vector<16xf32>,
      %swap3A_411 = arith.constant 22 : i32
      %swap3A_412 = arith.index_cast %select_n3A_169 : i32 to index
      %swap3A_413 = arith.index_cast %swap3A_411 : i32 to index
      %swap3A_414 = arith.index_cast %mul3A_187 : i32 to index
      %swap3A_415 = tpu.vector_load %arg7[%swap3A_412, %swap3A_413, %swap3A_414] {strides = array<i32>} : memref<4x32x128xf32, #tpu.memory_space<vmem>>, vector<16xf32>,
      tpu.vector_store %arg7[%swap3A_412, %swap3A_413, %swap3A_414], %gather3A_410 {strides = array<i32>} : memref<4x32x128xf32, #tpu.memory_space<vmem>>, vector<16xf32>,
      %broadcast_in_dim3A_416 = arith.constant 2 : i32
      %broadcast_in_dim3A_417 = vector.broadcast %broadcast_in_dim3A_416 : i32 to vector<16xi32>
      %broadcast_in_dim3A_418 = arith.constant 7 : i32
      %broadcast_in_dim3A_419 = vector.broadcast %broadcast_in_dim3A_418 : i32 to vector<16xi32>
      %gather3A_420 = tpu.vector_load_idx %arg6[%mul3A_145, %select_n3A, %broadcast_in_dim3A_417, %broadcast_in_dim3A_419, %add3A_142] : memref<8x2x4x8x128xf32, #tpu.memory_space<vmem>>[vector<16xi32>, vector<16xi32>, vector<16xi32>, vector<16xi32>, vector<16xi32>], vector<16xf32>,
      %swap3A_421 = arith.constant 23 : i32
      %swap3A_422 = arith.index_cast %select_n3A_169 : i32 to index
      %swap3A_423 = arith.index_cast %swap3A_421 : i32 to index
      %swap3A_424 = arith.index_cast %mul3A_187 : i32 to index
      %swap3A_425 = tpu.vector_load %arg7[%swap3A_422, %swap3A_423, %swap3A_424] {strides = array<i32>} : memref<4x32x128xf32, #tpu.memory_space<vmem>>, vector<16xf32>,
      tpu.vector_store %arg7[%swap3A_422, %swap3A_423, %swap3A_424], %gather3A_420 {strides = array<i32>} : memref<4x32x128xf32, #tpu.memory_space<vmem>>, vector<16xf32>,
      %broadcast_in_dim3A_426 = arith.constant 3 : i32
      %broadcast_in_dim3A_427 = vector.broadcast %broadcast_in_dim3A_426 : i32 to vector<16xi32>
      %broadcast_in_dim3A_428 = arith.constant 0 : i32
      %broadcast_in_dim3A_429 = vector.broadcast %broadcast_in_dim3A_428 : i32 to vector<16xi32>
      %gather3A_430 = tpu.vector_load_idx %arg6[%mul3A_145, %select_n3A, %broadcast_in_dim3A_427, %broadcast_in_dim3A_429, %add3A_142] : memref<8x2x4x8x128xf32, #tpu.memory_space<vmem>>[vector<16xi32>, vector<16xi32>, vector<16xi32>, vector<16xi32>, vector<16xi32>], vector<16xf32>,
      %swap3A_431 = arith.constant 24 : i32
      %swap3A_432 = arith.index_cast %select_n3A_169 : i32 to index
      %swap3A_433 = arith.index_cast %swap3A_431 : i32 to index
      %swap3A_434 = arith.index_cast %mul3A_187 : i32 to index
      %swap3A_435 = tpu.vector_load %arg7[%swap3A_432, %swap3A_433, %swap3A_434] {strides = array<i32>} : memref<4x32x128xf32, #tpu.memory_space<vmem>>, vector<16xf32>,
      tpu.vector_store %arg7[%swap3A_432, %swap3A_433, %swap3A_434], %gather3A_430 {strides = array<i32>} : memref<4x32x128xf32, #tpu.memory_space<vmem>>, vector<16xf32>,
      %broadcast_in_dim3A_436 = arith.constant 3 : i32
      %broadcast_in_dim3A_437 = vector.broadcast %broadcast_in_dim3A_436 : i32 to vector<16xi32>
      %broadcast_in_dim3A_438 = arith.constant 1 : i32
      %broadcast_in_dim3A_439 = vector.broadcast %broadcast_in_dim3A_438 : i32 to vector<16xi32>
      %gather3A_440 = tpu.vector_load_idx %arg6[%mul3A_145, %select_n3A, %broadcast_in_dim3A_437, %broadcast_in_dim3A_439, %add3A_142] : memref<8x2x4x8x128xf32, #tpu.memory_space<vmem>>[vector<16xi32>, vector<16xi32>, vector<16xi32>, vector<16xi32>, vector<16xi32>], vector<16xf32>,
      %swap3A_441 = arith.constant 25 : i32
      %swap3A_442 = arith.index_cast %select_n3A_169 : i32 to index
      %swap3A_443 = arith.index_cast %swap3A_441 : i32 to index
      %swap3A_444 = arith.index_cast %mul3A_187 : i32 to index
      %swap3A_445 = tpu.vector_load %arg7[%swap3A_442, %swap3A_443, %swap3A_444] {strides = array<i32>} : memref<4x32x128xf32, #tpu.memory_space<vmem>>, vector<16xf32>,
      tpu.vector_store %arg7[%swap3A_442, %swap3A_443, %swap3A_444], %gather3A_440 {strides = array<i32>} : memref<4x32x128xf32, #tpu.memory_space<vmem>>, vector<16xf32>,
      %broadcast_in_dim3A_446 = arith.constant 3 : i32
      %broadcast_in_dim3A_447 = vector.broadcast %broadcast_in_dim3A_446 : i32 to vector<16xi32>
      %broadcast_in_dim3A_448 = arith.constant 2 : i32
      %broadcast_in_dim3A_449 = vector.broadcast %broadcast_in_dim3A_448 : i32 to vector<16xi32>
      %gather3A_450 = tpu.vector_load_idx %arg6[%mul3A_145, %select_n3A, %broadcast_in_dim3A_447, %broadcast_in_dim3A_449, %add3A_142] : memref<8x2x4x8x128xf32, #tpu.memory_space<vmem>>[vector<16xi32>, vector<16xi32>, vector<16xi32>, vector<16xi32>, vector<16xi32>], vector<16xf32>,
      %swap3A_451 = arith.constant 26 : i32
      %swap3A_452 = arith.index_cast %select_n3A_169 : i32 to index
      %swap3A_453 = arith.index_cast %swap3A_451 : i32 to index
      %swap3A_454 = arith.index_cast %mul3A_187 : i32 to index
      %swap3A_455 = tpu.vector_load %arg7[%swap3A_452, %swap3A_453, %swap3A_454] {strides = array<i32>} : memref<4x32x128xf32, #tpu.memory_space<vmem>>, vector<16xf32>,
      tpu.vector_store %arg7[%swap3A_452, %swap3A_453, %swap3A_454], %gather3A_450 {strides = array<i32>} : memref<4x32x128xf32, #tpu.memory_space<vmem>>, vector<16xf32>,
      %broadcast_in_dim3A_456 = arith.constant 3 : i32
      %broadcast_in_dim3A_457 = vector.broadcast %broadcast_in_dim3A_456 : i32 to vector<16xi32>
      %broadcast_in_dim3A_458 = arith.constant 3 : i32
      %broadcast_in_dim3A_459 = vector.broadcast %broadcast_in_dim3A_458 : i32 to vector<16xi32>
      %gather3A_460 = tpu.vector_load_idx %arg6[%mul3A_145, %select_n3A, %broadcast_in_dim3A_457, %broadcast_in_dim3A_459, %add3A_142] : memref<8x2x4x8x128xf32, #tpu.memory_space<vmem>>[vector<16xi32>, vector<16xi32>, vector<16xi32>, vector<16xi32>, vector<16xi32>], vector<16xf32>,
      %swap3A_461 = arith.constant 27 : i32
      %swap3A_462 = arith.index_cast %select_n3A_169 : i32 to index
      %swap3A_463 = arith.index_cast %swap3A_461 : i32 to index
      %swap3A_464 = arith.index_cast %mul3A_187 : i32 to index
      %swap3A_465 = tpu.vector_load %arg7[%swap3A_462, %swap3A_463, %swap3A_464] {strides = array<i32>} : memref<4x32x128xf32, #tpu.memory_space<vmem>>, vector<16xf32>,
      tpu.vector_store %arg7[%swap3A_462, %swap3A_463, %swap3A_464], %gather3A_460 {strides = array<i32>} : memref<4x32x128xf32, #tpu.memory_space<vmem>>, vector<16xf32>,
      %broadcast_in_dim3A_466 = arith.constant 3 : i32
      %broadcast_in_dim3A_467 = vector.broadcast %broadcast_in_dim3A_466 : i32 to vector<16xi32>
      %broadcast_in_dim3A_468 = arith.constant 4 : i32
      %broadcast_in_dim3A_469 = vector.broadcast %broadcast_in_dim3A_468 : i32 to vector<16xi32>
      %gather3A_470 = tpu.vector_load_idx %arg6[%mul3A_145, %select_n3A, %broadcast_in_dim3A_467, %broadcast_in_dim3A_469, %add3A_142] : memref<8x2x4x8x128xf32, #tpu.memory_space<vmem>>[vector<16xi32>, vector<16xi32>, vector<16xi32>, vector<16xi32>, vector<16xi32>], vector<16xf32>,
      %swap3A_471 = arith.constant 28 : i32
      %swap3A_472 = arith.index_cast %select_n3A_169 : i32 to index
      %swap3A_473 = arith.index_cast %swap3A_471 : i32 to index
      %swap3A_474 = arith.index_cast %mul3A_187 : i32 to index
      %swap3A_475 = tpu.vector_load %arg7[%swap3A_472, %swap3A_473, %swap3A_474] {strides = array<i32>} : memref<4x32x128xf32, #tpu.memory_space<vmem>>, vector<16xf32>,
      tpu.vector_store %arg7[%swap3A_472, %swap3A_473, %swap3A_474], %gather3A_470 {strides = array<i32>} : memref<4x32x128xf32, #tpu.memory_space<vmem>>, vector<16xf32>,
      %broadcast_in_dim3A_476 = arith.constant 3 : i32
      %broadcast_in_dim3A_477 = vector.broadcast %broadcast_in_dim3A_476 : i32 to vector<16xi32>
      %broadcast_in_dim3A_478 = arith.constant 5 : i32
      %broadcast_in_dim3A_479 = vector.broadcast %broadcast_in_dim3A_478 : i32 to vector<16xi32>
      %gather3A_480 = tpu.vector_load_idx %arg6[%mul3A_145, %select_n3A, %broadcast_in_dim3A_477, %broadcast_in_dim3A_479, %add3A_142] : memref<8x2x4x8x128xf32, #tpu.memory_space<vmem>>[vector<16xi32>, vector<16xi32>, vector<16xi32>, vector<16xi32>, vector<16xi32>], vector<16xf32>,
      %swap3A_481 = arith.constant 29 : i32
      %swap3A_482 = arith.index_cast %select_n3A_169 : i32 to index
      %swap3A_483 = arith.index_cast %swap3A_481 : i32 to index
      %swap3A_484 = arith.index_cast %mul3A_187 : i32 to index
      %swap3A_485 = tpu.vector_load %arg7[%swap3A_482, %swap3A_483, %swap3A_484] {strides = array<i32>} : memref<4x32x128xf32, #tpu.memory_space<vmem>>, vector<16xf32>,
      tpu.vector_store %arg7[%swap3A_482, %swap3A_483, %swap3A_484], %gather3A_480 {strides = array<i32>} : memref<4x32x128xf32, #tpu.memory_space<vmem>>, vector<16xf32>,
      %broadcast_in_dim3A_486 = arith.constant 3 : i32
      %broadcast_in_dim3A_487 = vector.broadcast %broadcast_in_dim3A_486 : i32 to vector<16xi32>
      %broadcast_in_dim3A_488 = arith.constant 6 : i32
      %broadcast_in_dim3A_489 = vector.broadcast %broadcast_in_dim3A_488 : i32 to vector<16xi32>
      %gather3A_490 = tpu.vector_load_idx %arg6[%mul3A_145, %select_n3A, %broadcast_in_dim3A_487, %broadcast_in_dim3A_489, %add3A_142] : memref<8x2x4x8x128xf32, #tpu.memory_space<vmem>>[vector<16xi32>, vector<16xi32>, vector<16xi32>, vector<16xi32>, vector<16xi32>], vector<16xf32>,
      %swap3A_491 = arith.constant 30 : i32
      %swap3A_492 = arith.index_cast %select_n3A_169 : i32 to index
      %swap3A_493 = arith.index_cast %swap3A_491 : i32 to index
      %swap3A_494 = arith.index_cast %mul3A_187 : i32 to index
      %swap3A_495 = tpu.vector_load %arg7[%swap3A_492, %swap3A_493, %swap3A_494] {strides = array<i32>} : memref<4x32x128xf32, #tpu.memory_space<vmem>>, vector<16xf32>,
      tpu.vector_store %arg7[%swap3A_492, %swap3A_493, %swap3A_494], %gather3A_490 {strides = array<i32>} : memref<4x32x128xf32, #tpu.memory_space<vmem>>, vector<16xf32>,
      %broadcast_in_dim3A_496 = arith.constant 3 : i32
      %broadcast_in_dim3A_497 = vector.broadcast %broadcast_in_dim3A_496 : i32 to vector<16xi32>
      %broadcast_in_dim3A_498 = arith.constant 7 : i32
      %broadcast_in_dim3A_499 = vector.broadcast %broadcast_in_dim3A_498 : i32 to vector<16xi32>
      %gather3A_500 = tpu.vector_load_idx %arg6[%mul3A_145, %select_n3A, %broadcast_in_dim3A_497, %broadcast_in_dim3A_499, %add3A_142] : memref<8x2x4x8x128xf32, #tpu.memory_space<vmem>>[vector<16xi32>, vector<16xi32>, vector<16xi32>, vector<16xi32>, vector<16xi32>], vector<16xf32>,
      %swap3A_501 = arith.constant 31 : i32
      %swap3A_502 = arith.index_cast %select_n3A_169 : i32 to index
      %swap3A_503 = arith.index_cast %swap3A_501 : i32 to index
      %swap3A_504 = arith.index_cast %mul3A_187 : i32 to index
      %swap3A_505 = tpu.vector_load %arg7[%swap3A_502, %swap3A_503, %swap3A_504] {strides = array<i32>} : memref<4x32x128xf32, #tpu.memory_space<vmem>>, vector<16xf32>,
      tpu.vector_store %arg7[%swap3A_502, %swap3A_503, %swap3A_504], %gather3A_500 {strides = array<i32>} : memref<4x32x128xf32, #tpu.memory_space<vmem>>, vector<16xf32>,
    }
    %scan3A_59 = arith.constant 32 : i32
    %add3A_60 = arith.constant 0 : i32
    %add3A_61 = arith.addi %mul3A_2, %add3A_60 : i32
    %run_scoped3A = arith.constant 0 : i32
    "tpu.region"() ({
      %run_scoped3A_71 = tpu.sem_alloc : memref<!tpu.dma_semaphore, #tpu.memory_space<semaphore_mem>>
      %dma_start3A = arith.constant 0 : i32
      %dma_start3A_72 = arith.constant 0 : i32
      %dma_start3A_73 = tpu.memref_slice %arg7[%run_scoped3A, %dma_start3A, %dma_start3A_72] : memref<4x32x128xf32, #tpu.memory_space<vmem>> -> memref<1x32x128xf32, #tpu.memory_space<vmem>>
      %dma_start3A_74 = tpu.memref_squeeze %dma_start3A_73 : memref<1x32x128xf32, #tpu.memory_space<vmem>> -> memref<32x128xf32, #tpu.memory_space<vmem>>
      %dma_start3A_75 = arith.constant 0 : i32
      %dma_start3A_76 = tpu.memref_slice %arg4[%dma_start3A_75, %add3A_61] : memref<32x16384xf32, #tpu.memory_space<hbm>> -> memref<32x128xf32, #tpu.memory_space<hbm>>
      %dma_start3A_77 = arith.constant 0 : i32
      %dma_start3A_78 = tpu.memref_slice %arg4[%dma_start3A_77, %add3A_61] : memref<32x16384xf32, #tpu.memory_space<hbm>> -> memref<32x128xf32, #tpu.memory_space<hbm>>
      %dma_start3A_79 = arith.constant 0 : i32
      %dma_start3A_80 = arith.constant 0 : i32
      %dma_start3A_81 = tpu.memref_slice %arg7[%run_scoped3A, %dma_start3A_79, %dma_start3A_80] : memref<4x32x128xf32, #tpu.memory_space<vmem>> -> memref<1x32x128xf32, #tpu.memory_space<vmem>>
      %dma_start3A_82 = tpu.memref_squeeze %dma_start3A_81 : memref<1x32x128xf32, #tpu.memory_space<vmem>> -> memref<32x128xf32, #tpu.memory_space<vmem>>
      tpu.enqueue_dma source(%dma_start3A_82 : memref<32x128xf32, #tpu.memory_space<vmem>>) target(%dma_start3A_78 : memref<32x128xf32, #tpu.memory_space<hbm>>) target_semaphore(%run_scoped3A_71 : memref<!tpu.dma_semaphore, #tpu.memory_space<semaphore_mem>>)
      %dma_wait3A = arith.constant 0 : i32
      %dma_wait3A_83 = arith.constant 0 : i32
      %dma_wait3A_84 = tpu.memref_slice %arg7[%run_scoped3A, %dma_wait3A, %dma_wait3A_83] : memref<4x32x128xf32, #tpu.memory_space<vmem>> -> memref<1x32x128xf32, #tpu.memory_space<vmem>>
      %dma_wait3A_85 = tpu.memref_squeeze %dma_wait3A_84 : memref<1x32x128xf32, #tpu.memory_space<vmem>> -> memref<32x128xf32, #tpu.memory_space<vmem>>
      %dma_wait3A_86 = arith.constant 0 : i32
      %dma_wait3A_87 = tpu.memref_slice %arg4[%dma_wait3A_86, %add3A_61] : memref<32x16384xf32, #tpu.memory_space<hbm>> -> memref<32x128xf32, #tpu.memory_space<hbm>>
      %dma_wait3A_88 = arith.constant 0 : i32
      %dma_wait3A_89 = tpu.memref_slice %arg4[%dma_wait3A_88, %add3A_61] : memref<32x16384xf32, #tpu.memory_space<hbm>> -> memref<32x128xf32, #tpu.memory_space<hbm>>
      %dma_wait3A_90 = arith.constant 0 : i32
      %dma_wait3A_91 = arith.constant 0 : i32
      %dma_wait3A_92 = tpu.memref_slice %arg7[%run_scoped3A, %dma_wait3A_90, %dma_wait3A_91] : memref<4x32x128xf32, #tpu.memory_space<vmem>> -> memref<1x32x128xf32, #tpu.memory_space<vmem>>
      %dma_wait3A_93 = tpu.memref_squeeze %dma_wait3A_92 : memref<1x32x128xf32, #tpu.memory_space<vmem>> -> memref<32x128xf32, #tpu.memory_space<vmem>>
      tpu.wait_dma2 semaphore(%run_scoped3A_71 : memref<!tpu.dma_semaphore, #tpu.memory_space<semaphore_mem>>) src(%dma_wait3A_93 : memref<32x128xf32, #tpu.memory_space<vmem>>) dst(%dma_wait3A_89 : memref<32x128xf32, #tpu.memory_space<hbm>>)
      tpu.yield
    }) : () -> ()
    %add3A_62 = arith.constant 128 : i32
    %add3A_63 = arith.addi %mul3A_2, %add3A_62 : i32
    %run_scoped3A_64 = arith.constant 1 : i32
    "tpu.region"() ({
      %run_scoped3A_71 = tpu.sem_alloc : memref<!tpu.dma_semaphore, #tpu.memory_space<semaphore_mem>>
      %dma_start3A = arith.constant 0 : i32
      %dma_start3A_72 = arith.constant 0 : i32
      %dma_start3A_73 = tpu.memref_slice %arg7[%run_scoped3A_64, %dma_start3A, %dma_start3A_72] : memref<4x32x128xf32, #tpu.memory_space<vmem>> -> memref<1x32x128xf32, #tpu.memory_space<vmem>>
      %dma_start3A_74 = tpu.memref_squeeze %dma_start3A_73 : memref<1x32x128xf32, #tpu.memory_space<vmem>> -> memref<32x128xf32, #tpu.memory_space<vmem>>
      %dma_start3A_75 = arith.constant 0 : i32
      %dma_start3A_76 = tpu.memref_slice %arg4[%dma_start3A_75, %add3A_63] : memref<32x16384xf32, #tpu.memory_space<hbm>> -> memref<32x128xf32, #tpu.memory_space<hbm>>
      %dma_start3A_77 = arith.constant 0 : i32
      %dma_start3A_78 = tpu.memref_slice %arg4[%dma_start3A_77, %add3A_63] : memref<32x16384xf32, #tpu.memory_space<hbm>> -> memref<32x128xf32, #tpu.memory_space<hbm>>
      %dma_start3A_79 = arith.constant 0 : i32
      %dma_start3A_80 = arith.constant 0 : i32
      %dma_start3A_81 = tpu.memref_slice %arg7[%run_scoped3A_64, %dma_start3A_79, %dma_start3A_80] : memref<4x32x128xf32, #tpu.memory_space<vmem>> -> memref<1x32x128xf32, #tpu.memory_space<vmem>>
      %dma_start3A_82 = tpu.memref_squeeze %dma_start3A_81 : memref<1x32x128xf32, #tpu.memory_space<vmem>> -> memref<32x128xf32, #tpu.memory_space<vmem>>
      tpu.enqueue_dma source(%dma_start3A_82 : memref<32x128xf32, #tpu.memory_space<vmem>>) target(%dma_start3A_78 : memref<32x128xf32, #tpu.memory_space<hbm>>) target_semaphore(%run_scoped3A_71 : memref<!tpu.dma_semaphore, #tpu.memory_space<semaphore_mem>>)
      %dma_wait3A = arith.constant 0 : i32
      %dma_wait3A_83 = arith.constant 0 : i32
      %dma_wait3A_84 = tpu.memref_slice %arg7[%run_scoped3A_64, %dma_wait3A, %dma_wait3A_83] : memref<4x32x128xf32, #tpu.memory_space<vmem>> -> memref<1x32x128xf32, #tpu.memory_space<vmem>>
      %dma_wait3A_85 = tpu.memref_squeeze %dma_wait3A_84 : memref<1x32x128xf32, #tpu.memory_space<vmem>> -> memref<32x128xf32, #tpu.memory_space<vmem>>
      %dma_wait3A_86 = arith.constant 0 : i32
      %dma_wait3A_87 = tpu.memref_slice %arg4[%dma_wait3A_86, %add3A_63] : memref<32x16384xf32, #tpu.memory_space<hbm>> -> memref<32x128xf32, #tpu.memory_space<hbm>>
      %dma_wait3A_88 = arith.constant 0 : i32
      %dma_wait3A_89 = tpu.memref_slice %arg4[%dma_wait3A_88, %add3A_63] : memref<32x16384xf32, #tpu.memory_space<hbm>> -> memref<32x128xf32, #tpu.memory_space<hbm>>
      %dma_wait3A_90 = arith.constant 0 : i32
      %dma_wait3A_91 = arith.constant 0 : i32
      %dma_wait3A_92 = tpu.memref_slice %arg7[%run_scoped3A_64, %dma_wait3A_90, %dma_wait3A_91] : memref<4x32x128xf32, #tpu.memory_space<vmem>> -> memref<1x32x128xf32, #tpu.memory_space<vmem>>
      %dma_wait3A_93 = tpu.memref_squeeze %dma_wait3A_92 : memref<1x32x128xf32, #tpu.memory_space<vmem>> -> memref<32x128xf32, #tpu.memory_space<vmem>>
      tpu.wait_dma2 semaphore(%run_scoped3A_71 : memref<!tpu.dma_semaphore, #tpu.memory_space<semaphore_mem>>) src(%dma_wait3A_93 : memref<32x128xf32, #tpu.memory_space<vmem>>) dst(%dma_wait3A_89 : memref<32x128xf32, #tpu.memory_space<hbm>>)
      tpu.yield
    }) : () -> ()
    %add3A_65 = arith.constant 256 : i32
    %add3A_66 = arith.addi %mul3A_2, %add3A_65 : i32
    %run_scoped3A_67 = arith.constant 2 : i32
    "tpu.region"() ({
      %run_scoped3A_71 = tpu.sem_alloc : memref<!tpu.dma_semaphore, #tpu.memory_space<semaphore_mem>>
      %dma_start3A = arith.constant 0 : i32
      %dma_start3A_72 = arith.constant 0 : i32
      %dma_start3A_73 = tpu.memref_slice %arg7[%run_scoped3A_67, %dma_start3A, %dma_start3A_72] : memref<4x32x128xf32, #tpu.memory_space<vmem>> -> memref<1x32x128xf32, #tpu.memory_space<vmem>>
      %dma_start3A_74 = tpu.memref_squeeze %dma_start3A_73 : memref<1x32x128xf32, #tpu.memory_space<vmem>> -> memref<32x128xf32, #tpu.memory_space<vmem>>
      %dma_start3A_75 = arith.constant 0 : i32
      %dma_start3A_76 = tpu.memref_slice %arg4[%dma_start3A_75, %add3A_66] : memref<32x16384xf32, #tpu.memory_space<hbm>> -> memref<32x128xf32, #tpu.memory_space<hbm>>
      %dma_start3A_77 = arith.constant 0 : i32
      %dma_start3A_78 = tpu.memref_slice %arg4[%dma_start3A_77, %add3A_66] : memref<32x16384xf32, #tpu.memory_space<hbm>> -> memref<32x128xf32, #tpu.memory_space<hbm>>
      %dma_start3A_79 = arith.constant 0 : i32
      %dma_start3A_80 = arith.constant 0 : i32
      %dma_start3A_81 = tpu.memref_slice %arg7[%run_scoped3A_67, %dma_start3A_79, %dma_start3A_80] : memref<4x32x128xf32, #tpu.memory_space<vmem>> -> memref<1x32x128xf32, #tpu.memory_space<vmem>>
      %dma_start3A_82 = tpu.memref_squeeze %dma_start3A_81 : memref<1x32x128xf32, #tpu.memory_space<vmem>> -> memref<32x128xf32, #tpu.memory_space<vmem>>
      tpu.enqueue_dma source(%dma_start3A_82 : memref<32x128xf32, #tpu.memory_space<vmem>>) target(%dma_start3A_78 : memref<32x128xf32, #tpu.memory_space<hbm>>) target_semaphore(%run_scoped3A_71 : memref<!tpu.dma_semaphore, #tpu.memory_space<semaphore_mem>>)
      %dma_wait3A = arith.constant 0 : i32
      %dma_wait3A_83 = arith.constant 0 : i32
      %dma_wait3A_84 = tpu.memref_slice %arg7[%run_scoped3A_67, %dma_wait3A, %dma_wait3A_83] : memref<4x32x128xf32, #tpu.memory_space<vmem>> -> memref<1x32x128xf32, #tpu.memory_space<vmem>>
      %dma_wait3A_85 = tpu.memref_squeeze %dma_wait3A_84 : memref<1x32x128xf32, #tpu.memory_space<vmem>> -> memref<32x128xf32, #tpu.memory_space<vmem>>
      %dma_wait3A_86 = arith.constant 0 : i32
      %dma_wait3A_87 = tpu.memref_slice %arg4[%dma_wait3A_86, %add3A_66] : memref<32x16384xf32, #tpu.memory_space<hbm>> -> memref<32x128xf32, #tpu.memory_space<hbm>>
      %dma_wait3A_88 = arith.constant 0 : i32
      %dma_wait3A_89 = tpu.memref_slice %arg4[%dma_wait3A_88, %add3A_66] : memref<32x16384xf32, #tpu.memory_space<hbm>> -> memref<32x128xf32, #tpu.memory_space<hbm>>
      %dma_wait3A_90 = arith.constant 0 : i32
      %dma_wait3A_91 = arith.constant 0 : i32
      %dma_wait3A_92 = tpu.memref_slice %arg7[%run_scoped3A_67, %dma_wait3A_90, %dma_wait3A_91] : memref<4x32x128xf32, #tpu.memory_space<vmem>> -> memref<1x32x128xf32, #tpu.memory_space<vmem>>
      %dma_wait3A_93 = tpu.memref_squeeze %dma_wait3A_92 : memref<1x32x128xf32, #tpu.memory_space<vmem>> -> memref<32x128xf32, #tpu.memory_space<vmem>>
      tpu.wait_dma2 semaphore(%run_scoped3A_71 : memref<!tpu.dma_semaphore, #tpu.memory_space<semaphore_mem>>) src(%dma_wait3A_93 : memref<32x128xf32, #tpu.memory_space<vmem>>) dst(%dma_wait3A_89 : memref<32x128xf32, #tpu.memory_space<hbm>>)
      tpu.yield
    }) : () -> ()
    %add3A_68 = arith.constant 384 : i32
    %add3A_69 = arith.addi %mul3A_2, %add3A_68 : i32
    %run_scoped3A_70 = arith.constant 3 : i32
    "tpu.region"() ({
      %run_scoped3A_71 = tpu.sem_alloc : memref<!tpu.dma_semaphore, #tpu.memory_space<semaphore_mem>>
      %dma_start3A = arith.constant 0 : i32
      %dma_start3A_72 = arith.constant 0 : i32
      %dma_start3A_73 = tpu.memref_slice %arg7[%run_scoped3A_70, %dma_start3A, %dma_start3A_72] : memref<4x32x128xf32, #tpu.memory_space<vmem>> -> memref<1x32x128xf32, #tpu.memory_space<vmem>>
      %dma_start3A_74 = tpu.memref_squeeze %dma_start3A_73 : memref<1x32x128xf32, #tpu.memory_space<vmem>> -> memref<32x128xf32, #tpu.memory_space<vmem>>
      %dma_start3A_75 = arith.constant 0 : i32
      %dma_start3A_76 = tpu.memref_slice %arg4[%dma_start3A_75, %add3A_69] : memref<32x16384xf32, #tpu.memory_space<hbm>> -> memref<32x128xf32, #tpu.memory_space<hbm>>
      %dma_start3A_77 = arith.constant 0 : i32
      %dma_start3A_78 = tpu.memref_slice %arg4[%dma_start3A_77, %add3A_69] : memref<32x16384xf32, #tpu.memory_space<hbm>> -> memref<32x128xf32, #tpu.memory_space<hbm>>
      %dma_start3A_79 = arith.constant 0 : i32
      %dma_start3A_80 = arith.constant 0 : i32
      %dma_start3A_81 = tpu.memref_slice %arg7[%run_scoped3A_70, %dma_start3A_79, %dma_start3A_80] : memref<4x32x128xf32, #tpu.memory_space<vmem>> -> memref<1x32x128xf32, #tpu.memory_space<vmem>>
      %dma_start3A_82 = tpu.memref_squeeze %dma_start3A_81 : memref<1x32x128xf32, #tpu.memory_space<vmem>> -> memref<32x128xf32, #tpu.memory_space<vmem>>
      tpu.enqueue_dma source(%dma_start3A_82 : memref<32x128xf32, #tpu.memory_space<vmem>>) target(%dma_start3A_78 : memref<32x128xf32, #tpu.memory_space<hbm>>) target_semaphore(%run_scoped3A_71 : memref<!tpu.dma_semaphore, #tpu.memory_space<semaphore_mem>>)
      %dma_wait3A = arith.constant 0 : i32
      %dma_wait3A_83 = arith.constant 0 : i32
      %dma_wait3A_84 = tpu.memref_slice %arg7[%run_scoped3A_70, %dma_wait3A, %dma_wait3A_83] : memref<4x32x128xf32, #tpu.memory_space<vmem>> -> memref<1x32x128xf32, #tpu.memory_space<vmem>>
      %dma_wait3A_85 = tpu.memref_squeeze %dma_wait3A_84 : memref<1x32x128xf32, #tpu.memory_space<vmem>> -> memref<32x128xf32, #tpu.memory_space<vmem>>
      %dma_wait3A_86 = arith.constant 0 : i32
      %dma_wait3A_87 = tpu.memref_slice %arg4[%dma_wait3A_86, %add3A_69] : memref<32x16384xf32, #tpu.memory_space<hbm>> -> memref<32x128xf32, #tpu.memory_space<hbm>>
      %dma_wait3A_88 = arith.constant 0 : i32
      %dma_wait3A_89 = tpu.memref_slice %arg4[%dma_wait3A_88, %add3A_69] : memref<32x16384xf32, #tpu.memory_space<hbm>> -> memref<32x128xf32, #tpu.memory_space<hbm>>
      %dma_wait3A_90 = arith.constant 0 : i32
      %dma_wait3A_91 = arith.constant 0 : i32
      %dma_wait3A_92 = tpu.memref_slice %arg7[%run_scoped3A_70, %dma_wait3A_90, %dma_wait3A_91] : memref<4x32x128xf32, #tpu.memory_space<vmem>> -> memref<1x32x128xf32, #tpu.memory_space<vmem>>
      %dma_wait3A_93 = tpu.memref_squeeze %dma_wait3A_92 : memref<1x32x128xf32, #tpu.memory_space<vmem>> -> memref<32x128xf32, #tpu.memory_space<vmem>>
      tpu.wait_dma2 semaphore(%run_scoped3A_71 : memref<!tpu.dma_semaphore, #tpu.memory_space<semaphore_mem>>) src(%dma_wait3A_93 : memref<32x128xf32, #tpu.memory_space<vmem>>) dst(%dma_wait3A_89 : memref<32x128xf32, #tpu.memory_space<hbm>>)
      tpu.yield
    }) : () -> ()
    return
  }
}

</mosaic_0001>

<sc_bundles>
// kernel: _embedding_lookup.3.cloned.1.call-start
scs
__scs_entry_jumppad:
0x0: {  	(pc) =	sbr.rel $0x88, $3  }
0x1: {  	(tag) =	ssettag $0x0;
	lr =	simm.s32 $0x1  }
0x2: {  	[smem:$0x3F9F] =	sst lr;
	_ =	strace $0xD0000000  }
0x3: {  	_ = 	snop  }
0x4: {  	_ = 	snop  }
0x5: {  	_ = 	snop  }
0x6: {  	_ = 	snop  }
0x7: {  	_ = 	snop  }
__scs_overlays_trampoline_lowered:
0x8: {  	[smem:$0x3FAE] =	sst s0  }
0x9: {  	[smem:$0x3FAF] =	sst s1  }
0xa: {  	[smem:$0x3FB0] =	sst s2  }
0xb: {  	[smem:$0x3FB1] =	sst s3  }
0xc: {  	[smem:$0x3FB2] =	sst s4  }
0xd: {  	[smem:$0x3FB3] =	sst s5  }
0xe: {  	[smem:$0x3FB4] =	sst s6  }
0xf: {  	[smem:$0x3FB5] =	sst s7  }
0x10: {  	[smem:$0x3FB6] =	sst s8  }
0x11: {  	[smem:$0x3FB7] =	sst s9;
	s0 =	simm.s32 @!p0 $0x0  }
0x12: {  	s1 =	sld [smem:$0x3F9D];
	s0 =	simm.s32 @p0 $0x1  }
0x13: {  	[smem:$0x3FB8] =	sst s0;
	s0 =	simm.s32 @!p1 $0x0  }
0x14: {  	s2 =	sld [smem:$0x3F9C];
	s0 =	simm.s32 @p1 $0x1  }
0x15: {  	[smem:$0x3FB9] =	sst s0;
	s0 =	simm.s32 @!p2 $0x0  }
0x16: {  	s3 =	sld [smem:$0x3FDB];
	s0 =	simm.s32 @p2 $0x1  }
0x17: {  	s4 =	simm.s32 $0x1BF5;
	[smem:$0x3FBB] =	sst s0  }
0x18: {  	s0 =	sld [smem:$0x3F9E];
	_ =	swait.ge [sflag:s4], $0x0  }
0x19: {  	s7 =	sld [smem:$0x3F9F]  }
0x1a: {  	s8 =	sadd.s32 $0xFFFFE003, lr  }
0x1b: {  	s9 =	sadd.s32 $0xFFFFFEF7, lr;
	s5 =	simm.s32 $0xFFFFFFFF;
	p2 =	slt.u32 s8, $0xFFFFF086  }
0x1c: {  	p1 =	slt.u32 s9, $0xF7A;
	s5 =	simm.s32 @!p2 $0x0  }
0x1d: {  	s5 =	simm.s32 @p1 $0x1;
	p0 =	seq.s32 s7, s2  }
0x1e: {  	s7 =	smul.u32 @!p0 $0xF7A, s2;
	p2 =	seq.s32 @!p0 s5, $0x0  }
0x1f: {  	s9 =	smul.u32 $0xF7A, s1;
	s8 =	simm.s32 @!p0 $0x1BF5;
	p2 =	por !p2, p0  }
0x20: {  	[sflag:s8] =	ssyncset.s32 @!p0 $0xFFFFF086;
	s6 =	sadd.s32 @!p0 s3, s7;
	s7 =	simm.s32 @!p0 $0x108  }
0x21: {  	s3 =	sadd.s32 s3, s9;
	s6 =	sadd.s32 @!p0 $0x88, s6;
	s7 =	simm.s32 @p2 $0x1082  }
0x22: {  	[simem:s7], [sflag:s8] =	dma.local @!p0 [hbm:s6], $0xF7A  }
0x23: {  	s9 =	sor.u32 $0xD0000000, s2;
	s6 =	simm.s32 $0x108;
	_ =	swait.ge @!p0 [sflag:s8], $0x0  }
0x24: {  	s3 =	sadd.s32 $0x88, s3;
	s6 =	simm.s32 @!p1 $0x1082;
	[sflag:s4] =	ssyncset.s32 $0xFFFFF086  }
0x25: {  	[simem:s6], [sflag:s4] =	dma.local [hbm:s3], $0xF7A  }
0x26: {  	[smem:$0x3F9F] =	sst s1;
	(tag) =	ssettag s2;
	_ =	strace s9  }
0x27: {  	s1 =	sld [smem:$0x3FAF]  }
0x28: {  	s2 =	sld [smem:$0x3FB0]  }
0x29: {  	s4 =	sld [smem:$0x3FB2]  }
0x2a: {  	p0 =	seq.s32 s5, $0x0;
	s5 =	sld [smem:$0x3FB3]  }
0x2b: {  	s6 =	sld [smem:$0x3FB4]  }
0x2c: {  	s7 =	sld [smem:$0x3FB5]  }
0x2d: {  	s3 =	simm.s32 $0x108;
	s8 =	sld [smem:$0x3FB6]  }
0x2e: {  	s3 =	simm.s32 @!p0 $0x1082;
	s9 =	sld [smem:$0x3FB7]  }
0x2f: {  	lr =	sadd.s32 s0, s3;
	s0 =	sld [smem:$0x3FAE]  }
0x30: {  	s3 =	sld [smem:$0x3FB1]  }
0x31: {  	[smem:$0x3FBA] =	sst s10  }
0x32: {  	s10 =	sld [smem:$0x3FB8];
	_ =	sdelay $0x3  }
0x33: {  	p0 =	seq.s32 s10, $0x1;
	s10 =	sld [smem:$0x3FBA];
	_ =	sdelay $0x3  }
0x34: {  	[smem:$0x3FBA] =	sst s10  }
0x35: {  	s10 =	sld [smem:$0x3FB9];
	_ =	sdelay $0x3  }
0x36: {  	p1 =	seq.s32 s10, $0x1;
	s10 =	sld [smem:$0x3FBA];
	_ =	sdelay $0x3  }
0x37: {  	[smem:$0x3FBA] =	sst s10  }
0x38: {  	s10 =	sld [smem:$0x3FBB]  }
0x39: {  	_ = 	snop;
	(pc) =	sbr.ind lr, $3  }
0x3a: {  	_ = 	snop  }
0x3b: {  	_ = 	snop  }
0x3c: {  	p2 =	seq.s32 s10, $0x1;
	s10 =	sld [smem:$0x3FBA]  }
0x3d: {  	_ =	shalt  }
0x3e: {  	_ =	shalt  }
0x3f: {  	_ =	shalt  }
0x40: {  	_ =	shalt  }
0x41: {  	_ =	shalt  }
0x42: {  	_ =	shalt  }
0x43: {  	_ =	shalt  }
0x44: {  	_ =	shalt  }
0x45: {  	_ =	shalt  }
0x46: {  	_ =	shalt  }
0x47: {  	_ =	shalt  }
0x48: {  	_ =	shalt  }
0x49: {  	_ =	shalt  }
0x4a: {  	_ =	shalt  }
0x4b: {  	_ =	shalt  }
0x4c: {  	_ =	shalt  }
0x4d: {  	_ =	shalt  }
0x4e: {  	_ =	shalt  }
0x4f: {  	_ =	shalt  }
0x50: {  	_ =	shalt  }
0x51: {  	_ =	shalt  }
0x52: {  	_ =	shalt  }
0x53: {  	_ =	shalt  }
0x54: {  	_ =	shalt  }
0x55: {  	_ =	shalt  }
0x56: {  	_ =	shalt  }
0x57: {  	_ =	shalt  }
0x58: {  	_ =	shalt  }
0x59: {  	_ =	shalt  }
0x5a: {  	_ =	shalt  }
0x5b: {  	_ =	shalt  }
0x5c: {  	_ =	shalt  }
0x5d: {  	_ =	shalt  }
0x5e: {  	_ =	shalt  }
0x5f: {  	_ =	shalt  }
0x60: {  	_ =	shalt  }
0x61: {  	_ =	shalt  }
0x62: {  	_ =	shalt  }
0x63: {  	_ =	shalt  }
0x64: {  	_ =	shalt  }
0x65: {  	_ =	shalt  }
0x66: {  	_ =	shalt  }
0x67: {  	_ =	shalt  }
0x68: {  	_ =	shalt  }
0x69: {  	_ =	shalt  }
0x6a: {  	_ =	shalt  }
0x6b: {  	_ =	shalt  }
0x6c: {  	_ =	shalt  }
0x6d: {  	_ =	shalt  }
0x6e: {  	_ =	shalt  }
0x6f: {  	_ =	shalt  }
0x70: {  	_ =	shalt  }
0x71: {  	_ =	shalt  }
0x72: {  	_ =	shalt  }
0x73: {  	_ =	shalt  }
0x74: {  	_ =	shalt  }
0x75: {  	_ =	shalt  }
0x76: {  	_ =	shalt  }
0x77: {  	_ =	shalt  }
0x78: {  	_ =	shalt  }
0x79: {  	_ =	shalt  }
0x7a: {  	_ =	shalt  }
0x7b: {  	_ =	shalt  }
0x7c: {  	_ =	shalt  }
0x7d: {  	_ =	shalt  }
0x7e: {  	_ =	shalt  }
0x7f: {  	_ =	shalt  }
0x80: {  	_ =	shalt  }
0x81: {  	_ =	shalt  }
0x82: {  	_ =	shalt  }
0x83: {  	_ =	shalt  }
0x84: {  	_ =	shalt  }
0x85: {  	_ =	shalt  }
0x86: {  	_ =	shalt  }
0x87: {  	_ =	shalt  }
.Lfunc_end0:
.L_simem_size_0:
called_computation_lowered:
.L_overlay_start_0:
0x88: {  	s2 =	sld [smem:$0x3FD9]  }
0x89: {  	s3 =	sld [smem:$0x3FFE];
	_ =	sdelay $0x1  }
0x8a: {  	s1 =	srdreg.scid  }
0x8b: {  	s0 =	sand.u32 $0x1, s1  }
0x8c: {  	s18 =	sshll.u32 s0, $0xA;
	s2 =	sadd.s32 s3, s2  }
0x8d: {  	s2 =	sadd.s32 s2, s18  }
0x8e: {  	[smem:$0x3FC6] =	sst s2  }
0x8f: {  	_ = 	snop  }
0x90: {  	s2 =	sld [smem:$0x3FC9]  }
0x91: {  	s19 =	sld [smem:$0x3FC8]  }
0x92: {  	s4 =	sld [smem:$0x3FD0];
	(tm) =	ssettm $0x1  }
0x93: {  	s5 =	sld [smem:$0x3FFB];
	_ =	sdelay $0x3  }
0x94: {  	_ =	strace s5  }
0x95: {  	s5 =	sld [smem:$0x3FFC];
	_ =	sdelay $0x3  }
0x96: {  	_ =	strace s5  }
0x97: {  	s5 =	sld [smem:$0x3FFD];
	_ =	sdelay $0x3  }
0x98: {  	_ =	strace s5  }
0x99: {  	_ =	strace $0x8FFFFFFF  }
0x9a: {  	s20 =	sld [smem:$0x3FDB];
	_ =	sdelay $0x1  }
0x9b: {  	s6 =	simm.s32 $_scs_section_size  }
0x9c: {  	s7 =	simm.s32 $_size__tile_overlayer_lowered;
	s8 =	simm.s32 $_tile_overlayer_lowered  }
0x9d: {  	s23 =	simm.s32 $0x1BFF;
	s22 =	sshll.u32 s8, $0x1;
	s5 =	sadd.s32 s6, s20  }
0x9e: {  	s9 =	simm.s32 $0x0;
	s21 =	sshll.u32 s7, $0x1;
	s7 =	sadd.s32 s22, s5  }
0x9f: {  	[timem:s9], [sflag:s23] =	dma.local [hbm:s7], s21  }
0xa0: {  	_ =	swait.ge [sflag:s23], s21  }
0xa1: {  	s6 =	ssub.s32 $0x0, s21;
	[sflag:s23] =	ssyncset.done $0x0  }
0xa2: {  	[sflag:s23] =	ssyncadd.s32 s6;
	_ =	sdelay $0x1  }
0xa3: {  	s24 =	simm.s32 $0x1B8B  }
0xa4: {  	_ =	swait.ge [sflag:s24], $0x1  }
0xa5: {  	[sflag:s24] =	ssyncset.done $0x0  }
0xa6: {  	s25 =	simm.s32 $0x1B8E;
	[sflag:s24] =	ssyncadd.s32 $0xFFFFFFFF  }
0xa7: {  	s26 =	simm.s32 $execute0_lowered;
	[smem:$0x3FD2] =	sst s25  }
0xa8: {  	s6 =	sshll.u32 s26, $0x1;
	_ =	strace $0x80000046;
	[dreg:$0x1] =	wrdreg $0xFFFFFFFF  }
0xa9: {  	s28 =	simm.s32 $_size_execute0_lowered;
	s5 =	sadd.s32 s5, s6;
	[dreg:$0x0] =	wrdreg $0x0  }
0xaa: {  	s6 =	sshll.u32 s28, $0x1;
	[dreg:$0x2] =	wrdreg s5  }
0xab: {  	[dreg:$0x3] =	wrdreg s6  }
0xac: {  	[dreg:$0x4] =	wrdreg $0xC0  }
0xad: {  	_ =	task [dreg:s9], $0x5FFFF  }
0xae: {  	[dreg:$0x1] =	wrdreg $0xFFFFFFFF  }
0xaf: {  	[dreg:$0x0] =	wrdreg $0x60  }
0xb0: {  	[dreg:$0x2] =	wrdreg s2  }
0xb1: {  	[dreg:$0x3] =	wrdreg s19  }
0xb2: {  	[dreg:$0x4] =	wrdreg s4  }
0xb3: {  	[dreg:$0x5] =	wrdreg $0x9  }
0xb4: {  	_ =	task.clear_ibuf [dreg:s9], $0x6FFFF;
	_ =	strace $0x90000046  }
0xb5: {  	s29 =	simm.s32 $0x9;
	_ =	strace $0x80000048  }
0xb6: {  	_ =	swait.ge [sflag:s29], $0x1  }
0xb7: {  	[sflag:s29] =	ssyncadd.s32 $0xFFFFFFFF  }
0xb8: {  	_ =	strace $0x90000048  }
0xb9: {  	_ =	sfence  }
0xba: {  	s30 =	sld [smem:$0x0];
	_ =	sdelay $0x2  }
0xbb: {  	s31 =	sshll.u32 s1, $0xD;
	s1 =	sshrl.u32 s1, $0x2  }
0xbc: {  	s3 =	sand.u32 $0x4000, s31;
	s1 =	sadd.s32 s1, s30  }
0xbd: {  	s0 =	sor.u32 s3, s0;
	s1 =	sshll.u32 s1, $0x11  }
0xbe: {  	s0 =	sor.u32 s1, s0  }
0xbf: {  	s0 =	sadd.s32 $0x8F2B, s0  }
0xc0: {  	[sflag:s0] =	ssyncadd.remote.s32 $0x1  }
0xc1: {  	_ =	sfence.sel $0xFFFF  }
0xc2: {  	[dreg:$0x0] =	wrdreg $0xFFFFFFFF;
	(pc) =	sbr.abs _section_cstart, $3  }
0xc3: {  	[dreg:$0x1] =	wrdreg $0xFFFFFFFF  }
0xc4: {  	_ =	task.clear_ibuf [dreg:s9], $0x2FFFF;
	_ =	strace $0x9FFFFFFF  }
0xc5: {  	(tm) =	ssettm $0x7FFFFFFF  }
tec
execute0_lowered:
.L_overlay_start_1:
0x0: {  	(tag) =	ssettag $0x1  }
0x1: {  	v1 =	vlaneseq.u32  }
0x2: {  	s0 =	rddreg [dreg:$0x0];
	v0 =	vshrl.u32 v1, $0x3  }
0x3: {  	s5 =	rddreg [dreg:$0x1];
	s2 =	srdreg.scid;
	v0 =	vmul.u32 $0x1000, v0  }
0x4: {  	s1 =	stileid.u32;
	s4 =	rddreg [dreg:$0x2];
	v1 =	vand.u32 $0x7, v1  }
0x5: {  	s3 =	simm.s32 $0x0;
	s11 =	simm.s32 $0x400;
	s12 =	simm.s32 $0x9;
	v1 =	vmul.u32 $0x10, v1;
	v2 =	vor.u32 $0x80, v0  }
0x6: {  	s13 =	simm.s32 $0x200;
	s14 =	simm.s32 $0x20000;
	s15 =	simm.s32 $0x10200;
	v3 =	vor.u32 $0x100, v0;
	v4 =	vor.u32 $0x180, v0;
	v5 =	vor.u32 $0x200, v0  }
0x7: {  	s16 =	simm.s32 $0x11200;
	s17 =	simm.s32 $0x12200;
	s18 =	simm.s32 $0x13200;
	v6 =	vor.u32 $0x280, v0;
	v7 =	vor.u32 $0x300, v0;
	v8 =	vor.u32 $0x380, v0  }
0x8: {  	s6 =	sand.u32 $0x1, s2;
	s7 =	sshll.u32 s1, $0x1;
	s2 =	rddreg [dreg:$0x3];
	v9 =	vor.u32 $0x400, v0;
	v10 =	vor.u32 $0x480, v0;
	v11 =	vor.u32 $0x500, v0  }
0x9: {  	s19 =	simm.s32 $0x0;
	[smem:$0x7FF] =	sst s3;
	s7 =	sor.u32 s6, s7;
	v12 =	vor.u32 $0x580, v0;
	v13 =	vor.u32 $0x600, v0;
	v14 =	vor.u32 $0x680, v0  }
0xa: {  	s6 =	ssub.s32 $0x2, s6;
	_ =	strace $0x80000047;
	s8 =	sshll.u32 s7, $0x9;
	v15 =	vor.u32 $0x700, v0;
	v16 =	vor.u32 $0x780, v0;
	v17 =	vor.u32 $0x800, v0  }
.Ltmp0:
0xb: {  	s7 =	sshll.u32 s7, $0x7;
	s10 =	sshrl.u32 s6, $0x1;
	v18 =	vor.u32 $0x880, v0;
	v19 =	vor.u32 $0x900, v0;
	v20 =	vor.u32 $0x980, v0;
	(pc) =	sbr.rel .LBB2_1-.Ltmp0, $4  }
0xc: {  	s9 =	sand.u32 $0x3000, s8;
	s7 =	sand.u32 $0x380, s7;
	s30 =	ssub.s32 s6, s10;
	v21 =	vor.u32 $0xA00, v0;
	v22 =	vor.u32 $0xA80, v0;
	v23 =	vor.u32 $0xB00, v0  }
0xd: {  	s4 =	sadd.s32 s4, s8;
	s10 =	simm.s32 $0x80;
	v24 =	vor.u32 $0xB80, v0;
	v25 =	vor.u32 $0xC00, v0;
	v26 =	vor.u32 $0xC80, v0;
	s7 =	sor.u32 s7, s9  }
0xe: {  	v27 =	vor.u32 $0xD00, v0;
	v28 =	vor.u32 $0xD80, v0;
	v29 =	vor.u32 $0xE00, v0;
	s6 =	sadd.s32 $0x80, s4;
	s8 =	sadd.s32 $0x180, s4;
	s31 =	sshrl.u32 s7, $0x3  }
0xf: {  	v30 =	vor.u32 $0xE80, v0;
	v31 =	vor.u32 $0xF00, v0;
	v32 =	vor.u32 $0xF80, v0;
	s9 =	smax.u32 s30, $0x1;
	s7 =	sadd.s32 $0x100, s4;
	s5 =	sadd.s32 s5, s31  }
.LBB2_7:
0x10: {  	[hbm4b:s4+s11] =	stream.strided.scatter [tilespmem:s15], [sflag:$0x9], $0x1000, s14, s11, $0x38;
	[tilespmem:$0x14200] =	vst v63  }
0x11: {  	_ =	swait.ge [sflag:s12], $0x1000  }
0x12: {  	[sflag:s12] =	ssyncset.done $0x0  }
0x13: {  	[sflag:s12] =	ssyncadd.s32 $0xFFFFF000  }
0x14: {  	[hbm4b:s6+s11] =	stream.strided.scatter [tilespmem:s16], [sflag:$0x9], $0x1000, s14, s11, $0x38;
	[tilespmem:$0x14200] =	vst v63  }
0x15: {  	_ =	swait.ge [sflag:s12], $0x1000  }
0x16: {  	[sflag:s12] =	ssyncset.done $0x0  }
0x17: {  	[sflag:s12] =	ssyncadd.s32 $0xFFFFF000  }
0x18: {  	[hbm4b:s7+s11] =	stream.strided.scatter [tilespmem:s17], [sflag:$0x9], $0x1000, s14, s11, $0x38;
	[tilespmem:$0x14200] =	vst v63  }
0x19: {  	s19 =	sadd.s32 $0x1, s19;
	_ =	swait.ge [sflag:s12], $0x1000  }
0x1a: {  	p0 =	sne.s32 s19, s9;
	[sflag:s12] =	ssyncset.done $0x0  }
.Ltmp1:
0x1b: {  	[sflag:s12] =	ssyncadd.s32 $0xFFFFF000;
	(pc) =	sbr.rel @!p0 .LBB2_8-.Ltmp1, $4  }
0x1c: {  	[hbm4b:s8+s11] =	stream.strided.scatter [tilespmem:s18], [sflag:$0x9], $0x1000, s14, s11, $0x38;
	[tilespmem:$0x14200] =	vst v63  }
0x1d: {  	_ =	swait.ge [sflag:s12], $0x1000  }
0x1e: {  	[sflag:s12] =	ssyncset.done $0x0  }
0x1f: {  	[sflag:s12] =	ssyncadd.s32 $0xFFFFF000  }
.LBB2_1:
0x20: {  	[tilespmem:s3], [sflag:$0x9] =	stream.strided.gather [hbm4b:s5+s10], $0x200, s11, s10, $0x38;
	[tilespmem:$0x14200] =	vst v63  }
0x21: {  	_ =	swait.ge [sflag:s12], $0x200  }
0x22: {  	[sflag:s12] =	ssyncset.done $0x0  }
0x23: {  	s21 =	simm.s32 $0x0;
	[sflag:s12] =	ssyncadd.s32 $0xFFFFFE00  }
.LBB2_2:
0x24: {  	s20 =	sshll.u32 s21, $0x4  }
0x25: {  	s20 =	sand.u32 $0x3FFFFFF0, s20  }
0x26: {  	v33 =	vld [tilespmem:s20+$0x0];
	_ =	sdelay $0x4  }
0x27: {  	v34 =	vshrl.u32 v33, $0x4  }
0x28: {  	v34 =	vand.u32 $0x7, v34  }
0x29: {  	v33 =	vand.u32 $0xFFFFFF80, v33;
	v34 =	vshll.u32 v34, $0x1  }
0x2a: {  	v33 =	vadd.s32 s0, v33;
	(v2sf) =	vpush v34, $0x0  }
0x2b: {  	(v2sf) =	vpush v33, $0x0;
	_ =	sdelay $0xc  }
0x2c: {  	s29 =	sshll.u32 s21, $0xD  }
0x2d: {  	s22 =	sand.u32 $0x3FFFE000, s29;
	s30 =	spop (v2sf)  }
0x2e: {  	s25 =	sor.u32 $0x200, s22;
	s23 =	spop (v2sf)  }
0x2f: {  	s20 =	simm.s32 $0x0;
	s24 =	sadd.s32 s23, s30;
	s23 =	sadd.s32 $0x1, s21  }
0x30: {  	[tilespmem:s25], [sflag:s23] =	stream.linear.gather [hbm4b:s24+s20], $0x10, $0x38;
	[tilespmem:$0x14200] =	vst v63  }
0x31: {  	s26 =	sor.u32 $0x280, s22;
	s31 =	sadd.s32 $0x10, s24  }
0x32: {  	[tilespmem:s26], [sflag:s23] =	stream.linear.gather [hbm4b:s31+s20], $0x10, $0x38;
	[tilespmem:$0x14200] =	vst v63  }
0x33: {  	s29 =	sor.u32 $0x300, s22;
	s28 =	sadd.s32 $0x20, s24  }
0x34: {  	[tilespmem:s29], [sflag:s23] =	stream.linear.gather [hbm4b:s28+s20], $0x10, $0x38;
	[tilespmem:$0x14200] =	vst v63  }
0x35: {  	s30 =	sadd.s32 $0x30, s24;
	s31 =	sor.u32 $0x380, s22  }
0x36: {  	[tilespmem:s31], [sflag:s23] =	stream.linear.gather [hbm4b:s30+s20], $0x10, $0x38;
	[tilespmem:$0x14200] =	vst v63  }
0x37: {  	s28 =	sadd.s32 $0x40, s24;
	s29 =	sor.u32 $0x400, s22  }
0x38: {  	[tilespmem:s29], [sflag:s23] =	stream.linear.gather [hbm4b:s28+s20], $0x10, $0x38;
	[tilespmem:$0x14200] =	vst v63  }
0x39: {  	s30 =	sadd.s32 $0x50, s24;
	s31 =	sor.u32 $0x480, s22  }
0x3a: {  	[tilespmem:s31], [sflag:s23] =	stream.linear.gather [hbm4b:s30+s20], $0x10, $0x38;
	[tilespmem:$0x14200] =	vst v63  }
0x3b: {  	s28 =	sadd.s32 $0x60, s24;
	s29 =	sor.u32 $0x500, s22  }
0x3c: {  	[tilespmem:s29], [sflag:s23] =	stream.linear.gather [hbm4b:s28+s20], $0x10, $0x38;
	[tilespmem:$0x14200] =	vst v63  }
0x3d: {  	s30 =	sadd.s32 $0x70, s24;
	s31 =	sor.u32 $0x580, s22  }
0x3e: {  	[tilespmem:s31], [sflag:s23] =	stream.linear.gather [hbm4b:s30+s20], $0x10, $0x38;
	[tilespmem:$0x14200] =	vst v63  }
0x3f: {  	s25 =	sadd.s32 $0xF4280, s24;
	s28 =	sor.u32 $0x600, s22  }
0x40: {  	[tilespmem:s28], [sflag:s23] =	stream.linear.gather [hbm4b:s25+s20], $0x10, $0x38;
	[tilespmem:$0x14200] =	vst v63  }
0x41: {  	s29 =	sadd.s32 $0x10, s25;
	s28 =	sor.u32 $0x680, s22  }
0x42: {  	[tilespmem:s28], [sflag:s23] =	stream.linear.gather [hbm4b:s29+s20], $0x10, $0x38;
	[tilespmem:$0x14200] =	vst v63  }
0x43: {  	s30 =	sadd.s32 $0x20, s25;
	s31 =	sor.u32 $0x700, s22  }
0x44: {  	[tilespmem:s31], [sflag:s23] =	stream.linear.gather [hbm4b:s30+s20], $0x10, $0x38;
	[tilespmem:$0x14200] =	vst v63  }
0x45: {  	s29 =	sadd.s32 $0x30, s25;
	s30 =	sor.u32 $0x780, s22  }
0x46: {  	[tilespmem:s30], [sflag:s23] =	stream.linear.gather [hbm4b:s29+s20], $0x10, $0x38;
	[tilespmem:$0x14200] =	vst v63  }
0x47: {  	s31 =	sadd.s32 $0x40, s25;
	s29 =	sor.u32 $0x800, s22  }
0x48: {  	[tilespmem:s29], [sflag:s23] =	stream.linear.gather [hbm4b:s31+s20], $0x10, $0x38;
	[tilespmem:$0x14200] =	vst v63  }
0x49: {  	s30 =	sadd.s32 $0x50, s25;
	s31 =	sor.u32 $0x880, s22  }
0x4a: {  	[tilespmem:s31], [sflag:s23] =	stream.linear.gather [hbm4b:s30+s20], $0x10, $0x38;
	[tilespmem:$0x14200] =	vst v63  }
0x4b: {  	s29 =	sadd.s32 $0x60, s25;
	s30 =	sor.u32 $0x900, s22  }
0x4c: {  	[tilespmem:s30], [sflag:s23] =	stream.linear.gather [hbm4b:s29+s20], $0x10, $0x38;
	[tilespmem:$0x14200] =	vst v63  }
0x4d: {  	s25 =	sadd.s32 $0x70, s25;
	s31 =	sor.u32 $0x980, s22  }
0x4e: {  	[tilespmem:s31], [sflag:s23] =	stream.linear.gather [hbm4b:s25+s20], $0x10, $0x38;
	[tilespmem:$0x14200] =	vst v63  }
0x4f: {  	s28 =	sor.u32 $0xA00, s22;
	s25 =	sadd.s32 $0x1E8500, s24  }
0x50: {  	[tilespmem:s28], [sflag:s23] =	stream.linear.gather [hbm4b:s25+s20], $0x10, $0x38;
	[tilespmem:$0x14200] =	vst v63  }
0x51: {  	s30 =	sor.u32 $0xA80, s22;
	s29 =	sadd.s32 $0x10, s25  }
0x52: {  	[tilespmem:s30], [sflag:s23] =	stream.linear.gather [hbm4b:s29+s20], $0x10, $0x38;
	[tilespmem:$0x14200] =	vst v63  }
0x53: {  	s31 =	sadd.s32 $0x20, s25;
	s29 =	sor.u32 $0xB00, s22  }
0x54: {  	[tilespmem:s29], [sflag:s23] =	stream.linear.gather [hbm4b:s31+s20], $0x10, $0x38;
	[tilespmem:$0x14200] =	vst v63  }
0x55: {  	s30 =	sadd.s32 $0x30, s25;
	s31 =	sor.u32 $0xB80, s22  }
0x56: {  	[tilespmem:s31], [sflag:s23] =	stream.linear.gather [hbm4b:s30+s20], $0x10, $0x38;
	[tilespmem:$0x14200] =	vst v63  }
0x57: {  	s29 =	sadd.s32 $0x40, s25;
	s30 =	sor.u32 $0xC00, s22  }
0x58: {  	[tilespmem:s30], [sflag:s23] =	stream.linear.gather [hbm4b:s29+s20], $0x10, $0x38;
	[tilespmem:$0x14200] =	vst v63  }
0x59: {  	s31 =	sadd.s32 $0x50, s25;
	s29 =	sor.u32 $0xC80, s22  }
0x5a: {  	[tilespmem:s29], [sflag:s23] =	stream.linear.gather [hbm4b:s31+s20], $0x10, $0x38;
	[tilespmem:$0x14200] =	vst v63  }
0x5b: {  	s30 =	sadd.s32 $0x60, s25;
	s31 =	sor.u32 $0xD00, s22  }
0x5c: {  	(v2sf) =	vpush v34, $0x1;
	[tilespmem:s31], [sflag:s23] =	stream.linear.gather [hbm4b:s30+s20], $0x10, $0x38;
	[tilespmem:$0x14200] =	vst v63  }
0x5d: {  	s28 =	sor.u32 $0xD80, s22;
	s25 =	sadd.s32 $0x70, s25  }
0x5e: {  	(v2sf) =	vpush v33, $0x1;
	[tilespmem:s28], [sflag:s23] =	stream.linear.gather [hbm4b:s25+s20], $0x10, $0x38;
	[tilespmem:$0x14200] =	vst v63  }
0x5f: {  	s24 =	sadd.s32 $0x2DC780, s24;
	s29 =	sor.u32 $0xE00, s22  }
0x60: {  	[tilespmem:s29], [sflag:s23] =	stream.linear.gather [hbm4b:s24+s20], $0x10, $0x38;
	[tilespmem:$0x14200] =	vst v63  }
0x61: {  	s30 =	sadd.s32 $0x10, s24;
	s31 =	sor.u32 $0xE80, s22  }
0x62: {  	[tilespmem:s31], [sflag:s23] =	stream.linear.gather [hbm4b:s30+s20], $0x10, $0x38;
	[tilespmem:$0x14200] =	vst v63  }
0x63: {  	s28 =	sadd.s32 $0x20, s24;
	s29 =	sor.u32 $0xF00, s22  }
0x64: {  	[tilespmem:s29], [sflag:s23] =	stream.linear.gather [hbm4b:s28+s20], $0x10, $0x38;
	[tilespmem:$0x14200] =	vst v63  }
0x65: {  	s30 =	sadd.s32 $0x30, s24;
	s31 =	sor.u32 $0xF80, s22  }
0x66: {  	[tilespmem:s31], [sflag:s23] =	stream.linear.gather [hbm4b:s30+s20], $0x10, $0x38;
	[tilespmem:$0x14200] =	vst v63  }
0x67: {  	s28 =	sadd.s32 $0x40, s24;
	s29 =	sor.u32 $0x1000, s22  }
0x68: {  	[tilespmem:s29], [sflag:s23] =	stream.linear.gather [hbm4b:s28+s20], $0x10, $0x38;
	[tilespmem:$0x14200] =	vst v63  }
0x69: {  	s30 =	sadd.s32 $0x50, s24;
	s31 =	sor.u32 $0x1080, s22  }
0x6a: {  	[tilespmem:s31], [sflag:s23] =	stream.linear.gather [hbm4b:s30+s20], $0x10, $0x38;
	[tilespmem:$0x14200] =	vst v63  }
0x6b: {  	s26 =	sadd.s32 $0x60, s24;
	s28 =	sor.u32 $0x1100, s22;
	s30 =	spop (v2sf)  }
0x6c: {  	[tilespmem:s28], [sflag:s23] =	stream.linear.gather [hbm4b:s26+s20], $0x10, $0x38;
	[tilespmem:$0x14200] =	vst v63  }
0x6d: {  	s24 =	sadd.s32 $0x70, s24;
	s29 =	sor.u32 $0x1180, s22;
	s31 =	spop (v2sf)  }
0x6e: {  	[tilespmem:s29], [sflag:s23] =	stream.linear.gather [hbm4b:s24+s20], $0x10, $0x38;
	[tilespmem:$0x14200] =	vst v63  }
0x6f: {  	s26 =	sor.u32 $0x210, s22;
	s24 =	sadd.s32 s30, s31  }
0x70: {  	[tilespmem:s26], [sflag:s23] =	stream.linear.gather [hbm4b:s24+s20], $0x10, $0x38;
	[tilespmem:$0x14200] =	vst v63  }
0x71: {  	s29 =	sor.u32 $0x290, s22;
	s28 =	sadd.s32 $0x10, s24  }
0x72: {  	[tilespmem:s29], [sflag:s23] =	stream.linear.gather [hbm4b:s28+s20], $0x10, $0x38;
	[tilespmem:$0x14200] =	vst v63  }
0x73: {  	s31 =	sor.u32 $0x310, s22;
	s30 =	sadd.s32 $0x20, s24  }
0x74: {  	[tilespmem:s31], [sflag:s23] =	stream.linear.gather [hbm4b:s30+s20], $0x10, $0x38;
	[tilespmem:$0x14200] =	vst v63  }
0x75: {  	s28 =	sadd.s32 $0x30, s24;
	s29 =	sor.u32 $0x390, s22  }
0x76: {  	[tilespmem:s29], [sflag:s23] =	stream.linear.gather [hbm4b:s28+s20], $0x10, $0x38;
	[tilespmem:$0x14200] =	vst v63  }
0x77: {  	s30 =	sadd.s32 $0x40, s24;
	s31 =	sor.u32 $0x410, s22  }
0x78: {  	[tilespmem:s31], [sflag:s23] =	stream.linear.gather [hbm4b:s30+s20], $0x10, $0x38;
	[tilespmem:$0x14200] =	vst v63  }
0x79: {  	s28 =	sadd.s32 $0x50, s24;
	s29 =	sor.u32 $0x490, s22  }
0x7a: {  	[tilespmem:s29], [sflag:s23] =	stream.linear.gather [hbm4b:s28+s20], $0x10, $0x38;
	[tilespmem:$0x14200] =	vst v63  }
0x7b: {  	s30 =	sadd.s32 $0x60, s24;
	s31 =	sor.u32 $0x510, s22  }
0x7c: {  	[tilespmem:s31], [sflag:s23] =	stream.linear.gather [hbm4b:s30+s20], $0x10, $0x38;
	[tilespmem:$0x14200] =	vst v63  }
0x7d: {  	s28 =	sadd.s32 $0x70, s24;
	s29 =	sor.u32 $0x590, s22  }
0x7e: {  	[tilespmem:s29], [sflag:s23] =	stream.linear.gather [hbm4b:s28+s20], $0x10, $0x38;
	[tilespmem:$0x14200] =	vst v63  }
0x7f: {  	s25 =	sadd.s32 $0xF4280, s24;
	s30 =	sor.u32 $0x610, s22  }
0x80: {  	[tilespmem:s30], [sflag:s23] =	stream.linear.gather [hbm4b:s25+s20], $0x10, $0x38;
	[tilespmem:$0x14200] =	vst v63  }
0x81: {  	s31 =	sadd.s32 $0x10, s25;
	s29 =	sor.u32 $0x690, s22  }
0x82: {  	[tilespmem:s29], [sflag:s23] =	stream.linear.gather [hbm4b:s31+s20], $0x10, $0x38;
	[tilespmem:$0x14200] =	vst v63  }
0x83: {  	s30 =	sadd.s32 $0x20, s25;
	s31 =	sor.u32 $0x710, s22  }
0x84: {  	[tilespmem:s31], [sflag:s23] =	stream.linear.gather [hbm4b:s30+s20], $0x10, $0x38;
	[tilespmem:$0x14200] =	vst v63  }
0x85: {  	s29 =	sadd.s32 $0x30, s25;
	s30 =	sor.u32 $0x790, s22  }
0x86: {  	[tilespmem:s30], [sflag:s23] =	stream.linear.gather [hbm4b:s29+s20], $0x10, $0x38;
	[tilespmem:$0x14200] =	vst v63  }
0x87: {  	s31 =	sadd.s32 $0x40, s25;
	s29 =	sor.u32 $0x810, s22  }
0x88: {  	[tilespmem:s29], [sflag:s23] =	stream.linear.gather [hbm4b:s31+s20], $0x10, $0x38;
	[tilespmem:$0x14200] =	vst v63  }
0x89: {  	s30 =	sadd.s32 $0x50, s25;
	s31 =	sor.u32 $0x890, s22  }
0x8a: {  	[tilespmem:s31], [sflag:s23] =	stream.linear.gather [hbm4b:s30+s20], $0x10, $0x38;
	[tilespmem:$0x14200] =	vst v63  }
0x8b: {  	s29 =	sadd.s32 $0x60, s25;
	s30 =	sor.u32 $0x910, s22  }
0x8c: {  	[tilespmem:s30], [sflag:s23] =	stream.linear.gather [hbm4b:s29+s20], $0x10, $0x38;
	[tilespmem:$0x14200] =	vst v63  }
0x8d: {  	s25 =	sadd.s32 $0x70, s25;
	s31 =	sor.u32 $0x990, s22  }
0x8e: {  	[tilespmem:s31], [sflag:s23] =	stream.linear.gather [hbm4b:s25+s20], $0x10, $0x38;
	[tilespmem:$0x14200] =	vst v63  }
0x8f: {  	s28 =	sor.u32 $0xA10, s22;
	s25 =	sadd.s32 $0x1E8500, s24  }
0x90: {  	[tilespmem:s28], [sflag:s23] =	stream.linear.gather [hbm4b:s25+s20], $0x10, $0x38;
	[tilespmem:$0x14200] =	vst v63  }
0x91: {  	s30 =	sor.u32 $0xA90, s22;
	s29 =	sadd.s32 $0x10, s25  }
0x92: {  	[tilespmem:s30], [sflag:s23] =	stream.linear.gather [hbm4b:s29+s20], $0x10, $0x38;
	[tilespmem:$0x14200] =	vst v63  }
0x93: {  	s31 =	sadd.s32 $0x20, s25;
	s29 =	sor.u32 $0xB10, s22  }
0x94: {  	[tilespmem:s29], [sflag:s23] =	stream.linear.gather [hbm4b:s31+s20], $0x10, $0x38;
	[tilespmem:$0x14200] =	vst v63  }
0x95: {  	s30 =	sadd.s32 $0x30, s25;
	s31 =	sor.u32 $0xB90, s22  }
0x96: {  	[tilespmem:s31], [sflag:s23] =	stream.linear.gather [hbm4b:s30+s20], $0x10, $0x38;
	[tilespmem:$0x14200] =	vst v63  }
0x97: {  	s29 =	sadd.s32 $0x40, s25;
	s30 =	sor.u32 $0xC10, s22  }
0x98: {  	[tilespmem:s30], [sflag:s23] =	stream.linear.gather [hbm4b:s29+s20], $0x10, $0x38;
	[tilespmem:$0x14200] =	vst v63  }
0x99: {  	s31 =	sadd.s32 $0x50, s25;
	s29 =	sor.u32 $0xC90, s22  }
0x9a: {  	[tilespmem:s29], [sflag:s23] =	stream.linear.gather [hbm4b:s31+s20], $0x10, $0x38;
	[tilespmem:$0x14200] =	vst v63  }
0x9b: {  	s30 =	sadd.s32 $0x60, s25;
	s31 =	sor.u32 $0xD10, s22  }
0x9c: {  	(v2sf) =	vpush v34, $0x2;
	[tilespmem:s31], [sflag:s23] =	stream.linear.gather [hbm4b:s30+s20], $0x10, $0x38;
	[tilespmem:$0x14200] =	vst v63  }
0x9d: {  	s28 =	sor.u32 $0xD90, s22;
	s25 =	sadd.s32 $0x70, s25  }
0x9e: {  	(v2sf) =	vpush v33, $0x2;
	[tilespmem:s28], [sflag:s23] =	stream.linear.gather [hbm4b:s25+s20], $0x10, $0x38;
	[tilespmem:$0x14200] =	vst v63  }
0x9f: {  	s24 =	sadd.s32 $0x2DC780, s24;
	s29 =	sor.u32 $0xE10, s22  }
0xa0: {  	[tilespmem:s29], [sflag:s23] =	stream.linear.gather [hbm4b:s24+s20], $0x10, $0x38;
	[tilespmem:$0x14200] =	vst v63  }
0xa1: {  	s30 =	sadd.s32 $0x10, s24;
	s31 =	sor.u32 $0xE90, s22  }
0xa2: {  	[tilespmem:s31], [sflag:s23] =	stream.linear.gather [hbm4b:s30+s20], $0x10, $0x38;
	[tilespmem:$0x14200] =	vst v63  }
0xa3: {  	s28 =	sadd.s32 $0x20, s24;
	s29 =	sor.u32 $0xF10, s22  }
0xa4: {  	[tilespmem:s29], [sflag:s23] =	stream.linear.gather [hbm4b:s28+s20], $0x10, $0x38;
	[tilespmem:$0x14200] =	vst v63  }
0xa5: {  	s30 =	sadd.s32 $0x30, s24;
	s31 =	sor.u32 $0xF90, s22  }
0xa6: {  	[tilespmem:s31], [sflag:s23] =	stream.linear.gather [hbm4b:s30+s20], $0x10, $0x38;
	[tilespmem:$0x14200] =	vst v63  }
0xa7: {  	s28 =	sadd.s32 $0x40, s24;
	s29 =	sor.u32 $0x1010, s22  }
0xa8: {  	[tilespmem:s29], [sflag:s23] =	stream.linear.gather [hbm4b:s28+s20], $0x10, $0x38;
	[tilespmem:$0x14200] =	vst v63  }
0xa9: {  	s30 =	sadd.s32 $0x50, s24;
	s31 =	sor.u32 $0x1090, s22  }
0xaa: {  	[tilespmem:s31], [sflag:s23] =	stream.linear.gather [hbm4b:s30+s20], $0x10, $0x38;
	[tilespmem:$0x14200] =	vst v63  }
0xab: {  	s26 =	sadd.s32 $0x60, s24;
	s28 =	sor.u32 $0x1110, s22;
	s30 =	spop (v2sf)  }
0xac: {  	[tilespmem:s28], [sflag:s23] =	stream.linear.gather [hbm4b:s26+s20], $0x10, $0x38;
	[tilespmem:$0x14200] =	vst v63  }
0xad: {  	s24 =	sadd.s32 $0x70, s24;
	s29 =	sor.u32 $0x1190, s22;
	s31 =	spop (v2sf)  }
0xae: {  	[tilespmem:s29], [sflag:s23] =	stream.linear.gather [hbm4b:s24+s20], $0x10, $0x38;
	[tilespmem:$0x14200] =	vst v63  }
0xaf: {  	s26 =	sor.u32 $0x220, s22;
	s24 =	sadd.s32 s30, s31  }
0xb0: {  	[tilespmem:s26], [sflag:s23] =	stream.linear.gather [hbm4b:s24+s20], $0x10, $0x38;
	[tilespmem:$0x14200] =	vst v63  }
0xb1: {  	s29 =	sor.u32 $0x2A0, s22;
	s28 =	sadd.s32 $0x10, s24  }
0xb2: {  	[tilespmem:s29], [sflag:s23] =	stream.linear.gather [hbm4b:s28+s20], $0x10, $0x38;
	[tilespmem:$0x14200] =	vst v63  }
0xb3: {  	s31 =	sor.u32 $0x320, s22;
	s30 =	sadd.s32 $0x20, s24  }
0xb4: {  	[tilespmem:s31], [sflag:s23] =	stream.linear.gather [hbm4b:s30+s20], $0x10, $0x38;
	[tilespmem:$0x14200] =	vst v63  }
0xb5: {  	s28 =	sadd.s32 $0x30, s24;
	s29 =	sor.u32 $0x3A0, s22  }
0xb6: {  	[tilespmem:s29], [sflag:s23] =	stream.linear.gather [hbm4b:s28+s20], $0x10, $0x38;
	[tilespmem:$0x14200] =	vst v63  }
0xb7: {  	s30 =	sadd.s32 $0x40, s24;
	s31 =	sor.u32 $0x420, s22  }
0xb8: {  	[tilespmem:s31], [sflag:s23] =	stream.linear.gather [hbm4b:s30+s20], $0x10, $0x38;
	[tilespmem:$0x14200] =	vst v63  }
0xb9: {  	s28 =	sadd.s32 $0x50, s24;
	s29 =	sor.u32 $0x4A0, s22  }
0xba: {  	[tilespmem:s29], [sflag:s23] =	stream.linear.gather [hbm4b:s28+s20], $0x10, $0x38;
	[tilespmem:$0x14200] =	vst v63  }
0xbb: {  	s30 =	sadd.s32 $0x60, s24;
	s31 =	sor.u32 $0x520, s22  }
0xbc: {  	[tilespmem:s31], [sflag:s23] =	stream.linear.gather [hbm4b:s30+s20], $0x10, $0x38;
	[tilespmem:$0x14200] =	vst v63  }
0xbd: {  	s28 =	sadd.s32 $0x70, s24;
	s29 =	sor.u32 $0x5A0, s22  }
0xbe: {  	[tilespmem:s29], [sflag:s23] =	stream.linear.gather [hbm4b:s28+s20], $0x10, $0x38;
	[tilespmem:$0x14200] =	vst v63  }
0xbf: {  	s25 =	sadd.s32 $0xF4280, s24;
	s30 =	sor.u32 $0x620, s22  }
0xc0: {  	[tilespmem:s30], [sflag:s23] =	stream.linear.gather [hbm4b:s25+s20], $0x10, $0x38;
	[tilespmem:$0x14200] =	vst v63  }
0xc1: {  	s31 =	sadd.s32 $0x10, s25;
	s29 =	sor.u32 $0x6A0, s22  }
0xc2: {  	[tilespmem:s29], [sflag:s23] =	stream.linear.gather [hbm4b:s31+s20], $0x10, $0x38;
	[tilespmem:$0x14200] =	vst v63  }
0xc3: {  	s30 =	sadd.s32 $0x20, s25;
	s31 =	sor.u32 $0x720, s22  }
0xc4: {  	[tilespmem:s31], [sflag:s23] =	stream.linear.gather [hbm4b:s30+s20], $0x10, $0x38;
	[tilespmem:$0x14200] =	vst v63  }
0xc5: {  	s29 =	sadd.s32 $0x30, s25;
	s30 =	sor.u32 $0x7A0, s22  }
0xc6: {  	[tilespmem:s30], [sflag:s23] =	stream.linear.gather [hbm4b:s29+s20], $0x10, $0x38;
	[tilespmem:$0x14200] =	vst v63  }
0xc7: {  	s31 =	sadd.s32 $0x40, s25;
	s29 =	sor.u32 $0x820, s22  }
0xc8: {  	[tilespmem:s29], [sflag:s23] =	stream.linear.gather [hbm4b:s31+s20], $0x10, $0x38;
	[tilespmem:$0x14200] =	vst v63  }
0xc9: {  	s30 =	sadd.s32 $0x50, s25;
	s31 =	sor.u32 $0x8A0, s22  }
0xca: {  	[tilespmem:s31], [sflag:s23] =	stream.linear.gather [hbm4b:s30+s20], $0x10, $0x38;
	[tilespmem:$0x14200] =	vst v63  }
0xcb: {  	s29 =	sadd.s32 $0x60, s25;
	s30 =	sor.u32 $0x920, s22  }
0xcc: {  	[tilespmem:s30], [sflag:s23] =	stream.linear.gather [hbm4b:s29+s20], $0x10, $0x38;
	[tilespmem:$0x14200] =	vst v63  }
0xcd: {  	s25 =	sadd.s32 $0x70, s25;
	s31 =	sor.u32 $0x9A0, s22  }
0xce: {  	[tilespmem:s31], [sflag:s23] =	stream.linear.gather [hbm4b:s25+s20], $0x10, $0x38;
	[tilespmem:$0x14200] =	vst v63  }
0xcf: {  	s28 =	sor.u32 $0xA20, s22;
	s25 =	sadd.s32 $0x1E8500, s24  }
0xd0: {  	[tilespmem:s28], [sflag:s23] =	stream.linear.gather [hbm4b:s25+s20], $0x10, $0x38;
	[tilespmem:$0x14200] =	vst v63  }
0xd1: {  	s30 =	sor.u32 $0xAA0, s22;
	s29 =	sadd.s32 $0x10, s25  }
0xd2: {  	[tilespmem:s30], [sflag:s23] =	stream.linear.gather [hbm4b:s29+s20], $0x10, $0x38;
	[tilespmem:$0x14200] =	vst v63  }
0xd3: {  	s31 =	sadd.s32 $0x20, s25;
	s29 =	sor.u32 $0xB20, s22  }
0xd4: {  	[tilespmem:s29], [sflag:s23] =	stream.linear.gather [hbm4b:s31+s20], $0x10, $0x38;
	[tilespmem:$0x14200] =	vst v63  }
0xd5: {  	s30 =	sadd.s32 $0x30, s25;
	s31 =	sor.u32 $0xBA0, s22  }
0xd6: {  	[tilespmem:s31], [sflag:s23] =	stream.linear.gather [hbm4b:s30+s20], $0x10, $0x38;
	[tilespmem:$0x14200] =	vst v63  }
0xd7: {  	s29 =	sadd.s32 $0x40, s25;
	s30 =	sor.u32 $0xC20, s22  }
0xd8: {  	[tilespmem:s30], [sflag:s23] =	stream.linear.gather [hbm4b:s29+s20], $0x10, $0x38;
	[tilespmem:$0x14200] =	vst v63  }
0xd9: {  	s31 =	sadd.s32 $0x50, s25;
	s29 =	sor.u32 $0xCA0, s22  }
0xda: {  	[tilespmem:s29], [sflag:s23] =	stream.linear.gather [hbm4b:s31+s20], $0x10, $0x38;
	[tilespmem:$0x14200] =	vst v63  }
0xdb: {  	s30 =	sadd.s32 $0x60, s25;
	s31 =	sor.u32 $0xD20, s22  }
0xdc: {  	(v2sf) =	vpush v34, $0x3;
	[tilespmem:s31], [sflag:s23] =	stream.linear.gather [hbm4b:s30+s20], $0x10, $0x38;
	[tilespmem:$0x14200] =	vst v63  }
0xdd: {  	s28 =	sor.u32 $0xDA0, s22;
	s25 =	sadd.s32 $0x70, s25  }
0xde: {  	(v2sf) =	vpush v33, $0x3;
	[tilespmem:s28], [sflag:s23] =	stream.linear.gather [hbm4b:s25+s20], $0x10, $0x38;
	[tilespmem:$0x14200] =	vst v63  }
0xdf: {  	s24 =	sadd.s32 $0x2DC780, s24;
	s29 =	sor.u32 $0xE20, s22  }
0xe0: {  	[tilespmem:s29], [sflag:s23] =	stream.linear.gather [hbm4b:s24+s20], $0x10, $0x38;
	[tilespmem:$0x14200] =	vst v63  }
0xe1: {  	s30 =	sadd.s32 $0x10, s24;
	s31 =	sor.u32 $0xEA0, s22  }
0xe2: {  	[tilespmem:s31], [sflag:s23] =	stream.linear.gather [hbm4b:s30+s20], $0x10, $0x38;
	[tilespmem:$0x14200] =	vst v63  }
0xe3: {  	s28 =	sadd.s32 $0x20, s24;
	s29 =	sor.u32 $0xF20, s22  }
0xe4: {  	[tilespmem:s29], [sflag:s23] =	stream.linear.gather [hbm4b:s28+s20], $0x10, $0x38;
	[tilespmem:$0x14200] =	vst v63  }
0xe5: {  	s30 =	sadd.s32 $0x30, s24;
	s31 =	sor.u32 $0xFA0, s22  }
0xe6: {  	[tilespmem:s31], [sflag:s23] =	stream.linear.gather [hbm4b:s30+s20], $0x10, $0x38;
	[tilespmem:$0x14200] =	vst v63  }
0xe7: {  	s28 =	sadd.s32 $0x40, s24;
	s29 =	sor.u32 $0x1020, s22  }
0xe8: {  	[tilespmem:s29], [sflag:s23] =	stream.linear.gather [hbm4b:s28+s20], $0x10, $0x38;
	[tilespmem:$0x14200] =	vst v63  }
0xe9: {  	s30 =	sadd.s32 $0x50, s24;
	s31 =	sor.u32 $0x10A0, s22  }
0xea: {  	[tilespmem:s31], [sflag:s23] =	stream.linear.gather [hbm4b:s30+s20], $0x10, $0x38;
	[tilespmem:$0x14200] =	vst v63  }
0xeb: {  	s26 =	sadd.s32 $0x60, s24;
	s28 =	sor.u32 $0x1120, s22;
	s30 =	spop (v2sf)  }
0xec: {  	[tilespmem:s28], [sflag:s23] =	stream.linear.gather [hbm4b:s26+s20], $0x10, $0x38;
	[tilespmem:$0x14200] =	vst v63  }
0xed: {  	s24 =	sadd.s32 $0x70, s24;
	s29 =	sor.u32 $0x11A0, s22;
	s31 =	spop (v2sf)  }
0xee: {  	[tilespmem:s29], [sflag:s23] =	stream.linear.gather [hbm4b:s24+s20], $0x10, $0x38;
	[tilespmem:$0x14200] =	vst v63  }
0xef: {  	s26 =	sor.u32 $0x230, s22;
	s24 =	sadd.s32 s30, s31  }
0xf0: {  	[tilespmem:s26], [sflag:s23] =	stream.linear.gather [hbm4b:s24+s20], $0x10, $0x38;
	[tilespmem:$0x14200] =	vst v63  }
0xf1: {  	s29 =	sor.u32 $0x2B0, s22;
	s28 =	sadd.s32 $0x10, s24  }
0xf2: {  	[tilespmem:s29], [sflag:s23] =	stream.linear.gather [hbm4b:s28+s20], $0x10, $0x38;
	[tilespmem:$0x14200] =	vst v63  }
0xf3: {  	s31 =	sor.u32 $0x330, s22;
	s30 =	sadd.s32 $0x20, s24  }
0xf4: {  	[tilespmem:s31], [sflag:s23] =	stream.linear.gather [hbm4b:s30+s20], $0x10, $0x38;
	[tilespmem:$0x14200] =	vst v63  }
0xf5: {  	s28 =	sadd.s32 $0x30, s24;
	s29 =	sor.u32 $0x3B0, s22  }
0xf6: {  	[tilespmem:s29], [sflag:s23] =	stream.linear.gather [hbm4b:s28+s20], $0x10, $0x38;
	[tilespmem:$0x14200] =	vst v63  }
0xf7: {  	s30 =	sadd.s32 $0x40, s24;
	s31 =	sor.u32 $0x430, s22  }
0xf8: {  	[tilespmem:s31], [sflag:s23] =	stream.linear.gather [hbm4b:s30+s20], $0x10, $0x38;
	[tilespmem:$0x14200] =	vst v63  }
0xf9: {  	s28 =	sadd.s32 $0x50, s24;
	s29 =	sor.u32 $0x4B0, s22  }
0xfa: {  	[tilespmem:s29], [sflag:s23] =	stream.linear.gather [hbm4b:s28+s20], $0x10, $0x38;
	[tilespmem:$0x14200] =	vst v63  }
0xfb: {  	s30 =	sadd.s32 $0x60, s24;
	s31 =	sor.u32 $0x530, s22  }
0xfc: {  	[tilespmem:s31], [sflag:s23] =	stream.linear.gather [hbm4b:s30+s20], $0x10, $0x38;
	[tilespmem:$0x14200] =	vst v63  }
0xfd: {  	s28 =	sadd.s32 $0x70, s24;
	s29 =	sor.u32 $0x5B0, s22  }
0xfe: {  	[tilespmem:s29], [sflag:s23] =	stream.linear.gather [hbm4b:s28+s20], $0x10, $0x38;
	[tilespmem:$0x14200] =	vst v63  }
0xff: {  	s25 =	sadd.s32 $0xF4280, s24;
	s30 =	sor.u32 $0x630, s22  }
0x100: {  	[tilespmem:s30], [sflag:s23] =	stream.linear.gather [hbm4b:s25+s20], $0x10, $0x38;
	[tilespmem:$0x14200] =	vst v63  }
0x101: {  	s31 =	sadd.s32 $0x10, s25;
	s29 =	sor.u32 $0x6B0, s22  }
0x102: {  	[tilespmem:s29], [sflag:s23] =	stream.linear.gather [hbm4b:s31+s20], $0x10, $0x38;
	[tilespmem:$0x14200] =	vst v63  }
0x103: {  	s30 =	sadd.s32 $0x20, s25;
	s31 =	sor.u32 $0x730, s22  }
0x104: {  	[tilespmem:s31], [sflag:s23] =	stream.linear.gather [hbm4b:s30+s20], $0x10, $0x38;
	[tilespmem:$0x14200] =	vst v63  }
0x105: {  	s29 =	sadd.s32 $0x30, s25;
	s30 =	sor.u32 $0x7B0, s22  }
0x106: {  	[tilespmem:s30], [sflag:s23] =	stream.linear.gather [hbm4b:s29+s20], $0x10, $0x38;
	[tilespmem:$0x14200] =	vst v63  }
0x107: {  	s31 =	sadd.s32 $0x40, s25;
	s29 =	sor.u32 $0x830, s22  }
0x108: {  	[tilespmem:s29], [sflag:s23] =	stream.linear.gather [hbm4b:s31+s20], $0x10, $0x38;
	[tilespmem:$0x14200] =	vst v63  }
0x109: {  	s30 =	sadd.s32 $0x50, s25;
	s31 =	sor.u32 $0x8B0, s22  }
0x10a: {  	[tilespmem:s31], [sflag:s23] =	stream.linear.gather [hbm4b:s30+s20], $0x10, $0x38;
	[tilespmem:$0x14200] =	vst v63  }
0x10b: {  	s29 =	sadd.s32 $0x60, s25;
	s30 =	sor.u32 $0x930, s22  }
0x10c: {  	[tilespmem:s30], [sflag:s23] =	stream.linear.gather [hbm4b:s29+s20], $0x10, $0x38;
	[tilespmem:$0x14200] =	vst v63  }
0x10d: {  	s25 =	sadd.s32 $0x70, s25;
	s31 =	sor.u32 $0x9B0, s22  }
0x10e: {  	[tilespmem:s31], [sflag:s23] =	stream.linear.gather [hbm4b:s25+s20], $0x10, $0x38;
	[tilespmem:$0x14200] =	vst v63  }
0x10f: {  	s28 =	sor.u32 $0xA30, s22;
	s25 =	sadd.s32 $0x1E8500, s24  }
0x110: {  	[tilespmem:s28], [sflag:s23] =	stream.linear.gather [hbm4b:s25+s20], $0x10, $0x38;
	[tilespmem:$0x14200] =	vst v63  }
0x111: {  	s30 =	sor.u32 $0xAB0, s22;
	s29 =	sadd.s32 $0x10, s25  }
0x112: {  	[tilespmem:s30], [sflag:s23] =	stream.linear.gather [hbm4b:s29+s20], $0x10, $0x38;
	[tilespmem:$0x14200] =	vst v63  }
0x113: {  	s31 =	sadd.s32 $0x20, s25;
	s29 =	sor.u32 $0xB30, s22  }
0x114: {  	[tilespmem:s29], [sflag:s23] =	stream.linear.gather [hbm4b:s31+s20], $0x10, $0x38;
	[tilespmem:$0x14200] =	vst v63  }
0x115: {  	s30 =	sadd.s32 $0x30, s25;
	s31 =	sor.u32 $0xBB0, s22  }
0x116: {  	[tilespmem:s31], [sflag:s23] =	stream.linear.gather [hbm4b:s30+s20], $0x10, $0x38;
	[tilespmem:$0x14200] =	vst v63  }
0x117: {  	s29 =	sadd.s32 $0x40, s25;
	s30 =	sor.u32 $0xC30, s22  }
0x118: {  	[tilespmem:s30], [sflag:s23] =	stream.linear.gather [hbm4b:s29+s20], $0x10, $0x38;
	[tilespmem:$0x14200] =	vst v63  }
0x119: {  	s31 =	sadd.s32 $0x50, s25;
	s29 =	sor.u32 $0xCB0, s22  }
0x11a: {  	[tilespmem:s29], [sflag:s23] =	stream.linear.gather [hbm4b:s31+s20], $0x10, $0x38;
	[tilespmem:$0x14200] =	vst v63  }
0x11b: {  	s30 =	sadd.s32 $0x60, s25;
	s31 =	sor.u32 $0xD30, s22  }
0x11c: {  	(v2sf) =	vpush v34, $0x4;
	[tilespmem:s31], [sflag:s23] =	stream.linear.gather [hbm4b:s30+s20], $0x10, $0x38;
	[tilespmem:$0x14200] =	vst v63  }
0x11d: {  	s28 =	sor.u32 $0xDB0, s22;
	s25 =	sadd.s32 $0x70, s25  }
0x11e: {  	(v2sf) =	vpush v33, $0x4;
	[tilespmem:s28], [sflag:s23] =	stream.linear.gather [hbm4b:s25+s20], $0x10, $0x38;
	[tilespmem:$0x14200] =	vst v63  }
0x11f: {  	s24 =	sadd.s32 $0x2DC780, s24;
	s29 =	sor.u32 $0xE30, s22  }
0x120: {  	[tilespmem:s29], [sflag:s23] =	stream.linear.gather [hbm4b:s24+s20], $0x10, $0x38;
	[tilespmem:$0x14200] =	vst v63  }
0x121: {  	s30 =	sadd.s32 $0x10, s24;
	s31 =	sor.u32 $0xEB0, s22  }
0x122: {  	[tilespmem:s31], [sflag:s23] =	stream.linear.gather [hbm4b:s30+s20], $0x10, $0x38;
	[tilespmem:$0x14200] =	vst v63  }
0x123: {  	s28 =	sadd.s32 $0x20, s24;
	s29 =	sor.u32 $0xF30, s22  }
0x124: {  	[tilespmem:s29], [sflag:s23] =	stream.linear.gather [hbm4b:s28+s20], $0x10, $0x38;
	[tilespmem:$0x14200] =	vst v63  }
0x125: {  	s30 =	sadd.s32 $0x30, s24;
	s31 =	sor.u32 $0xFB0, s22  }
0x126: {  	[tilespmem:s31], [sflag:s23] =	stream.linear.gather [hbm4b:s30+s20], $0x10, $0x38;
	[tilespmem:$0x14200] =	vst v63  }
0x127: {  	s28 =	sadd.s32 $0x40, s24;
	s29 =	sor.u32 $0x1030, s22  }
0x128: {  	[tilespmem:s29], [sflag:s23] =	stream.linear.gather [hbm4b:s28+s20], $0x10, $0x38;
	[tilespmem:$0x14200] =	vst v63  }
0x129: {  	s30 =	sadd.s32 $0x50, s24;
	s31 =	sor.u32 $0x10B0, s22  }
0x12a: {  	[tilespmem:s31], [sflag:s23] =	stream.linear.gather [hbm4b:s30+s20], $0x10, $0x38;
	[tilespmem:$0x14200] =	vst v63  }
0x12b: {  	s26 =	sadd.s32 $0x60, s24;
	s28 =	sor.u32 $0x1130, s22;
	s30 =	spop (v2sf)  }
0x12c: {  	[tilespmem:s28], [sflag:s23] =	stream.linear.gather [hbm4b:s26+s20], $0x10, $0x38;
	[tilespmem:$0x14200] =	vst v63  }
0x12d: {  	s24 =	sadd.s32 $0x70, s24;
	s29 =	sor.u32 $0x11B0, s22;
	s31 =	spop (v2sf)  }
0x12e: {  	[tilespmem:s29], [sflag:s23] =	stream.linear.gather [hbm4b:s24+s20], $0x10, $0x38;
	[tilespmem:$0x14200] =	vst v63  }
0x12f: {  	s26 =	sor.u32 $0x240, s22;
	s24 =	sadd.s32 s30, s31  }
0x130: {  	[tilespmem:s26], [sflag:s23] =	stream.linear.gather [hbm4b:s24+s20], $0x10, $0x38;
	[tilespmem:$0x14200] =	vst v63  }
0x131: {  	s29 =	sor.u32 $0x2C0, s22;
	s28 =	sadd.s32 $0x10, s24  }
0x132: {  	[tilespmem:s29], [sflag:s23] =	stream.linear.gather [hbm4b:s28+s20], $0x10, $0x38;
	[tilespmem:$0x14200] =	vst v63  }
0x133: {  	s31 =	sor.u32 $0x340, s22;
	s30 =	sadd.s32 $0x20, s24  }
0x134: {  	[tilespmem:s31], [sflag:s23] =	stream.linear.gather [hbm4b:s30+s20], $0x10, $0x38;
	[tilespmem:$0x14200] =	vst v63  }
0x135: {  	s28 =	sadd.s32 $0x30, s24;
	s29 =	sor.u32 $0x3C0, s22  }
0x136: {  	[tilespmem:s29], [sflag:s23] =	stream.linear.gather [hbm4b:s28+s20], $0x10, $0x38;
	[tilespmem:$0x14200] =	vst v63  }
0x137: {  	s30 =	sadd.s32 $0x40, s24;
	s31 =	sor.u32 $0x440, s22  }
0x138: {  	[tilespmem:s31], [sflag:s23] =	stream.linear.gather [hbm4b:s30+s20], $0x10, $0x38;
	[tilespmem:$0x14200] =	vst v63  }
0x139: {  	s28 =	sadd.s32 $0x50, s24;
	s29 =	sor.u32 $0x4C0, s22  }
0x13a: {  	[tilespmem:s29], [sflag:s23] =	stream.linear.gather [hbm4b:s28+s20], $0x10, $0x38;
	[tilespmem:$0x14200] =	vst v63  }
0x13b: {  	s30 =	sadd.s32 $0x60, s24;
	s31 =	sor.u32 $0x540, s22  }
0x13c: {  	[tilespmem:s31], [sflag:s23] =	stream.linear.gather [hbm4b:s30+s20], $0x10, $0x38;
	[tilespmem:$0x14200] =	vst v63  }
0x13d: {  	s28 =	sadd.s32 $0x70, s24;
	s29 =	sor.u32 $0x5C0, s22  }
0x13e: {  	[tilespmem:s29], [sflag:s23] =	stream.linear.gather [hbm4b:s28+s20], $0x10, $0x38;
	[tilespmem:$0x14200] =	vst v63  }
0x13f: {  	s25 =	sadd.s32 $0xF4280, s24;
	s30 =	sor.u32 $0x640, s22  }
0x140: {  	[tilespmem:s30], [sflag:s23] =	stream.linear.gather [hbm4b:s25+s20], $0x10, $0x38;
	[tilespmem:$0x14200] =	vst v63  }
0x141: {  	s31 =	sadd.s32 $0x10, s25;
	s29 =	sor.u32 $0x6C0, s22  }
0x142: {  	[tilespmem:s29], [sflag:s23] =	stream.linear.gather [hbm4b:s31+s20], $0x10, $0x38;
	[tilespmem:$0x14200] =	vst v63  }
0x143: {  	s30 =	sadd.s32 $0x20, s25;
	s31 =	sor.u32 $0x740, s22  }
0x144: {  	[tilespmem:s31], [sflag:s23] =	stream.linear.gather [hbm4b:s30+s20], $0x10, $0x38;
	[tilespmem:$0x14200] =	vst v63  }
0x145: {  	s29 =	sadd.s32 $0x30, s25;
	s30 =	sor.u32 $0x7C0, s22  }
0x146: {  	[tilespmem:s30], [sflag:s23] =	stream.linear.gather [hbm4b:s29+s20], $0x10, $0x38;
	[tilespmem:$0x14200] =	vst v63  }
0x147: {  	s31 =	sadd.s32 $0x40, s25;
	s29 =	sor.u32 $0x840, s22  }
0x148: {  	[tilespmem:s29], [sflag:s23] =	stream.linear.gather [hbm4b:s31+s20], $0x10, $0x38;
	[tilespmem:$0x14200] =	vst v63  }
0x149: {  	s30 =	sadd.s32 $0x50, s25;
	s31 =	sor.u32 $0x8C0, s22  }
0x14a: {  	[tilespmem:s31], [sflag:s23] =	stream.linear.gather [hbm4b:s30+s20], $0x10, $0x38;
	[tilespmem:$0x14200] =	vst v63  }
0x14b: {  	s29 =	sadd.s32 $0x60, s25;
	s30 =	sor.u32 $0x940, s22  }
0x14c: {  	[tilespmem:s30], [sflag:s23] =	stream.linear.gather [hbm4b:s29+s20], $0x10, $0x38;
	[tilespmem:$0x14200] =	vst v63  }
0x14d: {  	s25 =	sadd.s32 $0x70, s25;
	s31 =	sor.u32 $0x9C0, s22  }
0x14e: {  	[tilespmem:s31], [sflag:s23] =	stream.linear.gather [hbm4b:s25+s20], $0x10, $0x38;
	[tilespmem:$0x14200] =	vst v63  }
0x14f: {  	s28 =	sor.u32 $0xA40, s22;
	s25 =	sadd.s32 $0x1E8500, s24  }
0x150: {  	[tilespmem:s28], [sflag:s23] =	stream.linear.gather [hbm4b:s25+s20], $0x10, $0x38;
	[tilespmem:$0x14200] =	vst v63  }
0x151: {  	s30 =	sor.u32 $0xAC0, s22;
	s29 =	sadd.s32 $0x10, s25  }
0x152: {  	[tilespmem:s30], [sflag:s23] =	stream.linear.gather [hbm4b:s29+s20], $0x10, $0x38;
	[tilespmem:$0x14200] =	vst v63  }
0x153: {  	s31 =	sadd.s32 $0x20, s25;
	s29 =	sor.u32 $0xB40, s22  }
0x154: {  	[tilespmem:s29], [sflag:s23] =	stream.linear.gather [hbm4b:s31+s20], $0x10, $0x38;
	[tilespmem:$0x14200] =	vst v63  }
0x155: {  	s30 =	sadd.s32 $0x30, s25;
	s31 =	sor.u32 $0xBC0, s22  }
0x156: {  	[tilespmem:s31], [sflag:s23] =	stream.linear.gather [hbm4b:s30+s20], $0x10, $0x38;
	[tilespmem:$0x14200] =	vst v63  }
0x157: {  	s29 =	sadd.s32 $0x40, s25;
	s30 =	sor.u32 $0xC40, s22  }
0x158: {  	[tilespmem:s30], [sflag:s23] =	stream.linear.gather [hbm4b:s29+s20], $0x10, $0x38;
	[tilespmem:$0x14200] =	vst v63  }
0x159: {  	s31 =	sadd.s32 $0x50, s25;
	s29 =	sor.u32 $0xCC0, s22  }
0x15a: {  	[tilespmem:s29], [sflag:s23] =	stream.linear.gather [hbm4b:s31+s20], $0x10, $0x38;
	[tilespmem:$0x14200] =	vst v63  }
0x15b: {  	s30 =	sadd.s32 $0x60, s25;
	s31 =	sor.u32 $0xD40, s22  }
0x15c: {  	(v2sf) =	vpush v34, $0x5;
	[tilespmem:s31], [sflag:s23] =	stream.linear.gather [hbm4b:s30+s20], $0x10, $0x38;
	[tilespmem:$0x14200] =	vst v63  }
0x15d: {  	s28 =	sor.u32 $0xDC0, s22;
	s25 =	sadd.s32 $0x70, s25  }
0x15e: {  	(v2sf) =	vpush v33, $0x5;
	[tilespmem:s28], [sflag:s23] =	stream.linear.gather [hbm4b:s25+s20], $0x10, $0x38;
	[tilespmem:$0x14200] =	vst v63  }
0x15f: {  	s24 =	sadd.s32 $0x2DC780, s24;
	s29 =	sor.u32 $0xE40, s22  }
0x160: {  	[tilespmem:s29], [sflag:s23] =	stream.linear.gather [hbm4b:s24+s20], $0x10, $0x38;
	[tilespmem:$0x14200] =	vst v63  }
0x161: {  	s30 =	sadd.s32 $0x10, s24;
	s31 =	sor.u32 $0xEC0, s22  }
0x162: {  	[tilespmem:s31], [sflag:s23] =	stream.linear.gather [hbm4b:s30+s20], $0x10, $0x38;
	[tilespmem:$0x14200] =	vst v63  }
0x163: {  	s28 =	sadd.s32 $0x20, s24;
	s29 =	sor.u32 $0xF40, s22  }
0x164: {  	[tilespmem:s29], [sflag:s23] =	stream.linear.gather [hbm4b:s28+s20], $0x10, $0x38;
	[tilespmem:$0x14200] =	vst v63  }
0x165: {  	s30 =	sadd.s32 $0x30, s24;
	s31 =	sor.u32 $0xFC0, s22  }
0x166: {  	[tilespmem:s31], [sflag:s23] =	stream.linear.gather [hbm4b:s30+s20], $0x10, $0x38;
	[tilespmem:$0x14200] =	vst v63  }
0x167: {  	s28 =	sadd.s32 $0x40, s24;
	s29 =	sor.u32 $0x1040, s22  }
0x168: {  	[tilespmem:s29], [sflag:s23] =	stream.linear.gather [hbm4b:s28+s20], $0x10, $0x38;
	[tilespmem:$0x14200] =	vst v63  }
0x169: {  	s30 =	sadd.s32 $0x50, s24;
	s31 =	sor.u32 $0x10C0, s22  }
0x16a: {  	[tilespmem:s31], [sflag:s23] =	stream.linear.gather [hbm4b:s30+s20], $0x10, $0x38;
	[tilespmem:$0x14200] =	vst v63  }
0x16b: {  	s26 =	sadd.s32 $0x60, s24;
	s28 =	sor.u32 $0x1140, s22;
	s30 =	spop (v2sf)  }
0x16c: {  	[tilespmem:s28], [sflag:s23] =	stream.linear.gather [hbm4b:s26+s20], $0x10, $0x38;
	[tilespmem:$0x14200] =	vst v63  }
0x16d: {  	s24 =	sadd.s32 $0x70, s24;
	s29 =	sor.u32 $0x11C0, s22;
	s31 =	spop (v2sf)  }
0x16e: {  	[tilespmem:s29], [sflag:s23] =	stream.linear.gather [hbm4b:s24+s20], $0x10, $0x38;
	[tilespmem:$0x14200] =	vst v63  }
0x16f: {  	s26 =	sor.u32 $0x250, s22;
	s24 =	sadd.s32 s30, s31  }
0x170: {  	[tilespmem:s26], [sflag:s23] =	stream.linear.gather [hbm4b:s24+s20], $0x10, $0x38;
	[tilespmem:$0x14200] =	vst v63  }
0x171: {  	s29 =	sor.u32 $0x2D0, s22;
	s28 =	sadd.s32 $0x10, s24  }
0x172: {  	[tilespmem:s29], [sflag:s23] =	stream.linear.gather [hbm4b:s28+s20], $0x10, $0x38;
	[tilespmem:$0x14200] =	vst v63  }
0x173: {  	s31 =	sor.u32 $0x350, s22;
	s30 =	sadd.s32 $0x20, s24  }
0x174: {  	[tilespmem:s31], [sflag:s23] =	stream.linear.gather [hbm4b:s30+s20], $0x10, $0x38;
	[tilespmem:$0x14200] =	vst v63  }
0x175: {  	s28 =	sadd.s32 $0x30, s24;
	s29 =	sor.u32 $0x3D0, s22  }
0x176: {  	[tilespmem:s29], [sflag:s23] =	stream.linear.gather [hbm4b:s28+s20], $0x10, $0x38;
	[tilespmem:$0x14200] =	vst v63  }
0x177: {  	s30 =	sadd.s32 $0x40, s24;
	s31 =	sor.u32 $0x450, s22  }
0x178: {  	[tilespmem:s31], [sflag:s23] =	stream.linear.gather [hbm4b:s30+s20], $0x10, $0x38;
	[tilespmem:$0x14200] =	vst v63  }
0x179: {  	s28 =	sadd.s32 $0x50, s24;
	s29 =	sor.u32 $0x4D0, s22  }
0x17a: {  	[tilespmem:s29], [sflag:s23] =	stream.linear.gather [hbm4b:s28+s20], $0x10, $0x38;
	[tilespmem:$0x14200] =	vst v63  }
0x17b: {  	s30 =	sadd.s32 $0x60, s24;
	s31 =	sor.u32 $0x550, s22  }
0x17c: {  	[tilespmem:s31], [sflag:s23] =	stream.linear.gather [hbm4b:s30+s20], $0x10, $0x38;
	[tilespmem:$0x14200] =	vst v63  }
0x17d: {  	s28 =	sadd.s32 $0x70, s24;
	s29 =	sor.u32 $0x5D0, s22  }
0x17e: {  	[tilespmem:s29], [sflag:s23] =	stream.linear.gather [hbm4b:s28+s20], $0x10, $0x38;
	[tilespmem:$0x14200] =	vst v63  }
0x17f: {  	s25 =	sadd.s32 $0xF4280, s24;
	s30 =	sor.u32 $0x650, s22  }
0x180: {  	[tilespmem:s30], [sflag:s23] =	stream.linear.gather [hbm4b:s25+s20], $0x10, $0x38;
	[tilespmem:$0x14200] =	vst v63  }
0x181: {  	s31 =	sadd.s32 $0x10, s25;
	s29 =	sor.u32 $0x6D0, s22  }
0x182: {  	[tilespmem:s29], [sflag:s23] =	stream.linear.gather [hbm4b:s31+s20], $0x10, $0x38;
	[tilespmem:$0x14200] =	vst v63  }
0x183: {  	s30 =	sadd.s32 $0x20, s25;
	s31 =	sor.u32 $0x750, s22  }
0x184: {  	[tilespmem:s31], [sflag:s23] =	stream.linear.gather [hbm4b:s30+s20], $0x10, $0x38;
	[tilespmem:$0x14200] =	vst v63  }
0x185: {  	s29 =	sadd.s32 $0x30, s25;
	s30 =	sor.u32 $0x7D0, s22  }
0x186: {  	[tilespmem:s30], [sflag:s23] =	stream.linear.gather [hbm4b:s29+s20], $0x10, $0x38;
	[tilespmem:$0x14200] =	vst v63  }
0x187: {  	s31 =	sadd.s32 $0x40, s25;
	s29 =	sor.u32 $0x850, s22  }
0x188: {  	[tilespmem:s29], [sflag:s23] =	stream.linear.gather [hbm4b:s31+s20], $0x10, $0x38;
	[tilespmem:$0x14200] =	vst v63  }
0x189: {  	s30 =	sadd.s32 $0x50, s25;
	s31 =	sor.u32 $0x8D0, s22  }
0x18a: {  	[tilespmem:s31], [sflag:s23] =	stream.linear.gather [hbm4b:s30+s20], $0x10, $0x38;
	[tilespmem:$0x14200] =	vst v63  }
0x18b: {  	s29 =	sadd.s32 $0x60, s25;
	s30 =	sor.u32 $0x950, s22  }
0x18c: {  	[tilespmem:s30], [sflag:s23] =	stream.linear.gather [hbm4b:s29+s20], $0x10, $0x38;
	[tilespmem:$0x14200] =	vst v63  }
0x18d: {  	s25 =	sadd.s32 $0x70, s25;
	s31 =	sor.u32 $0x9D0, s22  }
0x18e: {  	[tilespmem:s31], [sflag:s23] =	stream.linear.gather [hbm4b:s25+s20], $0x10, $0x38;
	[tilespmem:$0x14200] =	vst v63  }
0x18f: {  	s28 =	sor.u32 $0xA50, s22;
	s25 =	sadd.s32 $0x1E8500, s24  }
0x190: {  	[tilespmem:s28], [sflag:s23] =	stream.linear.gather [hbm4b:s25+s20], $0x10, $0x38;
	[tilespmem:$0x14200] =	vst v63  }
0x191: {  	s30 =	sor.u32 $0xAD0, s22;
	s29 =	sadd.s32 $0x10, s25  }
0x192: {  	[tilespmem:s30], [sflag:s23] =	stream.linear.gather [hbm4b:s29+s20], $0x10, $0x38;
	[tilespmem:$0x14200] =	vst v63  }
0x193: {  	s31 =	sadd.s32 $0x20, s25;
	s29 =	sor.u32 $0xB50, s22  }
0x194: {  	[tilespmem:s29], [sflag:s23] =	stream.linear.gather [hbm4b:s31+s20], $0x10, $0x38;
	[tilespmem:$0x14200] =	vst v63  }
0x195: {  	s30 =	sadd.s32 $0x30, s25;
	s31 =	sor.u32 $0xBD0, s22  }
0x196: {  	[tilespmem:s31], [sflag:s23] =	stream.linear.gather [hbm4b:s30+s20], $0x10, $0x38;
	[tilespmem:$0x14200] =	vst v63  }
0x197: {  	s29 =	sadd.s32 $0x40, s25;
	s30 =	sor.u32 $0xC50, s22  }
0x198: {  	[tilespmem:s30], [sflag:s23] =	stream.linear.gather [hbm4b:s29+s20], $0x10, $0x38;
	[tilespmem:$0x14200] =	vst v63  }
0x199: {  	s31 =	sadd.s32 $0x50, s25;
	s29 =	sor.u32 $0xCD0, s22  }
0x19a: {  	[tilespmem:s29], [sflag:s23] =	stream.linear.gather [hbm4b:s31+s20], $0x10, $0x38;
	[tilespmem:$0x14200] =	vst v63  }
0x19b: {  	s30 =	sadd.s32 $0x60, s25;
	s31 =	sor.u32 $0xD50, s22  }
0x19c: {  	(v2sf) =	vpush v34, $0x6;
	[tilespmem:s31], [sflag:s23] =	stream.linear.gather [hbm4b:s30+s20], $0x10, $0x38;
	[tilespmem:$0x14200] =	vst v63  }
0x19d: {  	s28 =	sor.u32 $0xDD0, s22;
	s25 =	sadd.s32 $0x70, s25  }
0x19e: {  	(v2sf) =	vpush v33, $0x6;
	[tilespmem:s28], [sflag:s23] =	stream.linear.gather [hbm4b:s25+s20], $0x10, $0x38;
	[tilespmem:$0x14200] =	vst v63  }
0x19f: {  	s24 =	sadd.s32 $0x2DC780, s24;
	s29 =	sor.u32 $0xE50, s22  }
0x1a0: {  	[tilespmem:s29], [sflag:s23] =	stream.linear.gather [hbm4b:s24+s20], $0x10, $0x38;
	[tilespmem:$0x14200] =	vst v63  }
0x1a1: {  	s30 =	sadd.s32 $0x10, s24;
	s31 =	sor.u32 $0xED0, s22  }
0x1a2: {  	[tilespmem:s31], [sflag:s23] =	stream.linear.gather [hbm4b:s30+s20], $0x10, $0x38;
	[tilespmem:$0x14200] =	vst v63  }
0x1a3: {  	s28 =	sadd.s32 $0x20, s24;
	s29 =	sor.u32 $0xF50, s22  }
0x1a4: {  	[tilespmem:s29], [sflag:s23] =	stream.linear.gather [hbm4b:s28+s20], $0x10, $0x38;
	[tilespmem:$0x14200] =	vst v63  }
0x1a5: {  	s30 =	sadd.s32 $0x30, s24;
	s31 =	sor.u32 $0xFD0, s22  }
0x1a6: {  	[tilespmem:s31], [sflag:s23] =	stream.linear.gather [hbm4b:s30+s20], $0x10, $0x38;
	[tilespmem:$0x14200] =	vst v63  }
0x1a7: {  	s28 =	sadd.s32 $0x40, s24;
	s29 =	sor.u32 $0x1050, s22  }
0x1a8: {  	[tilespmem:s29], [sflag:s23] =	stream.linear.gather [hbm4b:s28+s20], $0x10, $0x38;
	[tilespmem:$0x14200] =	vst v63  }
0x1a9: {  	s30 =	sadd.s32 $0x50, s24;
	s31 =	sor.u32 $0x10D0, s22  }
0x1aa: {  	[tilespmem:s31], [sflag:s23] =	stream.linear.gather [hbm4b:s30+s20], $0x10, $0x38;
	[tilespmem:$0x14200] =	vst v63  }
0x1ab: {  	s26 =	sadd.s32 $0x60, s24;
	s28 =	sor.u32 $0x1150, s22;
	s30 =	spop (v2sf)  }
0x1ac: {  	[tilespmem:s28], [sflag:s23] =	stream.linear.gather [hbm4b:s26+s20], $0x10, $0x38;
	[tilespmem:$0x14200] =	vst v63  }
0x1ad: {  	s24 =	sadd.s32 $0x70, s24;
	s29 =	sor.u32 $0x11D0, s22;
	s31 =	spop (v2sf)  }
0x1ae: {  	[tilespmem:s29], [sflag:s23] =	stream.linear.gather [hbm4b:s24+s20], $0x10, $0x38;
	[tilespmem:$0x14200] =	vst v63  }
0x1af: {  	s26 =	sor.u32 $0x260, s22;
	s24 =	sadd.s32 s30, s31  }
0x1b0: {  	[tilespmem:s26], [sflag:s23] =	stream.linear.gather [hbm4b:s24+s20], $0x10, $0x38;
	[tilespmem:$0x14200] =	vst v63  }
0x1b1: {  	s29 =	sor.u32 $0x2E0, s22;
	s28 =	sadd.s32 $0x10, s24  }
0x1b2: {  	[tilespmem:s29], [sflag:s23] =	stream.linear.gather [hbm4b:s28+s20], $0x10, $0x38;
	[tilespmem:$0x14200] =	vst v63  }
0x1b3: {  	s31 =	sor.u32 $0x360, s22;
	s30 =	sadd.s32 $0x20, s24  }
0x1b4: {  	[tilespmem:s31], [sflag:s23] =	stream.linear.gather [hbm4b:s30+s20], $0x10, $0x38;
	[tilespmem:$0x14200] =	vst v63  }
0x1b5: {  	s28 =	sadd.s32 $0x30, s24;
	s29 =	sor.u32 $0x3E0, s22  }
0x1b6: {  	[tilespmem:s29], [sflag:s23] =	stream.linear.gather [hbm4b:s28+s20], $0x10, $0x38;
	[tilespmem:$0x14200] =	vst v63  }
0x1b7: {  	s30 =	sadd.s32 $0x40, s24;
	s31 =	sor.u32 $0x460, s22  }
0x1b8: {  	[tilespmem:s31], [sflag:s23] =	stream.linear.gather [hbm4b:s30+s20], $0x10, $0x38;
	[tilespmem:$0x14200] =	vst v63  }
0x1b9: {  	s28 =	sadd.s32 $0x50, s24;
	s29 =	sor.u32 $0x4E0, s22  }
0x1ba: {  	[tilespmem:s29], [sflag:s23] =	stream.linear.gather [hbm4b:s28+s20], $0x10, $0x38;
	[tilespmem:$0x14200] =	vst v63  }
0x1bb: {  	s30 =	sadd.s32 $0x60, s24;
	s31 =	sor.u32 $0x560, s22  }
0x1bc: {  	[tilespmem:s31], [sflag:s23] =	stream.linear.gather [hbm4b:s30+s20], $0x10, $0x38;
	[tilespmem:$0x14200] =	vst v63  }
0x1bd: {  	s28 =	sadd.s32 $0x70, s24;
	s29 =	sor.u32 $0x5E0, s22  }
0x1be: {  	[tilespmem:s29], [sflag:s23] =	stream.linear.gather [hbm4b:s28+s20], $0x10, $0x38;
	[tilespmem:$0x14200] =	vst v63  }
0x1bf: {  	s25 =	sadd.s32 $0xF4280, s24;
	s30 =	sor.u32 $0x660, s22  }
0x1c0: {  	[tilespmem:s30], [sflag:s23] =	stream.linear.gather [hbm4b:s25+s20], $0x10, $0x38;
	[tilespmem:$0x14200] =	vst v63  }
0x1c1: {  	s31 =	sadd.s32 $0x10, s25;
	s29 =	sor.u32 $0x6E0, s22  }
0x1c2: {  	[tilespmem:s29], [sflag:s23] =	stream.linear.gather [hbm4b:s31+s20], $0x10, $0x38;
	[tilespmem:$0x14200] =	vst v63  }
0x1c3: {  	s30 =	sadd.s32 $0x20, s25;
	s31 =	sor.u32 $0x760, s22  }
0x1c4: {  	[tilespmem:s31], [sflag:s23] =	stream.linear.gather [hbm4b:s30+s20], $0x10, $0x38;
	[tilespmem:$0x14200] =	vst v63  }
0x1c5: {  	s29 =	sadd.s32 $0x30, s25;
	s30 =	sor.u32 $0x7E0, s22  }
0x1c6: {  	[tilespmem:s30], [sflag:s23] =	stream.linear.gather [hbm4b:s29+s20], $0x10, $0x38;
	[tilespmem:$0x14200] =	vst v63  }
0x1c7: {  	s31 =	sadd.s32 $0x40, s25;
	s29 =	sor.u32 $0x860, s22  }
0x1c8: {  	[tilespmem:s29], [sflag:s23] =	stream.linear.gather [hbm4b:s31+s20], $0x10, $0x38;
	[tilespmem:$0x14200] =	vst v63  }
0x1c9: {  	s30 =	sadd.s32 $0x50, s25;
	s31 =	sor.u32 $0x8E0, s22  }
0x1ca: {  	[tilespmem:s31], [sflag:s23] =	stream.linear.gather [hbm4b:s30+s20], $0x10, $0x38;
	[tilespmem:$0x14200] =	vst v63  }
0x1cb: {  	s29 =	sadd.s32 $0x60, s25;
	s30 =	sor.u32 $0x960, s22  }
0x1cc: {  	[tilespmem:s30], [sflag:s23] =	stream.linear.gather [hbm4b:s29+s20], $0x10, $0x38;
	[tilespmem:$0x14200] =	vst v63  }
0x1cd: {  	s25 =	sadd.s32 $0x70, s25;
	s31 =	sor.u32 $0x9E0, s22  }
0x1ce: {  	[tilespmem:s31], [sflag:s23] =	stream.linear.gather [hbm4b:s25+s20], $0x10, $0x38;
	[tilespmem:$0x14200] =	vst v63  }
0x1cf: {  	s28 =	sor.u32 $0xA60, s22;
	s25 =	sadd.s32 $0x1E8500, s24  }
0x1d0: {  	[tilespmem:s28], [sflag:s23] =	stream.linear.gather [hbm4b:s25+s20], $0x10, $0x38;
	[tilespmem:$0x14200] =	vst v63  }
0x1d1: {  	s30 =	sor.u32 $0xAE0, s22;
	s29 =	sadd.s32 $0x10, s25  }
0x1d2: {  	[tilespmem:s30], [sflag:s23] =	stream.linear.gather [hbm4b:s29+s20], $0x10, $0x38;
	[tilespmem:$0x14200] =	vst v63  }
0x1d3: {  	s31 =	sadd.s32 $0x20, s25;
	s29 =	sor.u32 $0xB60, s22  }
0x1d4: {  	[tilespmem:s29], [sflag:s23] =	stream.linear.gather [hbm4b:s31+s20], $0x10, $0x38;
	[tilespmem:$0x14200] =	vst v63  }
0x1d5: {  	s30 =	sadd.s32 $0x30, s25;
	s31 =	sor.u32 $0xBE0, s22  }
0x1d6: {  	[tilespmem:s31], [sflag:s23] =	stream.linear.gather [hbm4b:s30+s20], $0x10, $0x38;
	[tilespmem:$0x14200] =	vst v63  }
0x1d7: {  	s29 =	sadd.s32 $0x40, s25;
	s30 =	sor.u32 $0xC60, s22  }
0x1d8: {  	[tilespmem:s30], [sflag:s23] =	stream.linear.gather [hbm4b:s29+s20], $0x10, $0x38;
	[tilespmem:$0x14200] =	vst v63  }
0x1d9: {  	s31 =	sadd.s32 $0x50, s25;
	s29 =	sor.u32 $0xCE0, s22  }
0x1da: {  	[tilespmem:s29], [sflag:s23] =	stream.linear.gather [hbm4b:s31+s20], $0x10, $0x38;
	[tilespmem:$0x14200] =	vst v63  }
0x1db: {  	s30 =	sadd.s32 $0x60, s25;
	s31 =	sor.u32 $0xD60, s22  }
0x1dc: {  	(v2sf) =	vpush v34, $0x7;
	[tilespmem:s31], [sflag:s23] =	stream.linear.gather [hbm4b:s30+s20], $0x10, $0x38;
	[tilespmem:$0x14200] =	vst v63  }
0x1dd: {  	s28 =	sor.u32 $0xDE0, s22;
	s25 =	sadd.s32 $0x70, s25  }
0x1de: {  	(v2sf) =	vpush v33, $0x7;
	[tilespmem:s28], [sflag:s23] =	stream.linear.gather [hbm4b:s25+s20], $0x10, $0x38;
	[tilespmem:$0x14200] =	vst v63  }
0x1df: {  	s24 =	sadd.s32 $0x2DC780, s24;
	s29 =	sor.u32 $0xE60, s22  }
0x1e0: {  	[tilespmem:s29], [sflag:s23] =	stream.linear.gather [hbm4b:s24+s20], $0x10, $0x38;
	[tilespmem:$0x14200] =	vst v63  }
0x1e1: {  	s30 =	sadd.s32 $0x10, s24;
	s31 =	sor.u32 $0xEE0, s22  }
0x1e2: {  	[tilespmem:s31], [sflag:s23] =	stream.linear.gather [hbm4b:s30+s20], $0x10, $0x38;
	[tilespmem:$0x14200] =	vst v63  }
0x1e3: {  	s28 =	sadd.s32 $0x20, s24;
	s29 =	sor.u32 $0xF60, s22  }
0x1e4: {  	[tilespmem:s29], [sflag:s23] =	stream.linear.gather [hbm4b:s28+s20], $0x10, $0x38;
	[tilespmem:$0x14200] =	vst v63  }
0x1e5: {  	s30 =	sadd.s32 $0x30, s24;
	s31 =	sor.u32 $0xFE0, s22  }
0x1e6: {  	[tilespmem:s31], [sflag:s23] =	stream.linear.gather [hbm4b:s30+s20], $0x10, $0x38;
	[tilespmem:$0x14200] =	vst v63  }
0x1e7: {  	s28 =	sadd.s32 $0x40, s24;
	s29 =	sor.u32 $0x1060, s22  }
0x1e8: {  	[tilespmem:s29], [sflag:s23] =	stream.linear.gather [hbm4b:s28+s20], $0x10, $0x38;
	[tilespmem:$0x14200] =	vst v63  }
0x1e9: {  	s30 =	sadd.s32 $0x50, s24;
	s31 =	sor.u32 $0x10E0, s22  }
0x1ea: {  	[tilespmem:s31], [sflag:s23] =	stream.linear.gather [hbm4b:s30+s20], $0x10, $0x38;
	[tilespmem:$0x14200] =	vst v63  }
0x1eb: {  	s26 =	sadd.s32 $0x60, s24;
	s28 =	sor.u32 $0x1160, s22;
	s30 =	spop (v2sf)  }
0x1ec: {  	[tilespmem:s28], [sflag:s23] =	stream.linear.gather [hbm4b:s26+s20], $0x10, $0x38;
	[tilespmem:$0x14200] =	vst v63  }
0x1ed: {  	s24 =	sadd.s32 $0x70, s24;
	s29 =	sor.u32 $0x11E0, s22;
	s31 =	spop (v2sf)  }
0x1ee: {  	[tilespmem:s29], [sflag:s23] =	stream.linear.gather [hbm4b:s24+s20], $0x10, $0x38;
	[tilespmem:$0x14200] =	vst v63  }
0x1ef: {  	s26 =	sor.u32 $0x270, s22;
	s24 =	sadd.s32 s30, s31  }
0x1f0: {  	[tilespmem:s26], [sflag:s23] =	stream.linear.gather [hbm4b:s24+s20], $0x10, $0x38;
	[tilespmem:$0x14200] =	vst v63  }
0x1f1: {  	s29 =	sor.u32 $0x2F0, s22;
	s28 =	sadd.s32 $0x10, s24  }
0x1f2: {  	[tilespmem:s29], [sflag:s23] =	stream.linear.gather [hbm4b:s28+s20], $0x10, $0x38;
	[tilespmem:$0x14200] =	vst v63  }
0x1f3: {  	s31 =	sor.u32 $0x370, s22;
	s30 =	sadd.s32 $0x20, s24  }
0x1f4: {  	[tilespmem:s31], [sflag:s23] =	stream.linear.gather [hbm4b:s30+s20], $0x10, $0x38;
	[tilespmem:$0x14200] =	vst v63  }
0x1f5: {  	s28 =	sadd.s32 $0x30, s24;
	s29 =	sor.u32 $0x3F0, s22  }
0x1f6: {  	[tilespmem:s29], [sflag:s23] =	stream.linear.gather [hbm4b:s28+s20], $0x10, $0x38;
	[tilespmem:$0x14200] =	vst v63  }
0x1f7: {  	s30 =	sadd.s32 $0x40, s24;
	s31 =	sor.u32 $0x470, s22  }
0x1f8: {  	[tilespmem:s31], [sflag:s23] =	stream.linear.gather [hbm4b:s30+s20], $0x10, $0x38;
	[tilespmem:$0x14200] =	vst v63  }
0x1f9: {  	s28 =	sadd.s32 $0x50, s24;
	s29 =	sor.u32 $0x4F0, s22  }
0x1fa: {  	[tilespmem:s29], [sflag:s23] =	stream.linear.gather [hbm4b:s28+s20], $0x10, $0x38;
	[tilespmem:$0x14200] =	vst v63  }
0x1fb: {  	s30 =	sadd.s32 $0x60, s24;
	s31 =	sor.u32 $0x570, s22  }
0x1fc: {  	[tilespmem:s31], [sflag:s23] =	stream.linear.gather [hbm4b:s30+s20], $0x10, $0x38;
	[tilespmem:$0x14200] =	vst v63  }
0x1fd: {  	s28 =	sadd.s32 $0x70, s24;
	s29 =	sor.u32 $0x5F0, s22  }
0x1fe: {  	[tilespmem:s29], [sflag:s23] =	stream.linear.gather [hbm4b:s28+s20], $0x10, $0x38;
	[tilespmem:$0x14200] =	vst v63  }
0x1ff: {  	s25 =	sadd.s32 $0xF4280, s24;
	s30 =	sor.u32 $0x670, s22  }
0x200: {  	[tilespmem:s30], [sflag:s23] =	stream.linear.gather [hbm4b:s25+s20], $0x10, $0x38;
	[tilespmem:$0x14200] =	vst v63  }
0x201: {  	s31 =	sadd.s32 $0x10, s25;
	s29 =	sor.u32 $0x6F0, s22  }
0x202: {  	[tilespmem:s29], [sflag:s23] =	stream.linear.gather [hbm4b:s31+s20], $0x10, $0x38;
	[tilespmem:$0x14200] =	vst v63  }
0x203: {  	s30 =	sadd.s32 $0x20, s25;
	s31 =	sor.u32 $0x770, s22  }
0x204: {  	[tilespmem:s31], [sflag:s23] =	stream.linear.gather [hbm4b:s30+s20], $0x10, $0x38;
	[tilespmem:$0x14200] =	vst v63  }
0x205: {  	s29 =	sadd.s32 $0x30, s25;
	s30 =	sor.u32 $0x7F0, s22  }
0x206: {  	[tilespmem:s30], [sflag:s23] =	stream.linear.gather [hbm4b:s29+s20], $0x10, $0x38;
	[tilespmem:$0x14200] =	vst v63  }
0x207: {  	s31 =	sadd.s32 $0x40, s25;
	s29 =	sor.u32 $0x870, s22  }
0x208: {  	[tilespmem:s29], [sflag:s23] =	stream.linear.gather [hbm4b:s31+s20], $0x10, $0x38;
	[tilespmem:$0x14200] =	vst v63  }
0x209: {  	s30 =	sadd.s32 $0x50, s25;
	s31 =	sor.u32 $0x8F0, s22  }
0x20a: {  	[tilespmem:s31], [sflag:s23] =	stream.linear.gather [hbm4b:s30+s20], $0x10, $0x38;
	[tilespmem:$0x14200] =	vst v63  }
0x20b: {  	s29 =	sadd.s32 $0x60, s25;
	s30 =	sor.u32 $0x970, s22  }
0x20c: {  	[tilespmem:s30], [sflag:s23] =	stream.linear.gather [hbm4b:s29+s20], $0x10, $0x38;
	[tilespmem:$0x14200] =	vst v63  }
0x20d: {  	s25 =	sadd.s32 $0x70, s25;
	s31 =	sor.u32 $0x9F0, s22  }
0x20e: {  	[tilespmem:s31], [sflag:s23] =	stream.linear.gather [hbm4b:s25+s20], $0x10, $0x38;
	[tilespmem:$0x14200] =	vst v63  }
0x20f: {  	s28 =	sor.u32 $0xA70, s22;
	s25 =	sadd.s32 $0x1E8500, s24  }
0x210: {  	[tilespmem:s28], [sflag:s23] =	stream.linear.gather [hbm4b:s25+s20], $0x10, $0x38;
	[tilespmem:$0x14200] =	vst v63  }
0x211: {  	s30 =	sor.u32 $0xAF0, s22;
	s29 =	sadd.s32 $0x10, s25  }
0x212: {  	[tilespmem:s30], [sflag:s23] =	stream.linear.gather [hbm4b:s29+s20], $0x10, $0x38;
	[tilespmem:$0x14200] =	vst v63  }
0x213: {  	s31 =	sadd.s32 $0x20, s25;
	s29 =	sor.u32 $0xB70, s22  }
0x214: {  	[tilespmem:s29], [sflag:s23] =	stream.linear.gather [hbm4b:s31+s20], $0x10, $0x38;
	[tilespmem:$0x14200] =	vst v63  }
0x215: {  	s30 =	sadd.s32 $0x30, s25;
	s31 =	sor.u32 $0xBF0, s22  }
0x216: {  	[tilespmem:s31], [sflag:s23] =	stream.linear.gather [hbm4b:s30+s20], $0x10, $0x38;
	[tilespmem:$0x14200] =	vst v63  }
0x217: {  	s29 =	sadd.s32 $0x40, s25;
	s30 =	sor.u32 $0xC70, s22  }
0x218: {  	[tilespmem:s30], [sflag:s23] =	stream.linear.gather [hbm4b:s29+s20], $0x10, $0x38;
	[tilespmem:$0x14200] =	vst v63  }
0x219: {  	s31 =	sadd.s32 $0x50, s25;
	s29 =	sor.u32 $0xCF0, s22  }
0x21a: {  	[tilespmem:s29], [sflag:s23] =	stream.linear.gather [hbm4b:s31+s20], $0x10, $0x38;
	[tilespmem:$0x14200] =	vst v63  }
0x21b: {  	s30 =	sadd.s32 $0x60, s25;
	s31 =	sor.u32 $0xD70, s22  }
0x21c: {  	(v2sf) =	vpush v34, $0x8;
	[tilespmem:s31], [sflag:s23] =	stream.linear.gather [hbm4b:s30+s20], $0x10, $0x38;
	[tilespmem:$0x14200] =	vst v63  }
0x21d: {  	s28 =	sor.u32 $0xDF0, s22;
	s25 =	sadd.s32 $0x70, s25  }
0x21e: {  	(v2sf) =	vpush v33, $0x8;
	[tilespmem:s28], [sflag:s23] =	stream.linear.gather [hbm4b:s25+s20], $0x10, $0x38;
	[tilespmem:$0x14200] =	vst v63  }
0x21f: {  	s24 =	sadd.s32 $0x2DC780, s24;
	s29 =	sor.u32 $0xE70, s22  }
0x220: {  	[tilespmem:s29], [sflag:s23] =	stream.linear.gather [hbm4b:s24+s20], $0x10, $0x38;
	[tilespmem:$0x14200] =	vst v63  }
0x221: {  	s30 =	sadd.s32 $0x10, s24;
	s31 =	sor.u32 $0xEF0, s22  }
0x222: {  	[tilespmem:s31], [sflag:s23] =	stream.linear.gather [hbm4b:s30+s20], $0x10, $0x38;
	[tilespmem:$0x14200] =	vst v63  }
0x223: {  	s28 =	sadd.s32 $0x20, s24;
	s29 =	sor.u32 $0xF70, s22  }
0x224: {  	[tilespmem:s29], [sflag:s23] =	stream.linear.gather [hbm4b:s28+s20], $0x10, $0x38;
	[tilespmem:$0x14200] =	vst v63  }
0x225: {  	s30 =	sadd.s32 $0x30, s24;
	s31 =	sor.u32 $0xFF0, s22  }
0x226: {  	[tilespmem:s31], [sflag:s23] =	stream.linear.gather [hbm4b:s30+s20], $0x10, $0x38;
	[tilespmem:$0x14200] =	vst v63  }
0x227: {  	s28 =	sadd.s32 $0x40, s24;
	s29 =	sor.u32 $0x1070, s22  }
0x228: {  	[tilespmem:s29], [sflag:s23] =	stream.linear.gather [hbm4b:s28+s20], $0x10, $0x38;
	[tilespmem:$0x14200] =	vst v63  }
0x229: {  	s30 =	sadd.s32 $0x50, s24;
	s31 =	sor.u32 $0x10F0, s22  }
0x22a: {  	[tilespmem:s31], [sflag:s23] =	stream.linear.gather [hbm4b:s30+s20], $0x10, $0x38;
	[tilespmem:$0x14200] =	vst v63  }
0x22b: {  	s26 =	sadd.s32 $0x60, s24;
	s28 =	sor.u32 $0x1170, s22;
	s30 =	spop (v2sf)  }
0x22c: {  	[tilespmem:s28], [sflag:s23] =	stream.linear.gather [hbm4b:s26+s20], $0x10, $0x38;
	[tilespmem:$0x14200] =	vst v63  }
0x22d: {  	s24 =	sadd.s32 $0x70, s24;
	s29 =	sor.u32 $0x11F0, s22;
	s31 =	spop (v2sf)  }
0x22e: {  	[tilespmem:s29], [sflag:s23] =	stream.linear.gather [hbm4b:s24+s20], $0x10, $0x38;
	[tilespmem:$0x14200] =	vst v63  }
0x22f: {  	s26 =	sor.u32 $0x1200, s22;
	s24 =	sadd.s32 s30, s31  }
0x230: {  	[tilespmem:s26], [sflag:s23] =	stream.linear.gather [hbm4b:s24+s20], $0x10, $0x38;
	[tilespmem:$0x14200] =	vst v63  }
0x231: {  	s29 =	sor.u32 $0x1280, s22;
	s28 =	sadd.s32 $0x10, s24  }
0x232: {  	[tilespmem:s29], [sflag:s23] =	stream.linear.gather [hbm4b:s28+s20], $0x10, $0x38;
	[tilespmem:$0x14200] =	vst v63  }
0x233: {  	s31 =	sor.u32 $0x1300, s22;
	s30 =	sadd.s32 $0x20, s24  }
0x234: {  	[tilespmem:s31], [sflag:s23] =	stream.linear.gather [hbm4b:s30+s20], $0x10, $0x38;
	[tilespmem:$0x14200] =	vst v63  }
0x235: {  	s28 =	sadd.s32 $0x30, s24;
	s29 =	sor.u32 $0x1380, s22  }
0x236: {  	[tilespmem:s29], [sflag:s23] =	stream.linear.gather [hbm4b:s28+s20], $0x10, $0x38;
	[tilespmem:$0x14200] =	vst v63  }
0x237: {  	s30 =	sadd.s32 $0x40, s24;
	s31 =	sor.u32 $0x1400, s22  }
0x238: {  	[tilespmem:s31], [sflag:s23] =	stream.linear.gather [hbm4b:s30+s20], $0x10, $0x38;
	[tilespmem:$0x14200] =	vst v63  }
0x239: {  	s28 =	sadd.s32 $0x50, s24;
	s29 =	sor.u32 $0x1480, s22  }
0x23a: {  	[tilespmem:s29], [sflag:s23] =	stream.linear.gather [hbm4b:s28+s20], $0x10, $0x38;
	[tilespmem:$0x14200] =	vst v63  }
0x23b: {  	s30 =	sadd.s32 $0x60, s24;
	s31 =	sor.u32 $0x1500, s22  }
0x23c: {  	[tilespmem:s31], [sflag:s23] =	stream.linear.gather [hbm4b:s30+s20], $0x10, $0x38;
	[tilespmem:$0x14200] =	vst v63  }
0x23d: {  	s28 =	sadd.s32 $0x70, s24;
	s29 =	sor.u32 $0x1580, s22  }
0x23e: {  	[tilespmem:s29], [sflag:s23] =	stream.linear.gather [hbm4b:s28+s20], $0x10, $0x38;
	[tilespmem:$0x14200] =	vst v63  }
0x23f: {  	s25 =	sadd.s32 $0xF4280, s24;
	s30 =	sor.u32 $0x1600, s22  }
0x240: {  	[tilespmem:s30], [sflag:s23] =	stream.linear.gather [hbm4b:s25+s20], $0x10, $0x38;
	[tilespmem:$0x14200] =	vst v63  }
0x241: {  	s31 =	sadd.s32 $0x10, s25;
	s29 =	sor.u32 $0x1680, s22  }
0x242: {  	[tilespmem:s29], [sflag:s23] =	stream.linear.gather [hbm4b:s31+s20], $0x10, $0x38;
	[tilespmem:$0x14200] =	vst v63  }
0x243: {  	s30 =	sadd.s32 $0x20, s25;
	s31 =	sor.u32 $0x1700, s22  }
0x244: {  	[tilespmem:s31], [sflag:s23] =	stream.linear.gather [hbm4b:s30+s20], $0x10, $0x38;
	[tilespmem:$0x14200] =	vst v63  }
0x245: {  	s29 =	sadd.s32 $0x30, s25;
	s30 =	sor.u32 $0x1780, s22  }
0x246: {  	[tilespmem:s30], [sflag:s23] =	stream.linear.gather [hbm4b:s29+s20], $0x10, $0x38;
	[tilespmem:$0x14200] =	vst v63  }
0x247: {  	s31 =	sadd.s32 $0x40, s25;
	s29 =	sor.u32 $0x1800, s22  }
0x248: {  	[tilespmem:s29], [sflag:s23] =	stream.linear.gather [hbm4b:s31+s20], $0x10, $0x38;
	[tilespmem:$0x14200] =	vst v63  }
0x249: {  	s30 =	sadd.s32 $0x50, s25;
	s31 =	sor.u32 $0x1880, s22  }
0x24a: {  	[tilespmem:s31], [sflag:s23] =	stream.linear.gather [hbm4b:s30+s20], $0x10, $0x38;
	[tilespmem:$0x14200] =	vst v63  }
0x24b: {  	s29 =	sadd.s32 $0x60, s25;
	s30 =	sor.u32 $0x1900, s22  }
0x24c: {  	[tilespmem:s30], [sflag:s23] =	stream.linear.gather [hbm4b:s29+s20], $0x10, $0x38;
	[tilespmem:$0x14200] =	vst v63  }
0x24d: {  	s25 =	sadd.s32 $0x70, s25;
	s31 =	sor.u32 $0x1980, s22  }
0x24e: {  	[tilespmem:s31], [sflag:s23] =	stream.linear.gather [hbm4b:s25+s20], $0x10, $0x38;
	[tilespmem:$0x14200] =	vst v63  }
0x24f: {  	s28 =	sor.u32 $0x1A00, s22;
	s25 =	sadd.s32 $0x1E8500, s24  }
0x250: {  	[tilespmem:s28], [sflag:s23] =	stream.linear.gather [hbm4b:s25+s20], $0x10, $0x38;
	[tilespmem:$0x14200] =	vst v63  }
0x251: {  	s30 =	sor.u32 $0x1A80, s22;
	s29 =	sadd.s32 $0x10, s25  }
0x252: {  	[tilespmem:s30], [sflag:s23] =	stream.linear.gather [hbm4b:s29+s20], $0x10, $0x38;
	[tilespmem:$0x14200] =	vst v63  }
0x253: {  	s31 =	sadd.s32 $0x20, s25;
	s29 =	sor.u32 $0x1B00, s22  }
0x254: {  	[tilespmem:s29], [sflag:s23] =	stream.linear.gather [hbm4b:s31+s20], $0x10, $0x38;
	[tilespmem:$0x14200] =	vst v63  }
0x255: {  	s30 =	sadd.s32 $0x30, s25;
	s31 =	sor.u32 $0x1B80, s22  }
0x256: {  	[tilespmem:s31], [sflag:s23] =	stream.linear.gather [hbm4b:s30+s20], $0x10, $0x38;
	[tilespmem:$0x14200] =	vst v63  }
0x257: {  	s29 =	sadd.s32 $0x40, s25;
	s30 =	sor.u32 $0x1C00, s22  }
0x258: {  	[tilespmem:s30], [sflag:s23] =	stream.linear.gather [hbm4b:s29+s20], $0x10, $0x38;
	[tilespmem:$0x14200] =	vst v63  }
0x259: {  	s31 =	sadd.s32 $0x50, s25;
	s29 =	sor.u32 $0x1C80, s22  }
0x25a: {  	[tilespmem:s29], [sflag:s23] =	stream.linear.gather [hbm4b:s31+s20], $0x10, $0x38;
	[tilespmem:$0x14200] =	vst v63  }
0x25b: {  	s30 =	sadd.s32 $0x60, s25;
	s31 =	sor.u32 $0x1D00, s22  }
0x25c: {  	(v2sf) =	vpush v34, $0x9;
	[tilespmem:s31], [sflag:s23] =	stream.linear.gather [hbm4b:s30+s20], $0x10, $0x38;
	[tilespmem:$0x14200] =	vst v63  }
0x25d: {  	s28 =	sor.u32 $0x1D80, s22;
	s25 =	sadd.s32 $0x70, s25  }
0x25e: {  	(v2sf) =	vpush v33, $0x9;
	[tilespmem:s28], [sflag:s23] =	stream.linear.gather [hbm4b:s25+s20], $0x10, $0x38;
	[tilespmem:$0x14200] =	vst v63  }
0x25f: {  	s24 =	sadd.s32 $0x2DC780, s24;
	s29 =	sor.u32 $0x1E00, s22  }
0x260: {  	[tilespmem:s29], [sflag:s23] =	stream.linear.gather [hbm4b:s24+s20], $0x10, $0x38;
	[tilespmem:$0x14200] =	vst v63  }
0x261: {  	s30 =	sadd.s32 $0x10, s24;
	s31 =	sor.u32 $0x1E80, s22  }
0x262: {  	[tilespmem:s31], [sflag:s23] =	stream.linear.gather [hbm4b:s30+s20], $0x10, $0x38;
	[tilespmem:$0x14200] =	vst v63  }
0x263: {  	s28 =	sadd.s32 $0x20, s24;
	s29 =	sor.u32 $0x1F00, s22  }
0x264: {  	[tilespmem:s29], [sflag:s23] =	stream.linear.gather [hbm4b:s28+s20], $0x10, $0x38;
	[tilespmem:$0x14200] =	vst v63  }
0x265: {  	s30 =	sadd.s32 $0x30, s24;
	s31 =	sor.u32 $0x1F80, s22  }
0x266: {  	[tilespmem:s31], [sflag:s23] =	stream.linear.gather [hbm4b:s30+s20], $0x10, $0x38;
	[tilespmem:$0x14200] =	vst v63  }
0x267: {  	s28 =	sadd.s32 $0x40, s24;
	s29 =	sadd.s32 $0x2000, s22  }
0x268: {  	[tilespmem:s29], [sflag:s23] =	stream.linear.gather [hbm4b:s28+s20], $0x10, $0x38;
	[tilespmem:$0x14200] =	vst v63  }
0x269: {  	s30 =	sadd.s32 $0x50, s24;
	s31 =	sadd.s32 $0x2080, s22  }
0x26a: {  	[tilespmem:s31], [sflag:s23] =	stream.linear.gather [hbm4b:s30+s20], $0x10, $0x38;
	[tilespmem:$0x14200] =	vst v63  }
0x26b: {  	s26 =	sadd.s32 $0x60, s24;
	s28 =	sadd.s32 $0x2100, s22;
	s30 =	spop (v2sf)  }
0x26c: {  	[tilespmem:s28], [sflag:s23] =	stream.linear.gather [hbm4b:s26+s20], $0x10, $0x38;
	[tilespmem:$0x14200] =	vst v63  }
0x26d: {  	s24 =	sadd.s32 $0x70, s24;
	s29 =	sadd.s32 $0x2180, s22;
	s31 =	spop (v2sf)  }
0x26e: {  	[tilespmem:s29], [sflag:s23] =	stream.linear.gather [hbm4b:s24+s20], $0x10, $0x38;
	[tilespmem:$0x14200] =	vst v63  }
0x26f: {  	s26 =	sor.u32 $0x1210, s22;
	s24 =	sadd.s32 s30, s31  }
0x270: {  	[tilespmem:s26], [sflag:s23] =	stream.linear.gather [hbm4b:s24+s20], $0x10, $0x38;
	[tilespmem:$0x14200] =	vst v63  }
0x271: {  	s29 =	sor.u32 $0x1290, s22;
	s28 =	sadd.s32 $0x10, s24  }
0x272: {  	[tilespmem:s29], [sflag:s23] =	stream.linear.gather [hbm4b:s28+s20], $0x10, $0x38;
	[tilespmem:$0x14200] =	vst v63  }
0x273: {  	s31 =	sor.u32 $0x1310, s22;
	s30 =	sadd.s32 $0x20, s24  }
0x274: {  	[tilespmem:s31], [sflag:s23] =	stream.linear.gather [hbm4b:s30+s20], $0x10, $0x38;
	[tilespmem:$0x14200] =	vst v63  }
0x275: {  	s28 =	sadd.s32 $0x30, s24;
	s29 =	sor.u32 $0x1390, s22  }
0x276: {  	[tilespmem:s29], [sflag:s23] =	stream.linear.gather [hbm4b:s28+s20], $0x10, $0x38;
	[tilespmem:$0x14200] =	vst v63  }
0x277: {  	s30 =	sadd.s32 $0x40, s24;
	s31 =	sor.u32 $0x1410, s22  }
0x278: {  	[tilespmem:s31], [sflag:s23] =	stream.linear.gather [hbm4b:s30+s20], $0x10, $0x38;
	[tilespmem:$0x14200] =	vst v63  }
0x279: {  	s28 =	sadd.s32 $0x50, s24;
	s29 =	sor.u32 $0x1490, s22  }
0x27a: {  	[tilespmem:s29], [sflag:s23] =	stream.linear.gather [hbm4b:s28+s20], $0x10, $0x38;
	[tilespmem:$0x14200] =	vst v63  }
0x27b: {  	s30 =	sadd.s32 $0x60, s24;
	s31 =	sor.u32 $0x1510, s22  }
0x27c: {  	[tilespmem:s31], [sflag:s23] =	stream.linear.gather [hbm4b:s30+s20], $0x10, $0x38;
	[tilespmem:$0x14200] =	vst v63  }
0x27d: {  	s28 =	sadd.s32 $0x70, s24;
	s29 =	sor.u32 $0x1590, s22  }
0x27e: {  	[tilespmem:s29], [sflag:s23] =	stream.linear.gather [hbm4b:s28+s20], $0x10, $0x38;
	[tilespmem:$0x14200] =	vst v63  }
0x27f: {  	s25 =	sadd.s32 $0xF4280, s24;
	s30 =	sor.u32 $0x1610, s22  }
0x280: {  	[tilespmem:s30], [sflag:s23] =	stream.linear.gather [hbm4b:s25+s20], $0x10, $0x38;
	[tilespmem:$0x14200] =	vst v63  }
0x281: {  	s31 =	sadd.s32 $0x10, s25;
	s29 =	sor.u32 $0x1690, s22  }
0x282: {  	[tilespmem:s29], [sflag:s23] =	stream.linear.gather [hbm4b:s31+s20], $0x10, $0x38;
	[tilespmem:$0x14200] =	vst v63  }
0x283: {  	s30 =	sadd.s32 $0x20, s25;
	s31 =	sor.u32 $0x1710, s22  }
0x284: {  	[tilespmem:s31], [sflag:s23] =	stream.linear.gather [hbm4b:s30+s20], $0x10, $0x38;
	[tilespmem:$0x14200] =	vst v63  }
0x285: {  	s29 =	sadd.s32 $0x30, s25;
	s30 =	sor.u32 $0x1790, s22  }
0x286: {  	[tilespmem:s30], [sflag:s23] =	stream.linear.gather [hbm4b:s29+s20], $0x10, $0x38;
	[tilespmem:$0x14200] =	vst v63  }
0x287: {  	s31 =	sadd.s32 $0x40, s25;
	s29 =	sor.u32 $0x1810, s22  }
0x288: {  	[tilespmem:s29], [sflag:s23] =	stream.linear.gather [hbm4b:s31+s20], $0x10, $0x38;
	[tilespmem:$0x14200] =	vst v63  }
0x289: {  	s30 =	sadd.s32 $0x50, s25;
	s31 =	sor.u32 $0x1890, s22  }
0x28a: {  	[tilespmem:s31], [sflag:s23] =	stream.linear.gather [hbm4b:s30+s20], $0x10, $0x38;
	[tilespmem:$0x14200] =	vst v63  }
0x28b: {  	s29 =	sadd.s32 $0x60, s25;
	s30 =	sor.u32 $0x1910, s22  }
0x28c: {  	[tilespmem:s30], [sflag:s23] =	stream.linear.gather [hbm4b:s29+s20], $0x10, $0x38;
	[tilespmem:$0x14200] =	vst v63  }
0x28d: {  	s25 =	sadd.s32 $0x70, s25;
	s31 =	sor.u32 $0x1990, s22  }
0x28e: {  	[tilespmem:s31], [sflag:s23] =	stream.linear.gather [hbm4b:s25+s20], $0x10, $0x38;
	[tilespmem:$0x14200] =	vst v63  }
0x28f: {  	s28 =	sor.u32 $0x1A10, s22;
	s25 =	sadd.s32 $0x1E8500, s24  }
0x290: {  	[tilespmem:s28], [sflag:s23] =	stream.linear.gather [hbm4b:s25+s20], $0x10, $0x38;
	[tilespmem:$0x14200] =	vst v63  }
0x291: {  	s30 =	sor.u32 $0x1A90, s22;
	s29 =	sadd.s32 $0x10, s25  }
0x292: {  	[tilespmem:s30], [sflag:s23] =	stream.linear.gather [hbm4b:s29+s20], $0x10, $0x38;
	[tilespmem:$0x14200] =	vst v63  }
0x293: {  	s31 =	sadd.s32 $0x20, s25;
	s29 =	sor.u32 $0x1B10, s22  }
0x294: {  	[tilespmem:s29], [sflag:s23] =	stream.linear.gather [hbm4b:s31+s20], $0x10, $0x38;
	[tilespmem:$0x14200] =	vst v63  }
0x295: {  	s30 =	sadd.s32 $0x30, s25;
	s31 =	sor.u32 $0x1B90, s22  }
0x296: {  	[tilespmem:s31], [sflag:s23] =	stream.linear.gather [hbm4b:s30+s20], $0x10, $0x38;
	[tilespmem:$0x14200] =	vst v63  }
0x297: {  	s29 =	sadd.s32 $0x40, s25;
	s30 =	sor.u32 $0x1C10, s22  }
0x298: {  	[tilespmem:s30], [sflag:s23] =	stream.linear.gather [hbm4b:s29+s20], $0x10, $0x38;
	[tilespmem:$0x14200] =	vst v63  }
0x299: {  	s31 =	sadd.s32 $0x50, s25;
	s29 =	sor.u32 $0x1C90, s22  }
0x29a: {  	[tilespmem:s29], [sflag:s23] =	stream.linear.gather [hbm4b:s31+s20], $0x10, $0x38;
	[tilespmem:$0x14200] =	vst v63  }
0x29b: {  	s30 =	sadd.s32 $0x60, s25;
	s31 =	sor.u32 $0x1D10, s22  }
0x29c: {  	(v2sf) =	vpush v34, $0xA;
	[tilespmem:s31], [sflag:s23] =	stream.linear.gather [hbm4b:s30+s20], $0x10, $0x38;
	[tilespmem:$0x14200] =	vst v63  }
0x29d: {  	s28 =	sor.u32 $0x1D90, s22;
	s25 =	sadd.s32 $0x70, s25  }
0x29e: {  	(v2sf) =	vpush v33, $0xA;
	[tilespmem:s28], [sflag:s23] =	stream.linear.gather [hbm4b:s25+s20], $0x10, $0x38;
	[tilespmem:$0x14200] =	vst v63  }
0x29f: {  	s24 =	sadd.s32 $0x2DC780, s24;
	s29 =	sor.u32 $0x1E10, s22  }
0x2a0: {  	[tilespmem:s29], [sflag:s23] =	stream.linear.gather [hbm4b:s24+s20], $0x10, $0x38;
	[tilespmem:$0x14200] =	vst v63  }
0x2a1: {  	s30 =	sadd.s32 $0x10, s24;
	s31 =	sor.u32 $0x1E90, s22  }
0x2a2: {  	[tilespmem:s31], [sflag:s23] =	stream.linear.gather [hbm4b:s30+s20], $0x10, $0x38;
	[tilespmem:$0x14200] =	vst v63  }
0x2a3: {  	s28 =	sadd.s32 $0x20, s24;
	s29 =	sor.u32 $0x1F10, s22  }
0x2a4: {  	[tilespmem:s29], [sflag:s23] =	stream.linear.gather [hbm4b:s28+s20], $0x10, $0x38;
	[tilespmem:$0x14200] =	vst v63  }
0x2a5: {  	s30 =	sadd.s32 $0x30, s24;
	s31 =	sor.u32 $0x1F90, s22  }
0x2a6: {  	[tilespmem:s31], [sflag:s23] =	stream.linear.gather [hbm4b:s30+s20], $0x10, $0x38;
	[tilespmem:$0x14200] =	vst v63  }
0x2a7: {  	s28 =	sadd.s32 $0x40, s24;
	s29 =	sadd.s32 $0x2010, s22  }
0x2a8: {  	[tilespmem:s29], [sflag:s23] =	stream.linear.gather [hbm4b:s28+s20], $0x10, $0x38;
	[tilespmem:$0x14200] =	vst v63  }
0x2a9: {  	s30 =	sadd.s32 $0x50, s24;
	s31 =	sadd.s32 $0x2090, s22  }
0x2aa: {  	[tilespmem:s31], [sflag:s23] =	stream.linear.gather [hbm4b:s30+s20], $0x10, $0x38;
	[tilespmem:$0x14200] =	vst v63  }
0x2ab: {  	s26 =	sadd.s32 $0x60, s24;
	s28 =	sadd.s32 $0x2110, s22;
	s30 =	spop (v2sf)  }
0x2ac: {  	[tilespmem:s28], [sflag:s23] =	stream.linear.gather [hbm4b:s26+s20], $0x10, $0x38;
	[tilespmem:$0x14200] =	vst v63  }
0x2ad: {  	s24 =	sadd.s32 $0x70, s24;
	s29 =	sadd.s32 $0x2190, s22;
	s31 =	spop (v2sf)  }
0x2ae: {  	[tilespmem:s29], [sflag:s23] =	stream.linear.gather [hbm4b:s24+s20], $0x10, $0x38;
	[tilespmem:$0x14200] =	vst v63  }
0x2af: {  	s26 =	sor.u32 $0x1220, s22;
	s24 =	sadd.s32 s30, s31  }
0x2b0: {  	[tilespmem:s26], [sflag:s23] =	stream.linear.gather [hbm4b:s24+s20], $0x10, $0x38;
	[tilespmem:$0x14200] =	vst v63  }
0x2b1: {  	s29 =	sor.u32 $0x12A0, s22;
	s28 =	sadd.s32 $0x10, s24  }
0x2b2: {  	[tilespmem:s29], [sflag:s23] =	stream.linear.gather [hbm4b:s28+s20], $0x10, $0x38;
	[tilespmem:$0x14200] =	vst v63  }
0x2b3: {  	s31 =	sor.u32 $0x1320, s22;
	s30 =	sadd.s32 $0x20, s24  }
0x2b4: {  	[tilespmem:s31], [sflag:s23] =	stream.linear.gather [hbm4b:s30+s20], $0x10, $0x38;
	[tilespmem:$0x14200] =	vst v63  }
0x2b5: {  	s28 =	sadd.s32 $0x30, s24;
	s29 =	sor.u32 $0x13A0, s22  }
0x2b6: {  	[tilespmem:s29], [sflag:s23] =	stream.linear.gather [hbm4b:s28+s20], $0x10, $0x38;
	[tilespmem:$0x14200] =	vst v63  }
0x2b7: {  	s30 =	sadd.s32 $0x40, s24;
	s31 =	sor.u32 $0x1420, s22  }
0x2b8: {  	[tilespmem:s31], [sflag:s23] =	stream.linear.gather [hbm4b:s30+s20], $0x10, $0x38;
	[tilespmem:$0x14200] =	vst v63  }
0x2b9: {  	s28 =	sadd.s32 $0x50, s24;
	s29 =	sor.u32 $0x14A0, s22  }
0x2ba: {  	[tilespmem:s29], [sflag:s23] =	stream.linear.gather [hbm4b:s28+s20], $0x10, $0x38;
	[tilespmem:$0x14200] =	vst v63  }
0x2bb: {  	s30 =	sadd.s32 $0x60, s24;
	s31 =	sor.u32 $0x1520, s22  }
0x2bc: {  	[tilespmem:s31], [sflag:s23] =	stream.linear.gather [hbm4b:s30+s20], $0x10, $0x38;
	[tilespmem:$0x14200] =	vst v63  }
0x2bd: {  	s28 =	sadd.s32 $0x70, s24;
	s29 =	sor.u32 $0x15A0, s22  }
0x2be: {  	[tilespmem:s29], [sflag:s23] =	stream.linear.gather [hbm4b:s28+s20], $0x10, $0x38;
	[tilespmem:$0x14200] =	vst v63  }
0x2bf: {  	s25 =	sadd.s32 $0xF4280, s24;
	s30 =	sor.u32 $0x1620, s22  }
0x2c0: {  	[tilespmem:s30], [sflag:s23] =	stream.linear.gather [hbm4b:s25+s20], $0x10, $0x38;
	[tilespmem:$0x14200] =	vst v63  }
0x2c1: {  	s31 =	sadd.s32 $0x10, s25;
	s29 =	sor.u32 $0x16A0, s22  }
0x2c2: {  	[tilespmem:s29], [sflag:s23] =	stream.linear.gather [hbm4b:s31+s20], $0x10, $0x38;
	[tilespmem:$0x14200] =	vst v63  }
0x2c3: {  	s30 =	sadd.s32 $0x20, s25;
	s31 =	sor.u32 $0x1720, s22  }
0x2c4: {  	[tilespmem:s31], [sflag:s23] =	stream.linear.gather [hbm4b:s30+s20], $0x10, $0x38;
	[tilespmem:$0x14200] =	vst v63  }
0x2c5: {  	s29 =	sadd.s32 $0x30, s25;
	s30 =	sor.u32 $0x17A0, s22  }
0x2c6: {  	[tilespmem:s30], [sflag:s23] =	stream.linear.gather [hbm4b:s29+s20], $0x10, $0x38;
	[tilespmem:$0x14200] =	vst v63  }
0x2c7: {  	s31 =	sadd.s32 $0x40, s25;
	s29 =	sor.u32 $0x1820, s22  }
0x2c8: {  	[tilespmem:s29], [sflag:s23] =	stream.linear.gather [hbm4b:s31+s20], $0x10, $0x38;
	[tilespmem:$0x14200] =	vst v63  }
0x2c9: {  	s30 =	sadd.s32 $0x50, s25;
	s31 =	sor.u32 $0x18A0, s22  }
0x2ca: {  	[tilespmem:s31], [sflag:s23] =	stream.linear.gather [hbm4b:s30+s20], $0x10, $0x38;
	[tilespmem:$0x14200] =	vst v63  }
0x2cb: {  	s29 =	sadd.s32 $0x60, s25;
	s30 =	sor.u32 $0x1920, s22  }
0x2cc: {  	[tilespmem:s30], [sflag:s23] =	stream.linear.gather [hbm4b:s29+s20], $0x10, $0x38;
	[tilespmem:$0x14200] =	vst v63  }
0x2cd: {  	s25 =	sadd.s32 $0x70, s25;
	s31 =	sor.u32 $0x19A0, s22  }
0x2ce: {  	[tilespmem:s31], [sflag:s23] =	stream.linear.gather [hbm4b:s25+s20], $0x10, $0x38;
	[tilespmem:$0x14200] =	vst v63  }
0x2cf: {  	s28 =	sor.u32 $0x1A20, s22;
	s25 =	sadd.s32 $0x1E8500, s24  }
0x2d0: {  	[tilespmem:s28], [sflag:s23] =	stream.linear.gather [hbm4b:s25+s20], $0x10, $0x38;
	[tilespmem:$0x14200] =	vst v63  }
0x2d1: {  	s30 =	sor.u32 $0x1AA0, s22;
	s29 =	sadd.s32 $0x10, s25  }
0x2d2: {  	[tilespmem:s30], [sflag:s23] =	stream.linear.gather [hbm4b:s29+s20], $0x10, $0x38;
	[tilespmem:$0x14200] =	vst v63  }
0x2d3: {  	s31 =	sadd.s32 $0x20, s25;
	s29 =	sor.u32 $0x1B20, s22  }
0x2d4: {  	[tilespmem:s29], [sflag:s23] =	stream.linear.gather [hbm4b:s31+s20], $0x10, $0x38;
	[tilespmem:$0x14200] =	vst v63  }
0x2d5: {  	s30 =	sadd.s32 $0x30, s25;
	s31 =	sor.u32 $0x1BA0, s22  }
0x2d6: {  	[tilespmem:s31], [sflag:s23] =	stream.linear.gather [hbm4b:s30+s20], $0x10, $0x38;
	[tilespmem:$0x14200] =	vst v63  }
0x2d7: {  	s29 =	sadd.s32 $0x40, s25;
	s30 =	sor.u32 $0x1C20, s22  }
0x2d8: {  	[tilespmem:s30], [sflag:s23] =	stream.linear.gather [hbm4b:s29+s20], $0x10, $0x38;
	[tilespmem:$0x14200] =	vst v63  }
0x2d9: {  	s31 =	sadd.s32 $0x50, s25;
	s29 =	sor.u32 $0x1CA0, s22  }
0x2da: {  	[tilespmem:s29], [sflag:s23] =	stream.linear.gather [hbm4b:s31+s20], $0x10, $0x38;
	[tilespmem:$0x14200] =	vst v63  }
0x2db: {  	s30 =	sadd.s32 $0x60, s25;
	s31 =	sor.u32 $0x1D20, s22  }
0x2dc: {  	(v2sf) =	vpush v34, $0xB;
	[tilespmem:s31], [sflag:s23] =	stream.linear.gather [hbm4b:s30+s20], $0x10, $0x38;
	[tilespmem:$0x14200] =	vst v63  }
0x2dd: {  	s28 =	sor.u32 $0x1DA0, s22;
	s25 =	sadd.s32 $0x70, s25  }
0x2de: {  	(v2sf) =	vpush v33, $0xB;
	[tilespmem:s28], [sflag:s23] =	stream.linear.gather [hbm4b:s25+s20], $0x10, $0x38;
	[tilespmem:$0x14200] =	vst v63  }
0x2df: {  	s24 =	sadd.s32 $0x2DC780, s24;
	s29 =	sor.u32 $0x1E20, s22  }
0x2e0: {  	[tilespmem:s29], [sflag:s23] =	stream.linear.gather [hbm4b:s24+s20], $0x10, $0x38;
	[tilespmem:$0x14200] =	vst v63  }
0x2e1: {  	s30 =	sadd.s32 $0x10, s24;
	s31 =	sor.u32 $0x1EA0, s22  }
0x2e2: {  	[tilespmem:s31], [sflag:s23] =	stream.linear.gather [hbm4b:s30+s20], $0x10, $0x38;
	[tilespmem:$0x14200] =	vst v63  }
0x2e3: {  	s28 =	sadd.s32 $0x20, s24;
	s29 =	sor.u32 $0x1F20, s22  }
0x2e4: {  	[tilespmem:s29], [sflag:s23] =	stream.linear.gather [hbm4b:s28+s20], $0x10, $0x38;
	[tilespmem:$0x14200] =	vst v63  }
0x2e5: {  	s30 =	sadd.s32 $0x30, s24;
	s31 =	sor.u32 $0x1FA0, s22  }
0x2e6: {  	[tilespmem:s31], [sflag:s23] =	stream.linear.gather [hbm4b:s30+s20], $0x10, $0x38;
	[tilespmem:$0x14200] =	vst v63  }
0x2e7: {  	s28 =	sadd.s32 $0x40, s24;
	s29 =	sadd.s32 $0x2020, s22  }
0x2e8: {  	[tilespmem:s29], [sflag:s23] =	stream.linear.gather [hbm4b:s28+s20], $0x10, $0x38;
	[tilespmem:$0x14200] =	vst v63  }
0x2e9: {  	s30 =	sadd.s32 $0x50, s24;
	s31 =	sadd.s32 $0x20A0, s22  }
0x2ea: {  	[tilespmem:s31], [sflag:s23] =	stream.linear.gather [hbm4b:s30+s20], $0x10, $0x38;
	[tilespmem:$0x14200] =	vst v63  }
0x2eb: {  	s26 =	sadd.s32 $0x60, s24;
	s28 =	sadd.s32 $0x2120, s22;
	s30 =	spop (v2sf)  }
0x2ec: {  	[tilespmem:s28], [sflag:s23] =	stream.linear.gather [hbm4b:s26+s20], $0x10, $0x38;
	[tilespmem:$0x14200] =	vst v63  }
0x2ed: {  	s24 =	sadd.s32 $0x70, s24;
	s29 =	sadd.s32 $0x21A0, s22;
	s31 =	spop (v2sf)  }
0x2ee: {  	[tilespmem:s29], [sflag:s23] =	stream.linear.gather [hbm4b:s24+s20], $0x10, $0x38;
	[tilespmem:$0x14200] =	vst v63  }
0x2ef: {  	s26 =	sor.u32 $0x1230, s22;
	s24 =	sadd.s32 s30, s31  }
0x2f0: {  	[tilespmem:s26], [sflag:s23] =	stream.linear.gather [hbm4b:s24+s20], $0x10, $0x38;
	[tilespmem:$0x14200] =	vst v63  }
0x2f1: {  	s29 =	sor.u32 $0x12B0, s22;
	s28 =	sadd.s32 $0x10, s24  }
0x2f2: {  	[tilespmem:s29], [sflag:s23] =	stream.linear.gather [hbm4b:s28+s20], $0x10, $0x38;
	[tilespmem:$0x14200] =	vst v63  }
0x2f3: {  	s31 =	sor.u32 $0x1330, s22;
	s30 =	sadd.s32 $0x20, s24  }
0x2f4: {  	[tilespmem:s31], [sflag:s23] =	stream.linear.gather [hbm4b:s30+s20], $0x10, $0x38;
	[tilespmem:$0x14200] =	vst v63  }
0x2f5: {  	s28 =	sadd.s32 $0x30, s24;
	s29 =	sor.u32 $0x13B0, s22  }
0x2f6: {  	[tilespmem:s29], [sflag:s23] =	stream.linear.gather [hbm4b:s28+s20], $0x10, $0x38;
	[tilespmem:$0x14200] =	vst v63  }
0x2f7: {  	s30 =	sadd.s32 $0x40, s24;
	s31 =	sor.u32 $0x1430, s22  }
0x2f8: {  	[tilespmem:s31], [sflag:s23] =	stream.linear.gather [hbm4b:s30+s20], $0x10, $0x38;
	[tilespmem:$0x14200] =	vst v63  }
0x2f9: {  	s28 =	sadd.s32 $0x50, s24;
	s29 =	sor.u32 $0x14B0, s22  }
0x2fa: {  	[tilespmem:s29], [sflag:s23] =	stream.linear.gather [hbm4b:s28+s20], $0x10, $0x38;
	[tilespmem:$0x14200] =	vst v63  }
0x2fb: {  	s30 =	sadd.s32 $0x60, s24;
	s31 =	sor.u32 $0x1530, s22  }
0x2fc: {  	[tilespmem:s31], [sflag:s23] =	stream.linear.gather [hbm4b:s30+s20], $0x10, $0x38;
	[tilespmem:$0x14200] =	vst v63  }
0x2fd: {  	s28 =	sadd.s32 $0x70, s24;
	s29 =	sor.u32 $0x15B0, s22  }
0x2fe: {  	[tilespmem:s29], [sflag:s23] =	stream.linear.gather [hbm4b:s28+s20], $0x10, $0x38;
	[tilespmem:$0x14200] =	vst v63  }
0x2ff: {  	s25 =	sadd.s32 $0xF4280, s24;
	s30 =	sor.u32 $0x1630, s22  }
0x300: {  	[tilespmem:s30], [sflag:s23] =	stream.linear.gather [hbm4b:s25+s20], $0x10, $0x38;
	[tilespmem:$0x14200] =	vst v63  }
0x301: {  	s31 =	sadd.s32 $0x10, s25;
	s29 =	sor.u32 $0x16B0, s22  }
0x302: {  	[tilespmem:s29], [sflag:s23] =	stream.linear.gather [hbm4b:s31+s20], $0x10, $0x38;
	[tilespmem:$0x14200] =	vst v63  }
0x303: {  	s30 =	sadd.s32 $0x20, s25;
	s31 =	sor.u32 $0x1730, s22  }
0x304: {  	[tilespmem:s31], [sflag:s23] =	stream.linear.gather [hbm4b:s30+s20], $0x10, $0x38;
	[tilespmem:$0x14200] =	vst v63  }
0x305: {  	s29 =	sadd.s32 $0x30, s25;
	s30 =	sor.u32 $0x17B0, s22  }
0x306: {  	[tilespmem:s30], [sflag:s23] =	stream.linear.gather [hbm4b:s29+s20], $0x10, $0x38;
	[tilespmem:$0x14200] =	vst v63  }
0x307: {  	s31 =	sadd.s32 $0x40, s25;
	s29 =	sor.u32 $0x1830, s22  }
0x308: {  	[tilespmem:s29], [sflag:s23] =	stream.linear.gather [hbm4b:s31+s20], $0x10, $0x38;
	[tilespmem:$0x14200] =	vst v63  }
0x309: {  	s30 =	sadd.s32 $0x50, s25;
	s31 =	sor.u32 $0x18B0, s22  }
0x30a: {  	[tilespmem:s31], [sflag:s23] =	stream.linear.gather [hbm4b:s30+s20], $0x10, $0x38;
	[tilespmem:$0x14200] =	vst v63  }
0x30b: {  	s29 =	sadd.s32 $0x60, s25;
	s30 =	sor.u32 $0x1930, s22  }
0x30c: {  	[tilespmem:s30], [sflag:s23] =	stream.linear.gather [hbm4b:s29+s20], $0x10, $0x38;
	[tilespmem:$0x14200] =	vst v63  }
0x30d: {  	s25 =	sadd.s32 $0x70, s25;
	s31 =	sor.u32 $0x19B0, s22  }
0x30e: {  	[tilespmem:s31], [sflag:s23] =	stream.linear.gather [hbm4b:s25+s20], $0x10, $0x38;
	[tilespmem:$0x14200] =	vst v63  }
0x30f: {  	s28 =	sor.u32 $0x1A30, s22;
	s25 =	sadd.s32 $0x1E8500, s24  }
0x310: {  	[tilespmem:s28], [sflag:s23] =	stream.linear.gather [hbm4b:s25+s20], $0x10, $0x38;
	[tilespmem:$0x14200] =	vst v63  }
0x311: {  	s30 =	sor.u32 $0x1AB0, s22;
	s29 =	sadd.s32 $0x10, s25  }
0x312: {  	[tilespmem:s30], [sflag:s23] =	stream.linear.gather [hbm4b:s29+s20], $0x10, $0x38;
	[tilespmem:$0x14200] =	vst v63  }
0x313: {  	s31 =	sadd.s32 $0x20, s25;
	s29 =	sor.u32 $0x1B30, s22  }
0x314: {  	[tilespmem:s29], [sflag:s23] =	stream.linear.gather [hbm4b:s31+s20], $0x10, $0x38;
	[tilespmem:$0x14200] =	vst v63  }
0x315: {  	s30 =	sadd.s32 $0x30, s25;
	s31 =	sor.u32 $0x1BB0, s22  }
0x316: {  	[tilespmem:s31], [sflag:s23] =	stream.linear.gather [hbm4b:s30+s20], $0x10, $0x38;
	[tilespmem:$0x14200] =	vst v63  }
0x317: {  	s29 =	sadd.s32 $0x40, s25;
	s30 =	sor.u32 $0x1C30, s22  }
0x318: {  	[tilespmem:s30], [sflag:s23] =	stream.linear.gather [hbm4b:s29+s20], $0x10, $0x38;
	[tilespmem:$0x14200] =	vst v63  }
0x319: {  	s31 =	sadd.s32 $0x50, s25;
	s29 =	sor.u32 $0x1CB0, s22  }
0x31a: {  	[tilespmem:s29], [sflag:s23] =	stream.linear.gather [hbm4b:s31+s20], $0x10, $0x38;
	[tilespmem:$0x14200] =	vst v63  }
0x31b: {  	s30 =	sadd.s32 $0x60, s25;
	s31 =	sor.u32 $0x1D30, s22  }
0x31c: {  	(v2sf) =	vpush v34, $0xC;
	[tilespmem:s31], [sflag:s23] =	stream.linear.gather [hbm4b:s30+s20], $0x10, $0x38;
	[tilespmem:$0x14200] =	vst v63  }
0x31d: {  	s28 =	sor.u32 $0x1DB0, s22;
	s25 =	sadd.s32 $0x70, s25  }
0x31e: {  	(v2sf) =	vpush v33, $0xC;
	[tilespmem:s28], [sflag:s23] =	stream.linear.gather [hbm4b:s25+s20], $0x10, $0x38;
	[tilespmem:$0x14200] =	vst v63  }
0x31f: {  	s24 =	sadd.s32 $0x2DC780, s24;
	s29 =	sor.u32 $0x1E30, s22  }
0x320: {  	[tilespmem:s29], [sflag:s23] =	stream.linear.gather [hbm4b:s24+s20], $0x10, $0x38;
	[tilespmem:$0x14200] =	vst v63  }
0x321: {  	s30 =	sadd.s32 $0x10, s24;
	s31 =	sor.u32 $0x1EB0, s22  }
0x322: {  	[tilespmem:s31], [sflag:s23] =	stream.linear.gather [hbm4b:s30+s20], $0x10, $0x38;
	[tilespmem:$0x14200] =	vst v63  }
0x323: {  	s28 =	sadd.s32 $0x20, s24;
	s29 =	sor.u32 $0x1F30, s22  }
0x324: {  	[tilespmem:s29], [sflag:s23] =	stream.linear.gather [hbm4b:s28+s20], $0x10, $0x38;
	[tilespmem:$0x14200] =	vst v63  }
0x325: {  	s30 =	sadd.s32 $0x30, s24;
	s31 =	sor.u32 $0x1FB0, s22  }
0x326: {  	[tilespmem:s31], [sflag:s23] =	stream.linear.gather [hbm4b:s30+s20], $0x10, $0x38;
	[tilespmem:$0x14200] =	vst v63  }
0x327: {  	s28 =	sadd.s32 $0x40, s24;
	s29 =	sadd.s32 $0x2030, s22  }
0x328: {  	[tilespmem:s29], [sflag:s23] =	stream.linear.gather [hbm4b:s28+s20], $0x10, $0x38;
	[tilespmem:$0x14200] =	vst v63  }
0x329: {  	s30 =	sadd.s32 $0x50, s24;
	s31 =	sadd.s32 $0x20B0, s22  }
0x32a: {  	[tilespmem:s31], [sflag:s23] =	stream.linear.gather [hbm4b:s30+s20], $0x10, $0x38;
	[tilespmem:$0x14200] =	vst v63  }
0x32b: {  	s26 =	sadd.s32 $0x60, s24;
	s28 =	sadd.s32 $0x2130, s22;
	s30 =	spop (v2sf)  }
0x32c: {  	[tilespmem:s28], [sflag:s23] =	stream.linear.gather [hbm4b:s26+s20], $0x10, $0x38;
	[tilespmem:$0x14200] =	vst v63  }
0x32d: {  	s24 =	sadd.s32 $0x70, s24;
	s29 =	sadd.s32 $0x21B0, s22;
	s31 =	spop (v2sf)  }
0x32e: {  	[tilespmem:s29], [sflag:s23] =	stream.linear.gather [hbm4b:s24+s20], $0x10, $0x38;
	[tilespmem:$0x14200] =	vst v63  }
0x32f: {  	s26 =	sor.u32 $0x1240, s22;
	s24 =	sadd.s32 s30, s31  }
0x330: {  	[tilespmem:s26], [sflag:s23] =	stream.linear.gather [hbm4b:s24+s20], $0x10, $0x38;
	[tilespmem:$0x14200] =	vst v63  }
0x331: {  	s29 =	sor.u32 $0x12C0, s22;
	s28 =	sadd.s32 $0x10, s24  }
0x332: {  	[tilespmem:s29], [sflag:s23] =	stream.linear.gather [hbm4b:s28+s20], $0x10, $0x38;
	[tilespmem:$0x14200] =	vst v63  }
0x333: {  	s31 =	sor.u32 $0x1340, s22;
	s30 =	sadd.s32 $0x20, s24  }
0x334: {  	[tilespmem:s31], [sflag:s23] =	stream.linear.gather [hbm4b:s30+s20], $0x10, $0x38;
	[tilespmem:$0x14200] =	vst v63  }
0x335: {  	s28 =	sadd.s32 $0x30, s24;
	s29 =	sor.u32 $0x13C0, s22  }
0x336: {  	[tilespmem:s29], [sflag:s23] =	stream.linear.gather [hbm4b:s28+s20], $0x10, $0x38;
	[tilespmem:$0x14200] =	vst v63  }
0x337: {  	s30 =	sadd.s32 $0x40, s24;
	s31 =	sor.u32 $0x1440, s22  }
0x338: {  	[tilespmem:s31], [sflag:s23] =	stream.linear.gather [hbm4b:s30+s20], $0x10, $0x38;
	[tilespmem:$0x14200] =	vst v63  }
0x339: {  	s28 =	sadd.s32 $0x50, s24;
	s29 =	sor.u32 $0x14C0, s22  }
0x33a: {  	[tilespmem:s29], [sflag:s23] =	stream.linear.gather [hbm4b:s28+s20], $0x10, $0x38;
	[tilespmem:$0x14200] =	vst v63  }
0x33b: {  	s30 =	sadd.s32 $0x60, s24;
	s31 =	sor.u32 $0x1540, s22  }
0x33c: {  	[tilespmem:s31], [sflag:s23] =	stream.linear.gather [hbm4b:s30+s20], $0x10, $0x38;
	[tilespmem:$0x14200] =	vst v63  }
0x33d: {  	s28 =	sadd.s32 $0x70, s24;
	s29 =	sor.u32 $0x15C0, s22  }
0x33e: {  	[tilespmem:s29], [sflag:s23] =	stream.linear.gather [hbm4b:s28+s20], $0x10, $0x38;
	[tilespmem:$0x14200] =	vst v63  }
0x33f: {  	s25 =	sadd.s32 $0xF4280, s24;
	s30 =	sor.u32 $0x1640, s22  }
0x340: {  	[tilespmem:s30], [sflag:s23] =	stream.linear.gather [hbm4b:s25+s20], $0x10, $0x38;
	[tilespmem:$0x14200] =	vst v63  }
0x341: {  	s31 =	sadd.s32 $0x10, s25;
	s29 =	sor.u32 $0x16C0, s22  }
0x342: {  	[tilespmem:s29], [sflag:s23] =	stream.linear.gather [hbm4b:s31+s20], $0x10, $0x38;
	[tilespmem:$0x14200] =	vst v63  }
0x343: {  	s30 =	sadd.s32 $0x20, s25;
	s31 =	sor.u32 $0x1740, s22  }
0x344: {  	[tilespmem:s31], [sflag:s23] =	stream.linear.gather [hbm4b:s30+s20], $0x10, $0x38;
	[tilespmem:$0x14200] =	vst v63  }
0x345: {  	s29 =	sadd.s32 $0x30, s25;
	s30 =	sor.u32 $0x17C0, s22  }
0x346: {  	[tilespmem:s30], [sflag:s23] =	stream.linear.gather [hbm4b:s29+s20], $0x10, $0x38;
	[tilespmem:$0x14200] =	vst v63  }
0x347: {  	s31 =	sadd.s32 $0x40, s25;
	s29 =	sor.u32 $0x1840, s22  }
0x348: {  	[tilespmem:s29], [sflag:s23] =	stream.linear.gather [hbm4b:s31+s20], $0x10, $0x38;
	[tilespmem:$0x14200] =	vst v63  }
0x349: {  	s30 =	sadd.s32 $0x50, s25;
	s31 =	sor.u32 $0x18C0, s22  }
0x34a: {  	[tilespmem:s31], [sflag:s23] =	stream.linear.gather [hbm4b:s30+s20], $0x10, $0x38;
	[tilespmem:$0x14200] =	vst v63  }
0x34b: {  	s29 =	sadd.s32 $0x60, s25;
	s30 =	sor.u32 $0x1940, s22  }
0x34c: {  	[tilespmem:s30], [sflag:s23] =	stream.linear.gather [hbm4b:s29+s20], $0x10, $0x38;
	[tilespmem:$0x14200] =	vst v63  }
0x34d: {  	s25 =	sadd.s32 $0x70, s25;
	s31 =	sor.u32 $0x19C0, s22  }
0x34e: {  	[tilespmem:s31], [sflag:s23] =	stream.linear.gather [hbm4b:s25+s20], $0x10, $0x38;
	[tilespmem:$0x14200] =	vst v63  }
0x34f: {  	s28 =	sor.u32 $0x1A40, s22;
	s25 =	sadd.s32 $0x1E8500, s24  }
0x350: {  	[tilespmem:s28], [sflag:s23] =	stream.linear.gather [hbm4b:s25+s20], $0x10, $0x38;
	[tilespmem:$0x14200] =	vst v63  }
0x351: {  	s30 =	sor.u32 $0x1AC0, s22;
	s29 =	sadd.s32 $0x10, s25  }
0x352: {  	[tilespmem:s30], [sflag:s23] =	stream.linear.gather [hbm4b:s29+s20], $0x10, $0x38;
	[tilespmem:$0x14200] =	vst v63  }
0x353: {  	s31 =	sadd.s32 $0x20, s25;
	s29 =	sor.u32 $0x1B40, s22  }
0x354: {  	[tilespmem:s29], [sflag:s23] =	stream.linear.gather [hbm4b:s31+s20], $0x10, $0x38;
	[tilespmem:$0x14200] =	vst v63  }
0x355: {  	s30 =	sadd.s32 $0x30, s25;
	s31 =	sor.u32 $0x1BC0, s22  }
0x356: {  	[tilespmem:s31], [sflag:s23] =	stream.linear.gather [hbm4b:s30+s20], $0x10, $0x38;
	[tilespmem:$0x14200] =	vst v63  }
0x357: {  	s29 =	sadd.s32 $0x40, s25;
	s30 =	sor.u32 $0x1C40, s22  }
0x358: {  	[tilespmem:s30], [sflag:s23] =	stream.linear.gather [hbm4b:s29+s20], $0x10, $0x38;
	[tilespmem:$0x14200] =	vst v63  }
0x359: {  	s31 =	sadd.s32 $0x50, s25;
	s29 =	sor.u32 $0x1CC0, s22  }
0x35a: {  	[tilespmem:s29], [sflag:s23] =	stream.linear.gather [hbm4b:s31+s20], $0x10, $0x38;
	[tilespmem:$0x14200] =	vst v63  }
0x35b: {  	s30 =	sadd.s32 $0x60, s25;
	s31 =	sor.u32 $0x1D40, s22  }
0x35c: {  	(v2sf) =	vpush v34, $0xD;
	[tilespmem:s31], [sflag:s23] =	stream.linear.gather [hbm4b:s30+s20], $0x10, $0x38;
	[tilespmem:$0x14200] =	vst v63  }
0x35d: {  	s28 =	sor.u32 $0x1DC0, s22;
	s25 =	sadd.s32 $0x70, s25  }
0x35e: {  	(v2sf) =	vpush v33, $0xD;
	[tilespmem:s28], [sflag:s23] =	stream.linear.gather [hbm4b:s25+s20], $0x10, $0x38;
	[tilespmem:$0x14200] =	vst v63  }
0x35f: {  	s24 =	sadd.s32 $0x2DC780, s24;
	s29 =	sor.u32 $0x1E40, s22  }
0x360: {  	[tilespmem:s29], [sflag:s23] =	stream.linear.gather [hbm4b:s24+s20], $0x10, $0x38;
	[tilespmem:$0x14200] =	vst v63  }
0x361: {  	s30 =	sadd.s32 $0x10, s24;
	s31 =	sor.u32 $0x1EC0, s22  }
0x362: {  	[tilespmem:s31], [sflag:s23] =	stream.linear.gather [hbm4b:s30+s20], $0x10, $0x38;
	[tilespmem:$0x14200] =	vst v63  }
0x363: {  	s28 =	sadd.s32 $0x20, s24;
	s29 =	sor.u32 $0x1F40, s22  }
0x364: {  	[tilespmem:s29], [sflag:s23] =	stream.linear.gather [hbm4b:s28+s20], $0x10, $0x38;
	[tilespmem:$0x14200] =	vst v63  }
0x365: {  	s30 =	sadd.s32 $0x30, s24;
	s31 =	sor.u32 $0x1FC0, s22  }
0x366: {  	[tilespmem:s31], [sflag:s23] =	stream.linear.gather [hbm4b:s30+s20], $0x10, $0x38;
	[tilespmem:$0x14200] =	vst v63  }
0x367: {  	s28 =	sadd.s32 $0x40, s24;
	s29 =	sadd.s32 $0x2040, s22  }
0x368: {  	[tilespmem:s29], [sflag:s23] =	stream.linear.gather [hbm4b:s28+s20], $0x10, $0x38;
	[tilespmem:$0x14200] =	vst v63  }
0x369: {  	s30 =	sadd.s32 $0x50, s24;
	s31 =	sadd.s32 $0x20C0, s22  }
0x36a: {  	[tilespmem:s31], [sflag:s23] =	stream.linear.gather [hbm4b:s30+s20], $0x10, $0x38;
	[tilespmem:$0x14200] =	vst v63  }
0x36b: {  	s26 =	sadd.s32 $0x60, s24;
	s28 =	sadd.s32 $0x2140, s22;
	s30 =	spop (v2sf)  }
0x36c: {  	[tilespmem:s28], [sflag:s23] =	stream.linear.gather [hbm4b:s26+s20], $0x10, $0x38;
	[tilespmem:$0x14200] =	vst v63  }
0x36d: {  	s24 =	sadd.s32 $0x70, s24;
	s29 =	sadd.s32 $0x21C0, s22;
	s31 =	spop (v2sf)  }
0x36e: {  	[tilespmem:s29], [sflag:s23] =	stream.linear.gather [hbm4b:s24+s20], $0x10, $0x38;
	[tilespmem:$0x14200] =	vst v63  }
0x36f: {  	s26 =	sor.u32 $0x1250, s22;
	s24 =	sadd.s32 s30, s31  }
0x370: {  	[tilespmem:s26], [sflag:s23] =	stream.linear.gather [hbm4b:s24+s20], $0x10, $0x38;
	[tilespmem:$0x14200] =	vst v63  }
0x371: {  	s29 =	sor.u32 $0x12D0, s22;
	s28 =	sadd.s32 $0x10, s24  }
0x372: {  	[tilespmem:s29], [sflag:s23] =	stream.linear.gather [hbm4b:s28+s20], $0x10, $0x38;
	[tilespmem:$0x14200] =	vst v63  }
0x373: {  	s31 =	sor.u32 $0x1350, s22;
	s30 =	sadd.s32 $0x20, s24  }
0x374: {  	[tilespmem:s31], [sflag:s23] =	stream.linear.gather [hbm4b:s30+s20], $0x10, $0x38;
	[tilespmem:$0x14200] =	vst v63  }
0x375: {  	s28 =	sadd.s32 $0x30, s24;
	s29 =	sor.u32 $0x13D0, s22  }
0x376: {  	[tilespmem:s29], [sflag:s23] =	stream.linear.gather [hbm4b:s28+s20], $0x10, $0x38;
	[tilespmem:$0x14200] =	vst v63  }
0x377: {  	s30 =	sadd.s32 $0x40, s24;
	s31 =	sor.u32 $0x1450, s22  }
0x378: {  	[tilespmem:s31], [sflag:s23] =	stream.linear.gather [hbm4b:s30+s20], $0x10, $0x38;
	[tilespmem:$0x14200] =	vst v63  }
0x379: {  	s28 =	sadd.s32 $0x50, s24;
	s29 =	sor.u32 $0x14D0, s22  }
0x37a: {  	[tilespmem:s29], [sflag:s23] =	stream.linear.gather [hbm4b:s28+s20], $0x10, $0x38;
	[tilespmem:$0x14200] =	vst v63  }
0x37b: {  	s30 =	sadd.s32 $0x60, s24;
	s31 =	sor.u32 $0x1550, s22  }
0x37c: {  	[tilespmem:s31], [sflag:s23] =	stream.linear.gather [hbm4b:s30+s20], $0x10, $0x38;
	[tilespmem:$0x14200] =	vst v63  }
0x37d: {  	s28 =	sadd.s32 $0x70, s24;
	s29 =	sor.u32 $0x15D0, s22  }
0x37e: {  	[tilespmem:s29], [sflag:s23] =	stream.linear.gather [hbm4b:s28+s20], $0x10, $0x38;
	[tilespmem:$0x14200] =	vst v63  }
0x37f: {  	s25 =	sadd.s32 $0xF4280, s24;
	s30 =	sor.u32 $0x1650, s22  }
0x380: {  	[tilespmem:s30], [sflag:s23] =	stream.linear.gather [hbm4b:s25+s20], $0x10, $0x38;
	[tilespmem:$0x14200] =	vst v63  }
0x381: {  	s31 =	sadd.s32 $0x10, s25;
	s29 =	sor.u32 $0x16D0, s22  }
0x382: {  	[tilespmem:s29], [sflag:s23] =	stream.linear.gather [hbm4b:s31+s20], $0x10, $0x38;
	[tilespmem:$0x14200] =	vst v63  }
0x383: {  	s30 =	sadd.s32 $0x20, s25;
	s31 =	sor.u32 $0x1750, s22  }
0x384: {  	[tilespmem:s31], [sflag:s23] =	stream.linear.gather [hbm4b:s30+s20], $0x10, $0x38;
	[tilespmem:$0x14200] =	vst v63  }
0x385: {  	s29 =	sadd.s32 $0x30, s25;
	s30 =	sor.u32 $0x17D0, s22  }
0x386: {  	[tilespmem:s30], [sflag:s23] =	stream.linear.gather [hbm4b:s29+s20], $0x10, $0x38;
	[tilespmem:$0x14200] =	vst v63  }
0x387: {  	s31 =	sadd.s32 $0x40, s25;
	s29 =	sor.u32 $0x1850, s22  }
0x388: {  	[tilespmem:s29], [sflag:s23] =	stream.linear.gather [hbm4b:s31+s20], $0x10, $0x38;
	[tilespmem:$0x14200] =	vst v63  }
0x389: {  	s30 =	sadd.s32 $0x50, s25;
	s31 =	sor.u32 $0x18D0, s22  }
0x38a: {  	[tilespmem:s31], [sflag:s23] =	stream.linear.gather [hbm4b:s30+s20], $0x10, $0x38;
	[tilespmem:$0x14200] =	vst v63  }
0x38b: {  	s29 =	sadd.s32 $0x60, s25;
	s30 =	sor.u32 $0x1950, s22  }
0x38c: {  	[tilespmem:s30], [sflag:s23] =	stream.linear.gather [hbm4b:s29+s20], $0x10, $0x38;
	[tilespmem:$0x14200] =	vst v63  }
0x38d: {  	s25 =	sadd.s32 $0x70, s25;
	s31 =	sor.u32 $0x19D0, s22  }
0x38e: {  	[tilespmem:s31], [sflag:s23] =	stream.linear.gather [hbm4b:s25+s20], $0x10, $0x38;
	[tilespmem:$0x14200] =	vst v63  }
0x38f: {  	s28 =	sor.u32 $0x1A50, s22;
	s25 =	sadd.s32 $0x1E8500, s24  }
0x390: {  	[tilespmem:s28], [sflag:s23] =	stream.linear.gather [hbm4b:s25+s20], $0x10, $0x38;
	[tilespmem:$0x14200] =	vst v63  }
0x391: {  	s30 =	sor.u32 $0x1AD0, s22;
	s29 =	sadd.s32 $0x10, s25  }
0x392: {  	[tilespmem:s30], [sflag:s23] =	stream.linear.gather [hbm4b:s29+s20], $0x10, $0x38;
	[tilespmem:$0x14200] =	vst v63  }
0x393: {  	s31 =	sadd.s32 $0x20, s25;
	s29 =	sor.u32 $0x1B50, s22  }
0x394: {  	[tilespmem:s29], [sflag:s23] =	stream.linear.gather [hbm4b:s31+s20], $0x10, $0x38;
	[tilespmem:$0x14200] =	vst v63  }
0x395: {  	s30 =	sadd.s32 $0x30, s25;
	s31 =	sor.u32 $0x1BD0, s22  }
0x396: {  	[tilespmem:s31], [sflag:s23] =	stream.linear.gather [hbm4b:s30+s20], $0x10, $0x38;
	[tilespmem:$0x14200] =	vst v63  }
0x397: {  	s29 =	sadd.s32 $0x40, s25;
	s30 =	sor.u32 $0x1C50, s22  }
0x398: {  	[tilespmem:s30], [sflag:s23] =	stream.linear.gather [hbm4b:s29+s20], $0x10, $0x38;
	[tilespmem:$0x14200] =	vst v63  }
0x399: {  	s31 =	sadd.s32 $0x50, s25;
	s29 =	sor.u32 $0x1CD0, s22  }
0x39a: {  	[tilespmem:s29], [sflag:s23] =	stream.linear.gather [hbm4b:s31+s20], $0x10, $0x38;
	[tilespmem:$0x14200] =	vst v63  }
0x39b: {  	s30 =	sadd.s32 $0x60, s25;
	s31 =	sor.u32 $0x1D50, s22  }
0x39c: {  	(v2sf) =	vpush v34, $0xE;
	[tilespmem:s31], [sflag:s23] =	stream.linear.gather [hbm4b:s30+s20], $0x10, $0x38;
	[tilespmem:$0x14200] =	vst v63  }
0x39d: {  	s28 =	sor.u32 $0x1DD0, s22;
	s25 =	sadd.s32 $0x70, s25  }
0x39e: {  	(v2sf) =	vpush v33, $0xE;
	[tilespmem:s28], [sflag:s23] =	stream.linear.gather [hbm4b:s25+s20], $0x10, $0x38;
	[tilespmem:$0x14200] =	vst v63  }
0x39f: {  	s24 =	sadd.s32 $0x2DC780, s24;
	s29 =	sor.u32 $0x1E50, s22  }
0x3a0: {  	[tilespmem:s29], [sflag:s23] =	stream.linear.gather [hbm4b:s24+s20], $0x10, $0x38;
	[tilespmem:$0x14200] =	vst v63  }
0x3a1: {  	s30 =	sadd.s32 $0x10, s24;
	s31 =	sor.u32 $0x1ED0, s22  }
0x3a2: {  	[tilespmem:s31], [sflag:s23] =	stream.linear.gather [hbm4b:s30+s20], $0x10, $0x38;
	[tilespmem:$0x14200] =	vst v63  }
0x3a3: {  	s28 =	sadd.s32 $0x20, s24;
	s29 =	sor.u32 $0x1F50, s22  }
0x3a4: {  	[tilespmem:s29], [sflag:s23] =	stream.linear.gather [hbm4b:s28+s20], $0x10, $0x38;
	[tilespmem:$0x14200] =	vst v63  }
0x3a5: {  	s30 =	sadd.s32 $0x30, s24;
	s31 =	sor.u32 $0x1FD0, s22  }
0x3a6: {  	[tilespmem:s31], [sflag:s23] =	stream.linear.gather [hbm4b:s30+s20], $0x10, $0x38;
	[tilespmem:$0x14200] =	vst v63  }
0x3a7: {  	s28 =	sadd.s32 $0x40, s24;
	s29 =	sadd.s32 $0x2050, s22  }
0x3a8: {  	[tilespmem:s29], [sflag:s23] =	stream.linear.gather [hbm4b:s28+s20], $0x10, $0x38;
	[tilespmem:$0x14200] =	vst v63  }
0x3a9: {  	s30 =	sadd.s32 $0x50, s24;
	s31 =	sadd.s32 $0x20D0, s22  }
0x3aa: {  	[tilespmem:s31], [sflag:s23] =	stream.linear.gather [hbm4b:s30+s20], $0x10, $0x38;
	[tilespmem:$0x14200] =	vst v63  }
0x3ab: {  	s26 =	sadd.s32 $0x60, s24;
	s28 =	sadd.s32 $0x2150, s22;
	s30 =	spop (v2sf)  }
0x3ac: {  	[tilespmem:s28], [sflag:s23] =	stream.linear.gather [hbm4b:s26+s20], $0x10, $0x38;
	[tilespmem:$0x14200] =	vst v63  }
0x3ad: {  	s24 =	sadd.s32 $0x70, s24;
	s29 =	sadd.s32 $0x21D0, s22;
	s31 =	spop (v2sf)  }
0x3ae: {  	[tilespmem:s29], [sflag:s23] =	stream.linear.gather [hbm4b:s24+s20], $0x10, $0x38;
	[tilespmem:$0x14200] =	vst v63  }
0x3af: {  	s26 =	sor.u32 $0x1260, s22;
	s24 =	sadd.s32 s30, s31  }
0x3b0: {  	[tilespmem:s26], [sflag:s23] =	stream.linear.gather [hbm4b:s24+s20], $0x10, $0x38;
	[tilespmem:$0x14200] =	vst v63  }
0x3b1: {  	s29 =	sor.u32 $0x12E0, s22;
	s28 =	sadd.s32 $0x10, s24  }
0x3b2: {  	[tilespmem:s29], [sflag:s23] =	stream.linear.gather [hbm4b:s28+s20], $0x10, $0x38;
	[tilespmem:$0x14200] =	vst v63  }
0x3b3: {  	s31 =	sor.u32 $0x1360, s22;
	s30 =	sadd.s32 $0x20, s24  }
0x3b4: {  	[tilespmem:s31], [sflag:s23] =	stream.linear.gather [hbm4b:s30+s20], $0x10, $0x38;
	[tilespmem:$0x14200] =	vst v63  }
0x3b5: {  	s28 =	sadd.s32 $0x30, s24;
	s29 =	sor.u32 $0x13E0, s22  }
0x3b6: {  	[tilespmem:s29], [sflag:s23] =	stream.linear.gather [hbm4b:s28+s20], $0x10, $0x38;
	[tilespmem:$0x14200] =	vst v63  }
0x3b7: {  	s30 =	sadd.s32 $0x40, s24;
	s31 =	sor.u32 $0x1460, s22  }
0x3b8: {  	[tilespmem:s31], [sflag:s23] =	stream.linear.gather [hbm4b:s30+s20], $0x10, $0x38;
	[tilespmem:$0x14200] =	vst v63  }
0x3b9: {  	s28 =	sadd.s32 $0x50, s24;
	s29 =	sor.u32 $0x14E0, s22  }
0x3ba: {  	[tilespmem:s29], [sflag:s23] =	stream.linear.gather [hbm4b:s28+s20], $0x10, $0x38;
	[tilespmem:$0x14200] =	vst v63  }
0x3bb: {  	s30 =	sadd.s32 $0x60, s24;
	s31 =	sor.u32 $0x1560, s22  }
0x3bc: {  	[tilespmem:s31], [sflag:s23] =	stream.linear.gather [hbm4b:s30+s20], $0x10, $0x38;
	[tilespmem:$0x14200] =	vst v63  }
0x3bd: {  	s28 =	sadd.s32 $0x70, s24;
	s29 =	sor.u32 $0x15E0, s22  }
0x3be: {  	[tilespmem:s29], [sflag:s23] =	stream.linear.gather [hbm4b:s28+s20], $0x10, $0x38;
	[tilespmem:$0x14200] =	vst v63  }
0x3bf: {  	s25 =	sadd.s32 $0xF4280, s24;
	s30 =	sor.u32 $0x1660, s22  }
0x3c0: {  	[tilespmem:s30], [sflag:s23] =	stream.linear.gather [hbm4b:s25+s20], $0x10, $0x38;
	[tilespmem:$0x14200] =	vst v63  }
0x3c1: {  	s31 =	sadd.s32 $0x10, s25;
	s29 =	sor.u32 $0x16E0, s22  }
0x3c2: {  	[tilespmem:s29], [sflag:s23] =	stream.linear.gather [hbm4b:s31+s20], $0x10, $0x38;
	[tilespmem:$0x14200] =	vst v63  }
0x3c3: {  	s30 =	sadd.s32 $0x20, s25;
	s31 =	sor.u32 $0x1760, s22  }
0x3c4: {  	[tilespmem:s31], [sflag:s23] =	stream.linear.gather [hbm4b:s30+s20], $0x10, $0x38;
	[tilespmem:$0x14200] =	vst v63  }
0x3c5: {  	s29 =	sadd.s32 $0x30, s25;
	s30 =	sor.u32 $0x17E0, s22  }
0x3c6: {  	[tilespmem:s30], [sflag:s23] =	stream.linear.gather [hbm4b:s29+s20], $0x10, $0x38;
	[tilespmem:$0x14200] =	vst v63  }
0x3c7: {  	s31 =	sadd.s32 $0x40, s25;
	s29 =	sor.u32 $0x1860, s22  }
0x3c8: {  	[tilespmem:s29], [sflag:s23] =	stream.linear.gather [hbm4b:s31+s20], $0x10, $0x38;
	[tilespmem:$0x14200] =	vst v63  }
0x3c9: {  	s30 =	sadd.s32 $0x50, s25;
	s31 =	sor.u32 $0x18E0, s22  }
0x3ca: {  	[tilespmem:s31], [sflag:s23] =	stream.linear.gather [hbm4b:s30+s20], $0x10, $0x38;
	[tilespmem:$0x14200] =	vst v63  }
0x3cb: {  	s29 =	sadd.s32 $0x60, s25;
	s30 =	sor.u32 $0x1960, s22  }
0x3cc: {  	[tilespmem:s30], [sflag:s23] =	stream.linear.gather [hbm4b:s29+s20], $0x10, $0x38;
	[tilespmem:$0x14200] =	vst v63  }
0x3cd: {  	s25 =	sadd.s32 $0x70, s25;
	s31 =	sor.u32 $0x19E0, s22  }
0x3ce: {  	[tilespmem:s31], [sflag:s23] =	stream.linear.gather [hbm4b:s25+s20], $0x10, $0x38;
	[tilespmem:$0x14200] =	vst v63  }
0x3cf: {  	s28 =	sor.u32 $0x1A60, s22;
	s25 =	sadd.s32 $0x1E8500, s24  }
0x3d0: {  	[tilespmem:s28], [sflag:s23] =	stream.linear.gather [hbm4b:s25+s20], $0x10, $0x38;
	[tilespmem:$0x14200] =	vst v63  }
0x3d1: {  	s30 =	sor.u32 $0x1AE0, s22;
	s29 =	sadd.s32 $0x10, s25  }
0x3d2: {  	[tilespmem:s30], [sflag:s23] =	stream.linear.gather [hbm4b:s29+s20], $0x10, $0x38;
	[tilespmem:$0x14200] =	vst v63  }
0x3d3: {  	s31 =	sadd.s32 $0x20, s25;
	s29 =	sor.u32 $0x1B60, s22  }
0x3d4: {  	[tilespmem:s29], [sflag:s23] =	stream.linear.gather [hbm4b:s31+s20], $0x10, $0x38;
	[tilespmem:$0x14200] =	vst v63  }
0x3d5: {  	s30 =	sadd.s32 $0x30, s25;
	s31 =	sor.u32 $0x1BE0, s22  }
0x3d6: {  	[tilespmem:s31], [sflag:s23] =	stream.linear.gather [hbm4b:s30+s20], $0x10, $0x38;
	[tilespmem:$0x14200] =	vst v63  }
0x3d7: {  	s29 =	sadd.s32 $0x40, s25;
	s30 =	sor.u32 $0x1C60, s22  }
0x3d8: {  	[tilespmem:s30], [sflag:s23] =	stream.linear.gather [hbm4b:s29+s20], $0x10, $0x38;
	[tilespmem:$0x14200] =	vst v63  }
0x3d9: {  	s31 =	sadd.s32 $0x50, s25;
	s29 =	sor.u32 $0x1CE0, s22  }
0x3da: {  	[tilespmem:s29], [sflag:s23] =	stream.linear.gather [hbm4b:s31+s20], $0x10, $0x38;
	[tilespmem:$0x14200] =	vst v63  }
0x3db: {  	s30 =	sadd.s32 $0x60, s25;
	s31 =	sor.u32 $0x1D60, s22  }
0x3dc: {  	(v2sf) =	vpush v34, $0xF;
	[tilespmem:s31], [sflag:s23] =	stream.linear.gather [hbm4b:s30+s20], $0x10, $0x38;
	[tilespmem:$0x14200] =	vst v63  }
0x3dd: {  	s28 =	sor.u32 $0x1DE0, s22;
	s25 =	sadd.s32 $0x70, s25  }
0x3de: {  	(v2sf) =	vpush v33, $0xF;
	[tilespmem:s28], [sflag:s23] =	stream.linear.gather [hbm4b:s25+s20], $0x10, $0x38;
	[tilespmem:$0x14200] =	vst v63  }
0x3df: {  	s24 =	sadd.s32 $0x2DC780, s24;
	s29 =	sor.u32 $0x1E60, s22  }
0x3e0: {  	[tilespmem:s29], [sflag:s23] =	stream.linear.gather [hbm4b:s24+s20], $0x10, $0x38;
	[tilespmem:$0x14200] =	vst v63  }
0x3e1: {  	s30 =	sadd.s32 $0x10, s24;
	s31 =	sor.u32 $0x1EE0, s22  }
0x3e2: {  	[tilespmem:s31], [sflag:s23] =	stream.linear.gather [hbm4b:s30+s20], $0x10, $0x38;
	[tilespmem:$0x14200] =	vst v63  }
0x3e3: {  	s28 =	sadd.s32 $0x20, s24;
	s29 =	sor.u32 $0x1F60, s22  }
0x3e4: {  	[tilespmem:s29], [sflag:s23] =	stream.linear.gather [hbm4b:s28+s20], $0x10, $0x38;
	[tilespmem:$0x14200] =	vst v63  }
0x3e5: {  	s30 =	sadd.s32 $0x30, s24;
	s31 =	sor.u32 $0x1FE0, s22  }
0x3e6: {  	[tilespmem:s31], [sflag:s23] =	stream.linear.gather [hbm4b:s30+s20], $0x10, $0x38;
	[tilespmem:$0x14200] =	vst v63  }
0x3e7: {  	s28 =	sadd.s32 $0x40, s24;
	s29 =	sadd.s32 $0x2060, s22  }
0x3e8: {  	[tilespmem:s29], [sflag:s23] =	stream.linear.gather [hbm4b:s28+s20], $0x10, $0x38;
	[tilespmem:$0x14200] =	vst v63  }
0x3e9: {  	s30 =	sadd.s32 $0x50, s24;
	s31 =	sadd.s32 $0x20E0, s22  }
0x3ea: {  	[tilespmem:s31], [sflag:s23] =	stream.linear.gather [hbm4b:s30+s20], $0x10, $0x38;
	[tilespmem:$0x14200] =	vst v63  }
0x3eb: {  	s28 =	sadd.s32 $0x60, s24;
	s29 =	sadd.s32 $0x2160, s22;
	s30 =	spop (v2sf)  }
0x3ec: {  	[tilespmem:s29], [sflag:s23] =	stream.linear.gather [hbm4b:s28+s20], $0x10, $0x38;
	[tilespmem:$0x14200] =	vst v63  }
0x3ed: {  	s24 =	sadd.s32 $0x70, s24;
	s31 =	sadd.s32 $0x21E0, s22;
	s28 =	spop (v2sf)  }
0x3ee: {  	[tilespmem:s31], [sflag:s23] =	stream.linear.gather [hbm4b:s24+s20], $0x10, $0x38;
	[tilespmem:$0x14200] =	vst v63  }
0x3ef: {  	s29 =	sor.u32 $0x1270, s22;
	s24 =	sadd.s32 s30, s28  }
0x3f0: {  	[tilespmem:s29], [sflag:s23] =	stream.linear.gather [hbm4b:s24+s20], $0x10, $0x38;
	[tilespmem:$0x14200] =	vst v63  }
0x3f1: {  	s31 =	sor.u32 $0x12F0, s22;
	s30 =	sadd.s32 $0x10, s24  }
0x3f2: {  	[tilespmem:s31], [sflag:s23] =	stream.linear.gather [hbm4b:s30+s20], $0x10, $0x38;
	[tilespmem:$0x14200] =	vst v63  }
0x3f3: {  	s28 =	sadd.s32 $0x20, s24;
	s29 =	sor.u32 $0x1370, s22  }
0x3f4: {  	[tilespmem:s29], [sflag:s23] =	stream.linear.gather [hbm4b:s28+s20], $0x10, $0x38;
	[tilespmem:$0x14200] =	vst v63  }
0x3f5: {  	s30 =	sadd.s32 $0x30, s24;
	s31 =	sor.u32 $0x13F0, s22  }
0x3f6: {  	[tilespmem:s31], [sflag:s23] =	stream.linear.gather [hbm4b:s30+s20], $0x10, $0x38;
	[tilespmem:$0x14200] =	vst v63  }
0x3f7: {  	s28 =	sadd.s32 $0x40, s24;
	s29 =	sor.u32 $0x1470, s22  }
0x3f8: {  	[tilespmem:s29], [sflag:s23] =	stream.linear.gather [hbm4b:s28+s20], $0x10, $0x38;
	[tilespmem:$0x14200] =	vst v63  }
0x3f9: {  	s30 =	sadd.s32 $0x50, s24;
	s31 =	sor.u32 $0x14F0, s22  }
0x3fa: {  	[tilespmem:s31], [sflag:s23] =	stream.linear.gather [hbm4b:s30+s20], $0x10, $0x38;
	[tilespmem:$0x14200] =	vst v63  }
0x3fb: {  	s28 =	sadd.s32 $0x60, s24;
	s29 =	sor.u32 $0x1570, s22  }
0x3fc: {  	[tilespmem:s29], [sflag:s23] =	stream.linear.gather [hbm4b:s28+s20], $0x10, $0x38;
	[tilespmem:$0x14200] =	vst v63  }
0x3fd: {  	s30 =	sadd.s32 $0x70, s24;
	s31 =	sor.u32 $0x15F0, s22  }
0x3fe: {  	[tilespmem:s31], [sflag:s23] =	stream.linear.gather [hbm4b:s30+s20], $0x10, $0x38;
	[tilespmem:$0x14200] =	vst v63  }
0x3ff: {  	s25 =	sadd.s32 $0xF4280, s24;
	s28 =	sor.u32 $0x1670, s22  }
0x400: {  	[tilespmem:s28], [sflag:s23] =	stream.linear.gather [hbm4b:s25+s20], $0x10, $0x38;
	[tilespmem:$0x14200] =	vst v63  }
0x401: {  	s29 =	sadd.s32 $0x10, s25;
	s30 =	sor.u32 $0x16F0, s22  }
0x402: {  	[tilespmem:s30], [sflag:s23] =	stream.linear.gather [hbm4b:s29+s20], $0x10, $0x38;
	[tilespmem:$0x14200] =	vst v63  }
0x403: {  	s31 =	sadd.s32 $0x20, s25;
	s29 =	sor.u32 $0x1770, s22  }
0x404: {  	[tilespmem:s29], [sflag:s23] =	stream.linear.gather [hbm4b:s31+s20], $0x10, $0x38;
	[tilespmem:$0x14200] =	vst v63  }
0x405: {  	s30 =	sadd.s32 $0x30, s25;
	s31 =	sor.u32 $0x17F0, s22  }
0x406: {  	[tilespmem:s31], [sflag:s23] =	stream.linear.gather [hbm4b:s30+s20], $0x10, $0x38;
	[tilespmem:$0x14200] =	vst v63  }
0x407: {  	s29 =	sadd.s32 $0x40, s25;
	s30 =	sor.u32 $0x1870, s22  }
0x408: {  	[tilespmem:s30], [sflag:s23] =	stream.linear.gather [hbm4b:s29+s20], $0x10, $0x38;
	[tilespmem:$0x14200] =	vst v63  }
0x409: {  	s31 =	sadd.s32 $0x50, s25;
	s29 =	sor.u32 $0x18F0, s22  }
0x40a: {  	[tilespmem:s29], [sflag:s23] =	stream.linear.gather [hbm4b:s31+s20], $0x10, $0x38;
	[tilespmem:$0x14200] =	vst v63  }
0x40b: {  	s30 =	sadd.s32 $0x60, s25;
	s31 =	sor.u32 $0x1970, s22  }
0x40c: {  	[tilespmem:s31], [sflag:s23] =	stream.linear.gather [hbm4b:s30+s20], $0x10, $0x38;
	[tilespmem:$0x14200] =	vst v63  }
0x40d: {  	s25 =	sadd.s32 $0x70, s25;
	s29 =	sor.u32 $0x19F0, s22  }
0x40e: {  	[tilespmem:s29], [sflag:s23] =	stream.linear.gather [hbm4b:s25+s20], $0x10, $0x38;
	[tilespmem:$0x14200] =	vst v63  }
0x40f: {  	s30 =	sor.u32 $0x1A70, s22;
	s25 =	sadd.s32 $0x1E8500, s24  }
0x410: {  	[tilespmem:s30], [sflag:s23] =	stream.linear.gather [hbm4b:s25+s20], $0x10, $0x38;
	[tilespmem:$0x14200] =	vst v63  }
0x411: {  	s29 =	sor.u32 $0x1AF0, s22;
	s31 =	sadd.s32 $0x10, s25  }
0x412: {  	[tilespmem:s29], [sflag:s23] =	stream.linear.gather [hbm4b:s31+s20], $0x10, $0x38;
	[tilespmem:$0x14200] =	vst v63  }
0x413: {  	s30 =	sadd.s32 $0x20, s25;
	s31 =	sor.u32 $0x1B70, s22  }
0x414: {  	[tilespmem:s31], [sflag:s23] =	stream.linear.gather [hbm4b:s30+s20], $0x10, $0x38;
	[tilespmem:$0x14200] =	vst v63  }
0x415: {  	s29 =	sadd.s32 $0x30, s25;
	s30 =	sor.u32 $0x1BF0, s22  }
0x416: {  	[tilespmem:s30], [sflag:s23] =	stream.linear.gather [hbm4b:s29+s20], $0x10, $0x38;
	[tilespmem:$0x14200] =	vst v63  }
0x417: {  	s31 =	sadd.s32 $0x40, s25;
	s29 =	sor.u32 $0x1C70, s22  }
0x418: {  	[tilespmem:s29], [sflag:s23] =	stream.linear.gather [hbm4b:s31+s20], $0x10, $0x38;
	[tilespmem:$0x14200] =	vst v63  }
0x419: {  	s30 =	sadd.s32 $0x50, s25;
	s31 =	sor.u32 $0x1CF0, s22  }
0x41a: {  	[tilespmem:s31], [sflag:s23] =	stream.linear.gather [hbm4b:s30+s20], $0x10, $0x38;
	[tilespmem:$0x14200] =	vst v63  }
0x41b: {  	s29 =	sadd.s32 $0x60, s25;
	s30 =	sor.u32 $0x1D70, s22  }
0x41c: {  	[tilespmem:s30], [sflag:s23] =	stream.linear.gather [hbm4b:s29+s20], $0x10, $0x38;
	[tilespmem:$0x14200] =	vst v63  }
0x41d: {  	s25 =	sadd.s32 $0x70, s25;
	s31 =	sor.u32 $0x1DF0, s22  }
0x41e: {  	[tilespmem:s31], [sflag:s23] =	stream.linear.gather [hbm4b:s25+s20], $0x10, $0x38;
	[tilespmem:$0x14200] =	vst v63  }
0x41f: {  	s26 =	sor.u32 $0x1E70, s22;
	s24 =	sadd.s32 $0x2DC780, s24  }
0x420: {  	[tilespmem:s26], [sflag:s23] =	stream.linear.gather [hbm4b:s24+s20], $0x10, $0x38;
	[tilespmem:$0x14200] =	vst v63  }
0x421: {  	s28 =	sadd.s32 $0x10, s24;
	s29 =	sor.u32 $0x1EF0, s22  }
0x422: {  	[tilespmem:s29], [sflag:s23] =	stream.linear.gather [hbm4b:s28+s20], $0x10, $0x38;
	[tilespmem:$0x14200] =	vst v63  }
0x423: {  	s30 =	sadd.s32 $0x20, s24;
	s31 =	sor.u32 $0x1F70, s22  }
0x424: {  	[tilespmem:s31], [sflag:s23] =	stream.linear.gather [hbm4b:s30+s20], $0x10, $0x38;
	[tilespmem:$0x14200] =	vst v63  }
0x425: {  	s28 =	sadd.s32 $0x30, s24;
	s29 =	sor.u32 $0x1FF0, s22  }
0x426: {  	[tilespmem:s29], [sflag:s23] =	stream.linear.gather [hbm4b:s28+s20], $0x10, $0x38;
	[tilespmem:$0x14200] =	vst v63  }
0x427: {  	s30 =	sadd.s32 $0x40, s24;
	s31 =	sadd.s32 $0x2070, s22  }
0x428: {  	[tilespmem:s31], [sflag:s23] =	stream.linear.gather [hbm4b:s30+s20], $0x10, $0x38;
	[tilespmem:$0x14200] =	vst v63  }
0x429: {  	p0 =	sne.s32 s21, $0x6;
	s28 =	sadd.s32 $0x50, s24;
	s29 =	sadd.s32 $0x20F0, s22  }
0x42a: {  	[tilespmem:s29], [sflag:s23] =	stream.linear.gather [hbm4b:s28+s20], $0x10, $0x38;
	[tilespmem:$0x14200] =	vst v63  }
.Ltmp2:
0x42b: {  	_ = 	snop;
	(pc) =	sbr.rel @p0 .LBB2_2-.Ltmp2, $4  }
0x42c: {  	s30 =	sadd.s32 $0x60, s24;
	s31 =	sadd.s32 $0x2170, s22  }
0x42d: {  	[tilespmem:s31], [sflag:s23] =	stream.linear.gather [hbm4b:s30+s20], $0x10, $0x38;
	[tilespmem:$0x14200] =	vst v63  }
0x42e: {  	s21 =	smov.u32 s23;
	s24 =	sadd.s32 $0x70, s24;
	s22 =	sadd.s32 $0x21F0, s22  }
0x42f: {  	[tilespmem:s22], [sflag:s23] =	stream.linear.gather [hbm4b:s24+s20], $0x10, $0x38;
	[tilespmem:$0x14200] =	vst v63  }
.Ltmp3:
0x430: {  	(pc) =	sbr.rel .LBB2_4-.Ltmp3, $2  }
0x431: {  	_ =	sdelay $0x2  }
0x432: {  	s21 =	simm.s32 $0x70;
	s22 =	simm.s32 $0x0  }
.LBB2_6:
0x433: {  	s23 =	sand.u32 $0x7, s22  }
0x434: {  	s24 =	sadd.s32 $0x1, s23  }
0x435: {  	_ =	swait.ge [sflag:s24], $0x1000  }
0x436: {  	[sflag:s24] =	ssyncset.done $0x0  }
0x437: {  	[sflag:s24] =	ssyncadd.s32 $0xFFFFF000  }
0x438: {  	_ =	swait.ge [sflag:s24], $0x1000  }
0x439: {  	[sflag:s24] =	ssyncset.done $0x0  }
0x43a: {  	[sflag:s24] =	ssyncadd.s32 $0xFFFFF000  }
0x43b: {  	v33 =	vld [tilespmem:s21+$0xFFFFFF90];
	_ =	sdelay $0x4  }
0x43c: {  	s30 =	sshll.u32 s23, $0xD;
	v33 =	vand.u32 $0xF, v33  }
0x43d: {  	v33 =	vor.u32 s30, v33  }
0x43e: {  	v33 =	vor.u32 v1, v33  }
0x43f: {  	v34 =	vor.u32 v0, v33;
	_ =	sdelay $0x4  }
0x440: {  	v34 =	vld.idx.msk [tilespmem:v34+s13+$0x0], $0xffff  }
0x441: {  	v35 =	vor.u32 v2, v33;
	_ =	sdelay $0x1  }
0x442: {  	s31 =	sand.u32 $0x3000, s20;
	s23 =	sshll.u32 s23, $0x4  }
0x443: {  	s23 =	sor.u32 s23, s31  }
0x444: {  	[tilespmem:s23+$0x10200] =	vst v34  }
0x445: {  	v34 =	vld.idx.msk [tilespmem:v35+s13+$0x0], $0xffff  }
0x446: {  	v63 =	vor.u32 v3, v33;
	_ =	sdelay $0x3  }
0x447: {  	[tilespmem:s23+$0x10280] =	vst v34  }
0x448: {  	v34 =	vld.idx.msk [tilespmem:v63+s13+$0x0], $0xffff  }
0x449: {  	v36 =	vor.u32 v4, v33;
	_ =	sdelay $0x3  }
0x44a: {  	[tilespmem:s23+$0x10300] =	vst v34  }
0x44b: {  	v34 =	vld.idx.msk [tilespmem:v36+s13+$0x0], $0xffff  }
0x44c: {  	v37 =	vor.u32 v5, v33;
	_ =	sdelay $0x3  }
0x44d: {  	[tilespmem:s23+$0x10380] =	vst v34  }
0x44e: {  	v34 =	vld.idx.msk [tilespmem:v37+s13+$0x0], $0xffff  }
0x44f: {  	v38 =	vor.u32 v6, v33;
	_ =	sdelay $0x3  }
0x450: {  	[tilespmem:s23+$0x10400] =	vst v34  }
0x451: {  	v34 =	vld.idx.msk [tilespmem:v38+s13+$0x0], $0xffff  }
0x452: {  	v39 =	vor.u32 v7, v33;
	_ =	sdelay $0x3  }
0x453: {  	[tilespmem:s23+$0x10480] =	vst v34  }
0x454: {  	v34 =	vld.idx.msk [tilespmem:v39+s13+$0x0], $0xffff  }
0x455: {  	v40 =	vor.u32 v8, v33;
	_ =	sdelay $0x3  }
0x456: {  	[tilespmem:s23+$0x10500] =	vst v34  }
0x457: {  	v34 =	vld.idx.msk [tilespmem:v40+s13+$0x0], $0xffff  }
0x458: {  	v41 =	vor.u32 v9, v33;
	_ =	sdelay $0x3  }
0x459: {  	[tilespmem:s23+$0x10580] =	vst v34  }
0x45a: {  	v34 =	vld.idx.msk [tilespmem:v41+s13+$0x0], $0xffff  }
0x45b: {  	v42 =	vor.u32 v10, v33;
	_ =	sdelay $0x3  }
0x45c: {  	[tilespmem:s23+$0x10600] =	vst v34  }
0x45d: {  	v34 =	vld.idx.msk [tilespmem:v42+s13+$0x0], $0xffff  }
0x45e: {  	v43 =	vor.u32 v11, v33;
	_ =	sdelay $0x3  }
0x45f: {  	[tilespmem:s23+$0x10680] =	vst v34  }
0x460: {  	v34 =	vld.idx.msk [tilespmem:v43+s13+$0x0], $0xffff  }
0x461: {  	v44 =	vor.u32 v12, v33;
	_ =	sdelay $0x3  }
0x462: {  	[tilespmem:s23+$0x10700] =	vst v34  }
0x463: {  	v34 =	vld.idx.msk [tilespmem:v44+s13+$0x0], $0xffff  }
0x464: {  	v45 =	vor.u32 v13, v33;
	_ =	sdelay $0x3  }
0x465: {  	[tilespmem:s23+$0x10780] =	vst v34  }
0x466: {  	v34 =	vld.idx.msk [tilespmem:v45+s13+$0x0], $0xffff  }
0x467: {  	v46 =	vor.u32 v14, v33;
	_ =	sdelay $0x3  }
0x468: {  	[tilespmem:s23+$0x10800] =	vst v34  }
0x469: {  	v34 =	vld.idx.msk [tilespmem:v46+s13+$0x0], $0xffff  }
0x46a: {  	v47 =	vor.u32 v15, v33;
	_ =	sdelay $0x3  }
0x46b: {  	[tilespmem:s23+$0x10880] =	vst v34  }
0x46c: {  	v34 =	vld.idx.msk [tilespmem:v47+s13+$0x0], $0xffff  }
0x46d: {  	v48 =	vor.u32 v16, v33;
	_ =	sdelay $0x3  }
0x46e: {  	[tilespmem:s23+$0x10900] =	vst v34  }
0x46f: {  	v34 =	vld.idx.msk [tilespmem:v48+s13+$0x0], $0xffff  }
0x470: {  	v49 =	vor.u32 v17, v33;
	_ =	sdelay $0x3  }
0x471: {  	[tilespmem:s23+$0x10980] =	vst v34  }
0x472: {  	v34 =	vld.idx.msk [tilespmem:v49+s13+$0x0], $0xffff  }
0x473: {  	v50 =	vor.u32 v18, v33;
	_ =	sdelay $0x3  }
0x474: {  	[tilespmem:s23+$0x10A00] =	vst v34  }
0x475: {  	v34 =	vld.idx.msk [tilespmem:v50+s13+$0x0], $0xffff  }
0x476: {  	v51 =	vor.u32 v19, v33;
	_ =	sdelay $0x3  }
0x477: {  	[tilespmem:s23+$0x10A80] =	vst v34  }
0x478: {  	v34 =	vld.idx.msk [tilespmem:v51+s13+$0x0], $0xffff  }
0x479: {  	v52 =	vor.u32 v20, v33;
	_ =	sdelay $0x3  }
0x47a: {  	[tilespmem:s23+$0x10B00] =	vst v34  }
0x47b: {  	v34 =	vld.idx.msk [tilespmem:v52+s13+$0x0], $0xffff  }
0x47c: {  	v53 =	vor.u32 v21, v33;
	_ =	sdelay $0x3  }
0x47d: {  	[tilespmem:s23+$0x10B80] =	vst v34  }
0x47e: {  	v34 =	vld.idx.msk [tilespmem:v53+s13+$0x0], $0xffff  }
0x47f: {  	v54 =	vor.u32 v22, v33;
	_ =	sdelay $0x3  }
0x480: {  	[tilespmem:s23+$0x10C00] =	vst v34  }
0x481: {  	v34 =	vld.idx.msk [tilespmem:v54+s13+$0x0], $0xffff  }
0x482: {  	v55 =	vor.u32 v23, v33;
	_ =	sdelay $0x3  }
0x483: {  	[tilespmem:s23+$0x10C80] =	vst v34  }
0x484: {  	v34 =	vld.idx.msk [tilespmem:v55+s13+$0x0], $0xffff  }
0x485: {  	v56 =	vor.u32 v24, v33;
	_ =	sdelay $0x3  }
0x486: {  	[tilespmem:s23+$0x10D00] =	vst v34  }
0x487: {  	v34 =	vld.idx.msk [tilespmem:v56+s13+$0x0], $0xffff  }
0x488: {  	v57 =	vor.u32 v25, v33;
	_ =	sdelay $0x3  }
0x489: {  	[tilespmem:s23+$0x10D80] =	vst v34  }
0x48a: {  	v34 =	vld.idx.msk [tilespmem:v57+s13+$0x0], $0xffff  }
0x48b: {  	v58 =	vor.u32 v26, v33;
	_ =	sdelay $0x3  }
0x48c: {  	[tilespmem:s23+$0x10E00] =	vst v34  }
0x48d: {  	v34 =	vld.idx.msk [tilespmem:v58+s13+$0x0], $0xffff  }
0x48e: {  	v59 =	vor.u32 v27, v33;
	_ =	sdelay $0x3  }
0x48f: {  	[tilespmem:s23+$0x10E80] =	vst v34  }
0x490: {  	v34 =	vld.idx.msk [tilespmem:v59+s13+$0x0], $0xffff  }
0x491: {  	v60 =	vor.u32 v28, v33;
	_ =	sdelay $0x3  }
0x492: {  	[tilespmem:s23+$0x10F00] =	vst v34  }
0x493: {  	v34 =	vld.idx.msk [tilespmem:v60+s13+$0x0], $0xffff  }
0x494: {  	v61 =	vor.u32 v29, v33;
	_ =	sdelay $0x3  }
0x495: {  	[tilespmem:s23+$0x10F80] =	vst v34  }
0x496: {  	v34 =	vld.idx.msk [tilespmem:v61+s13+$0x0], $0xffff  }
0x497: {  	v62 =	vor.u32 v30, v33;
	_ =	sdelay $0x3  }
0x498: {  	[tilespmem:s23+$0x11000] =	vst v34  }
0x499: {  	v34 =	vld.idx.msk [tilespmem:v62+s13+$0x0], $0xffff  }
0x49a: {  	v63 =	vor.u32 v31, v33;
	_ =	sdelay $0x3  }
0x49b: {  	[tilespmem:s23+$0x11080] =	vst v34  }
0x49c: {  	v34 =	vld.idx.msk [tilespmem:v63+s13+$0x0], $0xffff  }
0x49d: {  	v33 =	vor.u32 v32, v33;
	_ =	sdelay $0x3  }
0x49e: {  	s22 =	sadd.s32 $0x1, s22;
	[tilespmem:s23+$0x11100] =	vst v34  }
0x49f: {  	p0 =	sne.s32 s22, $0x20;
	v33 =	vld.idx.msk [tilespmem:v33+s13+$0x0], $0xffff  }
.Ltmp4:
0x4a0: {  	_ = 	snop;
	(pc) =	sbr.rel @!p0 .LBB2_7-.Ltmp4, $2  }
0x4a1: {  	_ =	sdelay $0x2  }
0x4a2: {  	s20 =	sadd.s32 $0x200, s20;
	s21 =	sadd.s32 $0x10, s21;
	[tilespmem:s23+$0x11180] =	vst v33  }
.LBB2_4:
0x4a3: {  	p0 =	sgt.u32 s22, $0x18  }
.Ltmp5:
0x4a4: {  	_ = 	snop;
	(pc) =	sbr.rel @p0 .LBB2_6-.Ltmp5, $1  }
0x4a5: {  	_ =	sdelay $0x3  }
0x4a6: {  	v33 =	vld [tilespmem:s21+$0x0];
	_ =	sdelay $0x4  }
0x4a7: {  	v34 =	vshrl.u32 v33, $0x4  }
0x4a8: {  	v34 =	vand.u32 $0x7, v34  }
0x4a9: {  	v33 =	vand.u32 $0xFFFFFF80, v33;
	v34 =	vshll.u32 v34, $0x1  }
0x4aa: {  	v33 =	vadd.s32 s0, v33;
	(v2sf) =	vpush v34, $0x0  }
0x4ab: {  	(v2sf) =	vpush v33, $0x0;
	_ =	sdelay $0xc  }
0x4ac: {  	s23 =	sadd.s32 $0xFFFFFFFF, s22  }
0x4ad: {  	s24 =	sand.u32 $0x7, s23;
	s25 =	spop (v2sf)  }
0x4ae: {  	s23 =	sshll.u32 s24, $0xD;
	s26 =	spop (v2sf)  }
0x4af: {  	s24 =	sadd.s32 $0x1, s24;
	s28 =	sor.u32 $0x200, s23;
	s25 =	sadd.s32 s26, s25  }
0x4b0: {  	[tilespmem:s28], [sflag:s24] =	stream.linear.gather [hbm4b:s25+s3], $0x10, $0x38;
	[tilespmem:$0x14200] =	vst v63  }
0x4b1: {  	s31 =	sor.u32 $0x280, s23;
	s26 =	sadd.s32 $0x10, s25  }
0x4b2: {  	[tilespmem:s31], [sflag:s24] =	stream.linear.gather [hbm4b:s26+s3], $0x10, $0x38;
	[tilespmem:$0x14200] =	vst v63  }
0x4b3: {  	s30 =	sor.u32 $0x300, s23;
	s29 =	sadd.s32 $0x20, s25  }
0x4b4: {  	[tilespmem:s30], [sflag:s24] =	stream.linear.gather [hbm4b:s29+s3], $0x10, $0x38;
	[tilespmem:$0x14200] =	vst v63  }
0x4b5: {  	s31 =	sadd.s32 $0x30, s25;
	s29 =	sor.u32 $0x380, s23  }
0x4b6: {  	[tilespmem:s29], [sflag:s24] =	stream.linear.gather [hbm4b:s31+s3], $0x10, $0x38;
	[tilespmem:$0x14200] =	vst v63  }
0x4b7: {  	s30 =	sadd.s32 $0x40, s25;
	s31 =	sor.u32 $0x400, s23  }
0x4b8: {  	[tilespmem:s31], [sflag:s24] =	stream.linear.gather [hbm4b:s30+s3], $0x10, $0x38;
	[tilespmem:$0x14200] =	vst v63  }
0x4b9: {  	s29 =	sadd.s32 $0x50, s25;
	s30 =	sor.u32 $0x480, s23  }
0x4ba: {  	[tilespmem:s30], [sflag:s24] =	stream.linear.gather [hbm4b:s29+s3], $0x10, $0x38;
	[tilespmem:$0x14200] =	vst v63  }
0x4bb: {  	s31 =	sadd.s32 $0x60, s25;
	s29 =	sor.u32 $0x500, s23  }
0x4bc: {  	[tilespmem:s29], [sflag:s24] =	stream.linear.gather [hbm4b:s31+s3], $0x10, $0x38;
	[tilespmem:$0x14200] =	vst v63  }
0x4bd: {  	s30 =	sadd.s32 $0x70, s25;
	s31 =	sor.u32 $0x580, s23  }
0x4be: {  	[tilespmem:s31], [sflag:s24] =	stream.linear.gather [hbm4b:s30+s3], $0x10, $0x38;
	[tilespmem:$0x14200] =	vst v63  }
0x4bf: {  	s26 =	sadd.s32 $0xF4280, s25;
	s29 =	sor.u32 $0x600, s23  }
0x4c0: {  	[tilespmem:s29], [sflag:s24] =	stream.linear.gather [hbm4b:s26+s3], $0x10, $0x38;
	[tilespmem:$0x14200] =	vst v63  }
0x4c1: {  	s30 =	sadd.s32 $0x10, s26;
	s29 =	sor.u32 $0x680, s23  }
0x4c2: {  	[tilespmem:s29], [sflag:s24] =	stream.linear.gather [hbm4b:s30+s3], $0x10, $0x38;
	[tilespmem:$0x14200] =	vst v63  }
0x4c3: {  	s31 =	sadd.s32 $0x20, s26;
	s30 =	sor.u32 $0x700, s23  }
0x4c4: {  	[tilespmem:s30], [sflag:s24] =	stream.linear.gather [hbm4b:s31+s3], $0x10, $0x38;
	[tilespmem:$0x14200] =	vst v63  }
0x4c5: {  	s31 =	sadd.s32 $0x30, s26;
	s30 =	sor.u32 $0x780, s23  }
0x4c6: {  	[tilespmem:s30], [sflag:s24] =	stream.linear.gather [hbm4b:s31+s3], $0x10, $0x38;
	[tilespmem:$0x14200] =	vst v63  }
0x4c7: {  	s31 =	sadd.s32 $0x40, s26;
	s30 =	sor.u32 $0x800, s23  }
0x4c8: {  	[tilespmem:s30], [sflag:s24] =	stream.linear.gather [hbm4b:s31+s3], $0x10, $0x38;
	[tilespmem:$0x14200] =	vst v63  }
0x4c9: {  	s31 =	sadd.s32 $0x50, s26;
	s30 =	sor.u32 $0x880, s23  }
0x4ca: {  	[tilespmem:s30], [sflag:s24] =	stream.linear.gather [hbm4b:s31+s3], $0x10, $0x38;
	[tilespmem:$0x14200] =	vst v63  }
0x4cb: {  	s31 =	sadd.s32 $0x60, s26;
	s30 =	sor.u32 $0x900, s23  }
0x4cc: {  	[tilespmem:s30], [sflag:s24] =	stream.linear.gather [hbm4b:s31+s3], $0x10, $0x38;
	[tilespmem:$0x14200] =	vst v63  }
0x4cd: {  	s26 =	sadd.s32 $0x70, s26;
	s31 =	sor.u32 $0x980, s23  }
0x4ce: {  	[tilespmem:s31], [sflag:s24] =	stream.linear.gather [hbm4b:s26+s3], $0x10, $0x38;
	[tilespmem:$0x14200] =	vst v63  }
0x4cf: {  	s29 =	sor.u32 $0xA00, s23;
	s26 =	sadd.s32 $0x1E8500, s25  }
0x4d0: {  	[tilespmem:s29], [sflag:s24] =	stream.linear.gather [hbm4b:s26+s3], $0x10, $0x38;
	[tilespmem:$0x14200] =	vst v63  }
0x4d1: {  	s31 =	sor.u32 $0xA80, s23;
	s30 =	sadd.s32 $0x10, s26  }
0x4d2: {  	[tilespmem:s31], [sflag:s24] =	stream.linear.gather [hbm4b:s30+s3], $0x10, $0x38;
	[tilespmem:$0x14200] =	vst v63  }
0x4d3: {  	s30 =	sadd.s32 $0x20, s26;
	s31 =	sor.u32 $0xB00, s23  }
0x4d4: {  	[tilespmem:s31], [sflag:s24] =	stream.linear.gather [hbm4b:s30+s3], $0x10, $0x38;
	[tilespmem:$0x14200] =	vst v63  }
0x4d5: {  	s30 =	sadd.s32 $0x30, s26;
	s31 =	sor.u32 $0xB80, s23  }
0x4d6: {  	[tilespmem:s31], [sflag:s24] =	stream.linear.gather [hbm4b:s30+s3], $0x10, $0x38;
	[tilespmem:$0x14200] =	vst v63  }
0x4d7: {  	s30 =	sadd.s32 $0x40, s26;
	s31 =	sor.u32 $0xC00, s23  }
0x4d8: {  	[tilespmem:s31], [sflag:s24] =	stream.linear.gather [hbm4b:s30+s3], $0x10, $0x38;
	[tilespmem:$0x14200] =	vst v63  }
0x4d9: {  	s30 =	sadd.s32 $0x50, s26;
	s31 =	sor.u32 $0xC80, s23  }
0x4da: {  	[tilespmem:s31], [sflag:s24] =	stream.linear.gather [hbm4b:s30+s3], $0x10, $0x38;
	[tilespmem:$0x14200] =	vst v63  }
0x4db: {  	s30 =	sadd.s32 $0x60, s26;
	s31 =	sor.u32 $0xD00, s23  }
0x4dc: {  	(v2sf) =	vpush v34, $0x1;
	[tilespmem:s31], [sflag:s24] =	stream.linear.gather [hbm4b:s30+s3], $0x10, $0x38;
	[tilespmem:$0x14200] =	vst v63  }
0x4dd: {  	s29 =	sor.u32 $0xD80, s23;
	s26 =	sadd.s32 $0x70, s26  }
0x4de: {  	(v2sf) =	vpush v33, $0x1;
	[tilespmem:s29], [sflag:s24] =	stream.linear.gather [hbm4b:s26+s3], $0x10, $0x38;
	[tilespmem:$0x14200] =	vst v63  }
0x4df: {  	s25 =	sadd.s32 $0x2DC780, s25;
	s30 =	sor.u32 $0xE00, s23  }
0x4e0: {  	[tilespmem:s30], [sflag:s24] =	stream.linear.gather [hbm4b:s25+s3], $0x10, $0x38;
	[tilespmem:$0x14200] =	vst v63  }
0x4e1: {  	s31 =	sadd.s32 $0x10, s25;
	s29 =	sor.u32 $0xE80, s23  }
0x4e2: {  	[tilespmem:s29], [sflag:s24] =	stream.linear.gather [hbm4b:s31+s3], $0x10, $0x38;
	[tilespmem:$0x14200] =	vst v63  }
0x4e3: {  	s30 =	sadd.s32 $0x20, s25;
	s31 =	sor.u32 $0xF00, s23  }
0x4e4: {  	[tilespmem:s31], [sflag:s24] =	stream.linear.gather [hbm4b:s30+s3], $0x10, $0x38;
	[tilespmem:$0x14200] =	vst v63  }
0x4e5: {  	s29 =	sadd.s32 $0x30, s25;
	s30 =	sor.u32 $0xF80, s23  }
0x4e6: {  	[tilespmem:s30], [sflag:s24] =	stream.linear.gather [hbm4b:s29+s3], $0x10, $0x38;
	[tilespmem:$0x14200] =	vst v63  }
0x4e7: {  	s31 =	sadd.s32 $0x40, s25;
	s29 =	sor.u32 $0x1000, s23  }
0x4e8: {  	[tilespmem:s29], [sflag:s24] =	stream.linear.gather [hbm4b:s31+s3], $0x10, $0x38;
	[tilespmem:$0x14200] =	vst v63  }
0x4e9: {  	s30 =	sadd.s32 $0x50, s25;
	s31 =	sor.u32 $0x1080, s23  }
0x4ea: {  	[tilespmem:s31], [sflag:s24] =	stream.linear.gather [hbm4b:s30+s3], $0x10, $0x38;
	[tilespmem:$0x14200] =	vst v63  }
0x4eb: {  	s28 =	spop (v2sf);
	s29 =	sadd.s32 $0x60, s25;
	s30 =	sor.u32 $0x1100, s23  }
0x4ec: {  	[tilespmem:s30], [sflag:s24] =	stream.linear.gather [hbm4b:s29+s3], $0x10, $0x38;
	[tilespmem:$0x14200] =	vst v63  }
0x4ed: {  	s25 =	sadd.s32 $0x70, s25;
	s31 =	sor.u32 $0x1180, s23;
	s29 =	spop (v2sf)  }
0x4ee: {  	[tilespmem:s31], [sflag:s24] =	stream.linear.gather [hbm4b:s25+s3], $0x10, $0x38;
	[tilespmem:$0x14200] =	vst v63  }
0x4ef: {  	s30 =	sor.u32 $0x210, s23;
	s25 =	sadd.s32 s28, s29  }
0x4f0: {  	[tilespmem:s30], [sflag:s24] =	stream.linear.gather [hbm4b:s25+s3], $0x10, $0x38;
	[tilespmem:$0x14200] =	vst v63  }
0x4f1: {  	s29 =	sor.u32 $0x290, s23;
	s31 =	sadd.s32 $0x10, s25  }
0x4f2: {  	[tilespmem:s29], [sflag:s24] =	stream.linear.gather [hbm4b:s31+s3], $0x10, $0x38;
	[tilespmem:$0x14200] =	vst v63  }
0x4f3: {  	s30 =	sadd.s32 $0x20, s25;
	s31 =	sor.u32 $0x310, s23  }
0x4f4: {  	[tilespmem:s31], [sflag:s24] =	stream.linear.gather [hbm4b:s30+s3], $0x10, $0x38;
	[tilespmem:$0x14200] =	vst v63  }
0x4f5: {  	s29 =	sadd.s32 $0x30, s25;
	s30 =	sor.u32 $0x390, s23  }
0x4f6: {  	[tilespmem:s30], [sflag:s24] =	stream.linear.gather [hbm4b:s29+s3], $0x10, $0x38;
	[tilespmem:$0x14200] =	vst v63  }
0x4f7: {  	s31 =	sadd.s32 $0x40, s25;
	s29 =	sor.u32 $0x410, s23  }
0x4f8: {  	[tilespmem:s29], [sflag:s24] =	stream.linear.gather [hbm4b:s31+s3], $0x10, $0x38;
	[tilespmem:$0x14200] =	vst v63  }
0x4f9: {  	s30 =	sadd.s32 $0x50, s25;
	s31 =	sor.u32 $0x490, s23  }
0x4fa: {  	[tilespmem:s31], [sflag:s24] =	stream.linear.gather [hbm4b:s30+s3], $0x10, $0x38;
	[tilespmem:$0x14200] =	vst v63  }
0x4fb: {  	s29 =	sadd.s32 $0x60, s25;
	s30 =	sor.u32 $0x510, s23  }
0x4fc: {  	[tilespmem:s30], [sflag:s24] =	stream.linear.gather [hbm4b:s29+s3], $0x10, $0x38;
	[tilespmem:$0x14200] =	vst v63  }
0x4fd: {  	s31 =	sadd.s32 $0x70, s25;
	s29 =	sor.u32 $0x590, s23  }
0x4fe: {  	[tilespmem:s29], [sflag:s24] =	stream.linear.gather [hbm4b:s31+s3], $0x10, $0x38;
	[tilespmem:$0x14200] =	vst v63  }
0x4ff: {  	s26 =	sadd.s32 $0xF4280, s25;
	s30 =	sor.u32 $0x610, s23  }
0x500: {  	[tilespmem:s30], [sflag:s24] =	stream.linear.gather [hbm4b:s26+s3], $0x10, $0x38;
	[tilespmem:$0x14200] =	vst v63  }
0x501: {  	s31 =	sadd.s32 $0x10, s26;
	s30 =	sor.u32 $0x690, s23  }
0x502: {  	[tilespmem:s30], [sflag:s24] =	stream.linear.gather [hbm4b:s31+s3], $0x10, $0x38;
	[tilespmem:$0x14200] =	vst v63  }
0x503: {  	s31 =	sadd.s32 $0x20, s26;
	s30 =	sor.u32 $0x710, s23  }
0x504: {  	[tilespmem:s30], [sflag:s24] =	stream.linear.gather [hbm4b:s31+s3], $0x10, $0x38;
	[tilespmem:$0x14200] =	vst v63  }
0x505: {  	s31 =	sadd.s32 $0x30, s26;
	s30 =	sor.u32 $0x790, s23  }
0x506: {  	[tilespmem:s30], [sflag:s24] =	stream.linear.gather [hbm4b:s31+s3], $0x10, $0x38;
	[tilespmem:$0x14200] =	vst v63  }
0x507: {  	s31 =	sadd.s32 $0x40, s26;
	s30 =	sor.u32 $0x810, s23  }
0x508: {  	[tilespmem:s30], [sflag:s24] =	stream.linear.gather [hbm4b:s31+s3], $0x10, $0x38;
	[tilespmem:$0x14200] =	vst v63  }
0x509: {  	s31 =	sadd.s32 $0x50, s26;
	s30 =	sor.u32 $0x890, s23  }
0x50a: {  	[tilespmem:s30], [sflag:s24] =	stream.linear.gather [hbm4b:s31+s3], $0x10, $0x38;
	[tilespmem:$0x14200] =	vst v63  }
0x50b: {  	s31 =	sadd.s32 $0x60, s26;
	s30 =	sor.u32 $0x910, s23  }
0x50c: {  	[tilespmem:s30], [sflag:s24] =	stream.linear.gather [hbm4b:s31+s3], $0x10, $0x38;
	[tilespmem:$0x14200] =	vst v63  }
0x50d: {  	s26 =	sadd.s32 $0x70, s26;
	s31 =	sor.u32 $0x990, s23  }
0x50e: {  	[tilespmem:s31], [sflag:s24] =	stream.linear.gather [hbm4b:s26+s3], $0x10, $0x38;
	[tilespmem:$0x14200] =	vst v63  }
0x50f: {  	s29 =	sor.u32 $0xA10, s23;
	s26 =	sadd.s32 $0x1E8500, s25  }
0x510: {  	[tilespmem:s29], [sflag:s24] =	stream.linear.gather [hbm4b:s26+s3], $0x10, $0x38;
	[tilespmem:$0x14200] =	vst v63  }
0x511: {  	s31 =	sor.u32 $0xA90, s23;
	s30 =	sadd.s32 $0x10, s26  }
0x512: {  	[tilespmem:s31], [sflag:s24] =	stream.linear.gather [hbm4b:s30+s3], $0x10, $0x38;
	[tilespmem:$0x14200] =	vst v63  }
0x513: {  	s30 =	sadd.s32 $0x20, s26;
	s31 =	sor.u32 $0xB10, s23  }
0x514: {  	[tilespmem:s31], [sflag:s24] =	stream.linear.gather [hbm4b:s30+s3], $0x10, $0x38;
	[tilespmem:$0x14200] =	vst v63  }
0x515: {  	s30 =	sadd.s32 $0x30, s26;
	s31 =	sor.u32 $0xB90, s23  }
0x516: {  	[tilespmem:s31], [sflag:s24] =	stream.linear.gather [hbm4b:s30+s3], $0x10, $0x38;
	[tilespmem:$0x14200] =	vst v63  }
0x517: {  	s30 =	sadd.s32 $0x40, s26;
	s31 =	sor.u32 $0xC10, s23  }
0x518: {  	[tilespmem:s31], [sflag:s24] =	stream.linear.gather [hbm4b:s30+s3], $0x10, $0x38;
	[tilespmem:$0x14200] =	vst v63  }
0x519: {  	s30 =	sadd.s32 $0x50, s26;
	s31 =	sor.u32 $0xC90, s23  }
0x51a: {  	[tilespmem:s31], [sflag:s24] =	stream.linear.gather [hbm4b:s30+s3], $0x10, $0x38;
	[tilespmem:$0x14200] =	vst v63  }
0x51b: {  	s30 =	sadd.s32 $0x60, s26;
	s31 =	sor.u32 $0xD10, s23  }
0x51c: {  	(v2sf) =	vpush v34, $0x2;
	[tilespmem:s31], [sflag:s24] =	stream.linear.gather [hbm4b:s30+s3], $0x10, $0x38;
	[tilespmem:$0x14200] =	vst v63  }
0x51d: {  	s29 =	sor.u32 $0xD90, s23;
	s26 =	sadd.s32 $0x70, s26  }
0x51e: {  	(v2sf) =	vpush v33, $0x2;
	[tilespmem:s29], [sflag:s24] =	stream.linear.gather [hbm4b:s26+s3], $0x10, $0x38;
	[tilespmem:$0x14200] =	vst v63  }
0x51f: {  	s25 =	sadd.s32 $0x2DC780, s25;
	s30 =	sor.u32 $0xE10, s23  }
0x520: {  	[tilespmem:s30], [sflag:s24] =	stream.linear.gather [hbm4b:s25+s3], $0x10, $0x38;
	[tilespmem:$0x14200] =	vst v63  }
0x521: {  	s31 =	sadd.s32 $0x10, s25;
	s29 =	sor.u32 $0xE90, s23  }
0x522: {  	[tilespmem:s29], [sflag:s24] =	stream.linear.gather [hbm4b:s31+s3], $0x10, $0x38;
	[tilespmem:$0x14200] =	vst v63  }
0x523: {  	s30 =	sadd.s32 $0x20, s25;
	s31 =	sor.u32 $0xF10, s23  }
0x524: {  	[tilespmem:s31], [sflag:s24] =	stream.linear.gather [hbm4b:s30+s3], $0x10, $0x38;
	[tilespmem:$0x14200] =	vst v63  }
0x525: {  	s29 =	sadd.s32 $0x30, s25;
	s30 =	sor.u32 $0xF90, s23  }
0x526: {  	[tilespmem:s30], [sflag:s24] =	stream.linear.gather [hbm4b:s29+s3], $0x10, $0x38;
	[tilespmem:$0x14200] =	vst v63  }
0x527: {  	s31 =	sadd.s32 $0x40, s25;
	s29 =	sor.u32 $0x1010, s23  }
0x528: {  	[tilespmem:s29], [sflag:s24] =	stream.linear.gather [hbm4b:s31+s3], $0x10, $0x38;
	[tilespmem:$0x14200] =	vst v63  }
0x529: {  	s30 =	sadd.s32 $0x50, s25;
	s31 =	sor.u32 $0x1090, s23  }
0x52a: {  	[tilespmem:s31], [sflag:s24] =	stream.linear.gather [hbm4b:s30+s3], $0x10, $0x38;
	[tilespmem:$0x14200] =	vst v63  }
0x52b: {  	s28 =	spop (v2sf);
	s29 =	sadd.s32 $0x60, s25;
	s30 =	sor.u32 $0x1110, s23  }
0x52c: {  	[tilespmem:s30], [sflag:s24] =	stream.linear.gather [hbm4b:s29+s3], $0x10, $0x38;
	[tilespmem:$0x14200] =	vst v63  }
0x52d: {  	s25 =	sadd.s32 $0x70, s25;
	s31 =	sor.u32 $0x1190, s23;
	s29 =	spop (v2sf)  }
0x52e: {  	[tilespmem:s31], [sflag:s24] =	stream.linear.gather [hbm4b:s25+s3], $0x10, $0x38;
	[tilespmem:$0x14200] =	vst v63  }
0x52f: {  	s30 =	sor.u32 $0x220, s23;
	s25 =	sadd.s32 s28, s29  }
0x530: {  	[tilespmem:s30], [sflag:s24] =	stream.linear.gather [hbm4b:s25+s3], $0x10, $0x38;
	[tilespmem:$0x14200] =	vst v63  }
0x531: {  	s29 =	sor.u32 $0x2A0, s23;
	s31 =	sadd.s32 $0x10, s25  }
0x532: {  	[tilespmem:s29], [sflag:s24] =	stream.linear.gather [hbm4b:s31+s3], $0x10, $0x38;
	[tilespmem:$0x14200] =	vst v63  }
0x533: {  	s30 =	sadd.s32 $0x20, s25;
	s31 =	sor.u32 $0x320, s23  }
0x534: {  	[tilespmem:s31], [sflag:s24] =	stream.linear.gather [hbm4b:s30+s3], $0x10, $0x38;
	[tilespmem:$0x14200] =	vst v63  }
0x535: {  	s29 =	sadd.s32 $0x30, s25;
	s30 =	sor.u32 $0x3A0, s23  }
0x536: {  	[tilespmem:s30], [sflag:s24] =	stream.linear.gather [hbm4b:s29+s3], $0x10, $0x38;
	[tilespmem:$0x14200] =	vst v63  }
0x537: {  	s31 =	sadd.s32 $0x40, s25;
	s29 =	sor.u32 $0x420, s23  }
0x538: {  	[tilespmem:s29], [sflag:s24] =	stream.linear.gather [hbm4b:s31+s3], $0x10, $0x38;
	[tilespmem:$0x14200] =	vst v63  }
0x539: {  	s30 =	sadd.s32 $0x50, s25;
	s31 =	sor.u32 $0x4A0, s23  }
0x53a: {  	[tilespmem:s31], [sflag:s24] =	stream.linear.gather [hbm4b:s30+s3], $0x10, $0x38;
	[tilespmem:$0x14200] =	vst v63  }
0x53b: {  	s29 =	sadd.s32 $0x60, s25;
	s30 =	sor.u32 $0x520, s23  }
0x53c: {  	[tilespmem:s30], [sflag:s24] =	stream.linear.gather [hbm4b:s29+s3], $0x10, $0x38;
	[tilespmem:$0x14200] =	vst v63  }
0x53d: {  	s31 =	sadd.s32 $0x70, s25;
	s29 =	sor.u32 $0x5A0, s23  }
0x53e: {  	[tilespmem:s29], [sflag:s24] =	stream.linear.gather [hbm4b:s31+s3], $0x10, $0x38;
	[tilespmem:$0x14200] =	vst v63  }
0x53f: {  	s26 =	sadd.s32 $0xF4280, s25;
	s30 =	sor.u32 $0x620, s23  }
0x540: {  	[tilespmem:s30], [sflag:s24] =	stream.linear.gather [hbm4b:s26+s3], $0x10, $0x38;
	[tilespmem:$0x14200] =	vst v63  }
0x541: {  	s31 =	sadd.s32 $0x10, s26;
	s30 =	sor.u32 $0x6A0, s23  }
0x542: {  	[tilespmem:s30], [sflag:s24] =	stream.linear.gather [hbm4b:s31+s3], $0x10, $0x38;
	[tilespmem:$0x14200] =	vst v63  }
0x543: {  	s31 =	sadd.s32 $0x20, s26;
	s30 =	sor.u32 $0x720, s23  }
0x544: {  	[tilespmem:s30], [sflag:s24] =	stream.linear.gather [hbm4b:s31+s3], $0x10, $0x38;
	[tilespmem:$0x14200] =	vst v63  }
0x545: {  	s31 =	sadd.s32 $0x30, s26;
	s30 =	sor.u32 $0x7A0, s23  }
0x546: {  	[tilespmem:s30], [sflag:s24] =	stream.linear.gather [hbm4b:s31+s3], $0x10, $0x38;
	[tilespmem:$0x14200] =	vst v63  }
0x547: {  	s31 =	sadd.s32 $0x40, s26;
	s30 =	sor.u32 $0x820, s23  }
0x548: {  	[tilespmem:s30], [sflag:s24] =	stream.linear.gather [hbm4b:s31+s3], $0x10, $0x38;
	[tilespmem:$0x14200] =	vst v63  }
0x549: {  	s31 =	sadd.s32 $0x50, s26;
	s30 =	sor.u32 $0x8A0, s23  }
0x54a: {  	[tilespmem:s30], [sflag:s24] =	stream.linear.gather [hbm4b:s31+s3], $0x10, $0x38;
	[tilespmem:$0x14200] =	vst v63  }
0x54b: {  	s31 =	sadd.s32 $0x60, s26;
	s30 =	sor.u32 $0x920, s23  }
0x54c: {  	[tilespmem:s30], [sflag:s24] =	stream.linear.gather [hbm4b:s31+s3], $0x10, $0x38;
	[tilespmem:$0x14200] =	vst v63  }
0x54d: {  	s26 =	sadd.s32 $0x70, s26;
	s31 =	sor.u32 $0x9A0, s23  }
0x54e: {  	[tilespmem:s31], [sflag:s24] =	stream.linear.gather [hbm4b:s26+s3], $0x10, $0x38;
	[tilespmem:$0x14200] =	vst v63  }
0x54f: {  	s29 =	sor.u32 $0xA20, s23;
	s26 =	sadd.s32 $0x1E8500, s25  }
0x550: {  	[tilespmem:s29], [sflag:s24] =	stream.linear.gather [hbm4b:s26+s3], $0x10, $0x38;
	[tilespmem:$0x14200] =	vst v63  }
0x551: {  	s31 =	sor.u32 $0xAA0, s23;
	s30 =	sadd.s32 $0x10, s26  }
0x552: {  	[tilespmem:s31], [sflag:s24] =	stream.linear.gather [hbm4b:s30+s3], $0x10, $0x38;
	[tilespmem:$0x14200] =	vst v63  }
0x553: {  	s30 =	sadd.s32 $0x20, s26;
	s31 =	sor.u32 $0xB20, s23  }
0x554: {  	[tilespmem:s31], [sflag:s24] =	stream.linear.gather [hbm4b:s30+s3], $0x10, $0x38;
	[tilespmem:$0x14200] =	vst v63  }
0x555: {  	s30 =	sadd.s32 $0x30, s26;
	s31 =	sor.u32 $0xBA0, s23  }
0x556: {  	[tilespmem:s31], [sflag:s24] =	stream.linear.gather [hbm4b:s30+s3], $0x10, $0x38;
	[tilespmem:$0x14200] =	vst v63  }
0x557: {  	s30 =	sadd.s32 $0x40, s26;
	s31 =	sor.u32 $0xC20, s23  }
0x558: {  	[tilespmem:s31], [sflag:s24] =	stream.linear.gather [hbm4b:s30+s3], $0x10, $0x38;
	[tilespmem:$0x14200] =	vst v63  }
0x559: {  	s30 =	sadd.s32 $0x50, s26;
	s31 =	sor.u32 $0xCA0, s23  }
0x55a: {  	[tilespmem:s31], [sflag:s24] =	stream.linear.gather [hbm4b:s30+s3], $0x10, $0x38;
	[tilespmem:$0x14200] =	vst v63  }
0x55b: {  	s30 =	sadd.s32 $0x60, s26;
	s31 =	sor.u32 $0xD20, s23  }
0x55c: {  	(v2sf) =	vpush v34, $0x3;
	[tilespmem:s31], [sflag:s24] =	stream.linear.gather [hbm4b:s30+s3], $0x10, $0x38;
	[tilespmem:$0x14200] =	vst v63  }
0x55d: {  	s29 =	sor.u32 $0xDA0, s23;
	s26 =	sadd.s32 $0x70, s26  }
0x55e: {  	(v2sf) =	vpush v33, $0x3;
	[tilespmem:s29], [sflag:s24] =	stream.linear.gather [hbm4b:s26+s3], $0x10, $0x38;
	[tilespmem:$0x14200] =	vst v63  }
0x55f: {  	s25 =	sadd.s32 $0x2DC780, s25;
	s30 =	sor.u32 $0xE20, s23  }
0x560: {  	[tilespmem:s30], [sflag:s24] =	stream.linear.gather [hbm4b:s25+s3], $0x10, $0x38;
	[tilespmem:$0x14200] =	vst v63  }
0x561: {  	s31 =	sadd.s32 $0x10, s25;
	s29 =	sor.u32 $0xEA0, s23  }
0x562: {  	[tilespmem:s29], [sflag:s24] =	stream.linear.gather [hbm4b:s31+s3], $0x10, $0x38;
	[tilespmem:$0x14200] =	vst v63  }
0x563: {  	s30 =	sadd.s32 $0x20, s25;
	s31 =	sor.u32 $0xF20, s23  }
0x564: {  	[tilespmem:s31], [sflag:s24] =	stream.linear.gather [hbm4b:s30+s3], $0x10, $0x38;
	[tilespmem:$0x14200] =	vst v63  }
0x565: {  	s29 =	sadd.s32 $0x30, s25;
	s30 =	sor.u32 $0xFA0, s23  }
0x566: {  	[tilespmem:s30], [sflag:s24] =	stream.linear.gather [hbm4b:s29+s3], $0x10, $0x38;
	[tilespmem:$0x14200] =	vst v63  }
0x567: {  	s31 =	sadd.s32 $0x40, s25;
	s29 =	sor.u32 $0x1020, s23  }
0x568: {  	[tilespmem:s29], [sflag:s24] =	stream.linear.gather [hbm4b:s31+s3], $0x10, $0x38;
	[tilespmem:$0x14200] =	vst v63  }
0x569: {  	s30 =	sadd.s32 $0x50, s25;
	s31 =	sor.u32 $0x10A0, s23  }
0x56a: {  	[tilespmem:s31], [sflag:s24] =	stream.linear.gather [hbm4b:s30+s3], $0x10, $0x38;
	[tilespmem:$0x14200] =	vst v63  }
0x56b: {  	s28 =	spop (v2sf);
	s29 =	sadd.s32 $0x60, s25;
	s30 =	sor.u32 $0x1120, s23  }
0x56c: {  	[tilespmem:s30], [sflag:s24] =	stream.linear.gather [hbm4b:s29+s3], $0x10, $0x38;
	[tilespmem:$0x14200] =	vst v63  }
0x56d: {  	s25 =	sadd.s32 $0x70, s25;
	s31 =	sor.u32 $0x11A0, s23;
	s29 =	spop (v2sf)  }
0x56e: {  	[tilespmem:s31], [sflag:s24] =	stream.linear.gather [hbm4b:s25+s3], $0x10, $0x38;
	[tilespmem:$0x14200] =	vst v63  }
0x56f: {  	s30 =	sor.u32 $0x230, s23;
	s25 =	sadd.s32 s28, s29  }
0x570: {  	[tilespmem:s30], [sflag:s24] =	stream.linear.gather [hbm4b:s25+s3], $0x10, $0x38;
	[tilespmem:$0x14200] =	vst v63  }
0x571: {  	s29 =	sor.u32 $0x2B0, s23;
	s31 =	sadd.s32 $0x10, s25  }
0x572: {  	[tilespmem:s29], [sflag:s24] =	stream.linear.gather [hbm4b:s31+s3], $0x10, $0x38;
	[tilespmem:$0x14200] =	vst v63  }
0x573: {  	s30 =	sadd.s32 $0x20, s25;
	s31 =	sor.u32 $0x330, s23  }
0x574: {  	[tilespmem:s31], [sflag:s24] =	stream.linear.gather [hbm4b:s30+s3], $0x10, $0x38;
	[tilespmem:$0x14200] =	vst v63  }
0x575: {  	s29 =	sadd.s32 $0x30, s25;
	s30 =	sor.u32 $0x3B0, s23  }
0x576: {  	[tilespmem:s30], [sflag:s24] =	stream.linear.gather [hbm4b:s29+s3], $0x10, $0x38;
	[tilespmem:$0x14200] =	vst v63  }
0x577: {  	s31 =	sadd.s32 $0x40, s25;
	s29 =	sor.u32 $0x430, s23  }
0x578: {  	[tilespmem:s29], [sflag:s24] =	stream.linear.gather [hbm4b:s31+s3], $0x10, $0x38;
	[tilespmem:$0x14200] =	vst v63  }
0x579: {  	s30 =	sadd.s32 $0x50, s25;
	s31 =	sor.u32 $0x4B0, s23  }
0x57a: {  	[tilespmem:s31], [sflag:s24] =	stream.linear.gather [hbm4b:s30+s3], $0x10, $0x38;
	[tilespmem:$0x14200] =	vst v63  }
0x57b: {  	s29 =	sadd.s32 $0x60, s25;
	s30 =	sor.u32 $0x530, s23  }
0x57c: {  	[tilespmem:s30], [sflag:s24] =	stream.linear.gather [hbm4b:s29+s3], $0x10, $0x38;
	[tilespmem:$0x14200] =	vst v63  }
0x57d: {  	s31 =	sadd.s32 $0x70, s25;
	s29 =	sor.u32 $0x5B0, s23  }
0x57e: {  	[tilespmem:s29], [sflag:s24] =	stream.linear.gather [hbm4b:s31+s3], $0x10, $0x38;
	[tilespmem:$0x14200] =	vst v63  }
0x57f: {  	s26 =	sadd.s32 $0xF4280, s25;
	s30 =	sor.u32 $0x630, s23  }
0x580: {  	[tilespmem:s30], [sflag:s24] =	stream.linear.gather [hbm4b:s26+s3], $0x10, $0x38;
	[tilespmem:$0x14200] =	vst v63  }
0x581: {  	s31 =	sadd.s32 $0x10, s26;
	s30 =	sor.u32 $0x6B0, s23  }
0x582: {  	[tilespmem:s30], [sflag:s24] =	stream.linear.gather [hbm4b:s31+s3], $0x10, $0x38;
	[tilespmem:$0x14200] =	vst v63  }
0x583: {  	s31 =	sadd.s32 $0x20, s26;
	s30 =	sor.u32 $0x730, s23  }
0x584: {  	[tilespmem:s30], [sflag:s24] =	stream.linear.gather [hbm4b:s31+s3], $0x10, $0x38;
	[tilespmem:$0x14200] =	vst v63  }
0x585: {  	s31 =	sadd.s32 $0x30, s26;
	s30 =	sor.u32 $0x7B0, s23  }
0x586: {  	[tilespmem:s30], [sflag:s24] =	stream.linear.gather [hbm4b:s31+s3], $0x10, $0x38;
	[tilespmem:$0x14200] =	vst v63  }
0x587: {  	s31 =	sadd.s32 $0x40, s26;
	s30 =	sor.u32 $0x830, s23  }
0x588: {  	[tilespmem:s30], [sflag:s24] =	stream.linear.gather [hbm4b:s31+s3], $0x10, $0x38;
	[tilespmem:$0x14200] =	vst v63  }
0x589: {  	s31 =	sadd.s32 $0x50, s26;
	s30 =	sor.u32 $0x8B0, s23  }
0x58a: {  	[tilespmem:s30], [sflag:s24] =	stream.linear.gather [hbm4b:s31+s3], $0x10, $0x38;
	[tilespmem:$0x14200] =	vst v63  }
0x58b: {  	s31 =	sadd.s32 $0x60, s26;
	s30 =	sor.u32 $0x930, s23  }
0x58c: {  	[tilespmem:s30], [sflag:s24] =	stream.linear.gather [hbm4b:s31+s3], $0x10, $0x38;
	[tilespmem:$0x14200] =	vst v63  }
0x58d: {  	s26 =	sadd.s32 $0x70, s26;
	s31 =	sor.u32 $0x9B0, s23  }
0x58e: {  	[tilespmem:s31], [sflag:s24] =	stream.linear.gather [hbm4b:s26+s3], $0x10, $0x38;
	[tilespmem:$0x14200] =	vst v63  }
0x58f: {  	s29 =	sor.u32 $0xA30, s23;
	s26 =	sadd.s32 $0x1E8500, s25  }
0x590: {  	[tilespmem:s29], [sflag:s24] =	stream.linear.gather [hbm4b:s26+s3], $0x10, $0x38;
	[tilespmem:$0x14200] =	vst v63  }
0x591: {  	s31 =	sor.u32 $0xAB0, s23;
	s30 =	sadd.s32 $0x10, s26  }
0x592: {  	[tilespmem:s31], [sflag:s24] =	stream.linear.gather [hbm4b:s30+s3], $0x10, $0x38;
	[tilespmem:$0x14200] =	vst v63  }
0x593: {  	s30 =	sadd.s32 $0x20, s26;
	s31 =	sor.u32 $0xB30, s23  }
0x594: {  	[tilespmem:s31], [sflag:s24] =	stream.linear.gather [hbm4b:s30+s3], $0x10, $0x38;
	[tilespmem:$0x14200] =	vst v63  }
0x595: {  	s30 =	sadd.s32 $0x30, s26;
	s31 =	sor.u32 $0xBB0, s23  }
0x596: {  	[tilespmem:s31], [sflag:s24] =	stream.linear.gather [hbm4b:s30+s3], $0x10, $0x38;
	[tilespmem:$0x14200] =	vst v63  }
0x597: {  	s30 =	sadd.s32 $0x40, s26;
	s31 =	sor.u32 $0xC30, s23  }
0x598: {  	[tilespmem:s31], [sflag:s24] =	stream.linear.gather [hbm4b:s30+s3], $0x10, $0x38;
	[tilespmem:$0x14200] =	vst v63  }
0x599: {  	s30 =	sadd.s32 $0x50, s26;
	s31 =	sor.u32 $0xCB0, s23  }
0x59a: {  	[tilespmem:s31], [sflag:s24] =	stream.linear.gather [hbm4b:s30+s3], $0x10, $0x38;
	[tilespmem:$0x14200] =	vst v63  }
0x59b: {  	s30 =	sadd.s32 $0x60, s26;
	s31 =	sor.u32 $0xD30, s23  }
0x59c: {  	(v2sf) =	vpush v34, $0x4;
	[tilespmem:s31], [sflag:s24] =	stream.linear.gather [hbm4b:s30+s3], $0x10, $0x38;
	[tilespmem:$0x14200] =	vst v63  }
0x59d: {  	s29 =	sor.u32 $0xDB0, s23;
	s26 =	sadd.s32 $0x70, s26  }
0x59e: {  	(v2sf) =	vpush v33, $0x4;
	[tilespmem:s29], [sflag:s24] =	stream.linear.gather [hbm4b:s26+s3], $0x10, $0x38;
	[tilespmem:$0x14200] =	vst v63  }
0x59f: {  	s25 =	sadd.s32 $0x2DC780, s25;
	s30 =	sor.u32 $0xE30, s23  }
0x5a0: {  	[tilespmem:s30], [sflag:s24] =	stream.linear.gather [hbm4b:s25+s3], $0x10, $0x38;
	[tilespmem:$0x14200] =	vst v63  }
0x5a1: {  	s31 =	sadd.s32 $0x10, s25;
	s29 =	sor.u32 $0xEB0, s23  }
0x5a2: {  	[tilespmem:s29], [sflag:s24] =	stream.linear.gather [hbm4b:s31+s3], $0x10, $0x38;
	[tilespmem:$0x14200] =	vst v63  }
0x5a3: {  	s30 =	sadd.s32 $0x20, s25;
	s31 =	sor.u32 $0xF30, s23  }
0x5a4: {  	[tilespmem:s31], [sflag:s24] =	stream.linear.gather [hbm4b:s30+s3], $0x10, $0x38;
	[tilespmem:$0x14200] =	vst v63  }
0x5a5: {  	s29 =	sadd.s32 $0x30, s25;
	s30 =	sor.u32 $0xFB0, s23  }
0x5a6: {  	[tilespmem:s30], [sflag:s24] =	stream.linear.gather [hbm4b:s29+s3], $0x10, $0x38;
	[tilespmem:$0x14200] =	vst v63  }
0x5a7: {  	s31 =	sadd.s32 $0x40, s25;
	s29 =	sor.u32 $0x1030, s23  }
0x5a8: {  	[tilespmem:s29], [sflag:s24] =	stream.linear.gather [hbm4b:s31+s3], $0x10, $0x38;
	[tilespmem:$0x14200] =	vst v63  }
0x5a9: {  	s30 =	sadd.s32 $0x50, s25;
	s31 =	sor.u32 $0x10B0, s23  }
0x5aa: {  	[tilespmem:s31], [sflag:s24] =	stream.linear.gather [hbm4b:s30+s3], $0x10, $0x38;
	[tilespmem:$0x14200] =	vst v63  }
0x5ab: {  	s28 =	spop (v2sf);
	s29 =	sadd.s32 $0x60, s25;
	s30 =	sor.u32 $0x1130, s23  }
0x5ac: {  	[tilespmem:s30], [sflag:s24] =	stream.linear.gather [hbm4b:s29+s3], $0x10, $0x38;
	[tilespmem:$0x14200] =	vst v63  }
0x5ad: {  	s25 =	sadd.s32 $0x70, s25;
	s31 =	sor.u32 $0x11B0, s23;
	s29 =	spop (v2sf)  }
0x5ae: {  	[tilespmem:s31], [sflag:s24] =	stream.linear.gather [hbm4b:s25+s3], $0x10, $0x38;
	[tilespmem:$0x14200] =	vst v63  }
0x5af: {  	s30 =	sor.u32 $0x240, s23;
	s25 =	sadd.s32 s28, s29  }
0x5b0: {  	[tilespmem:s30], [sflag:s24] =	stream.linear.gather [hbm4b:s25+s3], $0x10, $0x38;
	[tilespmem:$0x14200] =	vst v63  }
0x5b1: {  	s29 =	sor.u32 $0x2C0, s23;
	s31 =	sadd.s32 $0x10, s25  }
0x5b2: {  	[tilespmem:s29], [sflag:s24] =	stream.linear.gather [hbm4b:s31+s3], $0x10, $0x38;
	[tilespmem:$0x14200] =	vst v63  }
0x5b3: {  	s30 =	sadd.s32 $0x20, s25;
	s31 =	sor.u32 $0x340, s23  }
0x5b4: {  	[tilespmem:s31], [sflag:s24] =	stream.linear.gather [hbm4b:s30+s3], $0x10, $0x38;
	[tilespmem:$0x14200] =	vst v63  }
0x5b5: {  	s29 =	sadd.s32 $0x30, s25;
	s30 =	sor.u32 $0x3C0, s23  }
0x5b6: {  	[tilespmem:s30], [sflag:s24] =	stream.linear.gather [hbm4b:s29+s3], $0x10, $0x38;
	[tilespmem:$0x14200] =	vst v63  }
0x5b7: {  	s31 =	sadd.s32 $0x40, s25;
	s29 =	sor.u32 $0x440, s23  }
0x5b8: {  	[tilespmem:s29], [sflag:s24] =	stream.linear.gather [hbm4b:s31+s3], $0x10, $0x38;
	[tilespmem:$0x14200] =	vst v63  }
0x5b9: {  	s30 =	sadd.s32 $0x50, s25;
	s31 =	sor.u32 $0x4C0, s23  }
0x5ba: {  	[tilespmem:s31], [sflag:s24] =	stream.linear.gather [hbm4b:s30+s3], $0x10, $0x38;
	[tilespmem:$0x14200] =	vst v63  }
0x5bb: {  	s29 =	sadd.s32 $0x60, s25;
	s30 =	sor.u32 $0x540, s23  }
0x5bc: {  	[tilespmem:s30], [sflag:s24] =	stream.linear.gather [hbm4b:s29+s3], $0x10, $0x38;
	[tilespmem:$0x14200] =	vst v63  }
0x5bd: {  	s31 =	sadd.s32 $0x70, s25;
	s29 =	sor.u32 $0x5C0, s23  }
0x5be: {  	[tilespmem:s29], [sflag:s24] =	stream.linear.gather [hbm4b:s31+s3], $0x10, $0x38;
	[tilespmem:$0x14200] =	vst v63  }
0x5bf: {  	s26 =	sadd.s32 $0xF4280, s25;
	s30 =	sor.u32 $0x640, s23  }
0x5c0: {  	[tilespmem:s30], [sflag:s24] =	stream.linear.gather [hbm4b:s26+s3], $0x10, $0x38;
	[tilespmem:$0x14200] =	vst v63  }
0x5c1: {  	s31 =	sadd.s32 $0x10, s26;
	s30 =	sor.u32 $0x6C0, s23  }
0x5c2: {  	[tilespmem:s30], [sflag:s24] =	stream.linear.gather [hbm4b:s31+s3], $0x10, $0x38;
	[tilespmem:$0x14200] =	vst v63  }
0x5c3: {  	s31 =	sadd.s32 $0x20, s26;
	s30 =	sor.u32 $0x740, s23  }
0x5c4: {  	[tilespmem:s30], [sflag:s24] =	stream.linear.gather [hbm4b:s31+s3], $0x10, $0x38;
	[tilespmem:$0x14200] =	vst v63  }
0x5c5: {  	s31 =	sadd.s32 $0x30, s26;
	s30 =	sor.u32 $0x7C0, s23  }
0x5c6: {  	[tilespmem:s30], [sflag:s24] =	stream.linear.gather [hbm4b:s31+s3], $0x10, $0x38;
	[tilespmem:$0x14200] =	vst v63  }
0x5c7: {  	s31 =	sadd.s32 $0x40, s26;
	s30 =	sor.u32 $0x840, s23  }
0x5c8: {  	[tilespmem:s30], [sflag:s24] =	stream.linear.gather [hbm4b:s31+s3], $0x10, $0x38;
	[tilespmem:$0x14200] =	vst v63  }
0x5c9: {  	s31 =	sadd.s32 $0x50, s26;
	s30 =	sor.u32 $0x8C0, s23  }
0x5ca: {  	[tilespmem:s30], [sflag:s24] =	stream.linear.gather [hbm4b:s31+s3], $0x10, $0x38;
	[tilespmem:$0x14200] =	vst v63  }
0x5cb: {  	s31 =	sadd.s32 $0x60, s26;
	s30 =	sor.u32 $0x940, s23  }
0x5cc: {  	[tilespmem:s30], [sflag:s24] =	stream.linear.gather [hbm4b:s31+s3], $0x10, $0x38;
	[tilespmem:$0x14200] =	vst v63  }
0x5cd: {  	s26 =	sadd.s32 $0x70, s26;
	s31 =	sor.u32 $0x9C0, s23  }
0x5ce: {  	[tilespmem:s31], [sflag:s24] =	stream.linear.gather [hbm4b:s26+s3], $0x10, $0x38;
	[tilespmem:$0x14200] =	vst v63  }
0x5cf: {  	s29 =	sor.u32 $0xA40, s23;
	s26 =	sadd.s32 $0x1E8500, s25  }
0x5d0: {  	[tilespmem:s29], [sflag:s24] =	stream.linear.gather [hbm4b:s26+s3], $0x10, $0x38;
	[tilespmem:$0x14200] =	vst v63  }
0x5d1: {  	s31 =	sor.u32 $0xAC0, s23;
	s30 =	sadd.s32 $0x10, s26  }
0x5d2: {  	[tilespmem:s31], [sflag:s24] =	stream.linear.gather [hbm4b:s30+s3], $0x10, $0x38;
	[tilespmem:$0x14200] =	vst v63  }
0x5d3: {  	s30 =	sadd.s32 $0x20, s26;
	s31 =	sor.u32 $0xB40, s23  }
0x5d4: {  	[tilespmem:s31], [sflag:s24] =	stream.linear.gather [hbm4b:s30+s3], $0x10, $0x38;
	[tilespmem:$0x14200] =	vst v63  }
0x5d5: {  	s30 =	sadd.s32 $0x30, s26;
	s31 =	sor.u32 $0xBC0, s23  }
0x5d6: {  	[tilespmem:s31], [sflag:s24] =	stream.linear.gather [hbm4b:s30+s3], $0x10, $0x38;
	[tilespmem:$0x14200] =	vst v63  }
0x5d7: {  	s30 =	sadd.s32 $0x40, s26;
	s31 =	sor.u32 $0xC40, s23  }
0x5d8: {  	[tilespmem:s31], [sflag:s24] =	stream.linear.gather [hbm4b:s30+s3], $0x10, $0x38;
	[tilespmem:$0x14200] =	vst v63  }
0x5d9: {  	s30 =	sadd.s32 $0x50, s26;
	s31 =	sor.u32 $0xCC0, s23  }
0x5da: {  	[tilespmem:s31], [sflag:s24] =	stream.linear.gather [hbm4b:s30+s3], $0x10, $0x38;
	[tilespmem:$0x14200] =	vst v63  }
0x5db: {  	s30 =	sadd.s32 $0x60, s26;
	s31 =	sor.u32 $0xD40, s23  }
0x5dc: {  	(v2sf) =	vpush v34, $0x5;
	[tilespmem:s31], [sflag:s24] =	stream.linear.gather [hbm4b:s30+s3], $0x10, $0x38;
	[tilespmem:$0x14200] =	vst v63  }
0x5dd: {  	s29 =	sor.u32 $0xDC0, s23;
	s26 =	sadd.s32 $0x70, s26  }
0x5de: {  	(v2sf) =	vpush v33, $0x5;
	[tilespmem:s29], [sflag:s24] =	stream.linear.gather [hbm4b:s26+s3], $0x10, $0x38;
	[tilespmem:$0x14200] =	vst v63  }
0x5df: {  	s25 =	sadd.s32 $0x2DC780, s25;
	s30 =	sor.u32 $0xE40, s23  }
0x5e0: {  	[tilespmem:s30], [sflag:s24] =	stream.linear.gather [hbm4b:s25+s3], $0x10, $0x38;
	[tilespmem:$0x14200] =	vst v63  }
0x5e1: {  	s31 =	sadd.s32 $0x10, s25;
	s29 =	sor.u32 $0xEC0, s23  }
0x5e2: {  	[tilespmem:s29], [sflag:s24] =	stream.linear.gather [hbm4b:s31+s3], $0x10, $0x38;
	[tilespmem:$0x14200] =	vst v63  }
0x5e3: {  	s30 =	sadd.s32 $0x20, s25;
	s31 =	sor.u32 $0xF40, s23  }
0x5e4: {  	[tilespmem:s31], [sflag:s24] =	stream.linear.gather [hbm4b:s30+s3], $0x10, $0x38;
	[tilespmem:$0x14200] =	vst v63  }
0x5e5: {  	s29 =	sadd.s32 $0x30, s25;
	s30 =	sor.u32 $0xFC0, s23  }
0x5e6: {  	[tilespmem:s30], [sflag:s24] =	stream.linear.gather [hbm4b:s29+s3], $0x10, $0x38;
	[tilespmem:$0x14200] =	vst v63  }
0x5e7: {  	s31 =	sadd.s32 $0x40, s25;
	s29 =	sor.u32 $0x1040, s23  }
0x5e8: {  	[tilespmem:s29], [sflag:s24] =	stream.linear.gather [hbm4b:s31+s3], $0x10, $0x38;
	[tilespmem:$0x14200] =	vst v63  }
0x5e9: {  	s30 =	sadd.s32 $0x50, s25;
	s31 =	sor.u32 $0x10C0, s23  }
0x5ea: {  	[tilespmem:s31], [sflag:s24] =	stream.linear.gather [hbm4b:s30+s3], $0x10, $0x38;
	[tilespmem:$0x14200] =	vst v63  }
0x5eb: {  	s28 =	spop (v2sf);
	s29 =	sadd.s32 $0x60, s25;
	s30 =	sor.u32 $0x1140, s23  }
0x5ec: {  	[tilespmem:s30], [sflag:s24] =	stream.linear.gather [hbm4b:s29+s3], $0x10, $0x38;
	[tilespmem:$0x14200] =	vst v63  }
0x5ed: {  	s25 =	sadd.s32 $0x70, s25;
	s31 =	sor.u32 $0x11C0, s23;
	s29 =	spop (v2sf)  }
0x5ee: {  	[tilespmem:s31], [sflag:s24] =	stream.linear.gather [hbm4b:s25+s3], $0x10, $0x38;
	[tilespmem:$0x14200] =	vst v63  }
0x5ef: {  	s30 =	sor.u32 $0x250, s23;
	s25 =	sadd.s32 s28, s29  }
0x5f0: {  	[tilespmem:s30], [sflag:s24] =	stream.linear.gather [hbm4b:s25+s3], $0x10, $0x38;
	[tilespmem:$0x14200] =	vst v63  }
0x5f1: {  	s29 =	sor.u32 $0x2D0, s23;
	s31 =	sadd.s32 $0x10, s25  }
0x5f2: {  	[tilespmem:s29], [sflag:s24] =	stream.linear.gather [hbm4b:s31+s3], $0x10, $0x38;
	[tilespmem:$0x14200] =	vst v63  }
0x5f3: {  	s30 =	sadd.s32 $0x20, s25;
	s31 =	sor.u32 $0x350, s23  }
0x5f4: {  	[tilespmem:s31], [sflag:s24] =	stream.linear.gather [hbm4b:s30+s3], $0x10, $0x38;
	[tilespmem:$0x14200] =	vst v63  }
0x5f5: {  	s29 =	sadd.s32 $0x30, s25;
	s30 =	sor.u32 $0x3D0, s23  }
0x5f6: {  	[tilespmem:s30], [sflag:s24] =	stream.linear.gather [hbm4b:s29+s3], $0x10, $0x38;
	[tilespmem:$0x14200] =	vst v63  }
0x5f7: {  	s31 =	sadd.s32 $0x40, s25;
	s29 =	sor.u32 $0x450, s23  }
0x5f8: {  	[tilespmem:s29], [sflag:s24] =	stream.linear.gather [hbm4b:s31+s3], $0x10, $0x38;
	[tilespmem:$0x14200] =	vst v63  }
0x5f9: {  	s30 =	sadd.s32 $0x50, s25;
	s31 =	sor.u32 $0x4D0, s23  }
0x5fa: {  	[tilespmem:s31], [sflag:s24] =	stream.linear.gather [hbm4b:s30+s3], $0x10, $0x38;
	[tilespmem:$0x14200] =	vst v63  }
0x5fb: {  	s29 =	sadd.s32 $0x60, s25;
	s30 =	sor.u32 $0x550, s23  }
0x5fc: {  	[tilespmem:s30], [sflag:s24] =	stream.linear.gather [hbm4b:s29+s3], $0x10, $0x38;
	[tilespmem:$0x14200] =	vst v63  }
0x5fd: {  	s31 =	sadd.s32 $0x70, s25;
	s29 =	sor.u32 $0x5D0, s23  }
0x5fe: {  	[tilespmem:s29], [sflag:s24] =	stream.linear.gather [hbm4b:s31+s3], $0x10, $0x38;
	[tilespmem:$0x14200] =	vst v63  }
0x5ff: {  	s26 =	sadd.s32 $0xF4280, s25;
	s30 =	sor.u32 $0x650, s23  }
0x600: {  	[tilespmem:s30], [sflag:s24] =	stream.linear.gather [hbm4b:s26+s3], $0x10, $0x38;
	[tilespmem:$0x14200] =	vst v63  }
0x601: {  	s31 =	sadd.s32 $0x10, s26;
	s30 =	sor.u32 $0x6D0, s23  }
0x602: {  	[tilespmem:s30], [sflag:s24] =	stream.linear.gather [hbm4b:s31+s3], $0x10, $0x38;
	[tilespmem:$0x14200] =	vst v63  }
0x603: {  	s31 =	sadd.s32 $0x20, s26;
	s30 =	sor.u32 $0x750, s23  }
0x604: {  	[tilespmem:s30], [sflag:s24] =	stream.linear.gather [hbm4b:s31+s3], $0x10, $0x38;
	[tilespmem:$0x14200] =	vst v63  }
0x605: {  	s31 =	sadd.s32 $0x30, s26;
	s30 =	sor.u32 $0x7D0, s23  }
0x606: {  	[tilespmem:s30], [sflag:s24] =	stream.linear.gather [hbm4b:s31+s3], $0x10, $0x38;
	[tilespmem:$0x14200] =	vst v63  }
0x607: {  	s31 =	sadd.s32 $0x40, s26;
	s30 =	sor.u32 $0x850, s23  }
0x608: {  	[tilespmem:s30], [sflag:s24] =	stream.linear.gather [hbm4b:s31+s3], $0x10, $0x38;
	[tilespmem:$0x14200] =	vst v63  }
0x609: {  	s31 =	sadd.s32 $0x50, s26;
	s30 =	sor.u32 $0x8D0, s23  }
0x60a: {  	[tilespmem:s30], [sflag:s24] =	stream.linear.gather [hbm4b:s31+s3], $0x10, $0x38;
	[tilespmem:$0x14200] =	vst v63  }
0x60b: {  	s31 =	sadd.s32 $0x60, s26;
	s30 =	sor.u32 $0x950, s23  }
0x60c: {  	[tilespmem:s30], [sflag:s24] =	stream.linear.gather [hbm4b:s31+s3], $0x10, $0x38;
	[tilespmem:$0x14200] =	vst v63  }
0x60d: {  	s26 =	sadd.s32 $0x70, s26;
	s31 =	sor.u32 $0x9D0, s23  }
0x60e: {  	[tilespmem:s31], [sflag:s24] =	stream.linear.gather [hbm4b:s26+s3], $0x10, $0x38;
	[tilespmem:$0x14200] =	vst v63  }
0x60f: {  	s29 =	sor.u32 $0xA50, s23;
	s26 =	sadd.s32 $0x1E8500, s25  }
0x610: {  	[tilespmem:s29], [sflag:s24] =	stream.linear.gather [hbm4b:s26+s3], $0x10, $0x38;
	[tilespmem:$0x14200] =	vst v63  }
0x611: {  	s31 =	sor.u32 $0xAD0, s23;
	s30 =	sadd.s32 $0x10, s26  }
0x612: {  	[tilespmem:s31], [sflag:s24] =	stream.linear.gather [hbm4b:s30+s3], $0x10, $0x38;
	[tilespmem:$0x14200] =	vst v63  }
0x613: {  	s30 =	sadd.s32 $0x20, s26;
	s31 =	sor.u32 $0xB50, s23  }
0x614: {  	[tilespmem:s31], [sflag:s24] =	stream.linear.gather [hbm4b:s30+s3], $0x10, $0x38;
	[tilespmem:$0x14200] =	vst v63  }
0x615: {  	s30 =	sadd.s32 $0x30, s26;
	s31 =	sor.u32 $0xBD0, s23  }
0x616: {  	[tilespmem:s31], [sflag:s24] =	stream.linear.gather [hbm4b:s30+s3], $0x10, $0x38;
	[tilespmem:$0x14200] =	vst v63  }
0x617: {  	s30 =	sadd.s32 $0x40, s26;
	s31 =	sor.u32 $0xC50, s23  }
0x618: {  	[tilespmem:s31], [sflag:s24] =	stream.linear.gather [hbm4b:s30+s3], $0x10, $0x38;
	[tilespmem:$0x14200] =	vst v63  }
0x619: {  	s30 =	sadd.s32 $0x50, s26;
	s31 =	sor.u32 $0xCD0, s23  }
0x61a: {  	[tilespmem:s31], [sflag:s24] =	stream.linear.gather [hbm4b:s30+s3], $0x10, $0x38;
	[tilespmem:$0x14200] =	vst v63  }
0x61b: {  	s30 =	sadd.s32 $0x60, s26;
	s31 =	sor.u32 $0xD50, s23  }
0x61c: {  	(v2sf) =	vpush v34, $0x6;
	[tilespmem:s31], [sflag:s24] =	stream.linear.gather [hbm4b:s30+s3], $0x10, $0x38;
	[tilespmem:$0x14200] =	vst v63  }
0x61d: {  	s29 =	sor.u32 $0xDD0, s23;
	s26 =	sadd.s32 $0x70, s26  }
0x61e: {  	(v2sf) =	vpush v33, $0x6;
	[tilespmem:s29], [sflag:s24] =	stream.linear.gather [hbm4b:s26+s3], $0x10, $0x38;
	[tilespmem:$0x14200] =	vst v63  }
0x61f: {  	s25 =	sadd.s32 $0x2DC780, s25;
	s30 =	sor.u32 $0xE50, s23  }
0x620: {  	[tilespmem:s30], [sflag:s24] =	stream.linear.gather [hbm4b:s25+s3], $0x10, $0x38;
	[tilespmem:$0x14200] =	vst v63  }
0x621: {  	s31 =	sadd.s32 $0x10, s25;
	s29 =	sor.u32 $0xED0, s23  }
0x622: {  	[tilespmem:s29], [sflag:s24] =	stream.linear.gather [hbm4b:s31+s3], $0x10, $0x38;
	[tilespmem:$0x14200] =	vst v63  }
0x623: {  	s30 =	sadd.s32 $0x20, s25;
	s31 =	sor.u32 $0xF50, s23  }
0x624: {  	[tilespmem:s31], [sflag:s24] =	stream.linear.gather [hbm4b:s30+s3], $0x10, $0x38;
	[tilespmem:$0x14200] =	vst v63  }
0x625: {  	s29 =	sadd.s32 $0x30, s25;
	s30 =	sor.u32 $0xFD0, s23  }
0x626: {  	[tilespmem:s30], [sflag:s24] =	stream.linear.gather [hbm4b:s29+s3], $0x10, $0x38;
	[tilespmem:$0x14200] =	vst v63  }
0x627: {  	s31 =	sadd.s32 $0x40, s25;
	s29 =	sor.u32 $0x1050, s23  }
0x628: {  	[tilespmem:s29], [sflag:s24] =	stream.linear.gather [hbm4b:s31+s3], $0x10, $0x38;
	[tilespmem:$0x14200] =	vst v63  }
0x629: {  	s30 =	sadd.s32 $0x50, s25;
	s31 =	sor.u32 $0x10D0, s23  }
0x62a: {  	[tilespmem:s31], [sflag:s24] =	stream.linear.gather [hbm4b:s30+s3], $0x10, $0x38;
	[tilespmem:$0x14200] =	vst v63  }
0x62b: {  	s28 =	spop (v2sf);
	s29 =	sadd.s32 $0x60, s25;
	s30 =	sor.u32 $0x1150, s23  }
0x62c: {  	[tilespmem:s30], [sflag:s24] =	stream.linear.gather [hbm4b:s29+s3], $0x10, $0x38;
	[tilespmem:$0x14200] =	vst v63  }
0x62d: {  	s25 =	sadd.s32 $0x70, s25;
	s31 =	sor.u32 $0x11D0, s23;
	s29 =	spop (v2sf)  }
0x62e: {  	[tilespmem:s31], [sflag:s24] =	stream.linear.gather [hbm4b:s25+s3], $0x10, $0x38;
	[tilespmem:$0x14200] =	vst v63  }
0x62f: {  	s30 =	sor.u32 $0x260, s23;
	s25 =	sadd.s32 s28, s29  }
0x630: {  	[tilespmem:s30], [sflag:s24] =	stream.linear.gather [hbm4b:s25+s3], $0x10, $0x38;
	[tilespmem:$0x14200] =	vst v63  }
0x631: {  	s29 =	sor.u32 $0x2E0, s23;
	s31 =	sadd.s32 $0x10, s25  }
0x632: {  	[tilespmem:s29], [sflag:s24] =	stream.linear.gather [hbm4b:s31+s3], $0x10, $0x38;
	[tilespmem:$0x14200] =	vst v63  }
0x633: {  	s30 =	sadd.s32 $0x20, s25;
	s31 =	sor.u32 $0x360, s23  }
0x634: {  	[tilespmem:s31], [sflag:s24] =	stream.linear.gather [hbm4b:s30+s3], $0x10, $0x38;
	[tilespmem:$0x14200] =	vst v63  }
0x635: {  	s29 =	sadd.s32 $0x30, s25;
	s30 =	sor.u32 $0x3E0, s23  }
0x636: {  	[tilespmem:s30], [sflag:s24] =	stream.linear.gather [hbm4b:s29+s3], $0x10, $0x38;
	[tilespmem:$0x14200] =	vst v63  }
0x637: {  	s31 =	sadd.s32 $0x40, s25;
	s29 =	sor.u32 $0x460, s23  }
0x638: {  	[tilespmem:s29], [sflag:s24] =	stream.linear.gather [hbm4b:s31+s3], $0x10, $0x38;
	[tilespmem:$0x14200] =	vst v63  }
0x639: {  	s30 =	sadd.s32 $0x50, s25;
	s31 =	sor.u32 $0x4E0, s23  }
0x63a: {  	[tilespmem:s31], [sflag:s24] =	stream.linear.gather [hbm4b:s30+s3], $0x10, $0x38;
	[tilespmem:$0x14200] =	vst v63  }
0x63b: {  	s29 =	sadd.s32 $0x60, s25;
	s30 =	sor.u32 $0x560, s23  }
0x63c: {  	[tilespmem:s30], [sflag:s24] =	stream.linear.gather [hbm4b:s29+s3], $0x10, $0x38;
	[tilespmem:$0x14200] =	vst v63  }
0x63d: {  	s31 =	sadd.s32 $0x70, s25;
	s29 =	sor.u32 $0x5E0, s23  }
0x63e: {  	[tilespmem:s29], [sflag:s24] =	stream.linear.gather [hbm4b:s31+s3], $0x10, $0x38;
	[tilespmem:$0x14200] =	vst v63  }
0x63f: {  	s26 =	sadd.s32 $0xF4280, s25;
	s30 =	sor.u32 $0x660, s23  }
0x640: {  	[tilespmem:s30], [sflag:s24] =	stream.linear.gather [hbm4b:s26+s3], $0x10, $0x38;
	[tilespmem:$0x14200] =	vst v63  }
0x641: {  	s31 =	sadd.s32 $0x10, s26;
	s30 =	sor.u32 $0x6E0, s23  }
0x642: {  	[tilespmem:s30], [sflag:s24] =	stream.linear.gather [hbm4b:s31+s3], $0x10, $0x38;
	[tilespmem:$0x14200] =	vst v63  }
0x643: {  	s31 =	sadd.s32 $0x20, s26;
	s30 =	sor.u32 $0x760, s23  }
0x644: {  	[tilespmem:s30], [sflag:s24] =	stream.linear.gather [hbm4b:s31+s3], $0x10, $0x38;
	[tilespmem:$0x14200] =	vst v63  }
0x645: {  	s31 =	sadd.s32 $0x30, s26;
	s30 =	sor.u32 $0x7E0, s23  }
0x646: {  	[tilespmem:s30], [sflag:s24] =	stream.linear.gather [hbm4b:s31+s3], $0x10, $0x38;
	[tilespmem:$0x14200] =	vst v63  }
0x647: {  	s31 =	sadd.s32 $0x40, s26;
	s30 =	sor.u32 $0x860, s23  }
0x648: {  	[tilespmem:s30], [sflag:s24] =	stream.linear.gather [hbm4b:s31+s3], $0x10, $0x38;
	[tilespmem:$0x14200] =	vst v63  }
0x649: {  	s31 =	sadd.s32 $0x50, s26;
	s30 =	sor.u32 $0x8E0, s23  }
0x64a: {  	[tilespmem:s30], [sflag:s24] =	stream.linear.gather [hbm4b:s31+s3], $0x10, $0x38;
	[tilespmem:$0x14200] =	vst v63  }
0x64b: {  	s31 =	sadd.s32 $0x60, s26;
	s30 =	sor.u32 $0x960, s23  }
0x64c: {  	[tilespmem:s30], [sflag:s24] =	stream.linear.gather [hbm4b:s31+s3], $0x10, $0x38;
	[tilespmem:$0x14200] =	vst v63  }
0x64d: {  	s26 =	sadd.s32 $0x70, s26;
	s31 =	sor.u32 $0x9E0, s23  }
0x64e: {  	[tilespmem:s31], [sflag:s24] =	stream.linear.gather [hbm4b:s26+s3], $0x10, $0x38;
	[tilespmem:$0x14200] =	vst v63  }
0x64f: {  	s29 =	sor.u32 $0xA60, s23;
	s26 =	sadd.s32 $0x1E8500, s25  }
0x650: {  	[tilespmem:s29], [sflag:s24] =	stream.linear.gather [hbm4b:s26+s3], $0x10, $0x38;
	[tilespmem:$0x14200] =	vst v63  }
0x651: {  	s31 =	sor.u32 $0xAE0, s23;
	s30 =	sadd.s32 $0x10, s26  }
0x652: {  	[tilespmem:s31], [sflag:s24] =	stream.linear.gather [hbm4b:s30+s3], $0x10, $0x38;
	[tilespmem:$0x14200] =	vst v63  }
0x653: {  	s30 =	sadd.s32 $0x20, s26;
	s31 =	sor.u32 $0xB60, s23  }
0x654: {  	[tilespmem:s31], [sflag:s24] =	stream.linear.gather [hbm4b:s30+s3], $0x10, $0x38;
	[tilespmem:$0x14200] =	vst v63  }
0x655: {  	s30 =	sadd.s32 $0x30, s26;
	s31 =	sor.u32 $0xBE0, s23  }
0x656: {  	[tilespmem:s31], [sflag:s24] =	stream.linear.gather [hbm4b:s30+s3], $0x10, $0x38;
	[tilespmem:$0x14200] =	vst v63  }
0x657: {  	s30 =	sadd.s32 $0x40, s26;
	s31 =	sor.u32 $0xC60, s23  }
0x658: {  	[tilespmem:s31], [sflag:s24] =	stream.linear.gather [hbm4b:s30+s3], $0x10, $0x38;
	[tilespmem:$0x14200] =	vst v63  }
0x659: {  	s30 =	sadd.s32 $0x50, s26;
	s31 =	sor.u32 $0xCE0, s23  }
0x65a: {  	[tilespmem:s31], [sflag:s24] =	stream.linear.gather [hbm4b:s30+s3], $0x10, $0x38;
	[tilespmem:$0x14200] =	vst v63  }
0x65b: {  	s30 =	sadd.s32 $0x60, s26;
	s31 =	sor.u32 $0xD60, s23  }
0x65c: {  	(v2sf) =	vpush v34, $0x7;
	[tilespmem:s31], [sflag:s24] =	stream.linear.gather [hbm4b:s30+s3], $0x10, $0x38;
	[tilespmem:$0x14200] =	vst v63  }
0x65d: {  	s29 =	sor.u32 $0xDE0, s23;
	s26 =	sadd.s32 $0x70, s26  }
0x65e: {  	(v2sf) =	vpush v33, $0x7;
	[tilespmem:s29], [sflag:s24] =	stream.linear.gather [hbm4b:s26+s3], $0x10, $0x38;
	[tilespmem:$0x14200] =	vst v63  }
0x65f: {  	s25 =	sadd.s32 $0x2DC780, s25;
	s30 =	sor.u32 $0xE60, s23  }
0x660: {  	[tilespmem:s30], [sflag:s24] =	stream.linear.gather [hbm4b:s25+s3], $0x10, $0x38;
	[tilespmem:$0x14200] =	vst v63  }
0x661: {  	s31 =	sadd.s32 $0x10, s25;
	s29 =	sor.u32 $0xEE0, s23  }
0x662: {  	[tilespmem:s29], [sflag:s24] =	stream.linear.gather [hbm4b:s31+s3], $0x10, $0x38;
	[tilespmem:$0x14200] =	vst v63  }
0x663: {  	s30 =	sadd.s32 $0x20, s25;
	s31 =	sor.u32 $0xF60, s23  }
0x664: {  	[tilespmem:s31], [sflag:s24] =	stream.linear.gather [hbm4b:s30+s3], $0x10, $0x38;
	[tilespmem:$0x14200] =	vst v63  }
0x665: {  	s29 =	sadd.s32 $0x30, s25;
	s30 =	sor.u32 $0xFE0, s23  }
0x666: {  	[tilespmem:s30], [sflag:s24] =	stream.linear.gather [hbm4b:s29+s3], $0x10, $0x38;
	[tilespmem:$0x14200] =	vst v63  }
0x667: {  	s31 =	sadd.s32 $0x40, s25;
	s29 =	sor.u32 $0x1060, s23  }
0x668: {  	[tilespmem:s29], [sflag:s24] =	stream.linear.gather [hbm4b:s31+s3], $0x10, $0x38;
	[tilespmem:$0x14200] =	vst v63  }
0x669: {  	s30 =	sadd.s32 $0x50, s25;
	s31 =	sor.u32 $0x10E0, s23  }
0x66a: {  	[tilespmem:s31], [sflag:s24] =	stream.linear.gather [hbm4b:s30+s3], $0x10, $0x38;
	[tilespmem:$0x14200] =	vst v63  }
0x66b: {  	s28 =	spop (v2sf);
	s29 =	sadd.s32 $0x60, s25;
	s30 =	sor.u32 $0x1160, s23  }
0x66c: {  	[tilespmem:s30], [sflag:s24] =	stream.linear.gather [hbm4b:s29+s3], $0x10, $0x38;
	[tilespmem:$0x14200] =	vst v63  }
0x66d: {  	s25 =	sadd.s32 $0x70, s25;
	s31 =	sor.u32 $0x11E0, s23;
	s29 =	spop (v2sf)  }
0x66e: {  	[tilespmem:s31], [sflag:s24] =	stream.linear.gather [hbm4b:s25+s3], $0x10, $0x38;
	[tilespmem:$0x14200] =	vst v63  }
0x66f: {  	s30 =	sor.u32 $0x270, s23;
	s25 =	sadd.s32 s28, s29  }
0x670: {  	[tilespmem:s30], [sflag:s24] =	stream.linear.gather [hbm4b:s25+s3], $0x10, $0x38;
	[tilespmem:$0x14200] =	vst v63  }
0x671: {  	s29 =	sor.u32 $0x2F0, s23;
	s31 =	sadd.s32 $0x10, s25  }
0x672: {  	[tilespmem:s29], [sflag:s24] =	stream.linear.gather [hbm4b:s31+s3], $0x10, $0x38;
	[tilespmem:$0x14200] =	vst v63  }
0x673: {  	s30 =	sadd.s32 $0x20, s25;
	s31 =	sor.u32 $0x370, s23  }
0x674: {  	[tilespmem:s31], [sflag:s24] =	stream.linear.gather [hbm4b:s30+s3], $0x10, $0x38;
	[tilespmem:$0x14200] =	vst v63  }
0x675: {  	s29 =	sadd.s32 $0x30, s25;
	s30 =	sor.u32 $0x3F0, s23  }
0x676: {  	[tilespmem:s30], [sflag:s24] =	stream.linear.gather [hbm4b:s29+s3], $0x10, $0x38;
	[tilespmem:$0x14200] =	vst v63  }
0x677: {  	s31 =	sadd.s32 $0x40, s25;
	s29 =	sor.u32 $0x470, s23  }
0x678: {  	[tilespmem:s29], [sflag:s24] =	stream.linear.gather [hbm4b:s31+s3], $0x10, $0x38;
	[tilespmem:$0x14200] =	vst v63  }
0x679: {  	s30 =	sadd.s32 $0x50, s25;
	s31 =	sor.u32 $0x4F0, s23  }
0x67a: {  	[tilespmem:s31], [sflag:s24] =	stream.linear.gather [hbm4b:s30+s3], $0x10, $0x38;
	[tilespmem:$0x14200] =	vst v63  }
0x67b: {  	s29 =	sadd.s32 $0x60, s25;
	s30 =	sor.u32 $0x570, s23  }
0x67c: {  	[tilespmem:s30], [sflag:s24] =	stream.linear.gather [hbm4b:s29+s3], $0x10, $0x38;
	[tilespmem:$0x14200] =	vst v63  }
0x67d: {  	s31 =	sadd.s32 $0x70, s25;
	s29 =	sor.u32 $0x5F0, s23  }
0x67e: {  	[tilespmem:s29], [sflag:s24] =	stream.linear.gather [hbm4b:s31+s3], $0x10, $0x38;
	[tilespmem:$0x14200] =	vst v63  }
0x67f: {  	s26 =	sadd.s32 $0xF4280, s25;
	s30 =	sor.u32 $0x670, s23  }
0x680: {  	[tilespmem:s30], [sflag:s24] =	stream.linear.gather [hbm4b:s26+s3], $0x10, $0x38;
	[tilespmem:$0x14200] =	vst v63  }
0x681: {  	s31 =	sadd.s32 $0x10, s26;
	s30 =	sor.u32 $0x6F0, s23  }
0x682: {  	[tilespmem:s30], [sflag:s24] =	stream.linear.gather [hbm4b:s31+s3], $0x10, $0x38;
	[tilespmem:$0x14200] =	vst v63  }
0x683: {  	s31 =	sadd.s32 $0x20, s26;
	s30 =	sor.u32 $0x770, s23  }
0x684: {  	[tilespmem:s30], [sflag:s24] =	stream.linear.gather [hbm4b:s31+s3], $0x10, $0x38;
	[tilespmem:$0x14200] =	vst v63  }
0x685: {  	s31 =	sadd.s32 $0x30, s26;
	s30 =	sor.u32 $0x7F0, s23  }
0x686: {  	[tilespmem:s30], [sflag:s24] =	stream.linear.gather [hbm4b:s31+s3], $0x10, $0x38;
	[tilespmem:$0x14200] =	vst v63  }
0x687: {  	s31 =	sadd.s32 $0x40, s26;
	s30 =	sor.u32 $0x870, s23  }
0x688: {  	[tilespmem:s30], [sflag:s24] =	stream.linear.gather [hbm4b:s31+s3], $0x10, $0x38;
	[tilespmem:$0x14200] =	vst v63  }
0x689: {  	s31 =	sadd.s32 $0x50, s26;
	s30 =	sor.u32 $0x8F0, s23  }
0x68a: {  	[tilespmem:s30], [sflag:s24] =	stream.linear.gather [hbm4b:s31+s3], $0x10, $0x38;
	[tilespmem:$0x14200] =	vst v63  }
0x68b: {  	s31 =	sadd.s32 $0x60, s26;
	s30 =	sor.u32 $0x970, s23  }
0x68c: {  	[tilespmem:s30], [sflag:s24] =	stream.linear.gather [hbm4b:s31+s3], $0x10, $0x38;
	[tilespmem:$0x14200] =	vst v63  }
0x68d: {  	s26 =	sadd.s32 $0x70, s26;
	s31 =	sor.u32 $0x9F0, s23  }
0x68e: {  	[tilespmem:s31], [sflag:s24] =	stream.linear.gather [hbm4b:s26+s3], $0x10, $0x38;
	[tilespmem:$0x14200] =	vst v63  }
0x68f: {  	s29 =	sor.u32 $0xA70, s23;
	s26 =	sadd.s32 $0x1E8500, s25  }
0x690: {  	[tilespmem:s29], [sflag:s24] =	stream.linear.gather [hbm4b:s26+s3], $0x10, $0x38;
	[tilespmem:$0x14200] =	vst v63  }
0x691: {  	s31 =	sor.u32 $0xAF0, s23;
	s30 =	sadd.s32 $0x10, s26  }
0x692: {  	[tilespmem:s31], [sflag:s24] =	stream.linear.gather [hbm4b:s30+s3], $0x10, $0x38;
	[tilespmem:$0x14200] =	vst v63  }
0x693: {  	s30 =	sadd.s32 $0x20, s26;
	s31 =	sor.u32 $0xB70, s23  }
0x694: {  	[tilespmem:s31], [sflag:s24] =	stream.linear.gather [hbm4b:s30+s3], $0x10, $0x38;
	[tilespmem:$0x14200] =	vst v63  }
0x695: {  	s30 =	sadd.s32 $0x30, s26;
	s31 =	sor.u32 $0xBF0, s23  }
0x696: {  	[tilespmem:s31], [sflag:s24] =	stream.linear.gather [hbm4b:s30+s3], $0x10, $0x38;
	[tilespmem:$0x14200] =	vst v63  }
0x697: {  	s30 =	sadd.s32 $0x40, s26;
	s31 =	sor.u32 $0xC70, s23  }
0x698: {  	[tilespmem:s31], [sflag:s24] =	stream.linear.gather [hbm4b:s30+s3], $0x10, $0x38;
	[tilespmem:$0x14200] =	vst v63  }
0x699: {  	s30 =	sadd.s32 $0x50, s26;
	s31 =	sor.u32 $0xCF0, s23  }
0x69a: {  	[tilespmem:s31], [sflag:s24] =	stream.linear.gather [hbm4b:s30+s3], $0x10, $0x38;
	[tilespmem:$0x14200] =	vst v63  }
0x69b: {  	s30 =	sadd.s32 $0x60, s26;
	s31 =	sor.u32 $0xD70, s23  }
0x69c: {  	(v2sf) =	vpush v34, $0x8;
	[tilespmem:s31], [sflag:s24] =	stream.linear.gather [hbm4b:s30+s3], $0x10, $0x38;
	[tilespmem:$0x14200] =	vst v63  }
0x69d: {  	s29 =	sor.u32 $0xDF0, s23;
	s26 =	sadd.s32 $0x70, s26  }
0x69e: {  	(v2sf) =	vpush v33, $0x8;
	[tilespmem:s29], [sflag:s24] =	stream.linear.gather [hbm4b:s26+s3], $0x10, $0x38;
	[tilespmem:$0x14200] =	vst v63  }
0x69f: {  	s25 =	sadd.s32 $0x2DC780, s25;
	s30 =	sor.u32 $0xE70, s23  }
0x6a0: {  	[tilespmem:s30], [sflag:s24] =	stream.linear.gather [hbm4b:s25+s3], $0x10, $0x38;
	[tilespmem:$0x14200] =	vst v63  }
0x6a1: {  	s31 =	sadd.s32 $0x10, s25;
	s29 =	sor.u32 $0xEF0, s23  }
0x6a2: {  	[tilespmem:s29], [sflag:s24] =	stream.linear.gather [hbm4b:s31+s3], $0x10, $0x38;
	[tilespmem:$0x14200] =	vst v63  }
0x6a3: {  	s30 =	sadd.s32 $0x20, s25;
	s31 =	sor.u32 $0xF70, s23  }
0x6a4: {  	[tilespmem:s31], [sflag:s24] =	stream.linear.gather [hbm4b:s30+s3], $0x10, $0x38;
	[tilespmem:$0x14200] =	vst v63  }
0x6a5: {  	s29 =	sadd.s32 $0x30, s25;
	s30 =	sor.u32 $0xFF0, s23  }
0x6a6: {  	[tilespmem:s30], [sflag:s24] =	stream.linear.gather [hbm4b:s29+s3], $0x10, $0x38;
	[tilespmem:$0x14200] =	vst v63  }
0x6a7: {  	s31 =	sadd.s32 $0x40, s25;
	s29 =	sor.u32 $0x1070, s23  }
0x6a8: {  	[tilespmem:s29], [sflag:s24] =	stream.linear.gather [hbm4b:s31+s3], $0x10, $0x38;
	[tilespmem:$0x14200] =	vst v63  }
0x6a9: {  	s30 =	sadd.s32 $0x50, s25;
	s31 =	sor.u32 $0x10F0, s23  }
0x6aa: {  	[tilespmem:s31], [sflag:s24] =	stream.linear.gather [hbm4b:s30+s3], $0x10, $0x38;
	[tilespmem:$0x14200] =	vst v63  }
0x6ab: {  	s28 =	spop (v2sf);
	s29 =	sadd.s32 $0x60, s25;
	s30 =	sor.u32 $0x1170, s23  }
0x6ac: {  	[tilespmem:s30], [sflag:s24] =	stream.linear.gather [hbm4b:s29+s3], $0x10, $0x38;
	[tilespmem:$0x14200] =	vst v63  }
0x6ad: {  	s25 =	sadd.s32 $0x70, s25;
	s31 =	sor.u32 $0x11F0, s23;
	s29 =	spop (v2sf)  }
0x6ae: {  	[tilespmem:s31], [sflag:s24] =	stream.linear.gather [hbm4b:s25+s3], $0x10, $0x38;
	[tilespmem:$0x14200] =	vst v63  }
0x6af: {  	s30 =	sor.u32 $0x1200, s23;
	s25 =	sadd.s32 s28, s29  }
0x6b0: {  	[tilespmem:s30], [sflag:s24] =	stream.linear.gather [hbm4b:s25+s3], $0x10, $0x38;
	[tilespmem:$0x14200] =	vst v63  }
0x6b1: {  	s29 =	sor.u32 $0x1280, s23;
	s31 =	sadd.s32 $0x10, s25  }
0x6b2: {  	[tilespmem:s29], [sflag:s24] =	stream.linear.gather [hbm4b:s31+s3], $0x10, $0x38;
	[tilespmem:$0x14200] =	vst v63  }
0x6b3: {  	s30 =	sadd.s32 $0x20, s25;
	s31 =	sor.u32 $0x1300, s23  }
0x6b4: {  	[tilespmem:s31], [sflag:s24] =	stream.linear.gather [hbm4b:s30+s3], $0x10, $0x38;
	[tilespmem:$0x14200] =	vst v63  }
0x6b5: {  	s29 =	sadd.s32 $0x30, s25;
	s30 =	sor.u32 $0x1380, s23  }
0x6b6: {  	[tilespmem:s30], [sflag:s24] =	stream.linear.gather [hbm4b:s29+s3], $0x10, $0x38;
	[tilespmem:$0x14200] =	vst v63  }
0x6b7: {  	s31 =	sadd.s32 $0x40, s25;
	s29 =	sor.u32 $0x1400, s23  }
0x6b8: {  	[tilespmem:s29], [sflag:s24] =	stream.linear.gather [hbm4b:s31+s3], $0x10, $0x38;
	[tilespmem:$0x14200] =	vst v63  }
0x6b9: {  	s30 =	sadd.s32 $0x50, s25;
	s31 =	sor.u32 $0x1480, s23  }
0x6ba: {  	[tilespmem:s31], [sflag:s24] =	stream.linear.gather [hbm4b:s30+s3], $0x10, $0x38;
	[tilespmem:$0x14200] =	vst v63  }
0x6bb: {  	s29 =	sadd.s32 $0x60, s25;
	s30 =	sor.u32 $0x1500, s23  }
0x6bc: {  	[tilespmem:s30], [sflag:s24] =	stream.linear.gather [hbm4b:s29+s3], $0x10, $0x38;
	[tilespmem:$0x14200] =	vst v63  }
0x6bd: {  	s31 =	sadd.s32 $0x70, s25;
	s29 =	sor.u32 $0x1580, s23  }
0x6be: {  	[tilespmem:s29], [sflag:s24] =	stream.linear.gather [hbm4b:s31+s3], $0x10, $0x38;
	[tilespmem:$0x14200] =	vst v63  }
0x6bf: {  	s26 =	sadd.s32 $0xF4280, s25;
	s30 =	sor.u32 $0x1600, s23  }
0x6c0: {  	[tilespmem:s30], [sflag:s24] =	stream.linear.gather [hbm4b:s26+s3], $0x10, $0x38;
	[tilespmem:$0x14200] =	vst v63  }
0x6c1: {  	s31 =	sadd.s32 $0x10, s26;
	s30 =	sor.u32 $0x1680, s23  }
0x6c2: {  	[tilespmem:s30], [sflag:s24] =	stream.linear.gather [hbm4b:s31+s3], $0x10, $0x38;
	[tilespmem:$0x14200] =	vst v63  }
0x6c3: {  	s31 =	sadd.s32 $0x20, s26;
	s30 =	sor.u32 $0x1700, s23  }
0x6c4: {  	[tilespmem:s30], [sflag:s24] =	stream.linear.gather [hbm4b:s31+s3], $0x10, $0x38;
	[tilespmem:$0x14200] =	vst v63  }
0x6c5: {  	s31 =	sadd.s32 $0x30, s26;
	s30 =	sor.u32 $0x1780, s23  }
0x6c6: {  	[tilespmem:s30], [sflag:s24] =	stream.linear.gather [hbm4b:s31+s3], $0x10, $0x38;
	[tilespmem:$0x14200] =	vst v63  }
0x6c7: {  	s31 =	sadd.s32 $0x40, s26;
	s30 =	sor.u32 $0x1800, s23  }
0x6c8: {  	[tilespmem:s30], [sflag:s24] =	stream.linear.gather [hbm4b:s31+s3], $0x10, $0x38;
	[tilespmem:$0x14200] =	vst v63  }
0x6c9: {  	s31 =	sadd.s32 $0x50, s26;
	s30 =	sor.u32 $0x1880, s23  }
0x6ca: {  	[tilespmem:s30], [sflag:s24] =	stream.linear.gather [hbm4b:s31+s3], $0x10, $0x38;
	[tilespmem:$0x14200] =	vst v63  }
0x6cb: {  	s31 =	sadd.s32 $0x60, s26;
	s30 =	sor.u32 $0x1900, s23  }
0x6cc: {  	[tilespmem:s30], [sflag:s24] =	stream.linear.gather [hbm4b:s31+s3], $0x10, $0x38;
	[tilespmem:$0x14200] =	vst v63  }
0x6cd: {  	s26 =	sadd.s32 $0x70, s26;
	s31 =	sor.u32 $0x1980, s23  }
0x6ce: {  	[tilespmem:s31], [sflag:s24] =	stream.linear.gather [hbm4b:s26+s3], $0x10, $0x38;
	[tilespmem:$0x14200] =	vst v63  }
0x6cf: {  	s29 =	sor.u32 $0x1A00, s23;
	s26 =	sadd.s32 $0x1E8500, s25  }
0x6d0: {  	[tilespmem:s29], [sflag:s24] =	stream.linear.gather [hbm4b:s26+s3], $0x10, $0x38;
	[tilespmem:$0x14200] =	vst v63  }
0x6d1: {  	s31 =	sor.u32 $0x1A80, s23;
	s30 =	sadd.s32 $0x10, s26  }
0x6d2: {  	[tilespmem:s31], [sflag:s24] =	stream.linear.gather [hbm4b:s30+s3], $0x10, $0x38;
	[tilespmem:$0x14200] =	vst v63  }
0x6d3: {  	s30 =	sadd.s32 $0x20, s26;
	s31 =	sor.u32 $0x1B00, s23  }
0x6d4: {  	[tilespmem:s31], [sflag:s24] =	stream.linear.gather [hbm4b:s30+s3], $0x10, $0x38;
	[tilespmem:$0x14200] =	vst v63  }
0x6d5: {  	s30 =	sadd.s32 $0x30, s26;
	s31 =	sor.u32 $0x1B80, s23  }
0x6d6: {  	[tilespmem:s31], [sflag:s24] =	stream.linear.gather [hbm4b:s30+s3], $0x10, $0x38;
	[tilespmem:$0x14200] =	vst v63  }
0x6d7: {  	s30 =	sadd.s32 $0x40, s26;
	s31 =	sor.u32 $0x1C00, s23  }
0x6d8: {  	[tilespmem:s31], [sflag:s24] =	stream.linear.gather [hbm4b:s30+s3], $0x10, $0x38;
	[tilespmem:$0x14200] =	vst v63  }
0x6d9: {  	s30 =	sadd.s32 $0x50, s26;
	s31 =	sor.u32 $0x1C80, s23  }
0x6da: {  	[tilespmem:s31], [sflag:s24] =	stream.linear.gather [hbm4b:s30+s3], $0x10, $0x38;
	[tilespmem:$0x14200] =	vst v63  }
0x6db: {  	s30 =	sadd.s32 $0x60, s26;
	s31 =	sor.u32 $0x1D00, s23  }
0x6dc: {  	(v2sf) =	vpush v34, $0x9;
	[tilespmem:s31], [sflag:s24] =	stream.linear.gather [hbm4b:s30+s3], $0x10, $0x38;
	[tilespmem:$0x14200] =	vst v63  }
0x6dd: {  	s29 =	sor.u32 $0x1D80, s23;
	s26 =	sadd.s32 $0x70, s26  }
0x6de: {  	(v2sf) =	vpush v33, $0x9;
	[tilespmem:s29], [sflag:s24] =	stream.linear.gather [hbm4b:s26+s3], $0x10, $0x38;
	[tilespmem:$0x14200] =	vst v63  }
0x6df: {  	s25 =	sadd.s32 $0x2DC780, s25;
	s30 =	sor.u32 $0x1E00, s23  }
0x6e0: {  	[tilespmem:s30], [sflag:s24] =	stream.linear.gather [hbm4b:s25+s3], $0x10, $0x38;
	[tilespmem:$0x14200] =	vst v63  }
0x6e1: {  	s31 =	sadd.s32 $0x10, s25;
	s29 =	sor.u32 $0x1E80, s23  }
0x6e2: {  	[tilespmem:s29], [sflag:s24] =	stream.linear.gather [hbm4b:s31+s3], $0x10, $0x38;
	[tilespmem:$0x14200] =	vst v63  }
0x6e3: {  	s30 =	sadd.s32 $0x20, s25;
	s31 =	sor.u32 $0x1F00, s23  }
0x6e4: {  	[tilespmem:s31], [sflag:s24] =	stream.linear.gather [hbm4b:s30+s3], $0x10, $0x38;
	[tilespmem:$0x14200] =	vst v63  }
0x6e5: {  	s29 =	sadd.s32 $0x30, s25;
	s30 =	sor.u32 $0x1F80, s23  }
0x6e6: {  	[tilespmem:s30], [sflag:s24] =	stream.linear.gather [hbm4b:s29+s3], $0x10, $0x38;
	[tilespmem:$0x14200] =	vst v63  }
0x6e7: {  	s31 =	sadd.s32 $0x40, s25;
	s29 =	sadd.s32 $0x2000, s23  }
0x6e8: {  	[tilespmem:s29], [sflag:s24] =	stream.linear.gather [hbm4b:s31+s3], $0x10, $0x38;
	[tilespmem:$0x14200] =	vst v63  }
0x6e9: {  	s30 =	sadd.s32 $0x50, s25;
	s31 =	sadd.s32 $0x2080, s23  }
0x6ea: {  	[tilespmem:s31], [sflag:s24] =	stream.linear.gather [hbm4b:s30+s3], $0x10, $0x38;
	[tilespmem:$0x14200] =	vst v63  }
0x6eb: {  	s28 =	spop (v2sf);
	s29 =	sadd.s32 $0x60, s25;
	s30 =	sadd.s32 $0x2100, s23  }
0x6ec: {  	[tilespmem:s30], [sflag:s24] =	stream.linear.gather [hbm4b:s29+s3], $0x10, $0x38;
	[tilespmem:$0x14200] =	vst v63  }
0x6ed: {  	s25 =	sadd.s32 $0x70, s25;
	s31 =	sadd.s32 $0x2180, s23;
	s29 =	spop (v2sf)  }
0x6ee: {  	[tilespmem:s31], [sflag:s24] =	stream.linear.gather [hbm4b:s25+s3], $0x10, $0x38;
	[tilespmem:$0x14200] =	vst v63  }
0x6ef: {  	s30 =	sor.u32 $0x1210, s23;
	s25 =	sadd.s32 s28, s29  }
0x6f0: {  	[tilespmem:s30], [sflag:s24] =	stream.linear.gather [hbm4b:s25+s3], $0x10, $0x38;
	[tilespmem:$0x14200] =	vst v63  }
0x6f1: {  	s29 =	sor.u32 $0x1290, s23;
	s31 =	sadd.s32 $0x10, s25  }
0x6f2: {  	[tilespmem:s29], [sflag:s24] =	stream.linear.gather [hbm4b:s31+s3], $0x10, $0x38;
	[tilespmem:$0x14200] =	vst v63  }
0x6f3: {  	s30 =	sadd.s32 $0x20, s25;
	s31 =	sor.u32 $0x1310, s23  }
0x6f4: {  	[tilespmem:s31], [sflag:s24] =	stream.linear.gather [hbm4b:s30+s3], $0x10, $0x38;
	[tilespmem:$0x14200] =	vst v63  }
0x6f5: {  	s29 =	sadd.s32 $0x30, s25;
	s30 =	sor.u32 $0x1390, s23  }
0x6f6: {  	[tilespmem:s30], [sflag:s24] =	stream.linear.gather [hbm4b:s29+s3], $0x10, $0x38;
	[tilespmem:$0x14200] =	vst v63  }
0x6f7: {  	s31 =	sadd.s32 $0x40, s25;
	s29 =	sor.u32 $0x1410, s23  }
0x6f8: {  	[tilespmem:s29], [sflag:s24] =	stream.linear.gather [hbm4b:s31+s3], $0x10, $0x38;
	[tilespmem:$0x14200] =	vst v63  }
0x6f9: {  	s30 =	sadd.s32 $0x50, s25;
	s31 =	sor.u32 $0x1490, s23  }
0x6fa: {  	[tilespmem:s31], [sflag:s24] =	stream.linear.gather [hbm4b:s30+s3], $0x10, $0x38;
	[tilespmem:$0x14200] =	vst v63  }
0x6fb: {  	s29 =	sadd.s32 $0x60, s25;
	s30 =	sor.u32 $0x1510, s23  }
0x6fc: {  	[tilespmem:s30], [sflag:s24] =	stream.linear.gather [hbm4b:s29+s3], $0x10, $0x38;
	[tilespmem:$0x14200] =	vst v63  }
0x6fd: {  	s31 =	sadd.s32 $0x70, s25;
	s29 =	sor.u32 $0x1590, s23  }
0x6fe: {  	[tilespmem:s29], [sflag:s24] =	stream.linear.gather [hbm4b:s31+s3], $0x10, $0x38;
	[tilespmem:$0x14200] =	vst v63  }
0x6ff: {  	s26 =	sadd.s32 $0xF4280, s25;
	s30 =	sor.u32 $0x1610, s23  }
0x700: {  	[tilespmem:s30], [sflag:s24] =	stream.linear.gather [hbm4b:s26+s3], $0x10, $0x38;
	[tilespmem:$0x14200] =	vst v63  }
0x701: {  	s31 =	sadd.s32 $0x10, s26;
	s30 =	sor.u32 $0x1690, s23  }
0x702: {  	[tilespmem:s30], [sflag:s24] =	stream.linear.gather [hbm4b:s31+s3], $0x10, $0x38;
	[tilespmem:$0x14200] =	vst v63  }
0x703: {  	s31 =	sadd.s32 $0x20, s26;
	s30 =	sor.u32 $0x1710, s23  }
0x704: {  	[tilespmem:s30], [sflag:s24] =	stream.linear.gather [hbm4b:s31+s3], $0x10, $0x38;
	[tilespmem:$0x14200] =	vst v63  }
0x705: {  	s31 =	sadd.s32 $0x30, s26;
	s30 =	sor.u32 $0x1790, s23  }
0x706: {  	[tilespmem:s30], [sflag:s24] =	stream.linear.gather [hbm4b:s31+s3], $0x10, $0x38;
	[tilespmem:$0x14200] =	vst v63  }
0x707: {  	s31 =	sadd.s32 $0x40, s26;
	s30 =	sor.u32 $0x1810, s23  }
0x708: {  	[tilespmem:s30], [sflag:s24] =	stream.linear.gather [hbm4b:s31+s3], $0x10, $0x38;
	[tilespmem:$0x14200] =	vst v63  }
0x709: {  	s31 =	sadd.s32 $0x50, s26;
	s30 =	sor.u32 $0x1890, s23  }
0x70a: {  	[tilespmem:s30], [sflag:s24] =	stream.linear.gather [hbm4b:s31+s3], $0x10, $0x38;
	[tilespmem:$0x14200] =	vst v63  }
0x70b: {  	s31 =	sadd.s32 $0x60, s26;
	s30 =	sor.u32 $0x1910, s23  }
0x70c: {  	[tilespmem:s30], [sflag:s24] =	stream.linear.gather [hbm4b:s31+s3], $0x10, $0x38;
	[tilespmem:$0x14200] =	vst v63  }
0x70d: {  	s26 =	sadd.s32 $0x70, s26;
	s31 =	sor.u32 $0x1990, s23  }
0x70e: {  	[tilespmem:s31], [sflag:s24] =	stream.linear.gather [hbm4b:s26+s3], $0x10, $0x38;
	[tilespmem:$0x14200] =	vst v63  }
0x70f: {  	s29 =	sor.u32 $0x1A10, s23;
	s26 =	sadd.s32 $0x1E8500, s25  }
0x710: {  	[tilespmem:s29], [sflag:s24] =	stream.linear.gather [hbm4b:s26+s3], $0x10, $0x38;
	[tilespmem:$0x14200] =	vst v63  }
0x711: {  	s31 =	sor.u32 $0x1A90, s23;
	s30 =	sadd.s32 $0x10, s26  }
0x712: {  	[tilespmem:s31], [sflag:s24] =	stream.linear.gather [hbm4b:s30+s3], $0x10, $0x38;
	[tilespmem:$0x14200] =	vst v63  }
0x713: {  	s30 =	sadd.s32 $0x20, s26;
	s31 =	sor.u32 $0x1B10, s23  }
0x714: {  	[tilespmem:s31], [sflag:s24] =	stream.linear.gather [hbm4b:s30+s3], $0x10, $0x38;
	[tilespmem:$0x14200] =	vst v63  }
0x715: {  	s30 =	sadd.s32 $0x30, s26;
	s31 =	sor.u32 $0x1B90, s23  }
0x716: {  	[tilespmem:s31], [sflag:s24] =	stream.linear.gather [hbm4b:s30+s3], $0x10, $0x38;
	[tilespmem:$0x14200] =	vst v63  }
0x717: {  	s30 =	sadd.s32 $0x40, s26;
	s31 =	sor.u32 $0x1C10, s23  }
0x718: {  	[tilespmem:s31], [sflag:s24] =	stream.linear.gather [hbm4b:s30+s3], $0x10, $0x38;
	[tilespmem:$0x14200] =	vst v63  }
0x719: {  	s30 =	sadd.s32 $0x50, s26;
	s31 =	sor.u32 $0x1C90, s23  }
0x71a: {  	[tilespmem:s31], [sflag:s24] =	stream.linear.gather [hbm4b:s30+s3], $0x10, $0x38;
	[tilespmem:$0x14200] =	vst v63  }
0x71b: {  	s30 =	sadd.s32 $0x60, s26;
	s31 =	sor.u32 $0x1D10, s23  }
0x71c: {  	(v2sf) =	vpush v34, $0xA;
	[tilespmem:s31], [sflag:s24] =	stream.linear.gather [hbm4b:s30+s3], $0x10, $0x38;
	[tilespmem:$0x14200] =	vst v63  }
0x71d: {  	s29 =	sor.u32 $0x1D90, s23;
	s26 =	sadd.s32 $0x70, s26  }
0x71e: {  	(v2sf) =	vpush v33, $0xA;
	[tilespmem:s29], [sflag:s24] =	stream.linear.gather [hbm4b:s26+s3], $0x10, $0x38;
	[tilespmem:$0x14200] =	vst v63  }
0x71f: {  	s25 =	sadd.s32 $0x2DC780, s25;
	s30 =	sor.u32 $0x1E10, s23  }
0x720: {  	[tilespmem:s30], [sflag:s24] =	stream.linear.gather [hbm4b:s25+s3], $0x10, $0x38;
	[tilespmem:$0x14200] =	vst v63  }
0x721: {  	s31 =	sadd.s32 $0x10, s25;
	s29 =	sor.u32 $0x1E90, s23  }
0x722: {  	[tilespmem:s29], [sflag:s24] =	stream.linear.gather [hbm4b:s31+s3], $0x10, $0x38;
	[tilespmem:$0x14200] =	vst v63  }
0x723: {  	s30 =	sadd.s32 $0x20, s25;
	s31 =	sor.u32 $0x1F10, s23  }
0x724: {  	[tilespmem:s31], [sflag:s24] =	stream.linear.gather [hbm4b:s30+s3], $0x10, $0x38;
	[tilespmem:$0x14200] =	vst v63  }
0x725: {  	s29 =	sadd.s32 $0x30, s25;
	s30 =	sor.u32 $0x1F90, s23  }
0x726: {  	[tilespmem:s30], [sflag:s24] =	stream.linear.gather [hbm4b:s29+s3], $0x10, $0x38;
	[tilespmem:$0x14200] =	vst v63  }
0x727: {  	s31 =	sadd.s32 $0x40, s25;
	s29 =	sadd.s32 $0x2010, s23  }
0x728: {  	[tilespmem:s29], [sflag:s24] =	stream.linear.gather [hbm4b:s31+s3], $0x10, $0x38;
	[tilespmem:$0x14200] =	vst v63  }
0x729: {  	s30 =	sadd.s32 $0x50, s25;
	s31 =	sadd.s32 $0x2090, s23  }
0x72a: {  	[tilespmem:s31], [sflag:s24] =	stream.linear.gather [hbm4b:s30+s3], $0x10, $0x38;
	[tilespmem:$0x14200] =	vst v63  }
0x72b: {  	s28 =	spop (v2sf);
	s29 =	sadd.s32 $0x60, s25;
	s30 =	sadd.s32 $0x2110, s23  }
0x72c: {  	[tilespmem:s30], [sflag:s24] =	stream.linear.gather [hbm4b:s29+s3], $0x10, $0x38;
	[tilespmem:$0x14200] =	vst v63  }
0x72d: {  	s25 =	sadd.s32 $0x70, s25;
	s31 =	sadd.s32 $0x2190, s23;
	s29 =	spop (v2sf)  }
0x72e: {  	[tilespmem:s31], [sflag:s24] =	stream.linear.gather [hbm4b:s25+s3], $0x10, $0x38;
	[tilespmem:$0x14200] =	vst v63  }
0x72f: {  	s30 =	sor.u32 $0x1220, s23;
	s25 =	sadd.s32 s28, s29  }
0x730: {  	[tilespmem:s30], [sflag:s24] =	stream.linear.gather [hbm4b:s25+s3], $0x10, $0x38;
	[tilespmem:$0x14200] =	vst v63  }
0x731: {  	s29 =	sor.u32 $0x12A0, s23;
	s31 =	sadd.s32 $0x10, s25  }
0x732: {  	[tilespmem:s29], [sflag:s24] =	stream.linear.gather [hbm4b:s31+s3], $0x10, $0x38;
	[tilespmem:$0x14200] =	vst v63  }
0x733: {  	s30 =	sadd.s32 $0x20, s25;
	s31 =	sor.u32 $0x1320, s23  }
0x734: {  	[tilespmem:s31], [sflag:s24] =	stream.linear.gather [hbm4b:s30+s3], $0x10, $0x38;
	[tilespmem:$0x14200] =	vst v63  }
0x735: {  	s29 =	sadd.s32 $0x30, s25;
	s30 =	sor.u32 $0x13A0, s23  }
0x736: {  	[tilespmem:s30], [sflag:s24] =	stream.linear.gather [hbm4b:s29+s3], $0x10, $0x38;
	[tilespmem:$0x14200] =	vst v63  }
0x737: {  	s31 =	sadd.s32 $0x40, s25;
	s29 =	sor.u32 $0x1420, s23  }
0x738: {  	[tilespmem:s29], [sflag:s24] =	stream.linear.gather [hbm4b:s31+s3], $0x10, $0x38;
	[tilespmem:$0x14200] =	vst v63  }
0x739: {  	s30 =	sadd.s32 $0x50, s25;
	s31 =	sor.u32 $0x14A0, s23  }
0x73a: {  	[tilespmem:s31], [sflag:s24] =	stream.linear.gather [hbm4b:s30+s3], $0x10, $0x38;
	[tilespmem:$0x14200] =	vst v63  }
0x73b: {  	s29 =	sadd.s32 $0x60, s25;
	s30 =	sor.u32 $0x1520, s23  }
0x73c: {  	[tilespmem:s30], [sflag:s24] =	stream.linear.gather [hbm4b:s29+s3], $0x10, $0x38;
	[tilespmem:$0x14200] =	vst v63  }
0x73d: {  	s31 =	sadd.s32 $0x70, s25;
	s29 =	sor.u32 $0x15A0, s23  }
0x73e: {  	[tilespmem:s29], [sflag:s24] =	stream.linear.gather [hbm4b:s31+s3], $0x10, $0x38;
	[tilespmem:$0x14200] =	vst v63  }
0x73f: {  	s26 =	sadd.s32 $0xF4280, s25;
	s30 =	sor.u32 $0x1620, s23  }
0x740: {  	[tilespmem:s30], [sflag:s24] =	stream.linear.gather [hbm4b:s26+s3], $0x10, $0x38;
	[tilespmem:$0x14200] =	vst v63  }
0x741: {  	s31 =	sadd.s32 $0x10, s26;
	s30 =	sor.u32 $0x16A0, s23  }
0x742: {  	[tilespmem:s30], [sflag:s24] =	stream.linear.gather [hbm4b:s31+s3], $0x10, $0x38;
	[tilespmem:$0x14200] =	vst v63  }
0x743: {  	s31 =	sadd.s32 $0x20, s26;
	s30 =	sor.u32 $0x1720, s23  }
0x744: {  	[tilespmem:s30], [sflag:s24] =	stream.linear.gather [hbm4b:s31+s3], $0x10, $0x38;
	[tilespmem:$0x14200] =	vst v63  }
0x745: {  	s31 =	sadd.s32 $0x30, s26;
	s30 =	sor.u32 $0x17A0, s23  }
0x746: {  	[tilespmem:s30], [sflag:s24] =	stream.linear.gather [hbm4b:s31+s3], $0x10, $0x38;
	[tilespmem:$0x14200] =	vst v63  }
0x747: {  	s31 =	sadd.s32 $0x40, s26;
	s30 =	sor.u32 $0x1820, s23  }
0x748: {  	[tilespmem:s30], [sflag:s24] =	stream.linear.gather [hbm4b:s31+s3], $0x10, $0x38;
	[tilespmem:$0x14200] =	vst v63  }
0x749: {  	s31 =	sadd.s32 $0x50, s26;
	s30 =	sor.u32 $0x18A0, s23  }
0x74a: {  	[tilespmem:s30], [sflag:s24] =	stream.linear.gather [hbm4b:s31+s3], $0x10, $0x38;
	[tilespmem:$0x14200] =	vst v63  }
0x74b: {  	s31 =	sadd.s32 $0x60, s26;
	s30 =	sor.u32 $0x1920, s23  }
0x74c: {  	[tilespmem:s30], [sflag:s24] =	stream.linear.gather [hbm4b:s31+s3], $0x10, $0x38;
	[tilespmem:$0x14200] =	vst v63  }
0x74d: {  	s26 =	sadd.s32 $0x70, s26;
	s31 =	sor.u32 $0x19A0, s23  }
0x74e: {  	[tilespmem:s31], [sflag:s24] =	stream.linear.gather [hbm4b:s26+s3], $0x10, $0x38;
	[tilespmem:$0x14200] =	vst v63  }
0x74f: {  	s29 =	sor.u32 $0x1A20, s23;
	s26 =	sadd.s32 $0x1E8500, s25  }
0x750: {  	[tilespmem:s29], [sflag:s24] =	stream.linear.gather [hbm4b:s26+s3], $0x10, $0x38;
	[tilespmem:$0x14200] =	vst v63  }
0x751: {  	s31 =	sor.u32 $0x1AA0, s23;
	s30 =	sadd.s32 $0x10, s26  }
0x752: {  	[tilespmem:s31], [sflag:s24] =	stream.linear.gather [hbm4b:s30+s3], $0x10, $0x38;
	[tilespmem:$0x14200] =	vst v63  }
0x753: {  	s30 =	sadd.s32 $0x20, s26;
	s31 =	sor.u32 $0x1B20, s23  }
0x754: {  	[tilespmem:s31], [sflag:s24] =	stream.linear.gather [hbm4b:s30+s3], $0x10, $0x38;
	[tilespmem:$0x14200] =	vst v63  }
0x755: {  	s30 =	sadd.s32 $0x30, s26;
	s31 =	sor.u32 $0x1BA0, s23  }
0x756: {  	[tilespmem:s31], [sflag:s24] =	stream.linear.gather [hbm4b:s30+s3], $0x10, $0x38;
	[tilespmem:$0x14200] =	vst v63  }
0x757: {  	s30 =	sadd.s32 $0x40, s26;
	s31 =	sor.u32 $0x1C20, s23  }
0x758: {  	[tilespmem:s31], [sflag:s24] =	stream.linear.gather [hbm4b:s30+s3], $0x10, $0x38;
	[tilespmem:$0x14200] =	vst v63  }
0x759: {  	s30 =	sadd.s32 $0x50, s26;
	s31 =	sor.u32 $0x1CA0, s23  }
0x75a: {  	[tilespmem:s31], [sflag:s24] =	stream.linear.gather [hbm4b:s30+s3], $0x10, $0x38;
	[tilespmem:$0x14200] =	vst v63  }
0x75b: {  	s30 =	sadd.s32 $0x60, s26;
	s31 =	sor.u32 $0x1D20, s23  }
0x75c: {  	(v2sf) =	vpush v34, $0xB;
	[tilespmem:s31], [sflag:s24] =	stream.linear.gather [hbm4b:s30+s3], $0x10, $0x38;
	[tilespmem:$0x14200] =	vst v63  }
0x75d: {  	s29 =	sor.u32 $0x1DA0, s23;
	s26 =	sadd.s32 $0x70, s26  }
0x75e: {  	(v2sf) =	vpush v33, $0xB;
	[tilespmem:s29], [sflag:s24] =	stream.linear.gather [hbm4b:s26+s3], $0x10, $0x38;
	[tilespmem:$0x14200] =	vst v63  }
0x75f: {  	s25 =	sadd.s32 $0x2DC780, s25;
	s30 =	sor.u32 $0x1E20, s23  }
0x760: {  	[tilespmem:s30], [sflag:s24] =	stream.linear.gather [hbm4b:s25+s3], $0x10, $0x38;
	[tilespmem:$0x14200] =	vst v63  }
0x761: {  	s31 =	sadd.s32 $0x10, s25;
	s29 =	sor.u32 $0x1EA0, s23  }
0x762: {  	[tilespmem:s29], [sflag:s24] =	stream.linear.gather [hbm4b:s31+s3], $0x10, $0x38;
	[tilespmem:$0x14200] =	vst v63  }
0x763: {  	s30 =	sadd.s32 $0x20, s25;
	s31 =	sor.u32 $0x1F20, s23  }
0x764: {  	[tilespmem:s31], [sflag:s24] =	stream.linear.gather [hbm4b:s30+s3], $0x10, $0x38;
	[tilespmem:$0x14200] =	vst v63  }
0x765: {  	s29 =	sadd.s32 $0x30, s25;
	s30 =	sor.u32 $0x1FA0, s23  }
0x766: {  	[tilespmem:s30], [sflag:s24] =	stream.linear.gather [hbm4b:s29+s3], $0x10, $0x38;
	[tilespmem:$0x14200] =	vst v63  }
0x767: {  	s31 =	sadd.s32 $0x40, s25;
	s29 =	sadd.s32 $0x2020, s23  }
0x768: {  	[tilespmem:s29], [sflag:s24] =	stream.linear.gather [hbm4b:s31+s3], $0x10, $0x38;
	[tilespmem:$0x14200] =	vst v63  }
0x769: {  	s30 =	sadd.s32 $0x50, s25;
	s31 =	sadd.s32 $0x20A0, s23  }
0x76a: {  	[tilespmem:s31], [sflag:s24] =	stream.linear.gather [hbm4b:s30+s3], $0x10, $0x38;
	[tilespmem:$0x14200] =	vst v63  }
0x76b: {  	s28 =	spop (v2sf);
	s29 =	sadd.s32 $0x60, s25;
	s30 =	sadd.s32 $0x2120, s23  }
0x76c: {  	[tilespmem:s30], [sflag:s24] =	stream.linear.gather [hbm4b:s29+s3], $0x10, $0x38;
	[tilespmem:$0x14200] =	vst v63  }
0x76d: {  	s25 =	sadd.s32 $0x70, s25;
	s31 =	sadd.s32 $0x21A0, s23;
	s29 =	spop (v2sf)  }
0x76e: {  	[tilespmem:s31], [sflag:s24] =	stream.linear.gather [hbm4b:s25+s3], $0x10, $0x38;
	[tilespmem:$0x14200] =	vst v63  }
0x76f: {  	s30 =	sor.u32 $0x1230, s23;
	s25 =	sadd.s32 s28, s29  }
0x770: {  	[tilespmem:s30], [sflag:s24] =	stream.linear.gather [hbm4b:s25+s3], $0x10, $0x38;
	[tilespmem:$0x14200] =	vst v63  }
0x771: {  	s29 =	sor.u32 $0x12B0, s23;
	s31 =	sadd.s32 $0x10, s25  }
0x772: {  	[tilespmem:s29], [sflag:s24] =	stream.linear.gather [hbm4b:s31+s3], $0x10, $0x38;
	[tilespmem:$0x14200] =	vst v63  }
0x773: {  	s30 =	sadd.s32 $0x20, s25;
	s31 =	sor.u32 $0x1330, s23  }
0x774: {  	[tilespmem:s31], [sflag:s24] =	stream.linear.gather [hbm4b:s30+s3], $0x10, $0x38;
	[tilespmem:$0x14200] =	vst v63  }
0x775: {  	s29 =	sadd.s32 $0x30, s25;
	s30 =	sor.u32 $0x13B0, s23  }
0x776: {  	[tilespmem:s30], [sflag:s24] =	stream.linear.gather [hbm4b:s29+s3], $0x10, $0x38;
	[tilespmem:$0x14200] =	vst v63  }
0x777: {  	s31 =	sadd.s32 $0x40, s25;
	s29 =	sor.u32 $0x1430, s23  }
0x778: {  	[tilespmem:s29], [sflag:s24] =	stream.linear.gather [hbm4b:s31+s3], $0x10, $0x38;
	[tilespmem:$0x14200] =	vst v63  }
0x779: {  	s30 =	sadd.s32 $0x50, s25;
	s31 =	sor.u32 $0x14B0, s23  }
0x77a: {  	[tilespmem:s31], [sflag:s24] =	stream.linear.gather [hbm4b:s30+s3], $0x10, $0x38;
	[tilespmem:$0x14200] =	vst v63  }
0x77b: {  	s29 =	sadd.s32 $0x60, s25;
	s30 =	sor.u32 $0x1530, s23  }
0x77c: {  	[tilespmem:s30], [sflag:s24] =	stream.linear.gather [hbm4b:s29+s3], $0x10, $0x38;
	[tilespmem:$0x14200] =	vst v63  }
0x77d: {  	s31 =	sadd.s32 $0x70, s25;
	s29 =	sor.u32 $0x15B0, s23  }
0x77e: {  	[tilespmem:s29], [sflag:s24] =	stream.linear.gather [hbm4b:s31+s3], $0x10, $0x38;
	[tilespmem:$0x14200] =	vst v63  }
0x77f: {  	s26 =	sadd.s32 $0xF4280, s25;
	s30 =	sor.u32 $0x1630, s23  }
0x780: {  	[tilespmem:s30], [sflag:s24] =	stream.linear.gather [hbm4b:s26+s3], $0x10, $0x38;
	[tilespmem:$0x14200] =	vst v63  }
0x781: {  	s31 =	sadd.s32 $0x10, s26;
	s30 =	sor.u32 $0x16B0, s23  }
0x782: {  	[tilespmem:s30], [sflag:s24] =	stream.linear.gather [hbm4b:s31+s3], $0x10, $0x38;
	[tilespmem:$0x14200] =	vst v63  }
0x783: {  	s31 =	sadd.s32 $0x20, s26;
	s30 =	sor.u32 $0x1730, s23  }
0x784: {  	[tilespmem:s30], [sflag:s24] =	stream.linear.gather [hbm4b:s31+s3], $0x10, $0x38;
	[tilespmem:$0x14200] =	vst v63  }
0x785: {  	s31 =	sadd.s32 $0x30, s26;
	s30 =	sor.u32 $0x17B0, s23  }
0x786: {  	[tilespmem:s30], [sflag:s24] =	stream.linear.gather [hbm4b:s31+s3], $0x10, $0x38;
	[tilespmem:$0x14200] =	vst v63  }
0x787: {  	s31 =	sadd.s32 $0x40, s26;
	s30 =	sor.u32 $0x1830, s23  }
0x788: {  	[tilespmem:s30], [sflag:s24] =	stream.linear.gather [hbm4b:s31+s3], $0x10, $0x38;
	[tilespmem:$0x14200] =	vst v63  }
0x789: {  	s31 =	sadd.s32 $0x50, s26;
	s30 =	sor.u32 $0x18B0, s23  }
0x78a: {  	[tilespmem:s30], [sflag:s24] =	stream.linear.gather [hbm4b:s31+s3], $0x10, $0x38;
	[tilespmem:$0x14200] =	vst v63  }
0x78b: {  	s31 =	sadd.s32 $0x60, s26;
	s30 =	sor.u32 $0x1930, s23  }
0x78c: {  	[tilespmem:s30], [sflag:s24] =	stream.linear.gather [hbm4b:s31+s3], $0x10, $0x38;
	[tilespmem:$0x14200] =	vst v63  }
0x78d: {  	s26 =	sadd.s32 $0x70, s26;
	s31 =	sor.u32 $0x19B0, s23  }
0x78e: {  	[tilespmem:s31], [sflag:s24] =	stream.linear.gather [hbm4b:s26+s3], $0x10, $0x38;
	[tilespmem:$0x14200] =	vst v63  }
0x78f: {  	s29 =	sor.u32 $0x1A30, s23;
	s26 =	sadd.s32 $0x1E8500, s25  }
0x790: {  	[tilespmem:s29], [sflag:s24] =	stream.linear.gather [hbm4b:s26+s3], $0x10, $0x38;
	[tilespmem:$0x14200] =	vst v63  }
0x791: {  	s31 =	sor.u32 $0x1AB0, s23;
	s30 =	sadd.s32 $0x10, s26  }
0x792: {  	[tilespmem:s31], [sflag:s24] =	stream.linear.gather [hbm4b:s30+s3], $0x10, $0x38;
	[tilespmem:$0x14200] =	vst v63  }
0x793: {  	s30 =	sadd.s32 $0x20, s26;
	s31 =	sor.u32 $0x1B30, s23  }
0x794: {  	[tilespmem:s31], [sflag:s24] =	stream.linear.gather [hbm4b:s30+s3], $0x10, $0x38;
	[tilespmem:$0x14200] =	vst v63  }
0x795: {  	s30 =	sadd.s32 $0x30, s26;
	s31 =	sor.u32 $0x1BB0, s23  }
0x796: {  	[tilespmem:s31], [sflag:s24] =	stream.linear.gather [hbm4b:s30+s3], $0x10, $0x38;
	[tilespmem:$0x14200] =	vst v63  }
0x797: {  	s30 =	sadd.s32 $0x40, s26;
	s31 =	sor.u32 $0x1C30, s23  }
0x798: {  	[tilespmem:s31], [sflag:s24] =	stream.linear.gather [hbm4b:s30+s3], $0x10, $0x38;
	[tilespmem:$0x14200] =	vst v63  }
0x799: {  	s30 =	sadd.s32 $0x50, s26;
	s31 =	sor.u32 $0x1CB0, s23  }
0x79a: {  	[tilespmem:s31], [sflag:s24] =	stream.linear.gather [hbm4b:s30+s3], $0x10, $0x38;
	[tilespmem:$0x14200] =	vst v63  }
0x79b: {  	s30 =	sadd.s32 $0x60, s26;
	s31 =	sor.u32 $0x1D30, s23  }
0x79c: {  	(v2sf) =	vpush v34, $0xC;
	[tilespmem:s31], [sflag:s24] =	stream.linear.gather [hbm4b:s30+s3], $0x10, $0x38;
	[tilespmem:$0x14200] =	vst v63  }
0x79d: {  	s29 =	sor.u32 $0x1DB0, s23;
	s26 =	sadd.s32 $0x70, s26  }
0x79e: {  	(v2sf) =	vpush v33, $0xC;
	[tilespmem:s29], [sflag:s24] =	stream.linear.gather [hbm4b:s26+s3], $0x10, $0x38;
	[tilespmem:$0x14200] =	vst v63  }
0x79f: {  	s25 =	sadd.s32 $0x2DC780, s25;
	s30 =	sor.u32 $0x1E30, s23  }
0x7a0: {  	[tilespmem:s30], [sflag:s24] =	stream.linear.gather [hbm4b:s25+s3], $0x10, $0x38;
	[tilespmem:$0x14200] =	vst v63  }
0x7a1: {  	s31 =	sadd.s32 $0x10, s25;
	s29 =	sor.u32 $0x1EB0, s23  }
0x7a2: {  	[tilespmem:s29], [sflag:s24] =	stream.linear.gather [hbm4b:s31+s3], $0x10, $0x38;
	[tilespmem:$0x14200] =	vst v63  }
0x7a3: {  	s30 =	sadd.s32 $0x20, s25;
	s31 =	sor.u32 $0x1F30, s23  }
0x7a4: {  	[tilespmem:s31], [sflag:s24] =	stream.linear.gather [hbm4b:s30+s3], $0x10, $0x38;
	[tilespmem:$0x14200] =	vst v63  }
0x7a5: {  	s29 =	sadd.s32 $0x30, s25;
	s30 =	sor.u32 $0x1FB0, s23  }
0x7a6: {  	[tilespmem:s30], [sflag:s24] =	stream.linear.gather [hbm4b:s29+s3], $0x10, $0x38;
	[tilespmem:$0x14200] =	vst v63  }
0x7a7: {  	s31 =	sadd.s32 $0x40, s25;
	s29 =	sadd.s32 $0x2030, s23  }
0x7a8: {  	[tilespmem:s29], [sflag:s24] =	stream.linear.gather [hbm4b:s31+s3], $0x10, $0x38;
	[tilespmem:$0x14200] =	vst v63  }
0x7a9: {  	s30 =	sadd.s32 $0x50, s25;
	s31 =	sadd.s32 $0x20B0, s23  }
0x7aa: {  	[tilespmem:s31], [sflag:s24] =	stream.linear.gather [hbm4b:s30+s3], $0x10, $0x38;
	[tilespmem:$0x14200] =	vst v63  }
0x7ab: {  	s28 =	spop (v2sf);
	s29 =	sadd.s32 $0x60, s25;
	s30 =	sadd.s32 $0x2130, s23  }
0x7ac: {  	[tilespmem:s30], [sflag:s24] =	stream.linear.gather [hbm4b:s29+s3], $0x10, $0x38;
	[tilespmem:$0x14200] =	vst v63  }
0x7ad: {  	s25 =	sadd.s32 $0x70, s25;
	s31 =	sadd.s32 $0x21B0, s23;
	s29 =	spop (v2sf)  }
0x7ae: {  	[tilespmem:s31], [sflag:s24] =	stream.linear.gather [hbm4b:s25+s3], $0x10, $0x38;
	[tilespmem:$0x14200] =	vst v63  }
0x7af: {  	s30 =	sor.u32 $0x1240, s23;
	s25 =	sadd.s32 s28, s29  }
0x7b0: {  	[tilespmem:s30], [sflag:s24] =	stream.linear.gather [hbm4b:s25+s3], $0x10, $0x38;
	[tilespmem:$0x14200] =	vst v63  }
0x7b1: {  	s29 =	sor.u32 $0x12C0, s23;
	s31 =	sadd.s32 $0x10, s25  }
0x7b2: {  	[tilespmem:s29], [sflag:s24] =	stream.linear.gather [hbm4b:s31+s3], $0x10, $0x38;
	[tilespmem:$0x14200] =	vst v63  }
0x7b3: {  	s30 =	sadd.s32 $0x20, s25;
	s31 =	sor.u32 $0x1340, s23  }
0x7b4: {  	[tilespmem:s31], [sflag:s24] =	stream.linear.gather [hbm4b:s30+s3], $0x10, $0x38;
	[tilespmem:$0x14200] =	vst v63  }
0x7b5: {  	s29 =	sadd.s32 $0x30, s25;
	s30 =	sor.u32 $0x13C0, s23  }
0x7b6: {  	[tilespmem:s30], [sflag:s24] =	stream.linear.gather [hbm4b:s29+s3], $0x10, $0x38;
	[tilespmem:$0x14200] =	vst v63  }
0x7b7: {  	s31 =	sadd.s32 $0x40, s25;
	s29 =	sor.u32 $0x1440, s23  }
0x7b8: {  	[tilespmem:s29], [sflag:s24] =	stream.linear.gather [hbm4b:s31+s3], $0x10, $0x38;
	[tilespmem:$0x14200] =	vst v63  }
0x7b9: {  	s30 =	sadd.s32 $0x50, s25;
	s31 =	sor.u32 $0x14C0, s23  }
0x7ba: {  	[tilespmem:s31], [sflag:s24] =	stream.linear.gather [hbm4b:s30+s3], $0x10, $0x38;
	[tilespmem:$0x14200] =	vst v63  }
0x7bb: {  	s29 =	sadd.s32 $0x60, s25;
	s30 =	sor.u32 $0x1540, s23  }
0x7bc: {  	[tilespmem:s30], [sflag:s24] =	stream.linear.gather [hbm4b:s29+s3], $0x10, $0x38;
	[tilespmem:$0x14200] =	vst v63  }
0x7bd: {  	s31 =	sadd.s32 $0x70, s25;
	s29 =	sor.u32 $0x15C0, s23  }
0x7be: {  	[tilespmem:s29], [sflag:s24] =	stream.linear.gather [hbm4b:s31+s3], $0x10, $0x38;
	[tilespmem:$0x14200] =	vst v63  }
0x7bf: {  	s26 =	sadd.s32 $0xF4280, s25;
	s30 =	sor.u32 $0x1640, s23  }
0x7c0: {  	[tilespmem:s30], [sflag:s24] =	stream.linear.gather [hbm4b:s26+s3], $0x10, $0x38;
	[tilespmem:$0x14200] =	vst v63  }
0x7c1: {  	s31 =	sadd.s32 $0x10, s26;
	s30 =	sor.u32 $0x16C0, s23  }
0x7c2: {  	[tilespmem:s30], [sflag:s24] =	stream.linear.gather [hbm4b:s31+s3], $0x10, $0x38;
	[tilespmem:$0x14200] =	vst v63  }
0x7c3: {  	s31 =	sadd.s32 $0x20, s26;
	s30 =	sor.u32 $0x1740, s23  }
0x7c4: {  	[tilespmem:s30], [sflag:s24] =	stream.linear.gather [hbm4b:s31+s3], $0x10, $0x38;
	[tilespmem:$0x14200] =	vst v63  }
0x7c5: {  	s31 =	sadd.s32 $0x30, s26;
	s30 =	sor.u32 $0x17C0, s23  }
0x7c6: {  	[tilespmem:s30], [sflag:s24] =	stream.linear.gather [hbm4b:s31+s3], $0x10, $0x38;
	[tilespmem:$0x14200] =	vst v63  }
0x7c7: {  	s31 =	sadd.s32 $0x40, s26;
	s30 =	sor.u32 $0x1840, s23  }
0x7c8: {  	[tilespmem:s30], [sflag:s24] =	stream.linear.gather [hbm4b:s31+s3], $0x10, $0x38;
	[tilespmem:$0x14200] =	vst v63  }
0x7c9: {  	s31 =	sadd.s32 $0x50, s26;
	s30 =	sor.u32 $0x18C0, s23  }
0x7ca: {  	[tilespmem:s30], [sflag:s24] =	stream.linear.gather [hbm4b:s31+s3], $0x10, $0x38;
	[tilespmem:$0x14200] =	vst v63  }
0x7cb: {  	s31 =	sadd.s32 $0x60, s26;
	s30 =	sor.u32 $0x1940, s23  }
0x7cc: {  	[tilespmem:s30], [sflag:s24] =	stream.linear.gather [hbm4b:s31+s3], $0x10, $0x38;
	[tilespmem:$0x14200] =	vst v63  }
0x7cd: {  	s26 =	sadd.s32 $0x70, s26;
	s31 =	sor.u32 $0x19C0, s23  }
0x7ce: {  	[tilespmem:s31], [sflag:s24] =	stream.linear.gather [hbm4b:s26+s3], $0x10, $0x38;
	[tilespmem:$0x14200] =	vst v63  }
0x7cf: {  	s29 =	sor.u32 $0x1A40, s23;
	s26 =	sadd.s32 $0x1E8500, s25  }
0x7d0: {  	[tilespmem:s29], [sflag:s24] =	stream.linear.gather [hbm4b:s26+s3], $0x10, $0x38;
	[tilespmem:$0x14200] =	vst v63  }
0x7d1: {  	s31 =	sor.u32 $0x1AC0, s23;
	s30 =	sadd.s32 $0x10, s26  }
0x7d2: {  	[tilespmem:s31], [sflag:s24] =	stream.linear.gather [hbm4b:s30+s3], $0x10, $0x38;
	[tilespmem:$0x14200] =	vst v63  }
0x7d3: {  	s30 =	sadd.s32 $0x20, s26;
	s31 =	sor.u32 $0x1B40, s23  }
0x7d4: {  	[tilespmem:s31], [sflag:s24] =	stream.linear.gather [hbm4b:s30+s3], $0x10, $0x38;
	[tilespmem:$0x14200] =	vst v63  }
0x7d5: {  	s30 =	sadd.s32 $0x30, s26;
	s31 =	sor.u32 $0x1BC0, s23  }
0x7d6: {  	[tilespmem:s31], [sflag:s24] =	stream.linear.gather [hbm4b:s30+s3], $0x10, $0x38;
	[tilespmem:$0x14200] =	vst v63  }
0x7d7: {  	s30 =	sadd.s32 $0x40, s26;
	s31 =	sor.u32 $0x1C40, s23  }
0x7d8: {  	[tilespmem:s31], [sflag:s24] =	stream.linear.gather [hbm4b:s30+s3], $0x10, $0x38;
	[tilespmem:$0x14200] =	vst v63  }
0x7d9: {  	s30 =	sadd.s32 $0x50, s26;
	s31 =	sor.u32 $0x1CC0, s23  }
0x7da: {  	[tilespmem:s31], [sflag:s24] =	stream.linear.gather [hbm4b:s30+s3], $0x10, $0x38;
	[tilespmem:$0x14200] =	vst v63  }
0x7db: {  	s30 =	sadd.s32 $0x60, s26;
	s31 =	sor.u32 $0x1D40, s23  }
0x7dc: {  	(v2sf) =	vpush v34, $0xD;
	[tilespmem:s31], [sflag:s24] =	stream.linear.gather [hbm4b:s30+s3], $0x10, $0x38;
	[tilespmem:$0x14200] =	vst v63  }
0x7dd: {  	s29 =	sor.u32 $0x1DC0, s23;
	s26 =	sadd.s32 $0x70, s26  }
0x7de: {  	(v2sf) =	vpush v33, $0xD;
	[tilespmem:s29], [sflag:s24] =	stream.linear.gather [hbm4b:s26+s3], $0x10, $0x38;
	[tilespmem:$0x14200] =	vst v63  }
0x7df: {  	s25 =	sadd.s32 $0x2DC780, s25;
	s30 =	sor.u32 $0x1E40, s23  }
0x7e0: {  	[tilespmem:s30], [sflag:s24] =	stream.linear.gather [hbm4b:s25+s3], $0x10, $0x38;
	[tilespmem:$0x14200] =	vst v63  }
0x7e1: {  	s31 =	sadd.s32 $0x10, s25;
	s29 =	sor.u32 $0x1EC0, s23  }
0x7e2: {  	[tilespmem:s29], [sflag:s24] =	stream.linear.gather [hbm4b:s31+s3], $0x10, $0x38;
	[tilespmem:$0x14200] =	vst v63  }
0x7e3: {  	s30 =	sadd.s32 $0x20, s25;
	s31 =	sor.u32 $0x1F40, s23  }
0x7e4: {  	[tilespmem:s31], [sflag:s24] =	stream.linear.gather [hbm4b:s30+s3], $0x10, $0x38;
	[tilespmem:$0x14200] =	vst v63  }
0x7e5: {  	s29 =	sadd.s32 $0x30, s25;
	s30 =	sor.u32 $0x1FC0, s23  }
0x7e6: {  	[tilespmem:s30], [sflag:s24] =	stream.linear.gather [hbm4b:s29+s3], $0x10, $0x38;
	[tilespmem:$0x14200] =	vst v63  }
0x7e7: {  	s31 =	sadd.s32 $0x40, s25;
	s29 =	sadd.s32 $0x2040, s23  }
0x7e8: {  	[tilespmem:s29], [sflag:s24] =	stream.linear.gather [hbm4b:s31+s3], $0x10, $0x38;
	[tilespmem:$0x14200] =	vst v63  }
0x7e9: {  	s30 =	sadd.s32 $0x50, s25;
	s31 =	sadd.s32 $0x20C0, s23  }
0x7ea: {  	[tilespmem:s31], [sflag:s24] =	stream.linear.gather [hbm4b:s30+s3], $0x10, $0x38;
	[tilespmem:$0x14200] =	vst v63  }
0x7eb: {  	s28 =	spop (v2sf);
	s29 =	sadd.s32 $0x60, s25;
	s30 =	sadd.s32 $0x2140, s23  }
0x7ec: {  	[tilespmem:s30], [sflag:s24] =	stream.linear.gather [hbm4b:s29+s3], $0x10, $0x38;
	[tilespmem:$0x14200] =	vst v63  }
0x7ed: {  	s25 =	sadd.s32 $0x70, s25;
	s31 =	sadd.s32 $0x21C0, s23;
	s29 =	spop (v2sf)  }
0x7ee: {  	[tilespmem:s31], [sflag:s24] =	stream.linear.gather [hbm4b:s25+s3], $0x10, $0x38;
	[tilespmem:$0x14200] =	vst v63  }
0x7ef: {  	s30 =	sor.u32 $0x1250, s23;
	s25 =	sadd.s32 s28, s29  }
0x7f0: {  	[tilespmem:s30], [sflag:s24] =	stream.linear.gather [hbm4b:s25+s3], $0x10, $0x38;
	[tilespmem:$0x14200] =	vst v63  }
0x7f1: {  	s29 =	sor.u32 $0x12D0, s23;
	s31 =	sadd.s32 $0x10, s25  }
0x7f2: {  	[tilespmem:s29], [sflag:s24] =	stream.linear.gather [hbm4b:s31+s3], $0x10, $0x38;
	[tilespmem:$0x14200] =	vst v63  }
0x7f3: {  	s30 =	sadd.s32 $0x20, s25;
	s31 =	sor.u32 $0x1350, s23  }
0x7f4: {  	[tilespmem:s31], [sflag:s24] =	stream.linear.gather [hbm4b:s30+s3], $0x10, $0x38;
	[tilespmem:$0x14200] =	vst v63  }
0x7f5: {  	s29 =	sadd.s32 $0x30, s25;
	s30 =	sor.u32 $0x13D0, s23  }
0x7f6: {  	[tilespmem:s30], [sflag:s24] =	stream.linear.gather [hbm4b:s29+s3], $0x10, $0x38;
	[tilespmem:$0x14200] =	vst v63  }
0x7f7: {  	s31 =	sadd.s32 $0x40, s25;
	s29 =	sor.u32 $0x1450, s23  }
0x7f8: {  	[tilespmem:s29], [sflag:s24] =	stream.linear.gather [hbm4b:s31+s3], $0x10, $0x38;
	[tilespmem:$0x14200] =	vst v63  }
0x7f9: {  	s30 =	sadd.s32 $0x50, s25;
	s31 =	sor.u32 $0x14D0, s23  }
0x7fa: {  	[tilespmem:s31], [sflag:s24] =	stream.linear.gather [hbm4b:s30+s3], $0x10, $0x38;
	[tilespmem:$0x14200] =	vst v63  }
0x7fb: {  	s29 =	sadd.s32 $0x60, s25;
	s30 =	sor.u32 $0x1550, s23  }
0x7fc: {  	[tilespmem:s30], [sflag:s24] =	stream.linear.gather [hbm4b:s29+s3], $0x10, $0x38;
	[tilespmem:$0x14200] =	vst v63  }
0x7fd: {  	s31 =	sadd.s32 $0x70, s25;
	s29 =	sor.u32 $0x15D0, s23  }
0x7fe: {  	[tilespmem:s29], [sflag:s24] =	stream.linear.gather [hbm4b:s31+s3], $0x10, $0x38;
	[tilespmem:$0x14200] =	vst v63  }
0x7ff: {  	s26 =	sadd.s32 $0xF4280, s25;
	s30 =	sor.u32 $0x1650, s23  }
0x800: {  	[tilespmem:s30], [sflag:s24] =	stream.linear.gather [hbm4b:s26+s3], $0x10, $0x38;
	[tilespmem:$0x14200] =	vst v63  }
0x801: {  	s31 =	sadd.s32 $0x10, s26;
	s30 =	sor.u32 $0x16D0, s23  }
0x802: {  	[tilespmem:s30], [sflag:s24] =	stream.linear.gather [hbm4b:s31+s3], $0x10, $0x38;
	[tilespmem:$0x14200] =	vst v63  }
0x803: {  	s31 =	sadd.s32 $0x20, s26;
	s30 =	sor.u32 $0x1750, s23  }
0x804: {  	[tilespmem:s30], [sflag:s24] =	stream.linear.gather [hbm4b:s31+s3], $0x10, $0x38;
	[tilespmem:$0x14200] =	vst v63  }
0x805: {  	s31 =	sadd.s32 $0x30, s26;
	s30 =	sor.u32 $0x17D0, s23  }
0x806: {  	[tilespmem:s30], [sflag:s24] =	stream.linear.gather [hbm4b:s31+s3], $0x10, $0x38;
	[tilespmem:$0x14200] =	vst v63  }
0x807: {  	s31 =	sadd.s32 $0x40, s26;
	s30 =	sor.u32 $0x1850, s23  }
0x808: {  	[tilespmem:s30], [sflag:s24] =	stream.linear.gather [hbm4b:s31+s3], $0x10, $0x38;
	[tilespmem:$0x14200] =	vst v63  }
0x809: {  	s31 =	sadd.s32 $0x50, s26;
	s30 =	sor.u32 $0x18D0, s23  }
0x80a: {  	[tilespmem:s30], [sflag:s24] =	stream.linear.gather [hbm4b:s31+s3], $0x10, $0x38;
	[tilespmem:$0x14200] =	vst v63  }
0x80b: {  	s31 =	sadd.s32 $0x60, s26;
	s30 =	sor.u32 $0x1950, s23  }
0x80c: {  	[tilespmem:s30], [sflag:s24] =	stream.linear.gather [hbm4b:s31+s3], $0x10, $0x38;
	[tilespmem:$0x14200] =	vst v63  }
0x80d: {  	s26 =	sadd.s32 $0x70, s26;
	s31 =	sor.u32 $0x19D0, s23  }
0x80e: {  	[tilespmem:s31], [sflag:s24] =	stream.linear.gather [hbm4b:s26+s3], $0x10, $0x38;
	[tilespmem:$0x14200] =	vst v63  }
0x80f: {  	s29 =	sor.u32 $0x1A50, s23;
	s26 =	sadd.s32 $0x1E8500, s25  }
0x810: {  	[tilespmem:s29], [sflag:s24] =	stream.linear.gather [hbm4b:s26+s3], $0x10, $0x38;
	[tilespmem:$0x14200] =	vst v63  }
0x811: {  	s31 =	sor.u32 $0x1AD0, s23;
	s30 =	sadd.s32 $0x10, s26  }
0x812: {  	[tilespmem:s31], [sflag:s24] =	stream.linear.gather [hbm4b:s30+s3], $0x10, $0x38;
	[tilespmem:$0x14200] =	vst v63  }
0x813: {  	s30 =	sadd.s32 $0x20, s26;
	s31 =	sor.u32 $0x1B50, s23  }
0x814: {  	[tilespmem:s31], [sflag:s24] =	stream.linear.gather [hbm4b:s30+s3], $0x10, $0x38;
	[tilespmem:$0x14200] =	vst v63  }
0x815: {  	s30 =	sadd.s32 $0x30, s26;
	s31 =	sor.u32 $0x1BD0, s23  }
0x816: {  	[tilespmem:s31], [sflag:s24] =	stream.linear.gather [hbm4b:s30+s3], $0x10, $0x38;
	[tilespmem:$0x14200] =	vst v63  }
0x817: {  	s30 =	sadd.s32 $0x40, s26;
	s31 =	sor.u32 $0x1C50, s23  }
0x818: {  	[tilespmem:s31], [sflag:s24] =	stream.linear.gather [hbm4b:s30+s3], $0x10, $0x38;
	[tilespmem:$0x14200] =	vst v63  }
0x819: {  	s30 =	sadd.s32 $0x50, s26;
	s31 =	sor.u32 $0x1CD0, s23  }
0x81a: {  	[tilespmem:s31], [sflag:s24] =	stream.linear.gather [hbm4b:s30+s3], $0x10, $0x38;
	[tilespmem:$0x14200] =	vst v63  }
0x81b: {  	s30 =	sadd.s32 $0x60, s26;
	s31 =	sor.u32 $0x1D50, s23  }
0x81c: {  	(v2sf) =	vpush v34, $0xE;
	[tilespmem:s31], [sflag:s24] =	stream.linear.gather [hbm4b:s30+s3], $0x10, $0x38;
	[tilespmem:$0x14200] =	vst v63  }
0x81d: {  	s29 =	sor.u32 $0x1DD0, s23;
	s26 =	sadd.s32 $0x70, s26  }
0x81e: {  	(v2sf) =	vpush v33, $0xE;
	[tilespmem:s29], [sflag:s24] =	stream.linear.gather [hbm4b:s26+s3], $0x10, $0x38;
	[tilespmem:$0x14200] =	vst v63  }
0x81f: {  	s25 =	sadd.s32 $0x2DC780, s25;
	s30 =	sor.u32 $0x1E50, s23  }
0x820: {  	[tilespmem:s30], [sflag:s24] =	stream.linear.gather [hbm4b:s25+s3], $0x10, $0x38;
	[tilespmem:$0x14200] =	vst v63  }
0x821: {  	s31 =	sadd.s32 $0x10, s25;
	s29 =	sor.u32 $0x1ED0, s23  }
0x822: {  	[tilespmem:s29], [sflag:s24] =	stream.linear.gather [hbm4b:s31+s3], $0x10, $0x38;
	[tilespmem:$0x14200] =	vst v63  }
0x823: {  	s30 =	sadd.s32 $0x20, s25;
	s31 =	sor.u32 $0x1F50, s23  }
0x824: {  	[tilespmem:s31], [sflag:s24] =	stream.linear.gather [hbm4b:s30+s3], $0x10, $0x38;
	[tilespmem:$0x14200] =	vst v63  }
0x825: {  	s29 =	sadd.s32 $0x30, s25;
	s30 =	sor.u32 $0x1FD0, s23  }
0x826: {  	[tilespmem:s30], [sflag:s24] =	stream.linear.gather [hbm4b:s29+s3], $0x10, $0x38;
	[tilespmem:$0x14200] =	vst v63  }
0x827: {  	s31 =	sadd.s32 $0x40, s25;
	s29 =	sadd.s32 $0x2050, s23  }
0x828: {  	[tilespmem:s29], [sflag:s24] =	stream.linear.gather [hbm4b:s31+s3], $0x10, $0x38;
	[tilespmem:$0x14200] =	vst v63  }
0x829: {  	s30 =	sadd.s32 $0x50, s25;
	s31 =	sadd.s32 $0x20D0, s23  }
0x82a: {  	[tilespmem:s31], [sflag:s24] =	stream.linear.gather [hbm4b:s30+s3], $0x10, $0x38;
	[tilespmem:$0x14200] =	vst v63  }
0x82b: {  	s26 =	spop (v2sf);
	s29 =	sadd.s32 $0x60, s25;
	s30 =	sadd.s32 $0x2150, s23  }
0x82c: {  	[tilespmem:s30], [sflag:s24] =	stream.linear.gather [hbm4b:s29+s3], $0x10, $0x38;
	[tilespmem:$0x14200] =	vst v63  }
0x82d: {  	s28 =	spop (v2sf);
	s25 =	sadd.s32 $0x70, s25;
	s31 =	sadd.s32 $0x21D0, s23  }
0x82e: {  	[tilespmem:s31], [sflag:s24] =	stream.linear.gather [hbm4b:s25+s3], $0x10, $0x38;
	[tilespmem:$0x14200] =	vst v63  }
0x82f: {  	s29 =	sor.u32 $0x1260, s23;
	s25 =	sadd.s32 s26, s28  }
0x830: {  	[tilespmem:s29], [sflag:s24] =	stream.linear.gather [hbm4b:s25+s3], $0x10, $0x38;
	[tilespmem:$0x14200] =	vst v63  }
0x831: {  	s31 =	sor.u32 $0x12E0, s23;
	s30 =	sadd.s32 $0x10, s25  }
0x832: {  	[tilespmem:s31], [sflag:s24] =	stream.linear.gather [hbm4b:s30+s3], $0x10, $0x38;
	[tilespmem:$0x14200] =	vst v63  }
0x833: {  	s29 =	sadd.s32 $0x20, s25;
	s30 =	sor.u32 $0x1360, s23  }
0x834: {  	[tilespmem:s30], [sflag:s24] =	stream.linear.gather [hbm4b:s29+s3], $0x10, $0x38;
	[tilespmem:$0x14200] =	vst v63  }
0x835: {  	s31 =	sadd.s32 $0x30, s25;
	s29 =	sor.u32 $0x13E0, s23  }
0x836: {  	[tilespmem:s29], [sflag:s24] =	stream.linear.gather [hbm4b:s31+s3], $0x10, $0x38;
	[tilespmem:$0x14200] =	vst v63  }
0x837: {  	s30 =	sadd.s32 $0x40, s25;
	s31 =	sor.u32 $0x1460, s23  }
0x838: {  	[tilespmem:s31], [sflag:s24] =	stream.linear.gather [hbm4b:s30+s3], $0x10, $0x38;
	[tilespmem:$0x14200] =	vst v63  }
0x839: {  	s29 =	sadd.s32 $0x50, s25;
	s30 =	sor.u32 $0x14E0, s23  }
0x83a: {  	[tilespmem:s30], [sflag:s24] =	stream.linear.gather [hbm4b:s29+s3], $0x10, $0x38;
	[tilespmem:$0x14200] =	vst v63  }
0x83b: {  	s31 =	sadd.s32 $0x60, s25;
	s29 =	sor.u32 $0x1560, s23  }
0x83c: {  	[tilespmem:s29], [sflag:s24] =	stream.linear.gather [hbm4b:s31+s3], $0x10, $0x38;
	[tilespmem:$0x14200] =	vst v63  }
0x83d: {  	s30 =	sadd.s32 $0x70, s25;
	s31 =	sor.u32 $0x15E0, s23  }
0x83e: {  	[tilespmem:s31], [sflag:s24] =	stream.linear.gather [hbm4b:s30+s3], $0x10, $0x38;
	[tilespmem:$0x14200] =	vst v63  }
0x83f: {  	s26 =	sadd.s32 $0xF4280, s25;
	s29 =	sor.u32 $0x1660, s23  }
0x840: {  	[tilespmem:s29], [sflag:s24] =	stream.linear.gather [hbm4b:s26+s3], $0x10, $0x38;
	[tilespmem:$0x14200] =	vst v63  }
0x841: {  	s30 =	sadd.s32 $0x10, s26;
	s31 =	sor.u32 $0x16E0, s23  }
0x842: {  	[tilespmem:s31], [sflag:s24] =	stream.linear.gather [hbm4b:s30+s3], $0x10, $0x38;
	[tilespmem:$0x14200] =	vst v63  }
0x843: {  	s30 =	sadd.s32 $0x20, s26;
	s31 =	sor.u32 $0x1760, s23  }
0x844: {  	[tilespmem:s31], [sflag:s24] =	stream.linear.gather [hbm4b:s30+s3], $0x10, $0x38;
	[tilespmem:$0x14200] =	vst v63  }
0x845: {  	s30 =	sadd.s32 $0x30, s26;
	s31 =	sor.u32 $0x17E0, s23  }
0x846: {  	[tilespmem:s31], [sflag:s24] =	stream.linear.gather [hbm4b:s30+s3], $0x10, $0x38;
	[tilespmem:$0x14200] =	vst v63  }
0x847: {  	s30 =	sadd.s32 $0x40, s26;
	s31 =	sor.u32 $0x1860, s23  }
0x848: {  	[tilespmem:s31], [sflag:s24] =	stream.linear.gather [hbm4b:s30+s3], $0x10, $0x38;
	[tilespmem:$0x14200] =	vst v63  }
0x849: {  	s30 =	sadd.s32 $0x50, s26;
	s31 =	sor.u32 $0x18E0, s23  }
0x84a: {  	[tilespmem:s31], [sflag:s24] =	stream.linear.gather [hbm4b:s30+s3], $0x10, $0x38;
	[tilespmem:$0x14200] =	vst v63  }
0x84b: {  	s30 =	sadd.s32 $0x60, s26;
	s31 =	sor.u32 $0x1960, s23  }
0x84c: {  	[tilespmem:s31], [sflag:s24] =	stream.linear.gather [hbm4b:s30+s3], $0x10, $0x38;
	[tilespmem:$0x14200] =	vst v63  }
0x84d: {  	s29 =	sor.u32 $0x19E0, s23;
	s26 =	sadd.s32 $0x70, s26  }
0x84e: {  	[tilespmem:s29], [sflag:s24] =	stream.linear.gather [hbm4b:s26+s3], $0x10, $0x38;
	[tilespmem:$0x14200] =	vst v63  }
0x84f: {  	s30 =	sor.u32 $0x1A60, s23;
	s26 =	sadd.s32 $0x1E8500, s25  }
0x850: {  	[tilespmem:s30], [sflag:s24] =	stream.linear.gather [hbm4b:s26+s3], $0x10, $0x38;
	[tilespmem:$0x14200] =	vst v63  }
0x851: {  	s31 =	sadd.s32 $0x10, s26;
	s30 =	sor.u32 $0x1AE0, s23  }
0x852: {  	[tilespmem:s30], [sflag:s24] =	stream.linear.gather [hbm4b:s31+s3], $0x10, $0x38;
	[tilespmem:$0x14200] =	vst v63  }
0x853: {  	s31 =	sadd.s32 $0x20, s26;
	s30 =	sor.u32 $0x1B60, s23  }
0x854: {  	[tilespmem:s30], [sflag:s24] =	stream.linear.gather [hbm4b:s31+s3], $0x10, $0x38;
	[tilespmem:$0x14200] =	vst v63  }
0x855: {  	s31 =	sadd.s32 $0x30, s26;
	s30 =	sor.u32 $0x1BE0, s23  }
0x856: {  	[tilespmem:s30], [sflag:s24] =	stream.linear.gather [hbm4b:s31+s3], $0x10, $0x38;
	[tilespmem:$0x14200] =	vst v63  }
0x857: {  	s31 =	sadd.s32 $0x40, s26;
	s30 =	sor.u32 $0x1C60, s23  }
0x858: {  	[tilespmem:s30], [sflag:s24] =	stream.linear.gather [hbm4b:s31+s3], $0x10, $0x38;
	[tilespmem:$0x14200] =	vst v63  }
0x859: {  	s31 =	sadd.s32 $0x50, s26;
	s30 =	sor.u32 $0x1CE0, s23  }
0x85a: {  	[tilespmem:s30], [sflag:s24] =	stream.linear.gather [hbm4b:s31+s3], $0x10, $0x38;
	[tilespmem:$0x14200] =	vst v63  }
0x85b: {  	s31 =	sadd.s32 $0x60, s26;
	s30 =	sor.u32 $0x1D60, s23  }
0x85c: {  	(v2sf) =	vpush v34, $0xF;
	[tilespmem:s30], [sflag:s24] =	stream.linear.gather [hbm4b:s31+s3], $0x10, $0x38;
	[tilespmem:$0x14200] =	vst v63  }
0x85d: {  	s26 =	sadd.s32 $0x70, s26;
	s31 =	sor.u32 $0x1DE0, s23  }
0x85e: {  	(v2sf) =	vpush v33, $0xF;
	[tilespmem:s31], [sflag:s24] =	stream.linear.gather [hbm4b:s26+s3], $0x10, $0x38;
	[tilespmem:$0x14200] =	vst v63  }
0x85f: {  	s25 =	sadd.s32 $0x2DC780, s25;
	s29 =	sor.u32 $0x1E60, s23  }
0x860: {  	[tilespmem:s29], [sflag:s24] =	stream.linear.gather [hbm4b:s25+s3], $0x10, $0x38;
	[tilespmem:$0x14200] =	vst v63  }
0x861: {  	s30 =	sadd.s32 $0x10, s25;
	s31 =	sor.u32 $0x1EE0, s23  }
0x862: {  	[tilespmem:s31], [sflag:s24] =	stream.linear.gather [hbm4b:s30+s3], $0x10, $0x38;
	[tilespmem:$0x14200] =	vst v63  }
0x863: {  	s29 =	sadd.s32 $0x20, s25;
	s30 =	sor.u32 $0x1F60, s23  }
0x864: {  	[tilespmem:s30], [sflag:s24] =	stream.linear.gather [hbm4b:s29+s3], $0x10, $0x38;
	[tilespmem:$0x14200] =	vst v63  }
0x865: {  	s31 =	sadd.s32 $0x30, s25;
	s29 =	sor.u32 $0x1FE0, s23  }
0x866: {  	[tilespmem:s29], [sflag:s24] =	stream.linear.gather [hbm4b:s31+s3], $0x10, $0x38;
	[tilespmem:$0x14200] =	vst v63  }
0x867: {  	s30 =	sadd.s32 $0x40, s25;
	s31 =	sadd.s32 $0x2060, s23  }
0x868: {  	[tilespmem:s31], [sflag:s24] =	stream.linear.gather [hbm4b:s30+s3], $0x10, $0x38;
	[tilespmem:$0x14200] =	vst v63  }
0x869: {  	s29 =	sadd.s32 $0x50, s25;
	s30 =	sadd.s32 $0x20E0, s23  }
0x86a: {  	[tilespmem:s30], [sflag:s24] =	stream.linear.gather [hbm4b:s29+s3], $0x10, $0x38;
	[tilespmem:$0x14200] =	vst v63  }
0x86b: {  	s31 =	sadd.s32 $0x60, s25;
	s29 =	sadd.s32 $0x2160, s23;
	s30 =	spop (v2sf)  }
0x86c: {  	[tilespmem:s29], [sflag:s24] =	stream.linear.gather [hbm4b:s31+s3], $0x10, $0x38;
	[tilespmem:$0x14200] =	vst v63  }
0x86d: {  	s25 =	sadd.s32 $0x70, s25;
	s28 =	spop (v2sf);
	s31 =	sadd.s32 $0x21E0, s23  }
0x86e: {  	[tilespmem:s31], [sflag:s24] =	stream.linear.gather [hbm4b:s25+s3], $0x10, $0x38;
	[tilespmem:$0x14200] =	vst v63  }
0x86f: {  	s29 =	sor.u32 $0x1270, s23;
	s25 =	sadd.s32 s30, s28  }
0x870: {  	[tilespmem:s29], [sflag:s24] =	stream.linear.gather [hbm4b:s25+s3], $0x10, $0x38;
	[tilespmem:$0x14200] =	vst v63  }
0x871: {  	s31 =	sor.u32 $0x12F0, s23;
	s30 =	sadd.s32 $0x10, s25  }
0x872: {  	[tilespmem:s31], [sflag:s24] =	stream.linear.gather [hbm4b:s30+s3], $0x10, $0x38;
	[tilespmem:$0x14200] =	vst v63  }
0x873: {  	s29 =	sadd.s32 $0x20, s25;
	s30 =	sor.u32 $0x1370, s23  }
0x874: {  	[tilespmem:s30], [sflag:s24] =	stream.linear.gather [hbm4b:s29+s3], $0x10, $0x38;
	[tilespmem:$0x14200] =	vst v63  }
0x875: {  	s31 =	sadd.s32 $0x30, s25;
	s29 =	sor.u32 $0x13F0, s23  }
0x876: {  	[tilespmem:s29], [sflag:s24] =	stream.linear.gather [hbm4b:s31+s3], $0x10, $0x38;
	[tilespmem:$0x14200] =	vst v63  }
0x877: {  	s30 =	sadd.s32 $0x40, s25;
	s31 =	sor.u32 $0x1470, s23  }
0x878: {  	[tilespmem:s31], [sflag:s24] =	stream.linear.gather [hbm4b:s30+s3], $0x10, $0x38;
	[tilespmem:$0x14200] =	vst v63  }
0x879: {  	s29 =	sadd.s32 $0x50, s25;
	s30 =	sor.u32 $0x14F0, s23  }
0x87a: {  	[tilespmem:s30], [sflag:s24] =	stream.linear.gather [hbm4b:s29+s3], $0x10, $0x38;
	[tilespmem:$0x14200] =	vst v63  }
0x87b: {  	s31 =	sadd.s32 $0x60, s25;
	s29 =	sor.u32 $0x1570, s23  }
0x87c: {  	[tilespmem:s29], [sflag:s24] =	stream.linear.gather [hbm4b:s31+s3], $0x10, $0x38;
	[tilespmem:$0x14200] =	vst v63  }
0x87d: {  	s30 =	sadd.s32 $0x70, s25;
	s31 =	sor.u32 $0x15F0, s23  }
0x87e: {  	[tilespmem:s31], [sflag:s24] =	stream.linear.gather [hbm4b:s30+s3], $0x10, $0x38;
	[tilespmem:$0x14200] =	vst v63  }
0x87f: {  	s26 =	sadd.s32 $0xF4280, s25;
	s29 =	sor.u32 $0x1670, s23  }
0x880: {  	[tilespmem:s29], [sflag:s24] =	stream.linear.gather [hbm4b:s26+s3], $0x10, $0x38;
	[tilespmem:$0x14200] =	vst v63  }
0x881: {  	s30 =	sadd.s32 $0x10, s26;
	s31 =	sor.u32 $0x16F0, s23  }
0x882: {  	[tilespmem:s31], [sflag:s24] =	stream.linear.gather [hbm4b:s30+s3], $0x10, $0x38;
	[tilespmem:$0x14200] =	vst v63  }
0x883: {  	s30 =	sadd.s32 $0x20, s26;
	s31 =	sor.u32 $0x1770, s23  }
0x884: {  	[tilespmem:s31], [sflag:s24] =	stream.linear.gather [hbm4b:s30+s3], $0x10, $0x38;
	[tilespmem:$0x14200] =	vst v63  }
0x885: {  	s30 =	sadd.s32 $0x30, s26;
	s31 =	sor.u32 $0x17F0, s23  }
0x886: {  	[tilespmem:s31], [sflag:s24] =	stream.linear.gather [hbm4b:s30+s3], $0x10, $0x38;
	[tilespmem:$0x14200] =	vst v63  }
0x887: {  	s30 =	sadd.s32 $0x40, s26;
	s31 =	sor.u32 $0x1870, s23  }
0x888: {  	[tilespmem:s31], [sflag:s24] =	stream.linear.gather [hbm4b:s30+s3], $0x10, $0x38;
	[tilespmem:$0x14200] =	vst v63  }
0x889: {  	s30 =	sadd.s32 $0x50, s26;
	s31 =	sor.u32 $0x18F0, s23  }
0x88a: {  	[tilespmem:s31], [sflag:s24] =	stream.linear.gather [hbm4b:s30+s3], $0x10, $0x38;
	[tilespmem:$0x14200] =	vst v63  }
0x88b: {  	s30 =	sadd.s32 $0x60, s26;
	s31 =	sor.u32 $0x1970, s23  }
0x88c: {  	[tilespmem:s31], [sflag:s24] =	stream.linear.gather [hbm4b:s30+s3], $0x10, $0x38;
	[tilespmem:$0x14200] =	vst v63  }
0x88d: {  	s29 =	sor.u32 $0x19F0, s23;
	s26 =	sadd.s32 $0x70, s26  }
0x88e: {  	[tilespmem:s29], [sflag:s24] =	stream.linear.gather [hbm4b:s26+s3], $0x10, $0x38;
	[tilespmem:$0x14200] =	vst v63  }
0x88f: {  	s30 =	sor.u32 $0x1A70, s23;
	s26 =	sadd.s32 $0x1E8500, s25  }
0x890: {  	[tilespmem:s30], [sflag:s24] =	stream.linear.gather [hbm4b:s26+s3], $0x10, $0x38;
	[tilespmem:$0x14200] =	vst v63  }
0x891: {  	s31 =	sadd.s32 $0x10, s26;
	s30 =	sor.u32 $0x1AF0, s23  }
0x892: {  	[tilespmem:s30], [sflag:s24] =	stream.linear.gather [hbm4b:s31+s3], $0x10, $0x38;
	[tilespmem:$0x14200] =	vst v63  }
0x893: {  	s31 =	sadd.s32 $0x20, s26;
	s30 =	sor.u32 $0x1B70, s23  }
0x894: {  	[tilespmem:s30], [sflag:s24] =	stream.linear.gather [hbm4b:s31+s3], $0x10, $0x38;
	[tilespmem:$0x14200] =	vst v63  }
0x895: {  	s31 =	sadd.s32 $0x30, s26;
	s30 =	sor.u32 $0x1BF0, s23  }
0x896: {  	[tilespmem:s30], [sflag:s24] =	stream.linear.gather [hbm4b:s31+s3], $0x10, $0x38;
	[tilespmem:$0x14200] =	vst v63  }
0x897: {  	s31 =	sadd.s32 $0x40, s26;
	s30 =	sor.u32 $0x1C70, s23  }
0x898: {  	[tilespmem:s30], [sflag:s24] =	stream.linear.gather [hbm4b:s31+s3], $0x10, $0x38;
	[tilespmem:$0x14200] =	vst v63  }
0x899: {  	s31 =	sadd.s32 $0x50, s26;
	s30 =	sor.u32 $0x1CF0, s23  }
0x89a: {  	[tilespmem:s30], [sflag:s24] =	stream.linear.gather [hbm4b:s31+s3], $0x10, $0x38;
	[tilespmem:$0x14200] =	vst v63  }
0x89b: {  	s31 =	sadd.s32 $0x60, s26;
	s30 =	sor.u32 $0x1D70, s23  }
0x89c: {  	[tilespmem:s30], [sflag:s24] =	stream.linear.gather [hbm4b:s31+s3], $0x10, $0x38;
	[tilespmem:$0x14200] =	vst v63  }
0x89d: {  	s26 =	sadd.s32 $0x70, s26;
	s31 =	sor.u32 $0x1DF0, s23  }
0x89e: {  	[tilespmem:s31], [sflag:s24] =	stream.linear.gather [hbm4b:s26+s3], $0x10, $0x38;
	[tilespmem:$0x14200] =	vst v63  }
0x89f: {  	s28 =	sor.u32 $0x1E70, s23;
	s25 =	sadd.s32 $0x2DC780, s25  }
0x8a0: {  	[tilespmem:s28], [sflag:s24] =	stream.linear.gather [hbm4b:s25+s3], $0x10, $0x38;
	[tilespmem:$0x14200] =	vst v63  }
0x8a1: {  	s29 =	sadd.s32 $0x10, s25;
	s30 =	sor.u32 $0x1EF0, s23  }
0x8a2: {  	[tilespmem:s30], [sflag:s24] =	stream.linear.gather [hbm4b:s29+s3], $0x10, $0x38;
	[tilespmem:$0x14200] =	vst v63  }
0x8a3: {  	s31 =	sadd.s32 $0x20, s25;
	s29 =	sor.u32 $0x1F70, s23  }
0x8a4: {  	[tilespmem:s29], [sflag:s24] =	stream.linear.gather [hbm4b:s31+s3], $0x10, $0x38;
	[tilespmem:$0x14200] =	vst v63  }
0x8a5: {  	s30 =	sadd.s32 $0x30, s25;
	s31 =	sor.u32 $0x1FF0, s23  }
0x8a6: {  	[tilespmem:s31], [sflag:s24] =	stream.linear.gather [hbm4b:s30+s3], $0x10, $0x38;
	[tilespmem:$0x14200] =	vst v63  }
0x8a7: {  	s29 =	sadd.s32 $0x40, s25;
	s30 =	sadd.s32 $0x2070, s23  }
0x8a8: {  	[tilespmem:s30], [sflag:s24] =	stream.linear.gather [hbm4b:s29+s3], $0x10, $0x38;
	[tilespmem:$0x14200] =	vst v63  }
0x8a9: {  	s31 =	sadd.s32 $0x50, s25;
	s29 =	sadd.s32 $0x20F0, s23  }
0x8aa: {  	[tilespmem:s29], [sflag:s24] =	stream.linear.gather [hbm4b:s31+s3], $0x10, $0x38;
	[tilespmem:$0x14200] =	vst v63  }
.Ltmp6:
0x8ab: {  	_ = 	snop;
	(pc) =	sbr.rel .LBB2_6-.Ltmp6, $4  }
0x8ac: {  	s30 =	sadd.s32 $0x60, s25;
	s31 =	sadd.s32 $0x2170, s23  }
0x8ad: {  	[tilespmem:s31], [sflag:s24] =	stream.linear.gather [hbm4b:s30+s3], $0x10, $0x38;
	[tilespmem:$0x14200] =	vst v63  }
0x8ae: {  	s25 =	sadd.s32 $0x70, s25;
	s23 =	sadd.s32 $0x21F0, s23  }
0x8af: {  	[tilespmem:s23], [sflag:s24] =	stream.linear.gather [hbm4b:s25+s3], $0x10, $0x38;
	[tilespmem:$0x14200] =	vst v63  }
.LBB2_8:
0x8b0: {  	_ =	sfence.sel $0x180000  }
0x8b1: {  	[bflag:$0x0] =	sbarrier.arrive $0xFFFF  }
0x8b2: {  	p0 =	sne.s32 s1, $0x0;
	_ =	strace $0x90000047  }
0x8b3: {  	s0 =	sadd.s32 @!p0 $0x100000, s2;
	[bflag:$0x2] =	sbarrier.arrive $0xFFFF  }
0x8b4: {  	[sflag:s0] =	ssyncadd.tile.s32 @!p0 $0x1;
	_ =	shalt  }
.Lfunc_end2:
_tile_overlayer_lowered:
.L_overlay_start_2:
0x8b5: {  	(tag) =	ssettag $0x2  }
0x8b6: {  	s0 =	rddreg [dreg:$0x0];
	s2 =	stileid.u32  }
0x8b7: {  	s1 =	rddreg [dreg:$0x1];
	p0 =	sne.s32 s2, $0x0  }
0x8b8: {  	s3 =	rddreg [dreg:$0x2];
	[bflag:$0x3] =	sbarrier.arrive $0xFFFF;
	s2 =	simm.s32 @!p0 $0x1C09  }
0x8b9: {  	[timem:s3], [sflag:s2] =	dma.local @!p0 [hbm:s0], s1  }
0x8ba: {  	s0 =	simm.s32 @!p0 $0x9  }
0x8bb: {  	_ =	swait.ge @!p0 [sflag:s0], s1  }
0x8bc: {  	s1 =	ssub.s32 @!p0 $0x0, s1;
	[sflag:s0] =	ssyncset.done @!p0 $0x0  }
0x8bd: {  	[sflag:s0] =	ssyncadd.s32 @!p0 s1  }
0x8be: {  	[bflag:$0x3] =	sbarrier.arrive $0xFFFF  }
0x8bf: {  	_ =	shalt  }

</sc_bundles>
